<compile_context>
chip_gen: v7x
topology: tpu7x:2x2x1
jax: 0.10.2.dev20260603
libtpu: 0.0.44.dev20260713+nightly
codegen_flags: <defaults>
</compile_context>

<pallas_src>
import jax
import jax.numpy as jnp
from jax import lax
from jax.experimental import pallas as pl
from jax.experimental.pallas import tpu as pltpu
from jax.experimental.pallas import tpu_sc as plsc

N = 2_000_000
SIGMA = 9.0
T = 1.0 / SIGMA
HALF_SIGMA = 0.5 * SIGMA

NC = 2
NS = 16
NW = NC * NS
L = 16

BLK = 128
NBLK = N // BLK
B = 25
CH = B * BLK
NCHUNKS = NBLK // B
MAXK = (NCHUNKS + NW - 1) // NW
DEPTH = 4
MAIN = (MAXK // DEPTH - 1) * DEPTH


def _sc_body(tgt_hbm, ip_hbm, out_hbm, *scratch):
    bufs = [scratch[4 * i: 4 * i + 4] for i in range(DEPTH)]
    stage = scratch[4 * DEPTH]
    sems = scratch[4 * DEPTH + 1:]

    wid = lax.axis_index("s") * NC + lax.axis_index("c")
    nk = (NCHUNKS + NW - 1 - wid) // NW

    def start(m, i):
        cb, r0b, r1b, ib = bufs[i]
        bb = (wid + m * NW) * B
        pltpu.async_copy(tgt_hbm.at[pl.ds(bb, B), :, :], cb, sems[i])
        pltpu.async_copy(tgt_hbm.at[pl.ds(NBLK + bb, B), :, :], r0b, sems[i])
        pltpu.async_copy(tgt_hbm.at[pl.ds(2 * NBLK + bb, B), :, :], r1b, sems[i])
        pltpu.async_copy(ip_hbm.at[pl.ds(bb, B), :, :], ib, sems[i])

    def wait(i):
        cb, r0b, r1b, ib = bufs[i]
        pltpu.make_async_copy(tgt_hbm.at[pl.ds(0, B), :, :], cb, sems[i]).wait()
        pltpu.make_async_copy(tgt_hbm.at[pl.ds(0, B), :, :], r0b, sems[i]).wait()
        pltpu.make_async_copy(tgt_hbm.at[pl.ds(0, B), :, :], r1b, sems[i]).wait()
        pltpu.make_async_copy(ip_hbm.at[pl.ds(0, B), :, :], ib, sems[i]).wait()

    def compute(i, accs):
        cb, r0b, r1b, ib = bufs[i]

        @plsc.parallel_loop(0, B, 1, unroll=1, carry=accs)
        def block_body(b, carry2):
            a0, a1, c0, c1 = carry2
            for j in range(BLK // L):
                s = pl.ds(j * L, L)
                cls = cb[b, 0, s]
                r0 = r0b[b, 0, s]
                r1 = r1b[b, 0, s]
                p0 = ib[b, 0, s]
                p1 = ib[b, 1, s]
                d0 = jnp.abs(r0 - p0)
                d1 = jnp.abs(r1 - p1)
                m0 = jnp.minimum(d0, T)
                m1 = jnp.minimum(d1, T)
                l = (d0 - m0) + (d1 - m1) + HALF_SIGMA * (m0 * m0 + m1 * m1)
                if j % 2 == 0:
                    a0 = a0 + cls * l
                    c0 = c0 + cls
                else:
                    a1 = a1 + cls * l
                    c1 = c1 + cls
            return a0, a1, c0, c1

        return block_body

    for i in range(DEPTH):
        start(i, i)

    def ring_body(t4, accs):
        for i in range(DEPTH):
            m = t4 * DEPTH + i
            wait(i)
            accs = compute(i, accs)

            @pl.when(m + DEPTH < nk)
            def _():
                start(m + DEPTH, i)

        return accs

    zero = jnp.zeros((L,), jnp.float32)
    accs = lax.fori_loop(0, MAIN // DEPTH, ring_body, (zero, zero, zero, zero))

    for m in range(MAIN, MAXK - 1):
        wait(m % DEPTH)
        accs = compute(m % DEPTH, accs)

    def tail(accs_in):
        wait((MAXK - 1) % DEPTH)
        return compute((MAXK - 1) % DEPTH, accs_in)

    accs = lax.cond(MAXK - 1 < nk, tail, lambda accs_in: accs_in, accs)

    stage[pl.ds(0, L)] = accs[0] + accs[1]
    stage[pl.ds(L, L)] = accs[2] + accs[3]
    pltpu.sync_copy(stage, out_hbm.at[pl.ds(wid * (2 * L), 2 * L)])


@jax.jit
def _rpn_regr_loss(input_data, target):
    tgt_v = lax.reshape(target, (3 * NBLK, 1, BLK), dimensions=(0, 2, 1))
    ip_v = input_data[0].reshape(NBLK, BLK, 2).transpose(0, 2, 1)

    mesh = plsc.VectorSubcoreMesh(core_axis_name="c", subcore_axis_name="s")
    set_types = [
        pltpu.VMEM((B, 1, BLK), jnp.float32),
        pltpu.VMEM((B, 1, BLK), jnp.float32),
        pltpu.VMEM((B, 1, BLK), jnp.float32),
        pltpu.VMEM((B, 2, BLK), jnp.float32),
    ]
    partials = pl.kernel(
        _sc_body,
        out_type=jax.ShapeDtypeStruct((NW * 2 * L,), jnp.float32),
        mesh=mesh,
        scratch_types=(set_types * DEPTH
                       + [pltpu.VMEM((2 * L,), jnp.float32)]
                       + [pltpu.SemaphoreType.DMA] * DEPTH),
        compiler_params=pltpu.CompilerParams(needs_layout_passes=False),
    )(tgt_v, ip_v)
    p = partials.reshape(NW, 2, L)
    total = jnp.sum(p[:, 0, :])
    cnt = jnp.sum(p[:, 1, :])
    return jnp.where(cnt > 0, total / jnp.maximum(cnt, 1.0), 0.0)


def kernel(input_data, target):
    return _rpn_regr_loss(input_data.astype(jnp.float32),
                          target.astype(jnp.float32))

# --- scband reference (transcript-rebuilt; emitter-appended) ---
"""Pipeline reference for scband-rpn-regr-loss-18124761989479 (READ-ONLY COPY).

The authoritative reference and input builder live on the scoring server;
editing this copy changes nothing except your own understanding.
"""

import jax, jax.numpy as jnp
import numpy as np

N = 2000000
SIGMA = 9.0

def setup_inputs(seed: int = 0) -> dict:
    key = jax.random.key(seed)
    k1, k2 = jax.random.split(key)
    input_data = jax.random.normal(k1, (1, N, 2), dtype=jnp.float32)
    # target[0,:,0] is the cls label in {0,1}; target[0,:,1:3] are regression targets
    target = jax.random.randint(k2, (1, N, 3), 0, 2).astype(jnp.float32)
    return {"input_data": input_data, "target": target}

def reference(input_data, target):
    sigma = SIGMA
    input_data = input_data.astype(jnp.float32)
    target = target.astype(jnp.float32)
    cls = target[0, :, 0]
    regression = target[0, :, 1:3]
    # torch: regr_keep = (cls == 1).nonzero(); regr_true = regression[regr_keep]
    # jit-friendly masked equivalent: mean over kept rows == masked-sum / count
    mask = (cls == 1.0).astype(jnp.float32)
    regr_pred = input_data[0]
    diff = jnp.abs(regression - regr_pred)
    less_one = (diff < 1.0 / sigma).astype(jnp.float32)
    loss = less_one * 0.5 * diff ** 2 * sigma + jnp.abs(1.0 - less_one) * (diff - 0.5 / sigma)
    per_row = jnp.sum(loss, axis=1)
    cnt = jnp.sum(mask)
    total = jnp.sum(per_row * mask)
    # if no positive anchors, torch returns input_data.sum() * 0 == 0
    return jnp.where(cnt > 0, total / jnp.maximum(cnt, 1.0), jnp.sum(input_data) * 0.0)

if __name__ == "__main__":
    import jax
    _d = setup_inputs()
    print(jax.jit(kernel)(*tuple(_d.values())))

</pallas_src>

<mosaic_0001>
#map = affine_map<(d0, d1) -> (0, 0, 0)>
#map1 = affine_map<(d0, d1) -> (0)>
module attributes {stable_mosaic.version = 14 : i64} {
  func.func @_sc_body(%arg0: i32, %arg1: i32, %arg2: memref<46875x1x128xf32, #tpu.memory_space<hbm>>, %arg3: memref<15625x2x128xf32, #tpu.memory_space<hbm>>, %arg4: memref<1024xf32, #tpu.memory_space<hbm>>, %arg5: memref<25x1x128xf32, #tpu.memory_space<vmem>>, %arg6: memref<25x1x128xf32, #tpu.memory_space<vmem>>, %arg7: memref<25x1x128xf32, #tpu.memory_space<vmem>>, %arg8: memref<25x2x128xf32, #tpu.memory_space<vmem>>, %arg9: memref<25x1x128xf32, #tpu.memory_space<vmem>>, %arg10: memref<25x1x128xf32, #tpu.memory_space<vmem>>, %arg11: memref<25x1x128xf32, #tpu.memory_space<vmem>>, %arg12: memref<25x2x128xf32, #tpu.memory_space<vmem>>, %arg13: memref<25x1x128xf32, #tpu.memory_space<vmem>>, %arg14: memref<25x1x128xf32, #tpu.memory_space<vmem>>, %arg15: memref<25x1x128xf32, #tpu.memory_space<vmem>>, %arg16: memref<25x2x128xf32, #tpu.memory_space<vmem>>, %arg17: memref<25x1x128xf32, #tpu.memory_space<vmem>>, %arg18: memref<25x1x128xf32, #tpu.memory_space<vmem>>, %arg19: memref<25x1x128xf32, #tpu.memory_space<vmem>>, %arg20: memref<25x2x128xf32, #tpu.memory_space<vmem>>, %arg21: memref<32xf32, #tpu.memory_space<vmem>>, %arg22: memref<!tpu.dma_semaphore, #tpu.memory_space<semaphore_mem>>, %arg23: memref<!tpu.dma_semaphore, #tpu.memory_space<semaphore_mem>>, %arg24: memref<!tpu.dma_semaphore, #tpu.memory_space<semaphore_mem>>, %arg25: memref<!tpu.dma_semaphore, #tpu.memory_space<semaphore_mem>>) attributes {dimension_semantics = [#tpu.dimension_semantics<core_parallel>, #tpu.dimension_semantics<subcore_parallel>], iteration_bounds = array<i64: 2, 16>, scalar_prefetch = 0 : i64, scratch_operands = 21 : i64, tpu.core_type = #tpu.core_type<sc_vector_subcore>, window_params = [{transform_indices = #map}, {transform_indices = #map}, {transform_indices = #map1}]} {
    %mul3A = arith.constant 2 : i32
    %mul3A_0 = arith.muli %arg1, %mul3A : i32
    %add3A = arith.addi %mul3A_0, %arg0 : i32
    %sub3A = arith.constant 656 : i32
    %sub3A_1 = arith.subi %sub3A, %add3A : i32
    %jit3A = arith.constant 32 : i32
    %div3A = arith.divsi %sub3A_1, %jit3A : i32
    %sign3A = arith.constant 0 : i32
    %sign3A_2 = arith.cmpi sgt, %sub3A_1, %sign3A : i32
    %sign3A_3 = arith.extui %sign3A_2 : i1 to i32
    %sign3A_4 = arith.constant 0 : i32
    %sign3A_5 = arith.cmpi slt, %sub3A_1, %sign3A_4 : i32
    %sign3A_6 = arith.extui %sign3A_5 : i1 to i32
    %sign3A_7 = arith.subi %sign3A_3, %sign3A_6 : i32
    %sign3A_8 = arith.constant 0 : i32
    %sign3A_9 = arith.cmpi sgt, %jit3A, %sign3A_8 : i32
    %sign3A_10 = arith.extui %sign3A_9 : i1 to i32
    %sign3A_11 = arith.constant 0 : i32
    %sign3A_12 = arith.cmpi slt, %jit3A, %sign3A_11 : i32
    %sign3A_13 = arith.extui %sign3A_12 : i1 to i32
    %sign3A_14 = arith.subi %sign3A_10, %sign3A_13 : i32
    %ne3A = arith.cmpi ne, %sign3A_7, %sign3A_14 : i32
    %rem3A = arith.remsi %sub3A_1, %jit3A : i32
    %ne3A_15 = arith.constant 0 : i32
    %ne3A_16 = arith.cmpi ne, %rem3A, %ne3A_15 : i32
    %and3A = arith.andi %ne3A, %ne3A_16 : i1
    %sub3A_17 = arith.constant 1 : i32
    %sub3A_18 = arith.subi %div3A, %sub3A_17 : i32
    %select_n3A = arith.select %and3A, %sub3A_18, %div3A : i32
    %add3A_19 = arith.constant 0 : i32
    %add3A_20 = arith.addi %add3A, %add3A_19 : i32
    %mul3A_21 = arith.constant 25 : i32
    %mul3A_22 = arith.muli %add3A_20, %mul3A_21 : i32
    %dma_start3A = arith.constant 0 : i32
    %dma_start3A_23 = arith.constant 0 : i32
    %dma_start3A_24 = tpu.memref_slice %arg2[%mul3A_22, %dma_start3A, %dma_start3A_23] : memref<46875x1x128xf32, #tpu.memory_space<hbm>> -> memref<25x1x128xf32, #tpu.memory_space<hbm>>
    %dma_start3A_25 = arith.constant 0 : i32
    %dma_start3A_26 = arith.constant 0 : i32
    %dma_start3A_27 = tpu.memref_slice %arg2[%mul3A_22, %dma_start3A_25, %dma_start3A_26] : memref<46875x1x128xf32, #tpu.memory_space<hbm>> -> memref<25x1x128xf32, #tpu.memory_space<hbm>>
    tpu.enqueue_dma source(%dma_start3A_27 : memref<25x1x128xf32, #tpu.memory_space<hbm>>) target(%arg5 : memref<25x1x128xf32, #tpu.memory_space<vmem>>) target_semaphore(%arg22 : memref<!tpu.dma_semaphore, #tpu.memory_space<semaphore_mem>>)
    %add3A_28 = arith.constant 15625 : i32
    %add3A_29 = arith.addi %add3A_28, %mul3A_22 : i32
    %dma_start3A_30 = arith.constant 0 : i32
    %dma_start3A_31 = arith.constant 0 : i32
    %dma_start3A_32 = tpu.memref_slice %arg2[%add3A_29, %dma_start3A_30, %dma_start3A_31] : memref<46875x1x128xf32, #tpu.memory_space<hbm>> -> memref<25x1x128xf32, #tpu.memory_space<hbm>>
    %dma_start3A_33 = arith.constant 0 : i32
    %dma_start3A_34 = arith.constant 0 : i32
    %dma_start3A_35 = tpu.memref_slice %arg2[%add3A_29, %dma_start3A_33, %dma_start3A_34] : memref<46875x1x128xf32, #tpu.memory_space<hbm>> -> memref<25x1x128xf32, #tpu.memory_space<hbm>>
    tpu.enqueue_dma source(%dma_start3A_35 : memref<25x1x128xf32, #tpu.memory_space<hbm>>) target(%arg6 : memref<25x1x128xf32, #tpu.memory_space<vmem>>) target_semaphore(%arg22 : memref<!tpu.dma_semaphore, #tpu.memory_space<semaphore_mem>>)
    %add3A_36 = arith.constant 31250 : i32
    %add3A_37 = arith.addi %add3A_36, %mul3A_22 : i32
    %dma_start3A_38 = arith.constant 0 : i32
    %dma_start3A_39 = arith.constant 0 : i32
    %dma_start3A_40 = tpu.memref_slice %arg2[%add3A_37, %dma_start3A_38, %dma_start3A_39] : memref<46875x1x128xf32, #tpu.memory_space<hbm>> -> memref<25x1x128xf32, #tpu.memory_space<hbm>>
    %dma_start3A_41 = arith.constant 0 : i32
    %dma_start3A_42 = arith.constant 0 : i32
    %dma_start3A_43 = tpu.memref_slice %arg2[%add3A_37, %dma_start3A_41, %dma_start3A_42] : memref<46875x1x128xf32, #tpu.memory_space<hbm>> -> memref<25x1x128xf32, #tpu.memory_space<hbm>>
    tpu.enqueue_dma source(%dma_start3A_43 : memref<25x1x128xf32, #tpu.memory_space<hbm>>) target(%arg7 : memref<25x1x128xf32, #tpu.memory_space<vmem>>) target_semaphore(%arg22 : memref<!tpu.dma_semaphore, #tpu.memory_space<semaphore_mem>>)
    %dma_start3A_44 = arith.constant 0 : i32
    %dma_start3A_45 = arith.constant 0 : i32
    %dma_start3A_46 = tpu.memref_slice %arg3[%mul3A_22, %dma_start3A_44, %dma_start3A_45] : memref<15625x2x128xf32, #tpu.memory_space<hbm>> -> memref<25x2x128xf32, #tpu.memory_space<hbm>>
    %dma_start3A_47 = arith.constant 0 : i32
    %dma_start3A_48 = arith.constant 0 : i32
    %dma_start3A_49 = tpu.memref_slice %arg3[%mul3A_22, %dma_start3A_47, %dma_start3A_48] : memref<15625x2x128xf32, #tpu.memory_space<hbm>> -> memref<25x2x128xf32, #tpu.memory_space<hbm>>
    tpu.enqueue_dma source(%dma_start3A_49 : memref<25x2x128xf32, #tpu.memory_space<hbm>>) target(%arg8 : memref<25x2x128xf32, #tpu.memory_space<vmem>>) target_semaphore(%arg22 : memref<!tpu.dma_semaphore, #tpu.memory_space<semaphore_mem>>)
    %add3A_50 = arith.constant 32 : i32
    %add3A_51 = arith.addi %add3A, %add3A_50 : i32
    %mul3A_52 = arith.constant 25 : i32
    %mul3A_53 = arith.muli %add3A_51, %mul3A_52 : i32
    %dma_start3A_54 = arith.constant 0 : i32
    %dma_start3A_55 = arith.constant 0 : i32
    %dma_start3A_56 = tpu.memref_slice %arg2[%mul3A_53, %dma_start3A_54, %dma_start3A_55] : memref<46875x1x128xf32, #tpu.memory_space<hbm>> -> memref<25x1x128xf32, #tpu.memory_space<hbm>>
    %dma_start3A_57 = arith.constant 0 : i32
    %dma_start3A_58 = arith.constant 0 : i32
    %dma_start3A_59 = tpu.memref_slice %arg2[%mul3A_53, %dma_start3A_57, %dma_start3A_58] : memref<46875x1x128xf32, #tpu.memory_space<hbm>> -> memref<25x1x128xf32, #tpu.memory_space<hbm>>
    tpu.enqueue_dma source(%dma_start3A_59 : memref<25x1x128xf32, #tpu.memory_space<hbm>>) target(%arg9 : memref<25x1x128xf32, #tpu.memory_space<vmem>>) target_semaphore(%arg23 : memref<!tpu.dma_semaphore, #tpu.memory_space<semaphore_mem>>)
    %add3A_60 = arith.constant 15625 : i32
    %add3A_61 = arith.addi %add3A_60, %mul3A_53 : i32
    %dma_start3A_62 = arith.constant 0 : i32
    %dma_start3A_63 = arith.constant 0 : i32
    %dma_start3A_64 = tpu.memref_slice %arg2[%add3A_61, %dma_start3A_62, %dma_start3A_63] : memref<46875x1x128xf32, #tpu.memory_space<hbm>> -> memref<25x1x128xf32, #tpu.memory_space<hbm>>
    %dma_start3A_65 = arith.constant 0 : i32
    %dma_start3A_66 = arith.constant 0 : i32
    %dma_start3A_67 = tpu.memref_slice %arg2[%add3A_61, %dma_start3A_65, %dma_start3A_66] : memref<46875x1x128xf32, #tpu.memory_space<hbm>> -> memref<25x1x128xf32, #tpu.memory_space<hbm>>
    tpu.enqueue_dma source(%dma_start3A_67 : memref<25x1x128xf32, #tpu.memory_space<hbm>>) target(%arg10 : memref<25x1x128xf32, #tpu.memory_space<vmem>>) target_semaphore(%arg23 : memref<!tpu.dma_semaphore, #tpu.memory_space<semaphore_mem>>)
    %add3A_68 = arith.constant 31250 : i32
    %add3A_69 = arith.addi %add3A_68, %mul3A_53 : i32
    %dma_start3A_70 = arith.constant 0 : i32
    %dma_start3A_71 = arith.constant 0 : i32
    %dma_start3A_72 = tpu.memref_slice %arg2[%add3A_69, %dma_start3A_70, %dma_start3A_71] : memref<46875x1x128xf32, #tpu.memory_space<hbm>> -> memref<25x1x128xf32, #tpu.memory_space<hbm>>
    %dma_start3A_73 = arith.constant 0 : i32
    %dma_start3A_74 = arith.constant 0 : i32
    %dma_start3A_75 = tpu.memref_slice %arg2[%add3A_69, %dma_start3A_73, %dma_start3A_74] : memref<46875x1x128xf32, #tpu.memory_space<hbm>> -> memref<25x1x128xf32, #tpu.memory_space<hbm>>
    tpu.enqueue_dma source(%dma_start3A_75 : memref<25x1x128xf32, #tpu.memory_space<hbm>>) target(%arg11 : memref<25x1x128xf32, #tpu.memory_space<vmem>>) target_semaphore(%arg23 : memref<!tpu.dma_semaphore, #tpu.memory_space<semaphore_mem>>)
    %dma_start3A_76 = arith.constant 0 : i32
    %dma_start3A_77 = arith.constant 0 : i32
    %dma_start3A_78 = tpu.memref_slice %arg3[%mul3A_53, %dma_start3A_76, %dma_start3A_77] : memref<15625x2x128xf32, #tpu.memory_space<hbm>> -> memref<25x2x128xf32, #tpu.memory_space<hbm>>
    %dma_start3A_79 = arith.constant 0 : i32
    %dma_start3A_80 = arith.constant 0 : i32
    %dma_start3A_81 = tpu.memref_slice %arg3[%mul3A_53, %dma_start3A_79, %dma_start3A_80] : memref<15625x2x128xf32, #tpu.memory_space<hbm>> -> memref<25x2x128xf32, #tpu.memory_space<hbm>>
    tpu.enqueue_dma source(%dma_start3A_81 : memref<25x2x128xf32, #tpu.memory_space<hbm>>) target(%arg12 : memref<25x2x128xf32, #tpu.memory_space<vmem>>) target_semaphore(%arg23 : memref<!tpu.dma_semaphore, #tpu.memory_space<semaphore_mem>>)
    %add3A_82 = arith.constant 64 : i32
    %add3A_83 = arith.addi %add3A, %add3A_82 : i32
    %mul3A_84 = arith.constant 25 : i32
    %mul3A_85 = arith.muli %add3A_83, %mul3A_84 : i32
    %dma_start3A_86 = arith.constant 0 : i32
    %dma_start3A_87 = arith.constant 0 : i32
    %dma_start3A_88 = tpu.memref_slice %arg2[%mul3A_85, %dma_start3A_86, %dma_start3A_87] : memref<46875x1x128xf32, #tpu.memory_space<hbm>> -> memref<25x1x128xf32, #tpu.memory_space<hbm>>
    %dma_start3A_89 = arith.constant 0 : i32
    %dma_start3A_90 = arith.constant 0 : i32
    %dma_start3A_91 = tpu.memref_slice %arg2[%mul3A_85, %dma_start3A_89, %dma_start3A_90] : memref<46875x1x128xf32, #tpu.memory_space<hbm>> -> memref<25x1x128xf32, #tpu.memory_space<hbm>>
    tpu.enqueue_dma source(%dma_start3A_91 : memref<25x1x128xf32, #tpu.memory_space<hbm>>) target(%arg13 : memref<25x1x128xf32, #tpu.memory_space<vmem>>) target_semaphore(%arg24 : memref<!tpu.dma_semaphore, #tpu.memory_space<semaphore_mem>>)
    %add3A_92 = arith.constant 15625 : i32
    %add3A_93 = arith.addi %add3A_92, %mul3A_85 : i32
    %dma_start3A_94 = arith.constant 0 : i32
    %dma_start3A_95 = arith.constant 0 : i32
    %dma_start3A_96 = tpu.memref_slice %arg2[%add3A_93, %dma_start3A_94, %dma_start3A_95] : memref<46875x1x128xf32, #tpu.memory_space<hbm>> -> memref<25x1x128xf32, #tpu.memory_space<hbm>>
    %dma_start3A_97 = arith.constant 0 : i32
    %dma_start3A_98 = arith.constant 0 : i32
    %dma_start3A_99 = tpu.memref_slice %arg2[%add3A_93, %dma_start3A_97, %dma_start3A_98] : memref<46875x1x128xf32, #tpu.memory_space<hbm>> -> memref<25x1x128xf32, #tpu.memory_space<hbm>>
    tpu.enqueue_dma source(%dma_start3A_99 : memref<25x1x128xf32, #tpu.memory_space<hbm>>) target(%arg14 : memref<25x1x128xf32, #tpu.memory_space<vmem>>) target_semaphore(%arg24 : memref<!tpu.dma_semaphore, #tpu.memory_space<semaphore_mem>>)
    %add3A_100 = arith.constant 31250 : i32
    %add3A_101 = arith.addi %add3A_100, %mul3A_85 : i32
    %dma_start3A_102 = arith.constant 0 : i32
    %dma_start3A_103 = arith.constant 0 : i32
    %dma_start3A_104 = tpu.memref_slice %arg2[%add3A_101, %dma_start3A_102, %dma_start3A_103] : memref<46875x1x128xf32, #tpu.memory_space<hbm>> -> memref<25x1x128xf32, #tpu.memory_space<hbm>>
    %dma_start3A_105 = arith.constant 0 : i32
    %dma_start3A_106 = arith.constant 0 : i32
    %dma_start3A_107 = tpu.memref_slice %arg2[%add3A_101, %dma_start3A_105, %dma_start3A_106] : memref<46875x1x128xf32, #tpu.memory_space<hbm>> -> memref<25x1x128xf32, #tpu.memory_space<hbm>>
    tpu.enqueue_dma source(%dma_start3A_107 : memref<25x1x128xf32, #tpu.memory_space<hbm>>) target(%arg15 : memref<25x1x128xf32, #tpu.memory_space<vmem>>) target_semaphore(%arg24 : memref<!tpu.dma_semaphore, #tpu.memory_space<semaphore_mem>>)
    %dma_start3A_108 = arith.constant 0 : i32
    %dma_start3A_109 = arith.constant 0 : i32
    %dma_start3A_110 = tpu.memref_slice %arg3[%mul3A_85, %dma_start3A_108, %dma_start3A_109] : memref<15625x2x128xf32, #tpu.memory_space<hbm>> -> memref<25x2x128xf32, #tpu.memory_space<hbm>>
    %dma_start3A_111 = arith.constant 0 : i32
    %dma_start3A_112 = arith.constant 0 : i32
    %dma_start3A_113 = tpu.memref_slice %arg3[%mul3A_85, %dma_start3A_111, %dma_start3A_112] : memref<15625x2x128xf32, #tpu.memory_space<hbm>> -> memref<25x2x128xf32, #tpu.memory_space<hbm>>
    tpu.enqueue_dma source(%dma_start3A_113 : memref<25x2x128xf32, #tpu.memory_space<hbm>>) target(%arg16 : memref<25x2x128xf32, #tpu.memory_space<vmem>>) target_semaphore(%arg24 : memref<!tpu.dma_semaphore, #tpu.memory_space<semaphore_mem>>)
    %add3A_114 = arith.constant 96 : i32
    %add3A_115 = arith.addi %add3A, %add3A_114 : i32
    %mul3A_116 = arith.constant 25 : i32
    %mul3A_117 = arith.muli %add3A_115, %mul3A_116 : i32
    %dma_start3A_118 = arith.constant 0 : i32
    %dma_start3A_119 = arith.constant 0 : i32
    %dma_start3A_120 = tpu.memref_slice %arg2[%mul3A_117, %dma_start3A_118, %dma_start3A_119] : memref<46875x1x128xf32, #tpu.memory_space<hbm>> -> memref<25x1x128xf32, #tpu.memory_space<hbm>>
    %dma_start3A_121 = arith.constant 0 : i32
    %dma_start3A_122 = arith.constant 0 : i32
    %dma_start3A_123 = tpu.memref_slice %arg2[%mul3A_117, %dma_start3A_121, %dma_start3A_122] : memref<46875x1x128xf32, #tpu.memory_space<hbm>> -> memref<25x1x128xf32, #tpu.memory_space<hbm>>
    tpu.enqueue_dma source(%dma_start3A_123 : memref<25x1x128xf32, #tpu.memory_space<hbm>>) target(%arg17 : memref<25x1x128xf32, #tpu.memory_space<vmem>>) target_semaphore(%arg25 : memref<!tpu.dma_semaphore, #tpu.memory_space<semaphore_mem>>)
    %add3A_124 = arith.constant 15625 : i32
    %add3A_125 = arith.addi %add3A_124, %mul3A_117 : i32
    %dma_start3A_126 = arith.constant 0 : i32
    %dma_start3A_127 = arith.constant 0 : i32
    %dma_start3A_128 = tpu.memref_slice %arg2[%add3A_125, %dma_start3A_126, %dma_start3A_127] : memref<46875x1x128xf32, #tpu.memory_space<hbm>> -> memref<25x1x128xf32, #tpu.memory_space<hbm>>
    %dma_start3A_129 = arith.constant 0 : i32
    %dma_start3A_130 = arith.constant 0 : i32
    %dma_start3A_131 = tpu.memref_slice %arg2[%add3A_125, %dma_start3A_129, %dma_start3A_130] : memref<46875x1x128xf32, #tpu.memory_space<hbm>> -> memref<25x1x128xf32, #tpu.memory_space<hbm>>
    tpu.enqueue_dma source(%dma_start3A_131 : memref<25x1x128xf32, #tpu.memory_space<hbm>>) target(%arg18 : memref<25x1x128xf32, #tpu.memory_space<vmem>>) target_semaphore(%arg25 : memref<!tpu.dma_semaphore, #tpu.memory_space<semaphore_mem>>)
    %add3A_132 = arith.constant 31250 : i32
    %add3A_133 = arith.addi %add3A_132, %mul3A_117 : i32
    %dma_start3A_134 = arith.constant 0 : i32
    %dma_start3A_135 = arith.constant 0 : i32
    %dma_start3A_136 = tpu.memref_slice %arg2[%add3A_133, %dma_start3A_134, %dma_start3A_135] : memref<46875x1x128xf32, #tpu.memory_space<hbm>> -> memref<25x1x128xf32, #tpu.memory_space<hbm>>
    %dma_start3A_137 = arith.constant 0 : i32
    %dma_start3A_138 = arith.constant 0 : i32
    %dma_start3A_139 = tpu.memref_slice %arg2[%add3A_133, %dma_start3A_137, %dma_start3A_138] : memref<46875x1x128xf32, #tpu.memory_space<hbm>> -> memref<25x1x128xf32, #tpu.memory_space<hbm>>
    tpu.enqueue_dma source(%dma_start3A_139 : memref<25x1x128xf32, #tpu.memory_space<hbm>>) target(%arg19 : memref<25x1x128xf32, #tpu.memory_space<vmem>>) target_semaphore(%arg25 : memref<!tpu.dma_semaphore, #tpu.memory_space<semaphore_mem>>)
    %dma_start3A_140 = arith.constant 0 : i32
    %dma_start3A_141 = arith.constant 0 : i32
    %dma_start3A_142 = tpu.memref_slice %arg3[%mul3A_117, %dma_start3A_140, %dma_start3A_141] : memref<15625x2x128xf32, #tpu.memory_space<hbm>> -> memref<25x2x128xf32, #tpu.memory_space<hbm>>
    %dma_start3A_143 = arith.constant 0 : i32
    %dma_start3A_144 = arith.constant 0 : i32
    %dma_start3A_145 = tpu.memref_slice %arg3[%mul3A_117, %dma_start3A_143, %dma_start3A_144] : memref<15625x2x128xf32, #tpu.memory_space<hbm>> -> memref<25x2x128xf32, #tpu.memory_space<hbm>>
    tpu.enqueue_dma source(%dma_start3A_145 : memref<25x2x128xf32, #tpu.memory_space<hbm>>) target(%arg20 : memref<25x2x128xf32, #tpu.memory_space<vmem>>) target_semaphore(%arg25 : memref<!tpu.dma_semaphore, #tpu.memory_space<semaphore_mem>>)
    %broadcast_in_dim3A = arith.constant 0.000000e+00 : f32
    %broadcast_in_dim3A_146 = vector.broadcast %broadcast_in_dim3A : f32 to vector<16xf32>
    %scan3A = arith.constant 0 : i32
    %scan3A_147 = arith.constant 4 : i32
    %scan3A_148 = arith.addi %scan3A, %scan3A_147 : i32
    %scan3A_149 = arith.constant 1 : i32
    %scan3A_150:4 = scf.for %scan3A_268 = %scan3A to %scan3A_148 step %scan3A_149 iter_args(%scan3A_269 = %broadcast_in_dim3A_146, %scan3A_270 = %broadcast_in_dim3A_146, %scan3A_271 = %broadcast_in_dim3A_146, %scan3A_272 = %broadcast_in_dim3A_146) -> (vector<16xf32>, vector<16xf32>, vector<16xf32>, vector<16xf32>)  : i32 {
      %mul3A_273 = arith.constant 4 : i32
      %mul3A_274 = arith.muli %scan3A_268, %mul3A_273 : i32
      %add3A_275 = arith.constant 0 : i32
      %add3A_276 = arith.addi %mul3A_274, %add3A_275 : i32
      %dma_wait3A_277 = arith.constant 0 : i32
      %dma_wait3A_278 = arith.constant 0 : i32
      %dma_wait3A_279 = arith.constant 0 : i32
      %dma_wait3A_280 = tpu.memref_slice %arg2[%dma_wait3A_277, %dma_wait3A_278, %dma_wait3A_279] : memref<46875x1x128xf32, #tpu.memory_space<hbm>> -> memref<25x1x128xf32, #tpu.memory_space<hbm>>
      %dma_wait3A_281 = arith.constant 0 : i32
      %dma_wait3A_282 = arith.constant 0 : i32
      %dma_wait3A_283 = arith.constant 0 : i32
      %dma_wait3A_284 = tpu.memref_slice %arg2[%dma_wait3A_281, %dma_wait3A_282, %dma_wait3A_283] : memref<46875x1x128xf32, #tpu.memory_space<hbm>> -> memref<25x1x128xf32, #tpu.memory_space<hbm>>
      tpu.wait_dma2 semaphore(%arg22 : memref<!tpu.dma_semaphore, #tpu.memory_space<semaphore_mem>>) src(%dma_wait3A_284 : memref<25x1x128xf32, #tpu.memory_space<hbm>>) dst(%arg5 : memref<25x1x128xf32, #tpu.memory_space<vmem>>)
      %dma_wait3A_285 = arith.constant 0 : i32
      %dma_wait3A_286 = arith.constant 0 : i32
      %dma_wait3A_287 = arith.constant 0 : i32
      %dma_wait3A_288 = tpu.memref_slice %arg2[%dma_wait3A_285, %dma_wait3A_286, %dma_wait3A_287] : memref<46875x1x128xf32, #tpu.memory_space<hbm>> -> memref<25x1x128xf32, #tpu.memory_space<hbm>>
      %dma_wait3A_289 = arith.constant 0 : i32
      %dma_wait3A_290 = arith.constant 0 : i32
      %dma_wait3A_291 = arith.constant 0 : i32
      %dma_wait3A_292 = tpu.memref_slice %arg2[%dma_wait3A_289, %dma_wait3A_290, %dma_wait3A_291] : memref<46875x1x128xf32, #tpu.memory_space<hbm>> -> memref<25x1x128xf32, #tpu.memory_space<hbm>>
      tpu.wait_dma2 semaphore(%arg22 : memref<!tpu.dma_semaphore, #tpu.memory_space<semaphore_mem>>) src(%dma_wait3A_292 : memref<25x1x128xf32, #tpu.memory_space<hbm>>) dst(%arg6 : memref<25x1x128xf32, #tpu.memory_space<vmem>>)
      %dma_wait3A_293 = arith.constant 0 : i32
      %dma_wait3A_294 = arith.constant 0 : i32
      %dma_wait3A_295 = arith.constant 0 : i32
      %dma_wait3A_296 = tpu.memref_slice %arg2[%dma_wait3A_293, %dma_wait3A_294, %dma_wait3A_295] : memref<46875x1x128xf32, #tpu.memory_space<hbm>> -> memref<25x1x128xf32, #tpu.memory_space<hbm>>
      %dma_wait3A_297 = arith.constant 0 : i32
      %dma_wait3A_298 = arith.constant 0 : i32
      %dma_wait3A_299 = arith.constant 0 : i32
      %dma_wait3A_300 = tpu.memref_slice %arg2[%dma_wait3A_297, %dma_wait3A_298, %dma_wait3A_299] : memref<46875x1x128xf32, #tpu.memory_space<hbm>> -> memref<25x1x128xf32, #tpu.memory_space<hbm>>
      tpu.wait_dma2 semaphore(%arg22 : memref<!tpu.dma_semaphore, #tpu.memory_space<semaphore_mem>>) src(%dma_wait3A_300 : memref<25x1x128xf32, #tpu.memory_space<hbm>>) dst(%arg7 : memref<25x1x128xf32, #tpu.memory_space<vmem>>)
      %dma_wait3A_301 = arith.constant 0 : i32
      %dma_wait3A_302 = arith.constant 0 : i32
      %dma_wait3A_303 = arith.constant 0 : i32
      %dma_wait3A_304 = tpu.memref_slice %arg3[%dma_wait3A_301, %dma_wait3A_302, %dma_wait3A_303] : memref<15625x2x128xf32, #tpu.memory_space<hbm>> -> memref<25x2x128xf32, #tpu.memory_space<hbm>>
      %dma_wait3A_305 = arith.constant 0 : i32
      %dma_wait3A_306 = arith.constant 0 : i32
      %dma_wait3A_307 = arith.constant 0 : i32
      %dma_wait3A_308 = tpu.memref_slice %arg3[%dma_wait3A_305, %dma_wait3A_306, %dma_wait3A_307] : memref<15625x2x128xf32, #tpu.memory_space<hbm>> -> memref<25x2x128xf32, #tpu.memory_space<hbm>>
      tpu.wait_dma2 semaphore(%arg22 : memref<!tpu.dma_semaphore, #tpu.memory_space<semaphore_mem>>) src(%dma_wait3A_308 : memref<25x2x128xf32, #tpu.memory_space<hbm>>) dst(%arg8 : memref<25x2x128xf32, #tpu.memory_space<vmem>>)
      %parallel_loop3A_309 = arith.constant 0 : i32
      %parallel_loop3A_310 = arith.constant 25 : i32
      %parallel_loop3A_311 = arith.constant 1 : i32
      %parallel_loop3A_312:4 = scf.for %parallel_loop3A_456 = %parallel_loop3A_309 to %parallel_loop3A_310 step %parallel_loop3A_311 iter_args(%parallel_loop3A_457 = %scan3A_269, %parallel_loop3A_458 = %scan3A_270, %parallel_loop3A_459 = %scan3A_271, %parallel_loop3A_460 = %scan3A_272) -> (vector<16xf32>, vector<16xf32>, vector<16xf32>, vector<16xf32>)  : i32 {
        %parallel_loop3A_461 = arith.constant 0 : i32
        %parallel_loop3A_462 = arith.index_cast %parallel_loop3A_456 : i32 to index
        %parallel_loop3A_463 = arith.index_cast %parallel_loop3A_461 : i32 to index
        %parallel_loop3A_464 = arith.constant 0 : index
        %parallel_loop3A_465 = tpu.vector_load %arg5[%parallel_loop3A_462, %parallel_loop3A_463, %parallel_loop3A_464] {strides = array<i32>} : memref<25x1x128xf32, #tpu.memory_space<vmem>>, vector<16xf32>,
        %parallel_loop3A_466 = arith.constant 0 : i32
        %parallel_loop3A_467 = arith.index_cast %parallel_loop3A_456 : i32 to index
        %parallel_loop3A_468 = arith.index_cast %parallel_loop3A_466 : i32 to index
        %parallel_loop3A_469 = arith.constant 0 : index
        %parallel_loop3A_470 = tpu.vector_load %arg6[%parallel_loop3A_467, %parallel_loop3A_468, %parallel_loop3A_469] {strides = array<i32>} : memref<25x1x128xf32, #tpu.memory_space<vmem>>, vector<16xf32>,
        %parallel_loop3A_471 = arith.constant 0 : i32
        %parallel_loop3A_472 = arith.index_cast %parallel_loop3A_456 : i32 to index
        %parallel_loop3A_473 = arith.index_cast %parallel_loop3A_471 : i32 to index
        %parallel_loop3A_474 = arith.constant 0 : index
        %parallel_loop3A_475 = tpu.vector_load %arg7[%parallel_loop3A_472, %parallel_loop3A_473, %parallel_loop3A_474] {strides = array<i32>} : memref<25x1x128xf32, #tpu.memory_space<vmem>>, vector<16xf32>,
        %parallel_loop3A_476 = arith.constant 0 : i32
        %parallel_loop3A_477 = arith.index_cast %parallel_loop3A_456 : i32 to index
        %parallel_loop3A_478 = arith.index_cast %parallel_loop3A_476 : i32 to index
        %parallel_loop3A_479 = arith.constant 0 : index
        %parallel_loop3A_480 = tpu.vector_load %arg8[%parallel_loop3A_477, %parallel_loop3A_478, %parallel_loop3A_479] {strides = array<i32>} : memref<25x2x128xf32, #tpu.memory_space<vmem>>, vector<16xf32>,
        %parallel_loop3A_481 = arith.constant 1 : i32
        %parallel_loop3A_482 = arith.index_cast %parallel_loop3A_456 : i32 to index
        %parallel_loop3A_483 = arith.index_cast %parallel_loop3A_481 : i32 to index
        %parallel_loop3A_484 = arith.constant 0 : index
        %parallel_loop3A_485 = tpu.vector_load %arg8[%parallel_loop3A_482, %parallel_loop3A_483, %parallel_loop3A_484] {strides = array<i32>} : memref<25x2x128xf32, #tpu.memory_space<vmem>>, vector<16xf32>,
        %parallel_loop3A_486 = arith.subf %parallel_loop3A_470, %parallel_loop3A_480 : vector<16xf32>
        %parallel_loop3A_487 = math.absf %parallel_loop3A_486 : vector<16xf32>
        %parallel_loop3A_488 = arith.subf %parallel_loop3A_475, %parallel_loop3A_485 : vector<16xf32>
        %parallel_loop3A_489 = math.absf %parallel_loop3A_488 : vector<16xf32>
        %parallel_loop3A_490 = arith.constant 0.111111112 : f32
        %parallel_loop3A_491 = vector.broadcast %parallel_loop3A_490 : f32 to vector<16xf32>
        %parallel_loop3A_492 = arith.minimumf %parallel_loop3A_487, %parallel_loop3A_491 : vector<16xf32>
        %parallel_loop3A_493 = arith.constant 0.111111112 : f32
        %parallel_loop3A_494 = vector.broadcast %parallel_loop3A_493 : f32 to vector<16xf32>
        %parallel_loop3A_495 = arith.minimumf %parallel_loop3A_489, %parallel_loop3A_494 : vector<16xf32>
        %parallel_loop3A_496 = arith.subf %parallel_loop3A_487, %parallel_loop3A_492 : vector<16xf32>
        %parallel_loop3A_497 = arith.subf %parallel_loop3A_489, %parallel_loop3A_495 : vector<16xf32>
        %parallel_loop3A_498 = arith.addf %parallel_loop3A_496, %parallel_loop3A_497 : vector<16xf32>
        %parallel_loop3A_499 = arith.mulf %parallel_loop3A_492, %parallel_loop3A_492 : vector<16xf32>
        %parallel_loop3A_500 = arith.mulf %parallel_loop3A_495, %parallel_loop3A_495 : vector<16xf32>
        %parallel_loop3A_501 = arith.addf %parallel_loop3A_499, %parallel_loop3A_500 : vector<16xf32>
        %parallel_loop3A_502 = arith.constant 4.500000e+00 : f32
        %parallel_loop3A_503 = vector.broadcast %parallel_loop3A_502 : f32 to vector<16xf32>
        %parallel_loop3A_504 = arith.mulf %parallel_loop3A_503, %parallel_loop3A_501 : vector<16xf32>
        %parallel_loop3A_505 = arith.addf %parallel_loop3A_498, %parallel_loop3A_504 : vector<16xf32>
        %parallel_loop3A_506 = arith.mulf %parallel_loop3A_465, %parallel_loop3A_505 : vector<16xf32>
        %parallel_loop3A_507 = arith.addf %parallel_loop3A_457, %parallel_loop3A_506 : vector<16xf32>
        %parallel_loop3A_508 = arith.addf %parallel_loop3A_459, %parallel_loop3A_465 : vector<16xf32>
        %parallel_loop3A_509 = arith.constant 0 : i32
        %parallel_loop3A_510 = arith.index_cast %parallel_loop3A_456 : i32 to index
        %parallel_loop3A_511 = arith.index_cast %parallel_loop3A_509 : i32 to index
        %parallel_loop3A_512 = arith.constant 16 : index
        %parallel_loop3A_513 = tpu.vector_load %arg5[%parallel_loop3A_510, %parallel_loop3A_511, %parallel_loop3A_512] {strides = array<i32>} : memref<25x1x128xf32, #tpu.memory_space<vmem>>, vector<16xf32>,
        %parallel_loop3A_514 = arith.constant 0 : i32
        %parallel_loop3A_515 = arith.index_cast %parallel_loop3A_456 : i32 to index
        %parallel_loop3A_516 = arith.index_cast %parallel_loop3A_514 : i32 to index
        %parallel_loop3A_517 = arith.constant 16 : index
        %parallel_loop3A_518 = tpu.vector_load %arg6[%parallel_loop3A_515, %parallel_loop3A_516, %parallel_loop3A_517] {strides = array<i32>} : memref<25x1x128xf32, #tpu.memory_space<vmem>>, vector<16xf32>,
        %parallel_loop3A_519 = arith.constant 0 : i32
        %parallel_loop3A_520 = arith.index_cast %parallel_loop3A_456 : i32 to index
        %parallel_loop3A_521 = arith.index_cast %parallel_loop3A_519 : i32 to index
        %parallel_loop3A_522 = arith.constant 16 : index
        %parallel_loop3A_523 = tpu.vector_load %arg7[%parallel_loop3A_520, %parallel_loop3A_521, %parallel_loop3A_522] {strides = array<i32>} : memref<25x1x128xf32, #tpu.memory_space<vmem>>, vector<16xf32>,
        %parallel_loop3A_524 = arith.constant 0 : i32
        %parallel_loop3A_525 = arith.index_cast %parallel_loop3A_456 : i32 to index
        %parallel_loop3A_526 = arith.index_cast %parallel_loop3A_524 : i32 to index
        %parallel_loop3A_527 = arith.constant 16 : index
        %parallel_loop3A_528 = tpu.vector_load %arg8[%parallel_loop3A_525, %parallel_loop3A_526, %parallel_loop3A_527] {strides = array<i32>} : memref<25x2x128xf32, #tpu.memory_space<vmem>>, vector<16xf32>,
        %parallel_loop3A_529 = arith.constant 1 : i32
        %parallel_loop3A_530 = arith.index_cast %parallel_loop3A_456 : i32 to index
        %parallel_loop3A_531 = arith.index_cast %parallel_loop3A_529 : i32 to index
        %parallel_loop3A_532 = arith.constant 16 : index
        %parallel_loop3A_533 = tpu.vector_load %arg8[%parallel_loop3A_530, %parallel_loop3A_531, %parallel_loop3A_532] {strides = array<i32>} : memref<25x2x128xf32, #tpu.memory_space<vmem>>, vector<16xf32>,
        %parallel_loop3A_534 = arith.subf %parallel_loop3A_518, %parallel_loop3A_528 : vector<16xf32>
        %parallel_loop3A_535 = math.absf %parallel_loop3A_534 : vector<16xf32>
        %parallel_loop3A_536 = arith.subf %parallel_loop3A_523, %parallel_loop3A_533 : vector<16xf32>
        %parallel_loop3A_537 = math.absf %parallel_loop3A_536 : vector<16xf32>
        %parallel_loop3A_538 = arith.constant 0.111111112 : f32
        %parallel_loop3A_539 = vector.broadcast %parallel_loop3A_538 : f32 to vector<16xf32>
        %parallel_loop3A_540 = arith.minimumf %parallel_loop3A_535, %parallel_loop3A_539 : vector<16xf32>
        %parallel_loop3A_541 = arith.constant 0.111111112 : f32
        %parallel_loop3A_542 = vector.broadcast %parallel_loop3A_541 : f32 to vector<16xf32>
        %parallel_loop3A_543 = arith.minimumf %parallel_loop3A_537, %parallel_loop3A_542 : vector<16xf32>
        %parallel_loop3A_544 = arith.subf %parallel_loop3A_535, %parallel_loop3A_540 : vector<16xf32>
        %parallel_loop3A_545 = arith.subf %parallel_loop3A_537, %parallel_loop3A_543 : vector<16xf32>
        %parallel_loop3A_546 = arith.addf %parallel_loop3A_544, %parallel_loop3A_545 : vector<16xf32>
        %parallel_loop3A_547 = arith.mulf %parallel_loop3A_540, %parallel_loop3A_540 : vector<16xf32>
        %parallel_loop3A_548 = arith.mulf %parallel_loop3A_543, %parallel_loop3A_543 : vector<16xf32>
        %parallel_loop3A_549 = arith.addf %parallel_loop3A_547, %parallel_loop3A_548 : vector<16xf32>
        %parallel_loop3A_550 = arith.constant 4.500000e+00 : f32
        %parallel_loop3A_551 = vector.broadcast %parallel_loop3A_550 : f32 to vector<16xf32>
        %parallel_loop3A_552 = arith.mulf %parallel_loop3A_551, %parallel_loop3A_549 : vector<16xf32>
        %parallel_loop3A_553 = arith.addf %parallel_loop3A_546, %parallel_loop3A_552 : vector<16xf32>
        %parallel_loop3A_554 = arith.mulf %parallel_loop3A_513, %parallel_loop3A_553 : vector<16xf32>
        %parallel_loop3A_555 = arith.addf %parallel_loop3A_458, %parallel_loop3A_554 : vector<16xf32>
        %parallel_loop3A_556 = arith.addf %parallel_loop3A_460, %parallel_loop3A_513 : vector<16xf32>
        %parallel_loop3A_557 = arith.constant 0 : i32
        %parallel_loop3A_558 = arith.index_cast %parallel_loop3A_456 : i32 to index
        %parallel_loop3A_559 = arith.index_cast %parallel_loop3A_557 : i32 to index
        %parallel_loop3A_560 = arith.constant 32 : index
        %parallel_loop3A_561 = tpu.vector_load %arg5[%parallel_loop3A_558, %parallel_loop3A_559, %parallel_loop3A_560] {strides = array<i32>} : memref<25x1x128xf32, #tpu.memory_space<vmem>>, vector<16xf32>,
        %parallel_loop3A_562 = arith.constant 0 : i32
        %parallel_loop3A_563 = arith.index_cast %parallel_loop3A_456 : i32 to index
        %parallel_loop3A_564 = arith.index_cast %parallel_loop3A_562 : i32 to index
        %parallel_loop3A_565 = arith.constant 32 : index
        %parallel_loop3A_566 = tpu.vector_load %arg6[%parallel_loop3A_563, %parallel_loop3A_564, %parallel_loop3A_565] {strides = array<i32>} : memref<25x1x128xf32, #tpu.memory_space<vmem>>, vector<16xf32>,
        %parallel_loop3A_567 = arith.constant 0 : i32
        %parallel_loop3A_568 = arith.index_cast %parallel_loop3A_456 : i32 to index
        %parallel_loop3A_569 = arith.index_cast %parallel_loop3A_567 : i32 to index
        %parallel_loop3A_570 = arith.constant 32 : index
        %parallel_loop3A_571 = tpu.vector_load %arg7[%parallel_loop3A_568, %parallel_loop3A_569, %parallel_loop3A_570] {strides = array<i32>} : memref<25x1x128xf32, #tpu.memory_space<vmem>>, vector<16xf32>,
        %parallel_loop3A_572 = arith.constant 0 : i32
        %parallel_loop3A_573 = arith.index_cast %parallel_loop3A_456 : i32 to index
        %parallel_loop3A_574 = arith.index_cast %parallel_loop3A_572 : i32 to index
        %parallel_loop3A_575 = arith.constant 32 : index
        %parallel_loop3A_576 = tpu.vector_load %arg8[%parallel_loop3A_573, %parallel_loop3A_574, %parallel_loop3A_575] {strides = array<i32>} : memref<25x2x128xf32, #tpu.memory_space<vmem>>, vector<16xf32>,
        %parallel_loop3A_577 = arith.constant 1 : i32
        %parallel_loop3A_578 = arith.index_cast %parallel_loop3A_456 : i32 to index
        %parallel_loop3A_579 = arith.index_cast %parallel_loop3A_577 : i32 to index
        %parallel_loop3A_580 = arith.constant 32 : index
        %parallel_loop3A_581 = tpu.vector_load %arg8[%parallel_loop3A_578, %parallel_loop3A_579, %parallel_loop3A_580] {strides = array<i32>} : memref<25x2x128xf32, #tpu.memory_space<vmem>>, vector<16xf32>,
        %parallel_loop3A_582 = arith.subf %parallel_loop3A_566, %parallel_loop3A_576 : vector<16xf32>
        %parallel_loop3A_583 = math.absf %parallel_loop3A_582 : vector<16xf32>
        %parallel_loop3A_584 = arith.subf %parallel_loop3A_571, %parallel_loop3A_581 : vector<16xf32>
        %parallel_loop3A_585 = math.absf %parallel_loop3A_584 : vector<16xf32>
        %parallel_loop3A_586 = arith.constant 0.111111112 : f32
        %parallel_loop3A_587 = vector.broadcast %parallel_loop3A_586 : f32 to vector<16xf32>
        %parallel_loop3A_588 = arith.minimumf %parallel_loop3A_583, %parallel_loop3A_587 : vector<16xf32>
        %parallel_loop3A_589 = arith.constant 0.111111112 : f32
        %parallel_loop3A_590 = vector.broadcast %parallel_loop3A_589 : f32 to vector<16xf32>
        %parallel_loop3A_591 = arith.minimumf %parallel_loop3A_585, %parallel_loop3A_590 : vector<16xf32>
        %parallel_loop3A_592 = arith.subf %parallel_loop3A_583, %parallel_loop3A_588 : vector<16xf32>
        %parallel_loop3A_593 = arith.subf %parallel_loop3A_585, %parallel_loop3A_591 : vector<16xf32>
        %parallel_loop3A_594 = arith.addf %parallel_loop3A_592, %parallel_loop3A_593 : vector<16xf32>
        %parallel_loop3A_595 = arith.mulf %parallel_loop3A_588, %parallel_loop3A_588 : vector<16xf32>
        %parallel_loop3A_596 = arith.mulf %parallel_loop3A_591, %parallel_loop3A_591 : vector<16xf32>
        %parallel_loop3A_597 = arith.addf %parallel_loop3A_595, %parallel_loop3A_596 : vector<16xf32>
        %parallel_loop3A_598 = arith.constant 4.500000e+00 : f32
        %parallel_loop3A_599 = vector.broadcast %parallel_loop3A_598 : f32 to vector<16xf32>
        %parallel_loop3A_600 = arith.mulf %parallel_loop3A_599, %parallel_loop3A_597 : vector<16xf32>
        %parallel_loop3A_601 = arith.addf %parallel_loop3A_594, %parallel_loop3A_600 : vector<16xf32>
        %parallel_loop3A_602 = arith.mulf %parallel_loop3A_561, %parallel_loop3A_601 : vector<16xf32>
        %parallel_loop3A_603 = arith.addf %parallel_loop3A_507, %parallel_loop3A_602 : vector<16xf32>
        %parallel_loop3A_604 = arith.addf %parallel_loop3A_508, %parallel_loop3A_561 : vector<16xf32>
        %parallel_loop3A_605 = arith.constant 0 : i32
        %parallel_loop3A_606 = arith.index_cast %parallel_loop3A_456 : i32 to index
        %parallel_loop3A_607 = arith.index_cast %parallel_loop3A_605 : i32 to index
        %parallel_loop3A_608 = arith.constant 48 : index
        %parallel_loop3A_609 = tpu.vector_load %arg5[%parallel_loop3A_606, %parallel_loop3A_607, %parallel_loop3A_608] {strides = array<i32>} : memref<25x1x128xf32, #tpu.memory_space<vmem>>, vector<16xf32>,
        %parallel_loop3A_610 = arith.constant 0 : i32
        %parallel_loop3A_611 = arith.index_cast %parallel_loop3A_456 : i32 to index
        %parallel_loop3A_612 = arith.index_cast %parallel_loop3A_610 : i32 to index
        %parallel_loop3A_613 = arith.constant 48 : index
        %parallel_loop3A_614 = tpu.vector_load %arg6[%parallel_loop3A_611, %parallel_loop3A_612, %parallel_loop3A_613] {strides = array<i32>} : memref<25x1x128xf32, #tpu.memory_space<vmem>>, vector<16xf32>,
        %parallel_loop3A_615 = arith.constant 0 : i32
        %parallel_loop3A_616 = arith.index_cast %parallel_loop3A_456 : i32 to index
        %parallel_loop3A_617 = arith.index_cast %parallel_loop3A_615 : i32 to index
        %parallel_loop3A_618 = arith.constant 48 : index
        %parallel_loop3A_619 = tpu.vector_load %arg7[%parallel_loop3A_616, %parallel_loop3A_617, %parallel_loop3A_618] {strides = array<i32>} : memref<25x1x128xf32, #tpu.memory_space<vmem>>, vector<16xf32>,
        %parallel_loop3A_620 = arith.constant 0 : i32
        %parallel_loop3A_621 = arith.index_cast %parallel_loop3A_456 : i32 to index
        %parallel_loop3A_622 = arith.index_cast %parallel_loop3A_620 : i32 to index
        %parallel_loop3A_623 = arith.constant 48 : index
        %parallel_loop3A_624 = tpu.vector_load %arg8[%parallel_loop3A_621, %parallel_loop3A_622, %parallel_loop3A_623] {strides = array<i32>} : memref<25x2x128xf32, #tpu.memory_space<vmem>>, vector<16xf32>,
        %parallel_loop3A_625 = arith.constant 1 : i32
        %parallel_loop3A_626 = arith.index_cast %parallel_loop3A_456 : i32 to index
        %parallel_loop3A_627 = arith.index_cast %parallel_loop3A_625 : i32 to index
        %parallel_loop3A_628 = arith.constant 48 : index
        %parallel_loop3A_629 = tpu.vector_load %arg8[%parallel_loop3A_626, %parallel_loop3A_627, %parallel_loop3A_628] {strides = array<i32>} : memref<25x2x128xf32, #tpu.memory_space<vmem>>, vector<16xf32>,
        %parallel_loop3A_630 = arith.subf %parallel_loop3A_614, %parallel_loop3A_624 : vector<16xf32>
        %parallel_loop3A_631 = math.absf %parallel_loop3A_630 : vector<16xf32>
        %parallel_loop3A_632 = arith.subf %parallel_loop3A_619, %parallel_loop3A_629 : vector<16xf32>
        %parallel_loop3A_633 = math.absf %parallel_loop3A_632 : vector<16xf32>
        %parallel_loop3A_634 = arith.constant 0.111111112 : f32
        %parallel_loop3A_635 = vector.broadcast %parallel_loop3A_634 : f32 to vector<16xf32>
        %parallel_loop3A_636 = arith.minimumf %parallel_loop3A_631, %parallel_loop3A_635 : vector<16xf32>
        %parallel_loop3A_637 = arith.constant 0.111111112 : f32
        %parallel_loop3A_638 = vector.broadcast %parallel_loop3A_637 : f32 to vector<16xf32>
        %parallel_loop3A_639 = arith.minimumf %parallel_loop3A_633, %parallel_loop3A_638 : vector<16xf32>
        %parallel_loop3A_640 = arith.subf %parallel_loop3A_631, %parallel_loop3A_636 : vector<16xf32>
        %parallel_loop3A_641 = arith.subf %parallel_loop3A_633, %parallel_loop3A_639 : vector<16xf32>
        %parallel_loop3A_642 = arith.addf %parallel_loop3A_640, %parallel_loop3A_641 : vector<16xf32>
        %parallel_loop3A_643 = arith.mulf %parallel_loop3A_636, %parallel_loop3A_636 : vector<16xf32>
        %parallel_loop3A_644 = arith.mulf %parallel_loop3A_639, %parallel_loop3A_639 : vector<16xf32>
        %parallel_loop3A_645 = arith.addf %parallel_loop3A_643, %parallel_loop3A_644 : vector<16xf32>
        %parallel_loop3A_646 = arith.constant 4.500000e+00 : f32
        %parallel_loop3A_647 = vector.broadcast %parallel_loop3A_646 : f32 to vector<16xf32>
        %parallel_loop3A_648 = arith.mulf %parallel_loop3A_647, %parallel_loop3A_645 : vector<16xf32>
        %parallel_loop3A_649 = arith.addf %parallel_loop3A_642, %parallel_loop3A_648 : vector<16xf32>
        %parallel_loop3A_650 = arith.mulf %parallel_loop3A_609, %parallel_loop3A_649 : vector<16xf32>
        %parallel_loop3A_651 = arith.addf %parallel_loop3A_555, %parallel_loop3A_650 : vector<16xf32>
        %parallel_loop3A_652 = arith.addf %parallel_loop3A_556, %parallel_loop3A_609 : vector<16xf32>
        %parallel_loop3A_653 = arith.constant 0 : i32
        %parallel_loop3A_654 = arith.index_cast %parallel_loop3A_456 : i32 to index
        %parallel_loop3A_655 = arith.index_cast %parallel_loop3A_653 : i32 to index
        %parallel_loop3A_656 = arith.constant 64 : index
        %parallel_loop3A_657 = tpu.vector_load %arg5[%parallel_loop3A_654, %parallel_loop3A_655, %parallel_loop3A_656] {strides = array<i32>} : memref<25x1x128xf32, #tpu.memory_space<vmem>>, vector<16xf32>,
        %parallel_loop3A_658 = arith.constant 0 : i32
        %parallel_loop3A_659 = arith.index_cast %parallel_loop3A_456 : i32 to index
        %parallel_loop3A_660 = arith.index_cast %parallel_loop3A_658 : i32 to index
        %parallel_loop3A_661 = arith.constant 64 : index
        %parallel_loop3A_662 = tpu.vector_load %arg6[%parallel_loop3A_659, %parallel_loop3A_660, %parallel_loop3A_661] {strides = array<i32>} : memref<25x1x128xf32, #tpu.memory_space<vmem>>, vector<16xf32>,
        %parallel_loop3A_663 = arith.constant 0 : i32
        %parallel_loop3A_664 = arith.index_cast %parallel_loop3A_456 : i32 to index
        %parallel_loop3A_665 = arith.index_cast %parallel_loop3A_663 : i32 to index
        %parallel_loop3A_666 = arith.constant 64 : index
        %parallel_loop3A_667 = tpu.vector_load %arg7[%parallel_loop3A_664, %parallel_loop3A_665, %parallel_loop3A_666] {strides = array<i32>} : memref<25x1x128xf32, #tpu.memory_space<vmem>>, vector<16xf32>,
        %parallel_loop3A_668 = arith.constant 0 : i32
        %parallel_loop3A_669 = arith.index_cast %parallel_loop3A_456 : i32 to index
        %parallel_loop3A_670 = arith.index_cast %parallel_loop3A_668 : i32 to index
        %parallel_loop3A_671 = arith.constant 64 : index
        %parallel_loop3A_672 = tpu.vector_load %arg8[%parallel_loop3A_669, %parallel_loop3A_670, %parallel_loop3A_671] {strides = array<i32>} : memref<25x2x128xf32, #tpu.memory_space<vmem>>, vector<16xf32>,
        %parallel_loop3A_673 = arith.constant 1 : i32
        %parallel_loop3A_674 = arith.index_cast %parallel_loop3A_456 : i32 to index
        %parallel_loop3A_675 = arith.index_cast %parallel_loop3A_673 : i32 to index
        %parallel_loop3A_676 = arith.constant 64 : index
        %parallel_loop3A_677 = tpu.vector_load %arg8[%parallel_loop3A_674, %parallel_loop3A_675, %parallel_loop3A_676] {strides = array<i32>} : memref<25x2x128xf32, #tpu.memory_space<vmem>>, vector<16xf32>,
        %parallel_loop3A_678 = arith.subf %parallel_loop3A_662, %parallel_loop3A_672 : vector<16xf32>
        %parallel_loop3A_679 = math.absf %parallel_loop3A_678 : vector<16xf32>
        %parallel_loop3A_680 = arith.subf %parallel_loop3A_667, %parallel_loop3A_677 : vector<16xf32>
        %parallel_loop3A_681 = math.absf %parallel_loop3A_680 : vector<16xf32>
        %parallel_loop3A_682 = arith.constant 0.111111112 : f32
        %parallel_loop3A_683 = vector.broadcast %parallel_loop3A_682 : f32 to vector<16xf32>
        %parallel_loop3A_684 = arith.minimumf %parallel_loop3A_679, %parallel_loop3A_683 : vector<16xf32>
        %parallel_loop3A_685 = arith.constant 0.111111112 : f32
        %parallel_loop3A_686 = vector.broadcast %parallel_loop3A_685 : f32 to vector<16xf32>
        %parallel_loop3A_687 = arith.minimumf %parallel_loop3A_681, %parallel_loop3A_686 : vector<16xf32>
        %parallel_loop3A_688 = arith.subf %parallel_loop3A_679, %parallel_loop3A_684 : vector<16xf32>
        %parallel_loop3A_689 = arith.subf %parallel_loop3A_681, %parallel_loop3A_687 : vector<16xf32>
        %parallel_loop3A_690 = arith.addf %parallel_loop3A_688, %parallel_loop3A_689 : vector<16xf32>
        %parallel_loop3A_691 = arith.mulf %parallel_loop3A_684, %parallel_loop3A_684 : vector<16xf32>
        %parallel_loop3A_692 = arith.mulf %parallel_loop3A_687, %parallel_loop3A_687 : vector<16xf32>
        %parallel_loop3A_693 = arith.addf %parallel_loop3A_691, %parallel_loop3A_692 : vector<16xf32>
        %parallel_loop3A_694 = arith.constant 4.500000e+00 : f32
        %parallel_loop3A_695 = vector.broadcast %parallel_loop3A_694 : f32 to vector<16xf32>
        %parallel_loop3A_696 = arith.mulf %parallel_loop3A_695, %parallel_loop3A_693 : vector<16xf32>
        %parallel_loop3A_697 = arith.addf %parallel_loop3A_690, %parallel_loop3A_696 : vector<16xf32>
        %parallel_loop3A_698 = arith.mulf %parallel_loop3A_657, %parallel_loop3A_697 : vector<16xf32>
        %parallel_loop3A_699 = arith.addf %parallel_loop3A_603, %parallel_loop3A_698 : vector<16xf32>
        %parallel_loop3A_700 = arith.addf %parallel_loop3A_604, %parallel_loop3A_657 : vector<16xf32>
        %parallel_loop3A_701 = arith.constant 0 : i32
        %parallel_loop3A_702 = arith.index_cast %parallel_loop3A_456 : i32 to index
        %parallel_loop3A_703 = arith.index_cast %parallel_loop3A_701 : i32 to index
        %parallel_loop3A_704 = arith.constant 80 : index
        %parallel_loop3A_705 = tpu.vector_load %arg5[%parallel_loop3A_702, %parallel_loop3A_703, %parallel_loop3A_704] {strides = array<i32>} : memref<25x1x128xf32, #tpu.memory_space<vmem>>, vector<16xf32>,
        %parallel_loop3A_706 = arith.constant 0 : i32
        %parallel_loop3A_707 = arith.index_cast %parallel_loop3A_456 : i32 to index
        %parallel_loop3A_708 = arith.index_cast %parallel_loop3A_706 : i32 to index
        %parallel_loop3A_709 = arith.constant 80 : index
        %parallel_loop3A_710 = tpu.vector_load %arg6[%parallel_loop3A_707, %parallel_loop3A_708, %parallel_loop3A_709] {strides = array<i32>} : memref<25x1x128xf32, #tpu.memory_space<vmem>>, vector<16xf32>,
        %parallel_loop3A_711 = arith.constant 0 : i32
        %parallel_loop3A_712 = arith.index_cast %parallel_loop3A_456 : i32 to index
        %parallel_loop3A_713 = arith.index_cast %parallel_loop3A_711 : i32 to index
        %parallel_loop3A_714 = arith.constant 80 : index
        %parallel_loop3A_715 = tpu.vector_load %arg7[%parallel_loop3A_712, %parallel_loop3A_713, %parallel_loop3A_714] {strides = array<i32>} : memref<25x1x128xf32, #tpu.memory_space<vmem>>, vector<16xf32>,
        %parallel_loop3A_716 = arith.constant 0 : i32
        %parallel_loop3A_717 = arith.index_cast %parallel_loop3A_456 : i32 to index
        %parallel_loop3A_718 = arith.index_cast %parallel_loop3A_716 : i32 to index
        %parallel_loop3A_719 = arith.constant 80 : index
        %parallel_loop3A_720 = tpu.vector_load %arg8[%parallel_loop3A_717, %parallel_loop3A_718, %parallel_loop3A_719] {strides = array<i32>} : memref<25x2x128xf32, #tpu.memory_space<vmem>>, vector<16xf32>,
        %parallel_loop3A_721 = arith.constant 1 : i32
        %parallel_loop3A_722 = arith.index_cast %parallel_loop3A_456 : i32 to index
        %parallel_loop3A_723 = arith.index_cast %parallel_loop3A_721 : i32 to index
        %parallel_loop3A_724 = arith.constant 80 : index
        %parallel_loop3A_725 = tpu.vector_load %arg8[%parallel_loop3A_722, %parallel_loop3A_723, %parallel_loop3A_724] {strides = array<i32>} : memref<25x2x128xf32, #tpu.memory_space<vmem>>, vector<16xf32>,
        %parallel_loop3A_726 = arith.subf %parallel_loop3A_710, %parallel_loop3A_720 : vector<16xf32>
        %parallel_loop3A_727 = math.absf %parallel_loop3A_726 : vector<16xf32>
        %parallel_loop3A_728 = arith.subf %parallel_loop3A_715, %parallel_loop3A_725 : vector<16xf32>
        %parallel_loop3A_729 = math.absf %parallel_loop3A_728 : vector<16xf32>
        %parallel_loop3A_730 = arith.constant 0.111111112 : f32
        %parallel_loop3A_731 = vector.broadcast %parallel_loop3A_730 : f32 to vector<16xf32>
        %parallel_loop3A_732 = arith.minimumf %parallel_loop3A_727, %parallel_loop3A_731 : vector<16xf32>
        %parallel_loop3A_733 = arith.constant 0.111111112 : f32
        %parallel_loop3A_734 = vector.broadcast %parallel_loop3A_733 : f32 to vector<16xf32>
        %parallel_loop3A_735 = arith.minimumf %parallel_loop3A_729, %parallel_loop3A_734 : vector<16xf32>
        %parallel_loop3A_736 = arith.subf %parallel_loop3A_727, %parallel_loop3A_732 : vector<16xf32>
        %parallel_loop3A_737 = arith.subf %parallel_loop3A_729, %parallel_loop3A_735 : vector<16xf32>
        %parallel_loop3A_738 = arith.addf %parallel_loop3A_736, %parallel_loop3A_737 : vector<16xf32>
        %parallel_loop3A_739 = arith.mulf %parallel_loop3A_732, %parallel_loop3A_732 : vector<16xf32>
        %parallel_loop3A_740 = arith.mulf %parallel_loop3A_735, %parallel_loop3A_735 : vector<16xf32>
        %parallel_loop3A_741 = arith.addf %parallel_loop3A_739, %parallel_loop3A_740 : vector<16xf32>
        %parallel_loop3A_742 = arith.constant 4.500000e+00 : f32
        %parallel_loop3A_743 = vector.broadcast %parallel_loop3A_742 : f32 to vector<16xf32>
        %parallel_loop3A_744 = arith.mulf %parallel_loop3A_743, %parallel_loop3A_741 : vector<16xf32>
        %parallel_loop3A_745 = arith.addf %parallel_loop3A_738, %parallel_loop3A_744 : vector<16xf32>
        %parallel_loop3A_746 = arith.mulf %parallel_loop3A_705, %parallel_loop3A_745 : vector<16xf32>
        %parallel_loop3A_747 = arith.addf %parallel_loop3A_651, %parallel_loop3A_746 : vector<16xf32>
        %parallel_loop3A_748 = arith.addf %parallel_loop3A_652, %parallel_loop3A_705 : vector<16xf32>
        %parallel_loop3A_749 = arith.constant 0 : i32
        %parallel_loop3A_750 = arith.index_cast %parallel_loop3A_456 : i32 to index
        %parallel_loop3A_751 = arith.index_cast %parallel_loop3A_749 : i32 to index
        %parallel_loop3A_752 = arith.constant 96 : index
        %parallel_loop3A_753 = tpu.vector_load %arg5[%parallel_loop3A_750, %parallel_loop3A_751, %parallel_loop3A_752] {strides = array<i32>} : memref<25x1x128xf32, #tpu.memory_space<vmem>>, vector<16xf32>,
        %parallel_loop3A_754 = arith.constant 0 : i32
        %parallel_loop3A_755 = arith.index_cast %parallel_loop3A_456 : i32 to index
        %parallel_loop3A_756 = arith.index_cast %parallel_loop3A_754 : i32 to index
        %parallel_loop3A_757 = arith.constant 96 : index
        %parallel_loop3A_758 = tpu.vector_load %arg6[%parallel_loop3A_755, %parallel_loop3A_756, %parallel_loop3A_757] {strides = array<i32>} : memref<25x1x128xf32, #tpu.memory_space<vmem>>, vector<16xf32>,
        %parallel_loop3A_759 = arith.constant 0 : i32
        %parallel_loop3A_760 = arith.index_cast %parallel_loop3A_456 : i32 to index
        %parallel_loop3A_761 = arith.index_cast %parallel_loop3A_759 : i32 to index
        %parallel_loop3A_762 = arith.constant 96 : index
        %parallel_loop3A_763 = tpu.vector_load %arg7[%parallel_loop3A_760, %parallel_loop3A_761, %parallel_loop3A_762] {strides = array<i32>} : memref<25x1x128xf32, #tpu.memory_space<vmem>>, vector<16xf32>,
        %parallel_loop3A_764 = arith.constant 0 : i32
        %parallel_loop3A_765 = arith.index_cast %parallel_loop3A_456 : i32 to index
        %parallel_loop3A_766 = arith.index_cast %parallel_loop3A_764 : i32 to index
        %parallel_loop3A_767 = arith.constant 96 : index
        %parallel_loop3A_768 = tpu.vector_load %arg8[%parallel_loop3A_765, %parallel_loop3A_766, %parallel_loop3A_767] {strides = array<i32>} : memref<25x2x128xf32, #tpu.memory_space<vmem>>, vector<16xf32>,
        %parallel_loop3A_769 = arith.constant 1 : i32
        %parallel_loop3A_770 = arith.index_cast %parallel_loop3A_456 : i32 to index
        %parallel_loop3A_771 = arith.index_cast %parallel_loop3A_769 : i32 to index
        %parallel_loop3A_772 = arith.constant 96 : index
        %parallel_loop3A_773 = tpu.vector_load %arg8[%parallel_loop3A_770, %parallel_loop3A_771, %parallel_loop3A_772] {strides = array<i32>} : memref<25x2x128xf32, #tpu.memory_space<vmem>>, vector<16xf32>,
        %parallel_loop3A_774 = arith.subf %parallel_loop3A_758, %parallel_loop3A_768 : vector<16xf32>
        %parallel_loop3A_775 = math.absf %parallel_loop3A_774 : vector<16xf32>
        %parallel_loop3A_776 = arith.subf %parallel_loop3A_763, %parallel_loop3A_773 : vector<16xf32>
        %parallel_loop3A_777 = math.absf %parallel_loop3A_776 : vector<16xf32>
        %parallel_loop3A_778 = arith.constant 0.111111112 : f32
        %parallel_loop3A_779 = vector.broadcast %parallel_loop3A_778 : f32 to vector<16xf32>
        %parallel_loop3A_780 = arith.minimumf %parallel_loop3A_775, %parallel_loop3A_779 : vector<16xf32>
        %parallel_loop3A_781 = arith.constant 0.111111112 : f32
        %parallel_loop3A_782 = vector.broadcast %parallel_loop3A_781 : f32 to vector<16xf32>
        %parallel_loop3A_783 = arith.minimumf %parallel_loop3A_777, %parallel_loop3A_782 : vector<16xf32>
        %parallel_loop3A_784 = arith.subf %parallel_loop3A_775, %parallel_loop3A_780 : vector<16xf32>
        %parallel_loop3A_785 = arith.subf %parallel_loop3A_777, %parallel_loop3A_783 : vector<16xf32>
        %parallel_loop3A_786 = arith.addf %parallel_loop3A_784, %parallel_loop3A_785 : vector<16xf32>
        %parallel_loop3A_787 = arith.mulf %parallel_loop3A_780, %parallel_loop3A_780 : vector<16xf32>
        %parallel_loop3A_788 = arith.mulf %parallel_loop3A_783, %parallel_loop3A_783 : vector<16xf32>
        %parallel_loop3A_789 = arith.addf %parallel_loop3A_787, %parallel_loop3A_788 : vector<16xf32>
        %parallel_loop3A_790 = arith.constant 4.500000e+00 : f32
        %parallel_loop3A_791 = vector.broadcast %parallel_loop3A_790 : f32 to vector<16xf32>
        %parallel_loop3A_792 = arith.mulf %parallel_loop3A_791, %parallel_loop3A_789 : vector<16xf32>
        %parallel_loop3A_793 = arith.addf %parallel_loop3A_786, %parallel_loop3A_792 : vector<16xf32>
        %parallel_loop3A_794 = arith.mulf %parallel_loop3A_753, %parallel_loop3A_793 : vector<16xf32>
        %parallel_loop3A_795 = arith.addf %parallel_loop3A_699, %parallel_loop3A_794 : vector<16xf32>
        %parallel_loop3A_796 = arith.addf %parallel_loop3A_700, %parallel_loop3A_753 : vector<16xf32>
        %parallel_loop3A_797 = arith.constant 0 : i32
        %parallel_loop3A_798 = arith.index_cast %parallel_loop3A_456 : i32 to index
        %parallel_loop3A_799 = arith.index_cast %parallel_loop3A_797 : i32 to index
        %parallel_loop3A_800 = arith.constant 112 : index
        %parallel_loop3A_801 = tpu.vector_load %arg5[%parallel_loop3A_798, %parallel_loop3A_799, %parallel_loop3A_800] {strides = array<i32>} : memref<25x1x128xf32, #tpu.memory_space<vmem>>, vector<16xf32>,
        %parallel_loop3A_802 = arith.constant 0 : i32
        %parallel_loop3A_803 = arith.index_cast %parallel_loop3A_456 : i32 to index
        %parallel_loop3A_804 = arith.index_cast %parallel_loop3A_802 : i32 to index
        %parallel_loop3A_805 = arith.constant 112 : index
        %parallel_loop3A_806 = tpu.vector_load %arg6[%parallel_loop3A_803, %parallel_loop3A_804, %parallel_loop3A_805] {strides = array<i32>} : memref<25x1x128xf32, #tpu.memory_space<vmem>>, vector<16xf32>,
        %parallel_loop3A_807 = arith.constant 0 : i32
        %parallel_loop3A_808 = arith.index_cast %parallel_loop3A_456 : i32 to index
        %parallel_loop3A_809 = arith.index_cast %parallel_loop3A_807 : i32 to index
        %parallel_loop3A_810 = arith.constant 112 : index
        %parallel_loop3A_811 = tpu.vector_load %arg7[%parallel_loop3A_808, %parallel_loop3A_809, %parallel_loop3A_810] {strides = array<i32>} : memref<25x1x128xf32, #tpu.memory_space<vmem>>, vector<16xf32>,
        %parallel_loop3A_812 = arith.constant 0 : i32
        %parallel_loop3A_813 = arith.index_cast %parallel_loop3A_456 : i32 to index
        %parallel_loop3A_814 = arith.index_cast %parallel_loop3A_812 : i32 to index
        %parallel_loop3A_815 = arith.constant 112 : index
        %parallel_loop3A_816 = tpu.vector_load %arg8[%parallel_loop3A_813, %parallel_loop3A_814, %parallel_loop3A_815] {strides = array<i32>} : memref<25x2x128xf32, #tpu.memory_space<vmem>>, vector<16xf32>,
        %parallel_loop3A_817 = arith.constant 1 : i32
        %parallel_loop3A_818 = arith.index_cast %parallel_loop3A_456 : i32 to index
        %parallel_loop3A_819 = arith.index_cast %parallel_loop3A_817 : i32 to index
        %parallel_loop3A_820 = arith.constant 112 : index
        %parallel_loop3A_821 = tpu.vector_load %arg8[%parallel_loop3A_818, %parallel_loop3A_819, %parallel_loop3A_820] {strides = array<i32>} : memref<25x2x128xf32, #tpu.memory_space<vmem>>, vector<16xf32>,
        %parallel_loop3A_822 = arith.subf %parallel_loop3A_806, %parallel_loop3A_816 : vector<16xf32>
        %parallel_loop3A_823 = math.absf %parallel_loop3A_822 : vector<16xf32>
        %parallel_loop3A_824 = arith.subf %parallel_loop3A_811, %parallel_loop3A_821 : vector<16xf32>
        %parallel_loop3A_825 = math.absf %parallel_loop3A_824 : vector<16xf32>
        %parallel_loop3A_826 = arith.constant 0.111111112 : f32
        %parallel_loop3A_827 = vector.broadcast %parallel_loop3A_826 : f32 to vector<16xf32>
        %parallel_loop3A_828 = arith.minimumf %parallel_loop3A_823, %parallel_loop3A_827 : vector<16xf32>
        %parallel_loop3A_829 = arith.constant 0.111111112 : f32
        %parallel_loop3A_830 = vector.broadcast %parallel_loop3A_829 : f32 to vector<16xf32>
        %parallel_loop3A_831 = arith.minimumf %parallel_loop3A_825, %parallel_loop3A_830 : vector<16xf32>
        %parallel_loop3A_832 = arith.subf %parallel_loop3A_823, %parallel_loop3A_828 : vector<16xf32>
        %parallel_loop3A_833 = arith.subf %parallel_loop3A_825, %parallel_loop3A_831 : vector<16xf32>
        %parallel_loop3A_834 = arith.addf %parallel_loop3A_832, %parallel_loop3A_833 : vector<16xf32>
        %parallel_loop3A_835 = arith.mulf %parallel_loop3A_828, %parallel_loop3A_828 : vector<16xf32>
        %parallel_loop3A_836 = arith.mulf %parallel_loop3A_831, %parallel_loop3A_831 : vector<16xf32>
        %parallel_loop3A_837 = arith.addf %parallel_loop3A_835, %parallel_loop3A_836 : vector<16xf32>
        %parallel_loop3A_838 = arith.constant 4.500000e+00 : f32
        %parallel_loop3A_839 = vector.broadcast %parallel_loop3A_838 : f32 to vector<16xf32>
        %parallel_loop3A_840 = arith.mulf %parallel_loop3A_839, %parallel_loop3A_837 : vector<16xf32>
        %parallel_loop3A_841 = arith.addf %parallel_loop3A_834, %parallel_loop3A_840 : vector<16xf32>
        %parallel_loop3A_842 = arith.mulf %parallel_loop3A_801, %parallel_loop3A_841 : vector<16xf32>
        %parallel_loop3A_843 = arith.addf %parallel_loop3A_747, %parallel_loop3A_842 : vector<16xf32>
        %parallel_loop3A_844 = arith.addf %parallel_loop3A_748, %parallel_loop3A_801 : vector<16xf32>
        scf.yield %parallel_loop3A_795, %parallel_loop3A_843, %parallel_loop3A_796, %parallel_loop3A_844 : vector<16xf32>, vector<16xf32>, vector<16xf32>, vector<16xf32>
      } {sc.loop_unroll_factor = 1 : i64, sc.parallel_access}
      %add3A_313 = arith.constant 4 : i32
      %add3A_314 = arith.addi %add3A_276, %add3A_313 : i32
      %lt3A = arith.cmpi slt, %add3A_314, %select_n3A : i32
      %convert_element_type3A_315 = arith.extui %lt3A : i1 to i32
      %cond3A_316 = arith.constant 0 : i32
      %cond3A_317 = arith.cmpi ne, %convert_element_type3A_315, %cond3A_316 : i32
      scf.if %cond3A_317 {
        %add3A_456 = arith.constant 4 : i32
        %add3A_457 = arith.addi %add3A_276, %add3A_456 : i32
        %mul3A_458 = arith.constant 32 : i32
        %mul3A_459 = arith.muli %add3A_457, %mul3A_458 : i32
        %add3A_460 = arith.addi %add3A, %mul3A_459 : i32
        %mul3A_461 = arith.constant 25 : i32
        %mul3A_462 = arith.muli %add3A_460, %mul3A_461 : i32
        %dma_start3A_463 = arith.constant 0 : i32
        %dma_start3A_464 = arith.constant 0 : i32
        %dma_start3A_465 = tpu.memref_slice %arg2[%mul3A_462, %dma_start3A_463, %dma_start3A_464] : memref<46875x1x128xf32, #tpu.memory_space<hbm>> -> memref<25x1x128xf32, #tpu.memory_space<hbm>>
        %dma_start3A_466 = arith.constant 0 : i32
        %dma_start3A_467 = arith.constant 0 : i32
        %dma_start3A_468 = tpu.memref_slice %arg2[%mul3A_462, %dma_start3A_466, %dma_start3A_467] : memref<46875x1x128xf32, #tpu.memory_space<hbm>> -> memref<25x1x128xf32, #tpu.memory_space<hbm>>
        tpu.enqueue_dma source(%dma_start3A_468 : memref<25x1x128xf32, #tpu.memory_space<hbm>>) target(%arg5 : memref<25x1x128xf32, #tpu.memory_space<vmem>>) target_semaphore(%arg22 : memref<!tpu.dma_semaphore, #tpu.memory_space<semaphore_mem>>)
        %add3A_469 = arith.constant 15625 : i32
        %add3A_470 = arith.addi %add3A_469, %mul3A_462 : i32
        %dma_start3A_471 = arith.constant 0 : i32
        %dma_start3A_472 = arith.constant 0 : i32
        %dma_start3A_473 = tpu.memref_slice %arg2[%add3A_470, %dma_start3A_471, %dma_start3A_472] : memref<46875x1x128xf32, #tpu.memory_space<hbm>> -> memref<25x1x128xf32, #tpu.memory_space<hbm>>
        %dma_start3A_474 = arith.constant 0 : i32
        %dma_start3A_475 = arith.constant 0 : i32
        %dma_start3A_476 = tpu.memref_slice %arg2[%add3A_470, %dma_start3A_474, %dma_start3A_475] : memref<46875x1x128xf32, #tpu.memory_space<hbm>> -> memref<25x1x128xf32, #tpu.memory_space<hbm>>
        tpu.enqueue_dma source(%dma_start3A_476 : memref<25x1x128xf32, #tpu.memory_space<hbm>>) target(%arg6 : memref<25x1x128xf32, #tpu.memory_space<vmem>>) target_semaphore(%arg22 : memref<!tpu.dma_semaphore, #tpu.memory_space<semaphore_mem>>)
        %add3A_477 = arith.constant 31250 : i32
        %add3A_478 = arith.addi %add3A_477, %mul3A_462 : i32
        %dma_start3A_479 = arith.constant 0 : i32
        %dma_start3A_480 = arith.constant 0 : i32
        %dma_start3A_481 = tpu.memref_slice %arg2[%add3A_478, %dma_start3A_479, %dma_start3A_480] : memref<46875x1x128xf32, #tpu.memory_space<hbm>> -> memref<25x1x128xf32, #tpu.memory_space<hbm>>
        %dma_start3A_482 = arith.constant 0 : i32
        %dma_start3A_483 = arith.constant 0 : i32
        %dma_start3A_484 = tpu.memref_slice %arg2[%add3A_478, %dma_start3A_482, %dma_start3A_483] : memref<46875x1x128xf32, #tpu.memory_space<hbm>> -> memref<25x1x128xf32, #tpu.memory_space<hbm>>
        tpu.enqueue_dma source(%dma_start3A_484 : memref<25x1x128xf32, #tpu.memory_space<hbm>>) target(%arg7 : memref<25x1x128xf32, #tpu.memory_space<vmem>>) target_semaphore(%arg22 : memref<!tpu.dma_semaphore, #tpu.memory_space<semaphore_mem>>)
        %dma_start3A_485 = arith.constant 0 : i32
        %dma_start3A_486 = arith.constant 0 : i32
        %dma_start3A_487 = tpu.memref_slice %arg3[%mul3A_462, %dma_start3A_485, %dma_start3A_486] : memref<15625x2x128xf32, #tpu.memory_space<hbm>> -> memref<25x2x128xf32, #tpu.memory_space<hbm>>
        %dma_start3A_488 = arith.constant 0 : i32
        %dma_start3A_489 = arith.constant 0 : i32
        %dma_start3A_490 = tpu.memref_slice %arg3[%mul3A_462, %dma_start3A_488, %dma_start3A_489] : memref<15625x2x128xf32, #tpu.memory_space<hbm>> -> memref<25x2x128xf32, #tpu.memory_space<hbm>>
        tpu.enqueue_dma source(%dma_start3A_490 : memref<25x2x128xf32, #tpu.memory_space<hbm>>) target(%arg8 : memref<25x2x128xf32, #tpu.memory_space<vmem>>) target_semaphore(%arg22 : memref<!tpu.dma_semaphore, #tpu.memory_space<semaphore_mem>>)
      } else {
      }
      %mul3A_318 = arith.constant 4 : i32
      %mul3A_319 = arith.muli %scan3A_268, %mul3A_318 : i32
      %add3A_320 = arith.constant 1 : i32
      %add3A_321 = arith.addi %mul3A_319, %add3A_320 : i32
      %dma_wait3A_322 = arith.constant 0 : i32
      %dma_wait3A_323 = arith.constant 0 : i32
      %dma_wait3A_324 = arith.constant 0 : i32
      %dma_wait3A_325 = tpu.memref_slice %arg2[%dma_wait3A_322, %dma_wait3A_323, %dma_wait3A_324] : memref<46875x1x128xf32, #tpu.memory_space<hbm>> -> memref<25x1x128xf32, #tpu.memory_space<hbm>>
      %dma_wait3A_326 = arith.constant 0 : i32
      %dma_wait3A_327 = arith.constant 0 : i32
      %dma_wait3A_328 = arith.constant 0 : i32
      %dma_wait3A_329 = tpu.memref_slice %arg2[%dma_wait3A_326, %dma_wait3A_327, %dma_wait3A_328] : memref<46875x1x128xf32, #tpu.memory_space<hbm>> -> memref<25x1x128xf32, #tpu.memory_space<hbm>>
      tpu.wait_dma2 semaphore(%arg23 : memref<!tpu.dma_semaphore, #tpu.memory_space<semaphore_mem>>) src(%dma_wait3A_329 : memref<25x1x128xf32, #tpu.memory_space<hbm>>) dst(%arg9 : memref<25x1x128xf32, #tpu.memory_space<vmem>>)
      %dma_wait3A_330 = arith.constant 0 : i32
      %dma_wait3A_331 = arith.constant 0 : i32
      %dma_wait3A_332 = arith.constant 0 : i32
      %dma_wait3A_333 = tpu.memref_slice %arg2[%dma_wait3A_330, %dma_wait3A_331, %dma_wait3A_332] : memref<46875x1x128xf32, #tpu.memory_space<hbm>> -> memref<25x1x128xf32, #tpu.memory_space<hbm>>
      %dma_wait3A_334 = arith.constant 0 : i32
      %dma_wait3A_335 = arith.constant 0 : i32
      %dma_wait3A_336 = arith.constant 0 : i32
      %dma_wait3A_337 = tpu.memref_slice %arg2[%dma_wait3A_334, %dma_wait3A_335, %dma_wait3A_336] : memref<46875x1x128xf32, #tpu.memory_space<hbm>> -> memref<25x1x128xf32, #tpu.memory_space<hbm>>
      tpu.wait_dma2 semaphore(%arg23 : memref<!tpu.dma_semaphore, #tpu.memory_space<semaphore_mem>>) src(%dma_wait3A_337 : memref<25x1x128xf32, #tpu.memory_space<hbm>>) dst(%arg10 : memref<25x1x128xf32, #tpu.memory_space<vmem>>)
      %dma_wait3A_338 = arith.constant 0 : i32
      %dma_wait3A_339 = arith.constant 0 : i32
      %dma_wait3A_340 = arith.constant 0 : i32
      %dma_wait3A_341 = tpu.memref_slice %arg2[%dma_wait3A_338, %dma_wait3A_339, %dma_wait3A_340] : memref<46875x1x128xf32, #tpu.memory_space<hbm>> -> memref<25x1x128xf32, #tpu.memory_space<hbm>>
      %dma_wait3A_342 = arith.constant 0 : i32
      %dma_wait3A_343 = arith.constant 0 : i32
      %dma_wait3A_344 = arith.constant 0 : i32
      %dma_wait3A_345 = tpu.memref_slice %arg2[%dma_wait3A_342, %dma_wait3A_343, %dma_wait3A_344] : memref<46875x1x128xf32, #tpu.memory_space<hbm>> -> memref<25x1x128xf32, #tpu.memory_space<hbm>>
      tpu.wait_dma2 semaphore(%arg23 : memref<!tpu.dma_semaphore, #tpu.memory_space<semaphore_mem>>) src(%dma_wait3A_345 : memref<25x1x128xf32, #tpu.memory_space<hbm>>) dst(%arg11 : memref<25x1x128xf32, #tpu.memory_space<vmem>>)
      %dma_wait3A_346 = arith.constant 0 : i32
      %dma_wait3A_347 = arith.constant 0 : i32
      %dma_wait3A_348 = arith.constant 0 : i32
      %dma_wait3A_349 = tpu.memref_slice %arg3[%dma_wait3A_346, %dma_wait3A_347, %dma_wait3A_348] : memref<15625x2x128xf32, #tpu.memory_space<hbm>> -> memref<25x2x128xf32, #tpu.memory_space<hbm>>
      %dma_wait3A_350 = arith.constant 0 : i32
      %dma_wait3A_351 = arith.constant 0 : i32
      %dma_wait3A_352 = arith.constant 0 : i32
      %dma_wait3A_353 = tpu.memref_slice %arg3[%dma_wait3A_350, %dma_wait3A_351, %dma_wait3A_352] : memref<15625x2x128xf32, #tpu.memory_space<hbm>> -> memref<25x2x128xf32, #tpu.memory_space<hbm>>
      tpu.wait_dma2 semaphore(%arg23 : memref<!tpu.dma_semaphore, #tpu.memory_space<semaphore_mem>>) src(%dma_wait3A_353 : memref<25x2x128xf32, #tpu.memory_space<hbm>>) dst(%arg12 : memref<25x2x128xf32, #tpu.memory_space<vmem>>)
      %parallel_loop3A_354 = arith.constant 0 : i32
      %parallel_loop3A_355 = arith.constant 25 : i32
      %parallel_loop3A_356 = arith.constant 1 : i32
      %parallel_loop3A_357:4 = scf.for %parallel_loop3A_456 = %parallel_loop3A_354 to %parallel_loop3A_355 step %parallel_loop3A_356 iter_args(%parallel_loop3A_457 = %parallel_loop3A_312#0, %parallel_loop3A_458 = %parallel_loop3A_312#1, %parallel_loop3A_459 = %parallel_loop3A_312#2, %parallel_loop3A_460 = %parallel_loop3A_312#3) -> (vector<16xf32>, vector<16xf32>, vector<16xf32>, vector<16xf32>)  : i32 {
        %parallel_loop3A_461 = arith.constant 0 : i32
        %parallel_loop3A_462 = arith.index_cast %parallel_loop3A_456 : i32 to index
        %parallel_loop3A_463 = arith.index_cast %parallel_loop3A_461 : i32 to index
        %parallel_loop3A_464 = arith.constant 0 : index
        %parallel_loop3A_465 = tpu.vector_load %arg9[%parallel_loop3A_462, %parallel_loop3A_463, %parallel_loop3A_464] {strides = array<i32>} : memref<25x1x128xf32, #tpu.memory_space<vmem>>, vector<16xf32>,
        %parallel_loop3A_466 = arith.constant 0 : i32
        %parallel_loop3A_467 = arith.index_cast %parallel_loop3A_456 : i32 to index
        %parallel_loop3A_468 = arith.index_cast %parallel_loop3A_466 : i32 to index
        %parallel_loop3A_469 = arith.constant 0 : index
        %parallel_loop3A_470 = tpu.vector_load %arg10[%parallel_loop3A_467, %parallel_loop3A_468, %parallel_loop3A_469] {strides = array<i32>} : memref<25x1x128xf32, #tpu.memory_space<vmem>>, vector<16xf32>,
        %parallel_loop3A_471 = arith.constant 0 : i32
        %parallel_loop3A_472 = arith.index_cast %parallel_loop3A_456 : i32 to index
        %parallel_loop3A_473 = arith.index_cast %parallel_loop3A_471 : i32 to index
        %parallel_loop3A_474 = arith.constant 0 : index
        %parallel_loop3A_475 = tpu.vector_load %arg11[%parallel_loop3A_472, %parallel_loop3A_473, %parallel_loop3A_474] {strides = array<i32>} : memref<25x1x128xf32, #tpu.memory_space<vmem>>, vector<16xf32>,
        %parallel_loop3A_476 = arith.constant 0 : i32
        %parallel_loop3A_477 = arith.index_cast %parallel_loop3A_456 : i32 to index
        %parallel_loop3A_478 = arith.index_cast %parallel_loop3A_476 : i32 to index
        %parallel_loop3A_479 = arith.constant 0 : index
        %parallel_loop3A_480 = tpu.vector_load %arg12[%parallel_loop3A_477, %parallel_loop3A_478, %parallel_loop3A_479] {strides = array<i32>} : memref<25x2x128xf32, #tpu.memory_space<vmem>>, vector<16xf32>,
        %parallel_loop3A_481 = arith.constant 1 : i32
        %parallel_loop3A_482 = arith.index_cast %parallel_loop3A_456 : i32 to index
        %parallel_loop3A_483 = arith.index_cast %parallel_loop3A_481 : i32 to index
        %parallel_loop3A_484 = arith.constant 0 : index
        %parallel_loop3A_485 = tpu.vector_load %arg12[%parallel_loop3A_482, %parallel_loop3A_483, %parallel_loop3A_484] {strides = array<i32>} : memref<25x2x128xf32, #tpu.memory_space<vmem>>, vector<16xf32>,
        %parallel_loop3A_486 = arith.subf %parallel_loop3A_470, %parallel_loop3A_480 : vector<16xf32>
        %parallel_loop3A_487 = math.absf %parallel_loop3A_486 : vector<16xf32>
        %parallel_loop3A_488 = arith.subf %parallel_loop3A_475, %parallel_loop3A_485 : vector<16xf32>
        %parallel_loop3A_489 = math.absf %parallel_loop3A_488 : vector<16xf32>
        %parallel_loop3A_490 = arith.constant 0.111111112 : f32
        %parallel_loop3A_491 = vector.broadcast %parallel_loop3A_490 : f32 to vector<16xf32>
        %parallel_loop3A_492 = arith.minimumf %parallel_loop3A_487, %parallel_loop3A_491 : vector<16xf32>
        %parallel_loop3A_493 = arith.constant 0.111111112 : f32
        %parallel_loop3A_494 = vector.broadcast %parallel_loop3A_493 : f32 to vector<16xf32>
        %parallel_loop3A_495 = arith.minimumf %parallel_loop3A_489, %parallel_loop3A_494 : vector<16xf32>
        %parallel_loop3A_496 = arith.subf %parallel_loop3A_487, %parallel_loop3A_492 : vector<16xf32>
        %parallel_loop3A_497 = arith.subf %parallel_loop3A_489, %parallel_loop3A_495 : vector<16xf32>
        %parallel_loop3A_498 = arith.addf %parallel_loop3A_496, %parallel_loop3A_497 : vector<16xf32>
        %parallel_loop3A_499 = arith.mulf %parallel_loop3A_492, %parallel_loop3A_492 : vector<16xf32>
        %parallel_loop3A_500 = arith.mulf %parallel_loop3A_495, %parallel_loop3A_495 : vector<16xf32>
        %parallel_loop3A_501 = arith.addf %parallel_loop3A_499, %parallel_loop3A_500 : vector<16xf32>
        %parallel_loop3A_502 = arith.constant 4.500000e+00 : f32
        %parallel_loop3A_503 = vector.broadcast %parallel_loop3A_502 : f32 to vector<16xf32>
        %parallel_loop3A_504 = arith.mulf %parallel_loop3A_503, %parallel_loop3A_501 : vector<16xf32>
        %parallel_loop3A_505 = arith.addf %parallel_loop3A_498, %parallel_loop3A_504 : vector<16xf32>
        %parallel_loop3A_506 = arith.mulf %parallel_loop3A_465, %parallel_loop3A_505 : vector<16xf32>
        %parallel_loop3A_507 = arith.addf %parallel_loop3A_457, %parallel_loop3A_506 : vector<16xf32>
        %parallel_loop3A_508 = arith.addf %parallel_loop3A_459, %parallel_loop3A_465 : vector<16xf32>
        %parallel_loop3A_509 = arith.constant 0 : i32
        %parallel_loop3A_510 = arith.index_cast %parallel_loop3A_456 : i32 to index
        %parallel_loop3A_511 = arith.index_cast %parallel_loop3A_509 : i32 to index
        %parallel_loop3A_512 = arith.constant 16 : index
        %parallel_loop3A_513 = tpu.vector_load %arg9[%parallel_loop3A_510, %parallel_loop3A_511, %parallel_loop3A_512] {strides = array<i32>} : memref<25x1x128xf32, #tpu.memory_space<vmem>>, vector<16xf32>,
        %parallel_loop3A_514 = arith.constant 0 : i32
        %parallel_loop3A_515 = arith.index_cast %parallel_loop3A_456 : i32 to index
        %parallel_loop3A_516 = arith.index_cast %parallel_loop3A_514 : i32 to index
        %parallel_loop3A_517 = arith.constant 16 : index
        %parallel_loop3A_518 = tpu.vector_load %arg10[%parallel_loop3A_515, %parallel_loop3A_516, %parallel_loop3A_517] {strides = array<i32>} : memref<25x1x128xf32, #tpu.memory_space<vmem>>, vector<16xf32>,
        %parallel_loop3A_519 = arith.constant 0 : i32
        %parallel_loop3A_520 = arith.index_cast %parallel_loop3A_456 : i32 to index
        %parallel_loop3A_521 = arith.index_cast %parallel_loop3A_519 : i32 to index
        %parallel_loop3A_522 = arith.constant 16 : index
        %parallel_loop3A_523 = tpu.vector_load %arg11[%parallel_loop3A_520, %parallel_loop3A_521, %parallel_loop3A_522] {strides = array<i32>} : memref<25x1x128xf32, #tpu.memory_space<vmem>>, vector<16xf32>,
        %parallel_loop3A_524 = arith.constant 0 : i32
        %parallel_loop3A_525 = arith.index_cast %parallel_loop3A_456 : i32 to index
        %parallel_loop3A_526 = arith.index_cast %parallel_loop3A_524 : i32 to index
        %parallel_loop3A_527 = arith.constant 16 : index
        %parallel_loop3A_528 = tpu.vector_load %arg12[%parallel_loop3A_525, %parallel_loop3A_526, %parallel_loop3A_527] {strides = array<i32>} : memref<25x2x128xf32, #tpu.memory_space<vmem>>, vector<16xf32>,
        %parallel_loop3A_529 = arith.constant 1 : i32
        %parallel_loop3A_530 = arith.index_cast %parallel_loop3A_456 : i32 to index
        %parallel_loop3A_531 = arith.index_cast %parallel_loop3A_529 : i32 to index
        %parallel_loop3A_532 = arith.constant 16 : index
        %parallel_loop3A_533 = tpu.vector_load %arg12[%parallel_loop3A_530, %parallel_loop3A_531, %parallel_loop3A_532] {strides = array<i32>} : memref<25x2x128xf32, #tpu.memory_space<vmem>>, vector<16xf32>,
        %parallel_loop3A_534 = arith.subf %parallel_loop3A_518, %parallel_loop3A_528 : vector<16xf32>
        %parallel_loop3A_535 = math.absf %parallel_loop3A_534 : vector<16xf32>
        %parallel_loop3A_536 = arith.subf %parallel_loop3A_523, %parallel_loop3A_533 : vector<16xf32>
        %parallel_loop3A_537 = math.absf %parallel_loop3A_536 : vector<16xf32>
        %parallel_loop3A_538 = arith.constant 0.111111112 : f32
        %parallel_loop3A_539 = vector.broadcast %parallel_loop3A_538 : f32 to vector<16xf32>
        %parallel_loop3A_540 = arith.minimumf %parallel_loop3A_535, %parallel_loop3A_539 : vector<16xf32>
        %parallel_loop3A_541 = arith.constant 0.111111112 : f32
        %parallel_loop3A_542 = vector.broadcast %parallel_loop3A_541 : f32 to vector<16xf32>
        %parallel_loop3A_543 = arith.minimumf %parallel_loop3A_537, %parallel_loop3A_542 : vector<16xf32>
        %parallel_loop3A_544 = arith.subf %parallel_loop3A_535, %parallel_loop3A_540 : vector<16xf32>
        %parallel_loop3A_545 = arith.subf %parallel_loop3A_537, %parallel_loop3A_543 : vector<16xf32>
        %parallel_loop3A_546 = arith.addf %parallel_loop3A_544, %parallel_loop3A_545 : vector<16xf32>
        %parallel_loop3A_547 = arith.mulf %parallel_loop3A_540, %parallel_loop3A_540 : vector<16xf32>
        %parallel_loop3A_548 = arith.mulf %parallel_loop3A_543, %parallel_loop3A_543 : vector<16xf32>
        %parallel_loop3A_549 = arith.addf %parallel_loop3A_547, %parallel_loop3A_548 : vector<16xf32>
        %parallel_loop3A_550 = arith.constant 4.500000e+00 : f32
        %parallel_loop3A_551 = vector.broadcast %parallel_loop3A_550 : f32 to vector<16xf32>
        %parallel_loop3A_552 = arith.mulf %parallel_loop3A_551, %parallel_loop3A_549 : vector<16xf32>
        %parallel_loop3A_553 = arith.addf %parallel_loop3A_546, %parallel_loop3A_552 : vector<16xf32>
        %parallel_loop3A_554 = arith.mulf %parallel_loop3A_513, %parallel_loop3A_553 : vector<16xf32>
        %parallel_loop3A_555 = arith.addf %parallel_loop3A_458, %parallel_loop3A_554 : vector<16xf32>
        %parallel_loop3A_556 = arith.addf %parallel_loop3A_460, %parallel_loop3A_513 : vector<16xf32>
        %parallel_loop3A_557 = arith.constant 0 : i32
        %parallel_loop3A_558 = arith.index_cast %parallel_loop3A_456 : i32 to index
        %parallel_loop3A_559 = arith.index_cast %parallel_loop3A_557 : i32 to index
        %parallel_loop3A_560 = arith.constant 32 : index
        %parallel_loop3A_561 = tpu.vector_load %arg9[%parallel_loop3A_558, %parallel_loop3A_559, %parallel_loop3A_560] {strides = array<i32>} : memref<25x1x128xf32, #tpu.memory_space<vmem>>, vector<16xf32>,
        %parallel_loop3A_562 = arith.constant 0 : i32
        %parallel_loop3A_563 = arith.index_cast %parallel_loop3A_456 : i32 to index
        %parallel_loop3A_564 = arith.index_cast %parallel_loop3A_562 : i32 to index
        %parallel_loop3A_565 = arith.constant 32 : index
        %parallel_loop3A_566 = tpu.vector_load %arg10[%parallel_loop3A_563, %parallel_loop3A_564, %parallel_loop3A_565] {strides = array<i32>} : memref<25x1x128xf32, #tpu.memory_space<vmem>>, vector<16xf32>,
        %parallel_loop3A_567 = arith.constant 0 : i32
        %parallel_loop3A_568 = arith.index_cast %parallel_loop3A_456 : i32 to index
        %parallel_loop3A_569 = arith.index_cast %parallel_loop3A_567 : i32 to index
        %parallel_loop3A_570 = arith.constant 32 : index
        %parallel_loop3A_571 = tpu.vector_load %arg11[%parallel_loop3A_568, %parallel_loop3A_569, %parallel_loop3A_570] {strides = array<i32>} : memref<25x1x128xf32, #tpu.memory_space<vmem>>, vector<16xf32>,
        %parallel_loop3A_572 = arith.constant 0 : i32
        %parallel_loop3A_573 = arith.index_cast %parallel_loop3A_456 : i32 to index
        %parallel_loop3A_574 = arith.index_cast %parallel_loop3A_572 : i32 to index
        %parallel_loop3A_575 = arith.constant 32 : index
        %parallel_loop3A_576 = tpu.vector_load %arg12[%parallel_loop3A_573, %parallel_loop3A_574, %parallel_loop3A_575] {strides = array<i32>} : memref<25x2x128xf32, #tpu.memory_space<vmem>>, vector<16xf32>,
        %parallel_loop3A_577 = arith.constant 1 : i32
        %parallel_loop3A_578 = arith.index_cast %parallel_loop3A_456 : i32 to index
        %parallel_loop3A_579 = arith.index_cast %parallel_loop3A_577 : i32 to index
        %parallel_loop3A_580 = arith.constant 32 : index
        %parallel_loop3A_581 = tpu.vector_load %arg12[%parallel_loop3A_578, %parallel_loop3A_579, %parallel_loop3A_580] {strides = array<i32>} : memref<25x2x128xf32, #tpu.memory_space<vmem>>, vector<16xf32>,
        %parallel_loop3A_582 = arith.subf %parallel_loop3A_566, %parallel_loop3A_576 : vector<16xf32>
        %parallel_loop3A_583 = math.absf %parallel_loop3A_582 : vector<16xf32>
        %parallel_loop3A_584 = arith.subf %parallel_loop3A_571, %parallel_loop3A_581 : vector<16xf32>
        %parallel_loop3A_585 = math.absf %parallel_loop3A_584 : vector<16xf32>
        %parallel_loop3A_586 = arith.constant 0.111111112 : f32
        %parallel_loop3A_587 = vector.broadcast %parallel_loop3A_586 : f32 to vector<16xf32>
        %parallel_loop3A_588 = arith.minimumf %parallel_loop3A_583, %parallel_loop3A_587 : vector<16xf32>
        %parallel_loop3A_589 = arith.constant 0.111111112 : f32
        %parallel_loop3A_590 = vector.broadcast %parallel_loop3A_589 : f32 to vector<16xf32>
        %parallel_loop3A_591 = arith.minimumf %parallel_loop3A_585, %parallel_loop3A_590 : vector<16xf32>
        %parallel_loop3A_592 = arith.subf %parallel_loop3A_583, %parallel_loop3A_588 : vector<16xf32>
        %parallel_loop3A_593 = arith.subf %parallel_loop3A_585, %parallel_loop3A_591 : vector<16xf32>
        %parallel_loop3A_594 = arith.addf %parallel_loop3A_592, %parallel_loop3A_593 : vector<16xf32>
        %parallel_loop3A_595 = arith.mulf %parallel_loop3A_588, %parallel_loop3A_588 : vector<16xf32>
        %parallel_loop3A_596 = arith.mulf %parallel_loop3A_591, %parallel_loop3A_591 : vector<16xf32>
        %parallel_loop3A_597 = arith.addf %parallel_loop3A_595, %parallel_loop3A_596 : vector<16xf32>
        %parallel_loop3A_598 = arith.constant 4.500000e+00 : f32
        %parallel_loop3A_599 = vector.broadcast %parallel_loop3A_598 : f32 to vector<16xf32>
        %parallel_loop3A_600 = arith.mulf %parallel_loop3A_599, %parallel_loop3A_597 : vector<16xf32>
        %parallel_loop3A_601 = arith.addf %parallel_loop3A_594, %parallel_loop3A_600 : vector<16xf32>
        %parallel_loop3A_602 = arith.mulf %parallel_loop3A_561, %parallel_loop3A_601 : vector<16xf32>
        %parallel_loop3A_603 = arith.addf %parallel_loop3A_507, %parallel_loop3A_602 : vector<16xf32>
        %parallel_loop3A_604 = arith.addf %parallel_loop3A_508, %parallel_loop3A_561 : vector<16xf32>
        %parallel_loop3A_605 = arith.constant 0 : i32
        %parallel_loop3A_606 = arith.index_cast %parallel_loop3A_456 : i32 to index
        %parallel_loop3A_607 = arith.index_cast %parallel_loop3A_605 : i32 to index
        %parallel_loop3A_608 = arith.constant 48 : index
        %parallel_loop3A_609 = tpu.vector_load %arg9[%parallel_loop3A_606, %parallel_loop3A_607, %parallel_loop3A_608] {strides = array<i32>} : memref<25x1x128xf32, #tpu.memory_space<vmem>>, vector<16xf32>,
        %parallel_loop3A_610 = arith.constant 0 : i32
        %parallel_loop3A_611 = arith.index_cast %parallel_loop3A_456 : i32 to index
        %parallel_loop3A_612 = arith.index_cast %parallel_loop3A_610 : i32 to index
        %parallel_loop3A_613 = arith.constant 48 : index
        %parallel_loop3A_614 = tpu.vector_load %arg10[%parallel_loop3A_611, %parallel_loop3A_612, %parallel_loop3A_613] {strides = array<i32>} : memref<25x1x128xf32, #tpu.memory_space<vmem>>, vector<16xf32>,
        %parallel_loop3A_615 = arith.constant 0 : i32
        %parallel_loop3A_616 = arith.index_cast %parallel_loop3A_456 : i32 to index
        %parallel_loop3A_617 = arith.index_cast %parallel_loop3A_615 : i32 to index
        %parallel_loop3A_618 = arith.constant 48 : index
        %parallel_loop3A_619 = tpu.vector_load %arg11[%parallel_loop3A_616, %parallel_loop3A_617, %parallel_loop3A_618] {strides = array<i32>} : memref<25x1x128xf32, #tpu.memory_space<vmem>>, vector<16xf32>,
        %parallel_loop3A_620 = arith.constant 0 : i32
        %parallel_loop3A_621 = arith.index_cast %parallel_loop3A_456 : i32 to index
        %parallel_loop3A_622 = arith.index_cast %parallel_loop3A_620 : i32 to index
        %parallel_loop3A_623 = arith.constant 48 : index
        %parallel_loop3A_624 = tpu.vector_load %arg12[%parallel_loop3A_621, %parallel_loop3A_622, %parallel_loop3A_623] {strides = array<i32>} : memref<25x2x128xf32, #tpu.memory_space<vmem>>, vector<16xf32>,
        %parallel_loop3A_625 = arith.constant 1 : i32
        %parallel_loop3A_626 = arith.index_cast %parallel_loop3A_456 : i32 to index
        %parallel_loop3A_627 = arith.index_cast %parallel_loop3A_625 : i32 to index
        %parallel_loop3A_628 = arith.constant 48 : index
        %parallel_loop3A_629 = tpu.vector_load %arg12[%parallel_loop3A_626, %parallel_loop3A_627, %parallel_loop3A_628] {strides = array<i32>} : memref<25x2x128xf32, #tpu.memory_space<vmem>>, vector<16xf32>,
        %parallel_loop3A_630 = arith.subf %parallel_loop3A_614, %parallel_loop3A_624 : vector<16xf32>
        %parallel_loop3A_631 = math.absf %parallel_loop3A_630 : vector<16xf32>
        %parallel_loop3A_632 = arith.subf %parallel_loop3A_619, %parallel_loop3A_629 : vector<16xf32>
        %parallel_loop3A_633 = math.absf %parallel_loop3A_632 : vector<16xf32>
        %parallel_loop3A_634 = arith.constant 0.111111112 : f32
        %parallel_loop3A_635 = vector.broadcast %parallel_loop3A_634 : f32 to vector<16xf32>
        %parallel_loop3A_636 = arith.minimumf %parallel_loop3A_631, %parallel_loop3A_635 : vector<16xf32>
        %parallel_loop3A_637 = arith.constant 0.111111112 : f32
        %parallel_loop3A_638 = vector.broadcast %parallel_loop3A_637 : f32 to vector<16xf32>
        %parallel_loop3A_639 = arith.minimumf %parallel_loop3A_633, %parallel_loop3A_638 : vector<16xf32>
        %parallel_loop3A_640 = arith.subf %parallel_loop3A_631, %parallel_loop3A_636 : vector<16xf32>
        %parallel_loop3A_641 = arith.subf %parallel_loop3A_633, %parallel_loop3A_639 : vector<16xf32>
        %parallel_loop3A_642 = arith.addf %parallel_loop3A_640, %parallel_loop3A_641 : vector<16xf32>
        %parallel_loop3A_643 = arith.mulf %parallel_loop3A_636, %parallel_loop3A_636 : vector<16xf32>
        %parallel_loop3A_644 = arith.mulf %parallel_loop3A_639, %parallel_loop3A_639 : vector<16xf32>
        %parallel_loop3A_645 = arith.addf %parallel_loop3A_643, %parallel_loop3A_644 : vector<16xf32>
        %parallel_loop3A_646 = arith.constant 4.500000e+00 : f32
        %parallel_loop3A_647 = vector.broadcast %parallel_loop3A_646 : f32 to vector<16xf32>
        %parallel_loop3A_648 = arith.mulf %parallel_loop3A_647, %parallel_loop3A_645 : vector<16xf32>
        %parallel_loop3A_649 = arith.addf %parallel_loop3A_642, %parallel_loop3A_648 : vector<16xf32>
        %parallel_loop3A_650 = arith.mulf %parallel_loop3A_609, %parallel_loop3A_649 : vector<16xf32>
        %parallel_loop3A_651 = arith.addf %parallel_loop3A_555, %parallel_loop3A_650 : vector<16xf32>
        %parallel_loop3A_652 = arith.addf %parallel_loop3A_556, %parallel_loop3A_609 : vector<16xf32>
        %parallel_loop3A_653 = arith.constant 0 : i32
        %parallel_loop3A_654 = arith.index_cast %parallel_loop3A_456 : i32 to index
        %parallel_loop3A_655 = arith.index_cast %parallel_loop3A_653 : i32 to index
        %parallel_loop3A_656 = arith.constant 64 : index
        %parallel_loop3A_657 = tpu.vector_load %arg9[%parallel_loop3A_654, %parallel_loop3A_655, %parallel_loop3A_656] {strides = array<i32>} : memref<25x1x128xf32, #tpu.memory_space<vmem>>, vector<16xf32>,
        %parallel_loop3A_658 = arith.constant 0 : i32
        %parallel_loop3A_659 = arith.index_cast %parallel_loop3A_456 : i32 to index
        %parallel_loop3A_660 = arith.index_cast %parallel_loop3A_658 : i32 to index
        %parallel_loop3A_661 = arith.constant 64 : index
        %parallel_loop3A_662 = tpu.vector_load %arg10[%parallel_loop3A_659, %parallel_loop3A_660, %parallel_loop3A_661] {strides = array<i32>} : memref<25x1x128xf32, #tpu.memory_space<vmem>>, vector<16xf32>,
        %parallel_loop3A_663 = arith.constant 0 : i32
        %parallel_loop3A_664 = arith.index_cast %parallel_loop3A_456 : i32 to index
        %parallel_loop3A_665 = arith.index_cast %parallel_loop3A_663 : i32 to index
        %parallel_loop3A_666 = arith.constant 64 : index
        %parallel_loop3A_667 = tpu.vector_load %arg11[%parallel_loop3A_664, %parallel_loop3A_665, %parallel_loop3A_666] {strides = array<i32>} : memref<25x1x128xf32, #tpu.memory_space<vmem>>, vector<16xf32>,
        %parallel_loop3A_668 = arith.constant 0 : i32
        %parallel_loop3A_669 = arith.index_cast %parallel_loop3A_456 : i32 to index
        %parallel_loop3A_670 = arith.index_cast %parallel_loop3A_668 : i32 to index
        %parallel_loop3A_671 = arith.constant 64 : index
        %parallel_loop3A_672 = tpu.vector_load %arg12[%parallel_loop3A_669, %parallel_loop3A_670, %parallel_loop3A_671] {strides = array<i32>} : memref<25x2x128xf32, #tpu.memory_space<vmem>>, vector<16xf32>,
        %parallel_loop3A_673 = arith.constant 1 : i32
        %parallel_loop3A_674 = arith.index_cast %parallel_loop3A_456 : i32 to index
        %parallel_loop3A_675 = arith.index_cast %parallel_loop3A_673 : i32 to index
        %parallel_loop3A_676 = arith.constant 64 : index
        %parallel_loop3A_677 = tpu.vector_load %arg12[%parallel_loop3A_674, %parallel_loop3A_675, %parallel_loop3A_676] {strides = array<i32>} : memref<25x2x128xf32, #tpu.memory_space<vmem>>, vector<16xf32>,
        %parallel_loop3A_678 = arith.subf %parallel_loop3A_662, %parallel_loop3A_672 : vector<16xf32>
        %parallel_loop3A_679 = math.absf %parallel_loop3A_678 : vector<16xf32>
        %parallel_loop3A_680 = arith.subf %parallel_loop3A_667, %parallel_loop3A_677 : vector<16xf32>
        %parallel_loop3A_681 = math.absf %parallel_loop3A_680 : vector<16xf32>
        %parallel_loop3A_682 = arith.constant 0.111111112 : f32
        %parallel_loop3A_683 = vector.broadcast %parallel_loop3A_682 : f32 to vector<16xf32>
        %parallel_loop3A_684 = arith.minimumf %parallel_loop3A_679, %parallel_loop3A_683 : vector<16xf32>
        %parallel_loop3A_685 = arith.constant 0.111111112 : f32
        %parallel_loop3A_686 = vector.broadcast %parallel_loop3A_685 : f32 to vector<16xf32>
        %parallel_loop3A_687 = arith.minimumf %parallel_loop3A_681, %parallel_loop3A_686 : vector<16xf32>
        %parallel_loop3A_688 = arith.subf %parallel_loop3A_679, %parallel_loop3A_684 : vector<16xf32>
        %parallel_loop3A_689 = arith.subf %parallel_loop3A_681, %parallel_loop3A_687 : vector<16xf32>
        %parallel_loop3A_690 = arith.addf %parallel_loop3A_688, %parallel_loop3A_689 : vector<16xf32>
        %parallel_loop3A_691 = arith.mulf %parallel_loop3A_684, %parallel_loop3A_684 : vector<16xf32>
        %parallel_loop3A_692 = arith.mulf %parallel_loop3A_687, %parallel_loop3A_687 : vector<16xf32>
        %parallel_loop3A_693 = arith.addf %parallel_loop3A_691, %parallel_loop3A_692 : vector<16xf32>
        %parallel_loop3A_694 = arith.constant 4.500000e+00 : f32
        %parallel_loop3A_695 = vector.broadcast %parallel_loop3A_694 : f32 to vector<16xf32>
        %parallel_loop3A_696 = arith.mulf %parallel_loop3A_695, %parallel_loop3A_693 : vector<16xf32>
        %parallel_loop3A_697 = arith.addf %parallel_loop3A_690, %parallel_loop3A_696 : vector<16xf32>
        %parallel_loop3A_698 = arith.mulf %parallel_loop3A_657, %parallel_loop3A_697 : vector<16xf32>
        %parallel_loop3A_699 = arith.addf %parallel_loop3A_603, %parallel_loop3A_698 : vector<16xf32>
        %parallel_loop3A_700 = arith.addf %parallel_loop3A_604, %parallel_loop3A_657 : vector<16xf32>
        %parallel_loop3A_701 = arith.constant 0 : i32
        %parallel_loop3A_702 = arith.index_cast %parallel_loop3A_456 : i32 to index
        %parallel_loop3A_703 = arith.index_cast %parallel_loop3A_701 : i32 to index
        %parallel_loop3A_704 = arith.constant 80 : index
        %parallel_loop3A_705 = tpu.vector_load %arg9[%parallel_loop3A_702, %parallel_loop3A_703, %parallel_loop3A_704] {strides = array<i32>} : memref<25x1x128xf32, #tpu.memory_space<vmem>>, vector<16xf32>,
        %parallel_loop3A_706 = arith.constant 0 : i32
        %parallel_loop3A_707 = arith.index_cast %parallel_loop3A_456 : i32 to index
        %parallel_loop3A_708 = arith.index_cast %parallel_loop3A_706 : i32 to index
        %parallel_loop3A_709 = arith.constant 80 : index
        %parallel_loop3A_710 = tpu.vector_load %arg10[%parallel_loop3A_707, %parallel_loop3A_708, %parallel_loop3A_709] {strides = array<i32>} : memref<25x1x128xf32, #tpu.memory_space<vmem>>, vector<16xf32>,
        %parallel_loop3A_711 = arith.constant 0 : i32
        %parallel_loop3A_712 = arith.index_cast %parallel_loop3A_456 : i32 to index
        %parallel_loop3A_713 = arith.index_cast %parallel_loop3A_711 : i32 to index
        %parallel_loop3A_714 = arith.constant 80 : index
        %parallel_loop3A_715 = tpu.vector_load %arg11[%parallel_loop3A_712, %parallel_loop3A_713, %parallel_loop3A_714] {strides = array<i32>} : memref<25x1x128xf32, #tpu.memory_space<vmem>>, vector<16xf32>,
        %parallel_loop3A_716 = arith.constant 0 : i32
        %parallel_loop3A_717 = arith.index_cast %parallel_loop3A_456 : i32 to index
        %parallel_loop3A_718 = arith.index_cast %parallel_loop3A_716 : i32 to index
        %parallel_loop3A_719 = arith.constant 80 : index
        %parallel_loop3A_720 = tpu.vector_load %arg12[%parallel_loop3A_717, %parallel_loop3A_718, %parallel_loop3A_719] {strides = array<i32>} : memref<25x2x128xf32, #tpu.memory_space<vmem>>, vector<16xf32>,
        %parallel_loop3A_721 = arith.constant 1 : i32
        %parallel_loop3A_722 = arith.index_cast %parallel_loop3A_456 : i32 to index
        %parallel_loop3A_723 = arith.index_cast %parallel_loop3A_721 : i32 to index
        %parallel_loop3A_724 = arith.constant 80 : index
        %parallel_loop3A_725 = tpu.vector_load %arg12[%parallel_loop3A_722, %parallel_loop3A_723, %parallel_loop3A_724] {strides = array<i32>} : memref<25x2x128xf32, #tpu.memory_space<vmem>>, vector<16xf32>,
        %parallel_loop3A_726 = arith.subf %parallel_loop3A_710, %parallel_loop3A_720 : vector<16xf32>
        %parallel_loop3A_727 = math.absf %parallel_loop3A_726 : vector<16xf32>
        %parallel_loop3A_728 = arith.subf %parallel_loop3A_715, %parallel_loop3A_725 : vector<16xf32>
        %parallel_loop3A_729 = math.absf %parallel_loop3A_728 : vector<16xf32>
        %parallel_loop3A_730 = arith.constant 0.111111112 : f32
        %parallel_loop3A_731 = vector.broadcast %parallel_loop3A_730 : f32 to vector<16xf32>
        %parallel_loop3A_732 = arith.minimumf %parallel_loop3A_727, %parallel_loop3A_731 : vector<16xf32>
        %parallel_loop3A_733 = arith.constant 0.111111112 : f32
        %parallel_loop3A_734 = vector.broadcast %parallel_loop3A_733 : f32 to vector<16xf32>
        %parallel_loop3A_735 = arith.minimumf %parallel_loop3A_729, %parallel_loop3A_734 : vector<16xf32>
        %parallel_loop3A_736 = arith.subf %parallel_loop3A_727, %parallel_loop3A_732 : vector<16xf32>
        %parallel_loop3A_737 = arith.subf %parallel_loop3A_729, %parallel_loop3A_735 : vector<16xf32>
        %parallel_loop3A_738 = arith.addf %parallel_loop3A_736, %parallel_loop3A_737 : vector<16xf32>
        %parallel_loop3A_739 = arith.mulf %parallel_loop3A_732, %parallel_loop3A_732 : vector<16xf32>
        %parallel_loop3A_740 = arith.mulf %parallel_loop3A_735, %parallel_loop3A_735 : vector<16xf32>
        %parallel_loop3A_741 = arith.addf %parallel_loop3A_739, %parallel_loop3A_740 : vector<16xf32>
        %parallel_loop3A_742 = arith.constant 4.500000e+00 : f32
        %parallel_loop3A_743 = vector.broadcast %parallel_loop3A_742 : f32 to vector<16xf32>
        %parallel_loop3A_744 = arith.mulf %parallel_loop3A_743, %parallel_loop3A_741 : vector<16xf32>
        %parallel_loop3A_745 = arith.addf %parallel_loop3A_738, %parallel_loop3A_744 : vector<16xf32>
        %parallel_loop3A_746 = arith.mulf %parallel_loop3A_705, %parallel_loop3A_745 : vector<16xf32>
        %parallel_loop3A_747 = arith.addf %parallel_loop3A_651, %parallel_loop3A_746 : vector<16xf32>
        %parallel_loop3A_748 = arith.addf %parallel_loop3A_652, %parallel_loop3A_705 : vector<16xf32>
        %parallel_loop3A_749 = arith.constant 0 : i32
        %parallel_loop3A_750 = arith.index_cast %parallel_loop3A_456 : i32 to index
        %parallel_loop3A_751 = arith.index_cast %parallel_loop3A_749 : i32 to index
        %parallel_loop3A_752 = arith.constant 96 : index
        %parallel_loop3A_753 = tpu.vector_load %arg9[%parallel_loop3A_750, %parallel_loop3A_751, %parallel_loop3A_752] {strides = array<i32>} : memref<25x1x128xf32, #tpu.memory_space<vmem>>, vector<16xf32>,
        %parallel_loop3A_754 = arith.constant 0 : i32
        %parallel_loop3A_755 = arith.index_cast %parallel_loop3A_456 : i32 to index
        %parallel_loop3A_756 = arith.index_cast %parallel_loop3A_754 : i32 to index
        %parallel_loop3A_757 = arith.constant 96 : index
        %parallel_loop3A_758 = tpu.vector_load %arg10[%parallel_loop3A_755, %parallel_loop3A_756, %parallel_loop3A_757] {strides = array<i32>} : memref<25x1x128xf32, #tpu.memory_space<vmem>>, vector<16xf32>,
        %parallel_loop3A_759 = arith.constant 0 : i32
        %parallel_loop3A_760 = arith.index_cast %parallel_loop3A_456 : i32 to index
        %parallel_loop3A_761 = arith.index_cast %parallel_loop3A_759 : i32 to index
        %parallel_loop3A_762 = arith.constant 96 : index
        %parallel_loop3A_763 = tpu.vector_load %arg11[%parallel_loop3A_760, %parallel_loop3A_761, %parallel_loop3A_762] {strides = array<i32>} : memref<25x1x128xf32, #tpu.memory_space<vmem>>, vector<16xf32>,
        %parallel_loop3A_764 = arith.constant 0 : i32
        %parallel_loop3A_765 = arith.index_cast %parallel_loop3A_456 : i32 to index
        %parallel_loop3A_766 = arith.index_cast %parallel_loop3A_764 : i32 to index
        %parallel_loop3A_767 = arith.constant 96 : index
        %parallel_loop3A_768 = tpu.vector_load %arg12[%parallel_loop3A_765, %parallel_loop3A_766, %parallel_loop3A_767] {strides = array<i32>} : memref<25x2x128xf32, #tpu.memory_space<vmem>>, vector<16xf32>,
        %parallel_loop3A_769 = arith.constant 1 : i32
        %parallel_loop3A_770 = arith.index_cast %parallel_loop3A_456 : i32 to index
        %parallel_loop3A_771 = arith.index_cast %parallel_loop3A_769 : i32 to index
        %parallel_loop3A_772 = arith.constant 96 : index
        %parallel_loop3A_773 = tpu.vector_load %arg12[%parallel_loop3A_770, %parallel_loop3A_771, %parallel_loop3A_772] {strides = array<i32>} : memref<25x2x128xf32, #tpu.memory_space<vmem>>, vector<16xf32>,
        %parallel_loop3A_774 = arith.subf %parallel_loop3A_758, %parallel_loop3A_768 : vector<16xf32>
        %parallel_loop3A_775 = math.absf %parallel_loop3A_774 : vector<16xf32>
        %parallel_loop3A_776 = arith.subf %parallel_loop3A_763, %parallel_loop3A_773 : vector<16xf32>
        %parallel_loop3A_777 = math.absf %parallel_loop3A_776 : vector<16xf32>
        %parallel_loop3A_778 = arith.constant 0.111111112 : f32
        %parallel_loop3A_779 = vector.broadcast %parallel_loop3A_778 : f32 to vector<16xf32>
        %parallel_loop3A_780 = arith.minimumf %parallel_loop3A_775, %parallel_loop3A_779 : vector<16xf32>
        %parallel_loop3A_781 = arith.constant 0.111111112 : f32
        %parallel_loop3A_782 = vector.broadcast %parallel_loop3A_781 : f32 to vector<16xf32>
        %parallel_loop3A_783 = arith.minimumf %parallel_loop3A_777, %parallel_loop3A_782 : vector<16xf32>
        %parallel_loop3A_784 = arith.subf %parallel_loop3A_775, %parallel_loop3A_780 : vector<16xf32>
        %parallel_loop3A_785 = arith.subf %parallel_loop3A_777, %parallel_loop3A_783 : vector<16xf32>
        %parallel_loop3A_786 = arith.addf %parallel_loop3A_784, %parallel_loop3A_785 : vector<16xf32>
        %parallel_loop3A_787 = arith.mulf %parallel_loop3A_780, %parallel_loop3A_780 : vector<16xf32>
        %parallel_loop3A_788 = arith.mulf %parallel_loop3A_783, %parallel_loop3A_783 : vector<16xf32>
        %parallel_loop3A_789 = arith.addf %parallel_loop3A_787, %parallel_loop3A_788 : vector<16xf32>
        %parallel_loop3A_790 = arith.constant 4.500000e+00 : f32
        %parallel_loop3A_791 = vector.broadcast %parallel_loop3A_790 : f32 to vector<16xf32>
        %parallel_loop3A_792 = arith.mulf %parallel_loop3A_791, %parallel_loop3A_789 : vector<16xf32>
        %parallel_loop3A_793 = arith.addf %parallel_loop3A_786, %parallel_loop3A_792 : vector<16xf32>
        %parallel_loop3A_794 = arith.mulf %parallel_loop3A_753, %parallel_loop3A_793 : vector<16xf32>
        %parallel_loop3A_795 = arith.addf %parallel_loop3A_699, %parallel_loop3A_794 : vector<16xf32>
        %parallel_loop3A_796 = arith.addf %parallel_loop3A_700, %parallel_loop3A_753 : vector<16xf32>
        %parallel_loop3A_797 = arith.constant 0 : i32
        %parallel_loop3A_798 = arith.index_cast %parallel_loop3A_456 : i32 to index
        %parallel_loop3A_799 = arith.index_cast %parallel_loop3A_797 : i32 to index
        %parallel_loop3A_800 = arith.constant 112 : index
        %parallel_loop3A_801 = tpu.vector_load %arg9[%parallel_loop3A_798, %parallel_loop3A_799, %parallel_loop3A_800] {strides = array<i32>} : memref<25x1x128xf32, #tpu.memory_space<vmem>>, vector<16xf32>,
        %parallel_loop3A_802 = arith.constant 0 : i32
        %parallel_loop3A_803 = arith.index_cast %parallel_loop3A_456 : i32 to index
        %parallel_loop3A_804 = arith.index_cast %parallel_loop3A_802 : i32 to index
        %parallel_loop3A_805 = arith.constant 112 : index
        %parallel_loop3A_806 = tpu.vector_load %arg10[%parallel_loop3A_803, %parallel_loop3A_804, %parallel_loop3A_805] {strides = array<i32>} : memref<25x1x128xf32, #tpu.memory_space<vmem>>, vector<16xf32>,
        %parallel_loop3A_807 = arith.constant 0 : i32
        %parallel_loop3A_808 = arith.index_cast %parallel_loop3A_456 : i32 to index
        %parallel_loop3A_809 = arith.index_cast %parallel_loop3A_807 : i32 to index
        %parallel_loop3A_810 = arith.constant 112 : index
        %parallel_loop3A_811 = tpu.vector_load %arg11[%parallel_loop3A_808, %parallel_loop3A_809, %parallel_loop3A_810] {strides = array<i32>} : memref<25x1x128xf32, #tpu.memory_space<vmem>>, vector<16xf32>,
        %parallel_loop3A_812 = arith.constant 0 : i32
        %parallel_loop3A_813 = arith.index_cast %parallel_loop3A_456 : i32 to index
        %parallel_loop3A_814 = arith.index_cast %parallel_loop3A_812 : i32 to index
        %parallel_loop3A_815 = arith.constant 112 : index
        %parallel_loop3A_816 = tpu.vector_load %arg12[%parallel_loop3A_813, %parallel_loop3A_814, %parallel_loop3A_815] {strides = array<i32>} : memref<25x2x128xf32, #tpu.memory_space<vmem>>, vector<16xf32>,
        %parallel_loop3A_817 = arith.constant 1 : i32
        %parallel_loop3A_818 = arith.index_cast %parallel_loop3A_456 : i32 to index
        %parallel_loop3A_819 = arith.index_cast %parallel_loop3A_817 : i32 to index
        %parallel_loop3A_820 = arith.constant 112 : index
        %parallel_loop3A_821 = tpu.vector_load %arg12[%parallel_loop3A_818, %parallel_loop3A_819, %parallel_loop3A_820] {strides = array<i32>} : memref<25x2x128xf32, #tpu.memory_space<vmem>>, vector<16xf32>,
        %parallel_loop3A_822 = arith.subf %parallel_loop3A_806, %parallel_loop3A_816 : vector<16xf32>
        %parallel_loop3A_823 = math.absf %parallel_loop3A_822 : vector<16xf32>
        %parallel_loop3A_824 = arith.subf %parallel_loop3A_811, %parallel_loop3A_821 : vector<16xf32>
        %parallel_loop3A_825 = math.absf %parallel_loop3A_824 : vector<16xf32>
        %parallel_loop3A_826 = arith.constant 0.111111112 : f32
        %parallel_loop3A_827 = vector.broadcast %parallel_loop3A_826 : f32 to vector<16xf32>
        %parallel_loop3A_828 = arith.minimumf %parallel_loop3A_823, %parallel_loop3A_827 : vector<16xf32>
        %parallel_loop3A_829 = arith.constant 0.111111112 : f32
        %parallel_loop3A_830 = vector.broadcast %parallel_loop3A_829 : f32 to vector<16xf32>
        %parallel_loop3A_831 = arith.minimumf %parallel_loop3A_825, %parallel_loop3A_830 : vector<16xf32>
        %parallel_loop3A_832 = arith.subf %parallel_loop3A_823, %parallel_loop3A_828 : vector<16xf32>
        %parallel_loop3A_833 = arith.subf %parallel_loop3A_825, %parallel_loop3A_831 : vector<16xf32>
        %parallel_loop3A_834 = arith.addf %parallel_loop3A_832, %parallel_loop3A_833 : vector<16xf32>
        %parallel_loop3A_835 = arith.mulf %parallel_loop3A_828, %parallel_loop3A_828 : vector<16xf32>
        %parallel_loop3A_836 = arith.mulf %parallel_loop3A_831, %parallel_loop3A_831 : vector<16xf32>
        %parallel_loop3A_837 = arith.addf %parallel_loop3A_835, %parallel_loop3A_836 : vector<16xf32>
        %parallel_loop3A_838 = arith.constant 4.500000e+00 : f32
        %parallel_loop3A_839 = vector.broadcast %parallel_loop3A_838 : f32 to vector<16xf32>
        %parallel_loop3A_840 = arith.mulf %parallel_loop3A_839, %parallel_loop3A_837 : vector<16xf32>
        %parallel_loop3A_841 = arith.addf %parallel_loop3A_834, %parallel_loop3A_840 : vector<16xf32>
        %parallel_loop3A_842 = arith.mulf %parallel_loop3A_801, %parallel_loop3A_841 : vector<16xf32>
        %parallel_loop3A_843 = arith.addf %parallel_loop3A_747, %parallel_loop3A_842 : vector<16xf32>
        %parallel_loop3A_844 = arith.addf %parallel_loop3A_748, %parallel_loop3A_801 : vector<16xf32>
        scf.yield %parallel_loop3A_795, %parallel_loop3A_843, %parallel_loop3A_796, %parallel_loop3A_844 : vector<16xf32>, vector<16xf32>, vector<16xf32>, vector<16xf32>
      } {sc.loop_unroll_factor = 1 : i64, sc.parallel_access}
      %add3A_358 = arith.constant 4 : i32
      %add3A_359 = arith.addi %add3A_321, %add3A_358 : i32
      %lt3A_360 = arith.cmpi slt, %add3A_359, %select_n3A : i32
      %convert_element_type3A_361 = arith.extui %lt3A_360 : i1 to i32
      %cond3A_362 = arith.constant 0 : i32
      %cond3A_363 = arith.cmpi ne, %convert_element_type3A_361, %cond3A_362 : i32
      scf.if %cond3A_363 {
        %add3A_456 = arith.constant 4 : i32
        %add3A_457 = arith.addi %add3A_321, %add3A_456 : i32
        %mul3A_458 = arith.constant 32 : i32
        %mul3A_459 = arith.muli %add3A_457, %mul3A_458 : i32
        %add3A_460 = arith.addi %add3A, %mul3A_459 : i32
        %mul3A_461 = arith.constant 25 : i32
        %mul3A_462 = arith.muli %add3A_460, %mul3A_461 : i32
        %dma_start3A_463 = arith.constant 0 : i32
        %dma_start3A_464 = arith.constant 0 : i32
        %dma_start3A_465 = tpu.memref_slice %arg2[%mul3A_462, %dma_start3A_463, %dma_start3A_464] : memref<46875x1x128xf32, #tpu.memory_space<hbm>> -> memref<25x1x128xf32, #tpu.memory_space<hbm>>
        %dma_start3A_466 = arith.constant 0 : i32
        %dma_start3A_467 = arith.constant 0 : i32
        %dma_start3A_468 = tpu.memref_slice %arg2[%mul3A_462, %dma_start3A_466, %dma_start3A_467] : memref<46875x1x128xf32, #tpu.memory_space<hbm>> -> memref<25x1x128xf32, #tpu.memory_space<hbm>>
        tpu.enqueue_dma source(%dma_start3A_468 : memref<25x1x128xf32, #tpu.memory_space<hbm>>) target(%arg9 : memref<25x1x128xf32, #tpu.memory_space<vmem>>) target_semaphore(%arg23 : memref<!tpu.dma_semaphore, #tpu.memory_space<semaphore_mem>>)
        %add3A_469 = arith.constant 15625 : i32
        %add3A_470 = arith.addi %add3A_469, %mul3A_462 : i32
        %dma_start3A_471 = arith.constant 0 : i32
        %dma_start3A_472 = arith.constant 0 : i32
        %dma_start3A_473 = tpu.memref_slice %arg2[%add3A_470, %dma_start3A_471, %dma_start3A_472] : memref<46875x1x128xf32, #tpu.memory_space<hbm>> -> memref<25x1x128xf32, #tpu.memory_space<hbm>>
        %dma_start3A_474 = arith.constant 0 : i32
        %dma_start3A_475 = arith.constant 0 : i32
        %dma_start3A_476 = tpu.memref_slice %arg2[%add3A_470, %dma_start3A_474, %dma_start3A_475] : memref<46875x1x128xf32, #tpu.memory_space<hbm>> -> memref<25x1x128xf32, #tpu.memory_space<hbm>>
        tpu.enqueue_dma source(%dma_start3A_476 : memref<25x1x128xf32, #tpu.memory_space<hbm>>) target(%arg10 : memref<25x1x128xf32, #tpu.memory_space<vmem>>) target_semaphore(%arg23 : memref<!tpu.dma_semaphore, #tpu.memory_space<semaphore_mem>>)
        %add3A_477 = arith.constant 31250 : i32
        %add3A_478 = arith.addi %add3A_477, %mul3A_462 : i32
        %dma_start3A_479 = arith.constant 0 : i32
        %dma_start3A_480 = arith.constant 0 : i32
        %dma_start3A_481 = tpu.memref_slice %arg2[%add3A_478, %dma_start3A_479, %dma_start3A_480] : memref<46875x1x128xf32, #tpu.memory_space<hbm>> -> memref<25x1x128xf32, #tpu.memory_space<hbm>>
        %dma_start3A_482 = arith.constant 0 : i32
        %dma_start3A_483 = arith.constant 0 : i32
        %dma_start3A_484 = tpu.memref_slice %arg2[%add3A_478, %dma_start3A_482, %dma_start3A_483] : memref<46875x1x128xf32, #tpu.memory_space<hbm>> -> memref<25x1x128xf32, #tpu.memory_space<hbm>>
        tpu.enqueue_dma source(%dma_start3A_484 : memref<25x1x128xf32, #tpu.memory_space<hbm>>) target(%arg11 : memref<25x1x128xf32, #tpu.memory_space<vmem>>) target_semaphore(%arg23 : memref<!tpu.dma_semaphore, #tpu.memory_space<semaphore_mem>>)
        %dma_start3A_485 = arith.constant 0 : i32
        %dma_start3A_486 = arith.constant 0 : i32
        %dma_start3A_487 = tpu.memref_slice %arg3[%mul3A_462, %dma_start3A_485, %dma_start3A_486] : memref<15625x2x128xf32, #tpu.memory_space<hbm>> -> memref<25x2x128xf32, #tpu.memory_space<hbm>>
        %dma_start3A_488 = arith.constant 0 : i32
        %dma_start3A_489 = arith.constant 0 : i32
        %dma_start3A_490 = tpu.memref_slice %arg3[%mul3A_462, %dma_start3A_488, %dma_start3A_489] : memref<15625x2x128xf32, #tpu.memory_space<hbm>> -> memref<25x2x128xf32, #tpu.memory_space<hbm>>
        tpu.enqueue_dma source(%dma_start3A_490 : memref<25x2x128xf32, #tpu.memory_space<hbm>>) target(%arg12 : memref<25x2x128xf32, #tpu.memory_space<vmem>>) target_semaphore(%arg23 : memref<!tpu.dma_semaphore, #tpu.memory_space<semaphore_mem>>)
      } else {
      }
      %mul3A_364 = arith.constant 4 : i32
      %mul3A_365 = arith.muli %scan3A_268, %mul3A_364 : i32
      %add3A_366 = arith.constant 2 : i32
      %add3A_367 = arith.addi %mul3A_365, %add3A_366 : i32
      %dma_wait3A_368 = arith.constant 0 : i32
      %dma_wait3A_369 = arith.constant 0 : i32
      %dma_wait3A_370 = arith.constant 0 : i32
      %dma_wait3A_371 = tpu.memref_slice %arg2[%dma_wait3A_368, %dma_wait3A_369, %dma_wait3A_370] : memref<46875x1x128xf32, #tpu.memory_space<hbm>> -> memref<25x1x128xf32, #tpu.memory_space<hbm>>
      %dma_wait3A_372 = arith.constant 0 : i32
      %dma_wait3A_373 = arith.constant 0 : i32
      %dma_wait3A_374 = arith.constant 0 : i32
      %dma_wait3A_375 = tpu.memref_slice %arg2[%dma_wait3A_372, %dma_wait3A_373, %dma_wait3A_374] : memref<46875x1x128xf32, #tpu.memory_space<hbm>> -> memref<25x1x128xf32, #tpu.memory_space<hbm>>
      tpu.wait_dma2 semaphore(%arg24 : memref<!tpu.dma_semaphore, #tpu.memory_space<semaphore_mem>>) src(%dma_wait3A_375 : memref<25x1x128xf32, #tpu.memory_space<hbm>>) dst(%arg13 : memref<25x1x128xf32, #tpu.memory_space<vmem>>)
      %dma_wait3A_376 = arith.constant 0 : i32
      %dma_wait3A_377 = arith.constant 0 : i32
      %dma_wait3A_378 = arith.constant 0 : i32
      %dma_wait3A_379 = tpu.memref_slice %arg2[%dma_wait3A_376, %dma_wait3A_377, %dma_wait3A_378] : memref<46875x1x128xf32, #tpu.memory_space<hbm>> -> memref<25x1x128xf32, #tpu.memory_space<hbm>>
      %dma_wait3A_380 = arith.constant 0 : i32
      %dma_wait3A_381 = arith.constant 0 : i32
      %dma_wait3A_382 = arith.constant 0 : i32
      %dma_wait3A_383 = tpu.memref_slice %arg2[%dma_wait3A_380, %dma_wait3A_381, %dma_wait3A_382] : memref<46875x1x128xf32, #tpu.memory_space<hbm>> -> memref<25x1x128xf32, #tpu.memory_space<hbm>>
      tpu.wait_dma2 semaphore(%arg24 : memref<!tpu.dma_semaphore, #tpu.memory_space<semaphore_mem>>) src(%dma_wait3A_383 : memref<25x1x128xf32, #tpu.memory_space<hbm>>) dst(%arg14 : memref<25x1x128xf32, #tpu.memory_space<vmem>>)
      %dma_wait3A_384 = arith.constant 0 : i32
      %dma_wait3A_385 = arith.constant 0 : i32
      %dma_wait3A_386 = arith.constant 0 : i32
      %dma_wait3A_387 = tpu.memref_slice %arg2[%dma_wait3A_384, %dma_wait3A_385, %dma_wait3A_386] : memref<46875x1x128xf32, #tpu.memory_space<hbm>> -> memref<25x1x128xf32, #tpu.memory_space<hbm>>
      %dma_wait3A_388 = arith.constant 0 : i32
      %dma_wait3A_389 = arith.constant 0 : i32
      %dma_wait3A_390 = arith.constant 0 : i32
      %dma_wait3A_391 = tpu.memref_slice %arg2[%dma_wait3A_388, %dma_wait3A_389, %dma_wait3A_390] : memref<46875x1x128xf32, #tpu.memory_space<hbm>> -> memref<25x1x128xf32, #tpu.memory_space<hbm>>
      tpu.wait_dma2 semaphore(%arg24 : memref<!tpu.dma_semaphore, #tpu.memory_space<semaphore_mem>>) src(%dma_wait3A_391 : memref<25x1x128xf32, #tpu.memory_space<hbm>>) dst(%arg15 : memref<25x1x128xf32, #tpu.memory_space<vmem>>)
      %dma_wait3A_392 = arith.constant 0 : i32
      %dma_wait3A_393 = arith.constant 0 : i32
      %dma_wait3A_394 = arith.constant 0 : i32
      %dma_wait3A_395 = tpu.memref_slice %arg3[%dma_wait3A_392, %dma_wait3A_393, %dma_wait3A_394] : memref<15625x2x128xf32, #tpu.memory_space<hbm>> -> memref<25x2x128xf32, #tpu.memory_space<hbm>>
      %dma_wait3A_396 = arith.constant 0 : i32
      %dma_wait3A_397 = arith.constant 0 : i32
      %dma_wait3A_398 = arith.constant 0 : i32
      %dma_wait3A_399 = tpu.memref_slice %arg3[%dma_wait3A_396, %dma_wait3A_397, %dma_wait3A_398] : memref<15625x2x128xf32, #tpu.memory_space<hbm>> -> memref<25x2x128xf32, #tpu.memory_space<hbm>>
      tpu.wait_dma2 semaphore(%arg24 : memref<!tpu.dma_semaphore, #tpu.memory_space<semaphore_mem>>) src(%dma_wait3A_399 : memref<25x2x128xf32, #tpu.memory_space<hbm>>) dst(%arg16 : memref<25x2x128xf32, #tpu.memory_space<vmem>>)
      %parallel_loop3A_400 = arith.constant 0 : i32
      %parallel_loop3A_401 = arith.constant 25 : i32
      %parallel_loop3A_402 = arith.constant 1 : i32
      %parallel_loop3A_403:4 = scf.for %parallel_loop3A_456 = %parallel_loop3A_400 to %parallel_loop3A_401 step %parallel_loop3A_402 iter_args(%parallel_loop3A_457 = %parallel_loop3A_357#0, %parallel_loop3A_458 = %parallel_loop3A_357#1, %parallel_loop3A_459 = %parallel_loop3A_357#2, %parallel_loop3A_460 = %parallel_loop3A_357#3) -> (vector<16xf32>, vector<16xf32>, vector<16xf32>, vector<16xf32>)  : i32 {
        %parallel_loop3A_461 = arith.constant 0 : i32
        %parallel_loop3A_462 = arith.index_cast %parallel_loop3A_456 : i32 to index
        %parallel_loop3A_463 = arith.index_cast %parallel_loop3A_461 : i32 to index
        %parallel_loop3A_464 = arith.constant 0 : index
        %parallel_loop3A_465 = tpu.vector_load %arg13[%parallel_loop3A_462, %parallel_loop3A_463, %parallel_loop3A_464] {strides = array<i32>} : memref<25x1x128xf32, #tpu.memory_space<vmem>>, vector<16xf32>,
        %parallel_loop3A_466 = arith.constant 0 : i32
        %parallel_loop3A_467 = arith.index_cast %parallel_loop3A_456 : i32 to index
        %parallel_loop3A_468 = arith.index_cast %parallel_loop3A_466 : i32 to index
        %parallel_loop3A_469 = arith.constant 0 : index
        %parallel_loop3A_470 = tpu.vector_load %arg14[%parallel_loop3A_467, %parallel_loop3A_468, %parallel_loop3A_469] {strides = array<i32>} : memref<25x1x128xf32, #tpu.memory_space<vmem>>, vector<16xf32>,
        %parallel_loop3A_471 = arith.constant 0 : i32
        %parallel_loop3A_472 = arith.index_cast %parallel_loop3A_456 : i32 to index
        %parallel_loop3A_473 = arith.index_cast %parallel_loop3A_471 : i32 to index
        %parallel_loop3A_474 = arith.constant 0 : index
        %parallel_loop3A_475 = tpu.vector_load %arg15[%parallel_loop3A_472, %parallel_loop3A_473, %parallel_loop3A_474] {strides = array<i32>} : memref<25x1x128xf32, #tpu.memory_space<vmem>>, vector<16xf32>,
        %parallel_loop3A_476 = arith.constant 0 : i32
        %parallel_loop3A_477 = arith.index_cast %parallel_loop3A_456 : i32 to index
        %parallel_loop3A_478 = arith.index_cast %parallel_loop3A_476 : i32 to index
        %parallel_loop3A_479 = arith.constant 0 : index
        %parallel_loop3A_480 = tpu.vector_load %arg16[%parallel_loop3A_477, %parallel_loop3A_478, %parallel_loop3A_479] {strides = array<i32>} : memref<25x2x128xf32, #tpu.memory_space<vmem>>, vector<16xf32>,
        %parallel_loop3A_481 = arith.constant 1 : i32
        %parallel_loop3A_482 = arith.index_cast %parallel_loop3A_456 : i32 to index
        %parallel_loop3A_483 = arith.index_cast %parallel_loop3A_481 : i32 to index
        %parallel_loop3A_484 = arith.constant 0 : index
        %parallel_loop3A_485 = tpu.vector_load %arg16[%parallel_loop3A_482, %parallel_loop3A_483, %parallel_loop3A_484] {strides = array<i32>} : memref<25x2x128xf32, #tpu.memory_space<vmem>>, vector<16xf32>,
        %parallel_loop3A_486 = arith.subf %parallel_loop3A_470, %parallel_loop3A_480 : vector<16xf32>
        %parallel_loop3A_487 = math.absf %parallel_loop3A_486 : vector<16xf32>
        %parallel_loop3A_488 = arith.subf %parallel_loop3A_475, %parallel_loop3A_485 : vector<16xf32>
        %parallel_loop3A_489 = math.absf %parallel_loop3A_488 : vector<16xf32>
        %parallel_loop3A_490 = arith.constant 0.111111112 : f32
        %parallel_loop3A_491 = vector.broadcast %parallel_loop3A_490 : f32 to vector<16xf32>
        %parallel_loop3A_492 = arith.minimumf %parallel_loop3A_487, %parallel_loop3A_491 : vector<16xf32>
        %parallel_loop3A_493 = arith.constant 0.111111112 : f32
        %parallel_loop3A_494 = vector.broadcast %parallel_loop3A_493 : f32 to vector<16xf32>
        %parallel_loop3A_495 = arith.minimumf %parallel_loop3A_489, %parallel_loop3A_494 : vector<16xf32>
        %parallel_loop3A_496 = arith.subf %parallel_loop3A_487, %parallel_loop3A_492 : vector<16xf32>
        %parallel_loop3A_497 = arith.subf %parallel_loop3A_489, %parallel_loop3A_495 : vector<16xf32>
        %parallel_loop3A_498 = arith.addf %parallel_loop3A_496, %parallel_loop3A_497 : vector<16xf32>
        %parallel_loop3A_499 = arith.mulf %parallel_loop3A_492, %parallel_loop3A_492 : vector<16xf32>
        %parallel_loop3A_500 = arith.mulf %parallel_loop3A_495, %parallel_loop3A_495 : vector<16xf32>
        %parallel_loop3A_501 = arith.addf %parallel_loop3A_499, %parallel_loop3A_500 : vector<16xf32>
        %parallel_loop3A_502 = arith.constant 4.500000e+00 : f32
        %parallel_loop3A_503 = vector.broadcast %parallel_loop3A_502 : f32 to vector<16xf32>
        %parallel_loop3A_504 = arith.mulf %parallel_loop3A_503, %parallel_loop3A_501 : vector<16xf32>
        %parallel_loop3A_505 = arith.addf %parallel_loop3A_498, %parallel_loop3A_504 : vector<16xf32>
        %parallel_loop3A_506 = arith.mulf %parallel_loop3A_465, %parallel_loop3A_505 : vector<16xf32>
        %parallel_loop3A_507 = arith.addf %parallel_loop3A_457, %parallel_loop3A_506 : vector<16xf32>
        %parallel_loop3A_508 = arith.addf %parallel_loop3A_459, %parallel_loop3A_465 : vector<16xf32>
        %parallel_loop3A_509 = arith.constant 0 : i32
        %parallel_loop3A_510 = arith.index_cast %parallel_loop3A_456 : i32 to index
        %parallel_loop3A_511 = arith.index_cast %parallel_loop3A_509 : i32 to index
        %parallel_loop3A_512 = arith.constant 16 : index
        %parallel_loop3A_513 = tpu.vector_load %arg13[%parallel_loop3A_510, %parallel_loop3A_511, %parallel_loop3A_512] {strides = array<i32>} : memref<25x1x128xf32, #tpu.memory_space<vmem>>, vector<16xf32>,
        %parallel_loop3A_514 = arith.constant 0 : i32
        %parallel_loop3A_515 = arith.index_cast %parallel_loop3A_456 : i32 to index
        %parallel_loop3A_516 = arith.index_cast %parallel_loop3A_514 : i32 to index
        %parallel_loop3A_517 = arith.constant 16 : index
        %parallel_loop3A_518 = tpu.vector_load %arg14[%parallel_loop3A_515, %parallel_loop3A_516, %parallel_loop3A_517] {strides = array<i32>} : memref<25x1x128xf32, #tpu.memory_space<vmem>>, vector<16xf32>,
        %parallel_loop3A_519 = arith.constant 0 : i32
        %parallel_loop3A_520 = arith.index_cast %parallel_loop3A_456 : i32 to index
        %parallel_loop3A_521 = arith.index_cast %parallel_loop3A_519 : i32 to index
        %parallel_loop3A_522 = arith.constant 16 : index
        %parallel_loop3A_523 = tpu.vector_load %arg15[%parallel_loop3A_520, %parallel_loop3A_521, %parallel_loop3A_522] {strides = array<i32>} : memref<25x1x128xf32, #tpu.memory_space<vmem>>, vector<16xf32>,
        %parallel_loop3A_524 = arith.constant 0 : i32
        %parallel_loop3A_525 = arith.index_cast %parallel_loop3A_456 : i32 to index
        %parallel_loop3A_526 = arith.index_cast %parallel_loop3A_524 : i32 to index
        %parallel_loop3A_527 = arith.constant 16 : index
        %parallel_loop3A_528 = tpu.vector_load %arg16[%parallel_loop3A_525, %parallel_loop3A_526, %parallel_loop3A_527] {strides = array<i32>} : memref<25x2x128xf32, #tpu.memory_space<vmem>>, vector<16xf32>,
        %parallel_loop3A_529 = arith.constant 1 : i32
        %parallel_loop3A_530 = arith.index_cast %parallel_loop3A_456 : i32 to index
        %parallel_loop3A_531 = arith.index_cast %parallel_loop3A_529 : i32 to index
        %parallel_loop3A_532 = arith.constant 16 : index
        %parallel_loop3A_533 = tpu.vector_load %arg16[%parallel_loop3A_530, %parallel_loop3A_531, %parallel_loop3A_532] {strides = array<i32>} : memref<25x2x128xf32, #tpu.memory_space<vmem>>, vector<16xf32>,
        %parallel_loop3A_534 = arith.subf %parallel_loop3A_518, %parallel_loop3A_528 : vector<16xf32>
        %parallel_loop3A_535 = math.absf %parallel_loop3A_534 : vector<16xf32>
        %parallel_loop3A_536 = arith.subf %parallel_loop3A_523, %parallel_loop3A_533 : vector<16xf32>
        %parallel_loop3A_537 = math.absf %parallel_loop3A_536 : vector<16xf32>
        %parallel_loop3A_538 = arith.constant 0.111111112 : f32
        %parallel_loop3A_539 = vector.broadcast %parallel_loop3A_538 : f32 to vector<16xf32>
        %parallel_loop3A_540 = arith.minimumf %parallel_loop3A_535, %parallel_loop3A_539 : vector<16xf32>
        %parallel_loop3A_541 = arith.constant 0.111111112 : f32
        %parallel_loop3A_542 = vector.broadcast %parallel_loop3A_541 : f32 to vector<16xf32>
        %parallel_loop3A_543 = arith.minimumf %parallel_loop3A_537, %parallel_loop3A_542 : vector<16xf32>
        %parallel_loop3A_544 = arith.subf %parallel_loop3A_535, %parallel_loop3A_540 : vector<16xf32>
        %parallel_loop3A_545 = arith.subf %parallel_loop3A_537, %parallel_loop3A_543 : vector<16xf32>
        %parallel_loop3A_546 = arith.addf %parallel_loop3A_544, %parallel_loop3A_545 : vector<16xf32>
        %parallel_loop3A_547 = arith.mulf %parallel_loop3A_540, %parallel_loop3A_540 : vector<16xf32>
        %parallel_loop3A_548 = arith.mulf %parallel_loop3A_543, %parallel_loop3A_543 : vector<16xf32>
        %parallel_loop3A_549 = arith.addf %parallel_loop3A_547, %parallel_loop3A_548 : vector<16xf32>
        %parallel_loop3A_550 = arith.constant 4.500000e+00 : f32
        %parallel_loop3A_551 = vector.broadcast %parallel_loop3A_550 : f32 to vector<16xf32>
        %parallel_loop3A_552 = arith.mulf %parallel_loop3A_551, %parallel_loop3A_549 : vector<16xf32>
        %parallel_loop3A_553 = arith.addf %parallel_loop3A_546, %parallel_loop3A_552 : vector<16xf32>
        %parallel_loop3A_554 = arith.mulf %parallel_loop3A_513, %parallel_loop3A_553 : vector<16xf32>
        %parallel_loop3A_555 = arith.addf %parallel_loop3A_458, %parallel_loop3A_554 : vector<16xf32>
        %parallel_loop3A_556 = arith.addf %parallel_loop3A_460, %parallel_loop3A_513 : vector<16xf32>
        %parallel_loop3A_557 = arith.constant 0 : i32
        %parallel_loop3A_558 = arith.index_cast %parallel_loop3A_456 : i32 to index
        %parallel_loop3A_559 = arith.index_cast %parallel_loop3A_557 : i32 to index
        %parallel_loop3A_560 = arith.constant 32 : index
        %parallel_loop3A_561 = tpu.vector_load %arg13[%parallel_loop3A_558, %parallel_loop3A_559, %parallel_loop3A_560] {strides = array<i32>} : memref<25x1x128xf32, #tpu.memory_space<vmem>>, vector<16xf32>,
        %parallel_loop3A_562 = arith.constant 0 : i32
        %parallel_loop3A_563 = arith.index_cast %parallel_loop3A_456 : i32 to index
        %parallel_loop3A_564 = arith.index_cast %parallel_loop3A_562 : i32 to index
        %parallel_loop3A_565 = arith.constant 32 : index
        %parallel_loop3A_566 = tpu.vector_load %arg14[%parallel_loop3A_563, %parallel_loop3A_564, %parallel_loop3A_565] {strides = array<i32>} : memref<25x1x128xf32, #tpu.memory_space<vmem>>, vector<16xf32>,
        %parallel_loop3A_567 = arith.constant 0 : i32
        %parallel_loop3A_568 = arith.index_cast %parallel_loop3A_456 : i32 to index
        %parallel_loop3A_569 = arith.index_cast %parallel_loop3A_567 : i32 to index
        %parallel_loop3A_570 = arith.constant 32 : index
        %parallel_loop3A_571 = tpu.vector_load %arg15[%parallel_loop3A_568, %parallel_loop3A_569, %parallel_loop3A_570] {strides = array<i32>} : memref<25x1x128xf32, #tpu.memory_space<vmem>>, vector<16xf32>,
        %parallel_loop3A_572 = arith.constant 0 : i32
        %parallel_loop3A_573 = arith.index_cast %parallel_loop3A_456 : i32 to index
        %parallel_loop3A_574 = arith.index_cast %parallel_loop3A_572 : i32 to index
        %parallel_loop3A_575 = arith.constant 32 : index
        %parallel_loop3A_576 = tpu.vector_load %arg16[%parallel_loop3A_573, %parallel_loop3A_574, %parallel_loop3A_575] {strides = array<i32>} : memref<25x2x128xf32, #tpu.memory_space<vmem>>, vector<16xf32>,
        %parallel_loop3A_577 = arith.constant 1 : i32
        %parallel_loop3A_578 = arith.index_cast %parallel_loop3A_456 : i32 to index
        %parallel_loop3A_579 = arith.index_cast %parallel_loop3A_577 : i32 to index
        %parallel_loop3A_580 = arith.constant 32 : index
        %parallel_loop3A_581 = tpu.vector_load %arg16[%parallel_loop3A_578, %parallel_loop3A_579, %parallel_loop3A_580] {strides = array<i32>} : memref<25x2x128xf32, #tpu.memory_space<vmem>>, vector<16xf32>,
        %parallel_loop3A_582 = arith.subf %parallel_loop3A_566, %parallel_loop3A_576 : vector<16xf32>
        %parallel_loop3A_583 = math.absf %parallel_loop3A_582 : vector<16xf32>
        %parallel_loop3A_584 = arith.subf %parallel_loop3A_571, %parallel_loop3A_581 : vector<16xf32>
        %parallel_loop3A_585 = math.absf %parallel_loop3A_584 : vector<16xf32>
        %parallel_loop3A_586 = arith.constant 0.111111112 : f32
        %parallel_loop3A_587 = vector.broadcast %parallel_loop3A_586 : f32 to vector<16xf32>
        %parallel_loop3A_588 = arith.minimumf %parallel_loop3A_583, %parallel_loop3A_587 : vector<16xf32>
        %parallel_loop3A_589 = arith.constant 0.111111112 : f32
        %parallel_loop3A_590 = vector.broadcast %parallel_loop3A_589 : f32 to vector<16xf32>
        %parallel_loop3A_591 = arith.minimumf %parallel_loop3A_585, %parallel_loop3A_590 : vector<16xf32>
        %parallel_loop3A_592 = arith.subf %parallel_loop3A_583, %parallel_loop3A_588 : vector<16xf32>
        %parallel_loop3A_593 = arith.subf %parallel_loop3A_585, %parallel_loop3A_591 : vector<16xf32>
        %parallel_loop3A_594 = arith.addf %parallel_loop3A_592, %parallel_loop3A_593 : vector<16xf32>
        %parallel_loop3A_595 = arith.mulf %parallel_loop3A_588, %parallel_loop3A_588 : vector<16xf32>
        %parallel_loop3A_596 = arith.mulf %parallel_loop3A_591, %parallel_loop3A_591 : vector<16xf32>
        %parallel_loop3A_597 = arith.addf %parallel_loop3A_595, %parallel_loop3A_596 : vector<16xf32>
        %parallel_loop3A_598 = arith.constant 4.500000e+00 : f32
        %parallel_loop3A_599 = vector.broadcast %parallel_loop3A_598 : f32 to vector<16xf32>
        %parallel_loop3A_600 = arith.mulf %parallel_loop3A_599, %parallel_loop3A_597 : vector<16xf32>
        %parallel_loop3A_601 = arith.addf %parallel_loop3A_594, %parallel_loop3A_600 : vector<16xf32>
        %parallel_loop3A_602 = arith.mulf %parallel_loop3A_561, %parallel_loop3A_601 : vector<16xf32>
        %parallel_loop3A_603 = arith.addf %parallel_loop3A_507, %parallel_loop3A_602 : vector<16xf32>
        %parallel_loop3A_604 = arith.addf %parallel_loop3A_508, %parallel_loop3A_561 : vector<16xf32>
        %parallel_loop3A_605 = arith.constant 0 : i32
        %parallel_loop3A_606 = arith.index_cast %parallel_loop3A_456 : i32 to index
        %parallel_loop3A_607 = arith.index_cast %parallel_loop3A_605 : i32 to index
        %parallel_loop3A_608 = arith.constant 48 : index
        %parallel_loop3A_609 = tpu.vector_load %arg13[%parallel_loop3A_606, %parallel_loop3A_607, %parallel_loop3A_608] {strides = array<i32>} : memref<25x1x128xf32, #tpu.memory_space<vmem>>, vector<16xf32>,
        %parallel_loop3A_610 = arith.constant 0 : i32
        %parallel_loop3A_611 = arith.index_cast %parallel_loop3A_456 : i32 to index
        %parallel_loop3A_612 = arith.index_cast %parallel_loop3A_610 : i32 to index
        %parallel_loop3A_613 = arith.constant 48 : index
        %parallel_loop3A_614 = tpu.vector_load %arg14[%parallel_loop3A_611, %parallel_loop3A_612, %parallel_loop3A_613] {strides = array<i32>} : memref<25x1x128xf32, #tpu.memory_space<vmem>>, vector<16xf32>,
        %parallel_loop3A_615 = arith.constant 0 : i32
        %parallel_loop3A_616 = arith.index_cast %parallel_loop3A_456 : i32 to index
        %parallel_loop3A_617 = arith.index_cast %parallel_loop3A_615 : i32 to index
        %parallel_loop3A_618 = arith.constant 48 : index
        %parallel_loop3A_619 = tpu.vector_load %arg15[%parallel_loop3A_616, %parallel_loop3A_617, %parallel_loop3A_618] {strides = array<i32>} : memref<25x1x128xf32, #tpu.memory_space<vmem>>, vector<16xf32>,
        %parallel_loop3A_620 = arith.constant 0 : i32
        %parallel_loop3A_621 = arith.index_cast %parallel_loop3A_456 : i32 to index
        %parallel_loop3A_622 = arith.index_cast %parallel_loop3A_620 : i32 to index
        %parallel_loop3A_623 = arith.constant 48 : index
        %parallel_loop3A_624 = tpu.vector_load %arg16[%parallel_loop3A_621, %parallel_loop3A_622, %parallel_loop3A_623] {strides = array<i32>} : memref<25x2x128xf32, #tpu.memory_space<vmem>>, vector<16xf32>,
        %parallel_loop3A_625 = arith.constant 1 : i32
        %parallel_loop3A_626 = arith.index_cast %parallel_loop3A_456 : i32 to index
        %parallel_loop3A_627 = arith.index_cast %parallel_loop3A_625 : i32 to index
        %parallel_loop3A_628 = arith.constant 48 : index
        %parallel_loop3A_629 = tpu.vector_load %arg16[%parallel_loop3A_626, %parallel_loop3A_627, %parallel_loop3A_628] {strides = array<i32>} : memref<25x2x128xf32, #tpu.memory_space<vmem>>, vector<16xf32>,
        %parallel_loop3A_630 = arith.subf %parallel_loop3A_614, %parallel_loop3A_624 : vector<16xf32>
        %parallel_loop3A_631 = math.absf %parallel_loop3A_630 : vector<16xf32>
        %parallel_loop3A_632 = arith.subf %parallel_loop3A_619, %parallel_loop3A_629 : vector<16xf32>
        %parallel_loop3A_633 = math.absf %parallel_loop3A_632 : vector<16xf32>
        %parallel_loop3A_634 = arith.constant 0.111111112 : f32
        %parallel_loop3A_635 = vector.broadcast %parallel_loop3A_634 : f32 to vector<16xf32>
        %parallel_loop3A_636 = arith.minimumf %parallel_loop3A_631, %parallel_loop3A_635 : vector<16xf32>
        %parallel_loop3A_637 = arith.constant 0.111111112 : f32
        %parallel_loop3A_638 = vector.broadcast %parallel_loop3A_637 : f32 to vector<16xf32>
        %parallel_loop3A_639 = arith.minimumf %parallel_loop3A_633, %parallel_loop3A_638 : vector<16xf32>
        %parallel_loop3A_640 = arith.subf %parallel_loop3A_631, %parallel_loop3A_636 : vector<16xf32>
        %parallel_loop3A_641 = arith.subf %parallel_loop3A_633, %parallel_loop3A_639 : vector<16xf32>
        %parallel_loop3A_642 = arith.addf %parallel_loop3A_640, %parallel_loop3A_641 : vector<16xf32>
        %parallel_loop3A_643 = arith.mulf %parallel_loop3A_636, %parallel_loop3A_636 : vector<16xf32>
        %parallel_loop3A_644 = arith.mulf %parallel_loop3A_639, %parallel_loop3A_639 : vector<16xf32>
        %parallel_loop3A_645 = arith.addf %parallel_loop3A_643, %parallel_loop3A_644 : vector<16xf32>
        %parallel_loop3A_646 = arith.constant 4.500000e+00 : f32
        %parallel_loop3A_647 = vector.broadcast %parallel_loop3A_646 : f32 to vector<16xf32>
        %parallel_loop3A_648 = arith.mulf %parallel_loop3A_647, %parallel_loop3A_645 : vector<16xf32>
        %parallel_loop3A_649 = arith.addf %parallel_loop3A_642, %parallel_loop3A_648 : vector<16xf32>
        %parallel_loop3A_650 = arith.mulf %parallel_loop3A_609, %parallel_loop3A_649 : vector<16xf32>
        %parallel_loop3A_651 = arith.addf %parallel_loop3A_555, %parallel_loop3A_650 : vector<16xf32>
        %parallel_loop3A_652 = arith.addf %parallel_loop3A_556, %parallel_loop3A_609 : vector<16xf32>
        %parallel_loop3A_653 = arith.constant 0 : i32
        %parallel_loop3A_654 = arith.index_cast %parallel_loop3A_456 : i32 to index
        %parallel_loop3A_655 = arith.index_cast %parallel_loop3A_653 : i32 to index
        %parallel_loop3A_656 = arith.constant 64 : index
        %parallel_loop3A_657 = tpu.vector_load %arg13[%parallel_loop3A_654, %parallel_loop3A_655, %parallel_loop3A_656] {strides = array<i32>} : memref<25x1x128xf32, #tpu.memory_space<vmem>>, vector<16xf32>,
        %parallel_loop3A_658 = arith.constant 0 : i32
        %parallel_loop3A_659 = arith.index_cast %parallel_loop3A_456 : i32 to index
        %parallel_loop3A_660 = arith.index_cast %parallel_loop3A_658 : i32 to index
        %parallel_loop3A_661 = arith.constant 64 : index
        %parallel_loop3A_662 = tpu.vector_load %arg14[%parallel_loop3A_659, %parallel_loop3A_660, %parallel_loop3A_661] {strides = array<i32>} : memref<25x1x128xf32, #tpu.memory_space<vmem>>, vector<16xf32>,
        %parallel_loop3A_663 = arith.constant 0 : i32
        %parallel_loop3A_664 = arith.index_cast %parallel_loop3A_456 : i32 to index
        %parallel_loop3A_665 = arith.index_cast %parallel_loop3A_663 : i32 to index
        %parallel_loop3A_666 = arith.constant 64 : index
        %parallel_loop3A_667 = tpu.vector_load %arg15[%parallel_loop3A_664, %parallel_loop3A_665, %parallel_loop3A_666] {strides = array<i32>} : memref<25x1x128xf32, #tpu.memory_space<vmem>>, vector<16xf32>,
        %parallel_loop3A_668 = arith.constant 0 : i32
        %parallel_loop3A_669 = arith.index_cast %parallel_loop3A_456 : i32 to index
        %parallel_loop3A_670 = arith.index_cast %parallel_loop3A_668 : i32 to index
        %parallel_loop3A_671 = arith.constant 64 : index
        %parallel_loop3A_672 = tpu.vector_load %arg16[%parallel_loop3A_669, %parallel_loop3A_670, %parallel_loop3A_671] {strides = array<i32>} : memref<25x2x128xf32, #tpu.memory_space<vmem>>, vector<16xf32>,
        %parallel_loop3A_673 = arith.constant 1 : i32
        %parallel_loop3A_674 = arith.index_cast %parallel_loop3A_456 : i32 to index
        %parallel_loop3A_675 = arith.index_cast %parallel_loop3A_673 : i32 to index
        %parallel_loop3A_676 = arith.constant 64 : index
        %parallel_loop3A_677 = tpu.vector_load %arg16[%parallel_loop3A_674, %parallel_loop3A_675, %parallel_loop3A_676] {strides = array<i32>} : memref<25x2x128xf32, #tpu.memory_space<vmem>>, vector<16xf32>,
        %parallel_loop3A_678 = arith.subf %parallel_loop3A_662, %parallel_loop3A_672 : vector<16xf32>
        %parallel_loop3A_679 = math.absf %parallel_loop3A_678 : vector<16xf32>
        %parallel_loop3A_680 = arith.subf %parallel_loop3A_667, %parallel_loop3A_677 : vector<16xf32>
        %parallel_loop3A_681 = math.absf %parallel_loop3A_680 : vector<16xf32>
        %parallel_loop3A_682 = arith.constant 0.111111112 : f32
        %parallel_loop3A_683 = vector.broadcast %parallel_loop3A_682 : f32 to vector<16xf32>
        %parallel_loop3A_684 = arith.minimumf %parallel_loop3A_679, %parallel_loop3A_683 : vector<16xf32>
        %parallel_loop3A_685 = arith.constant 0.111111112 : f32
        %parallel_loop3A_686 = vector.broadcast %parallel_loop3A_685 : f32 to vector<16xf32>
        %parallel_loop3A_687 = arith.minimumf %parallel_loop3A_681, %parallel_loop3A_686 : vector<16xf32>
        %parallel_loop3A_688 = arith.subf %parallel_loop3A_679, %parallel_loop3A_684 : vector<16xf32>
        %parallel_loop3A_689 = arith.subf %parallel_loop3A_681, %parallel_loop3A_687 : vector<16xf32>
        %parallel_loop3A_690 = arith.addf %parallel_loop3A_688, %parallel_loop3A_689 : vector<16xf32>
        %parallel_loop3A_691 = arith.mulf %parallel_loop3A_684, %parallel_loop3A_684 : vector<16xf32>
        %parallel_loop3A_692 = arith.mulf %parallel_loop3A_687, %parallel_loop3A_687 : vector<16xf32>
        %parallel_loop3A_693 = arith.addf %parallel_loop3A_691, %parallel_loop3A_692 : vector<16xf32>
        %parallel_loop3A_694 = arith.constant 4.500000e+00 : f32
        %parallel_loop3A_695 = vector.broadcast %parallel_loop3A_694 : f32 to vector<16xf32>
        %parallel_loop3A_696 = arith.mulf %parallel_loop3A_695, %parallel_loop3A_693 : vector<16xf32>
        %parallel_loop3A_697 = arith.addf %parallel_loop3A_690, %parallel_loop3A_696 : vector<16xf32>
        %parallel_loop3A_698 = arith.mulf %parallel_loop3A_657, %parallel_loop3A_697 : vector<16xf32>
        %parallel_loop3A_699 = arith.addf %parallel_loop3A_603, %parallel_loop3A_698 : vector<16xf32>
        %parallel_loop3A_700 = arith.addf %parallel_loop3A_604, %parallel_loop3A_657 : vector<16xf32>
        %parallel_loop3A_701 = arith.constant 0 : i32
        %parallel_loop3A_702 = arith.index_cast %parallel_loop3A_456 : i32 to index
        %parallel_loop3A_703 = arith.index_cast %parallel_loop3A_701 : i32 to index
        %parallel_loop3A_704 = arith.constant 80 : index
        %parallel_loop3A_705 = tpu.vector_load %arg13[%parallel_loop3A_702, %parallel_loop3A_703, %parallel_loop3A_704] {strides = array<i32>} : memref<25x1x128xf32, #tpu.memory_space<vmem>>, vector<16xf32>,
        %parallel_loop3A_706 = arith.constant 0 : i32
        %parallel_loop3A_707 = arith.index_cast %parallel_loop3A_456 : i32 to index
        %parallel_loop3A_708 = arith.index_cast %parallel_loop3A_706 : i32 to index
        %parallel_loop3A_709 = arith.constant 80 : index
        %parallel_loop3A_710 = tpu.vector_load %arg14[%parallel_loop3A_707, %parallel_loop3A_708, %parallel_loop3A_709] {strides = array<i32>} : memref<25x1x128xf32, #tpu.memory_space<vmem>>, vector<16xf32>,
        %parallel_loop3A_711 = arith.constant 0 : i32
        %parallel_loop3A_712 = arith.index_cast %parallel_loop3A_456 : i32 to index
        %parallel_loop3A_713 = arith.index_cast %parallel_loop3A_711 : i32 to index
        %parallel_loop3A_714 = arith.constant 80 : index
        %parallel_loop3A_715 = tpu.vector_load %arg15[%parallel_loop3A_712, %parallel_loop3A_713, %parallel_loop3A_714] {strides = array<i32>} : memref<25x1x128xf32, #tpu.memory_space<vmem>>, vector<16xf32>,
        %parallel_loop3A_716 = arith.constant 0 : i32
        %parallel_loop3A_717 = arith.index_cast %parallel_loop3A_456 : i32 to index
        %parallel_loop3A_718 = arith.index_cast %parallel_loop3A_716 : i32 to index
        %parallel_loop3A_719 = arith.constant 80 : index
        %parallel_loop3A_720 = tpu.vector_load %arg16[%parallel_loop3A_717, %parallel_loop3A_718, %parallel_loop3A_719] {strides = array<i32>} : memref<25x2x128xf32, #tpu.memory_space<vmem>>, vector<16xf32>,
        %parallel_loop3A_721 = arith.constant 1 : i32
        %parallel_loop3A_722 = arith.index_cast %parallel_loop3A_456 : i32 to index
        %parallel_loop3A_723 = arith.index_cast %parallel_loop3A_721 : i32 to index
        %parallel_loop3A_724 = arith.constant 80 : index
        %parallel_loop3A_725 = tpu.vector_load %arg16[%parallel_loop3A_722, %parallel_loop3A_723, %parallel_loop3A_724] {strides = array<i32>} : memref<25x2x128xf32, #tpu.memory_space<vmem>>, vector<16xf32>,
        %parallel_loop3A_726 = arith.subf %parallel_loop3A_710, %parallel_loop3A_720 : vector<16xf32>
        %parallel_loop3A_727 = math.absf %parallel_loop3A_726 : vector<16xf32>
        %parallel_loop3A_728 = arith.subf %parallel_loop3A_715, %parallel_loop3A_725 : vector<16xf32>
        %parallel_loop3A_729 = math.absf %parallel_loop3A_728 : vector<16xf32>
        %parallel_loop3A_730 = arith.constant 0.111111112 : f32
        %parallel_loop3A_731 = vector.broadcast %parallel_loop3A_730 : f32 to vector<16xf32>
        %parallel_loop3A_732 = arith.minimumf %parallel_loop3A_727, %parallel_loop3A_731 : vector<16xf32>
        %parallel_loop3A_733 = arith.constant 0.111111112 : f32
        %parallel_loop3A_734 = vector.broadcast %parallel_loop3A_733 : f32 to vector<16xf32>
        %parallel_loop3A_735 = arith.minimumf %parallel_loop3A_729, %parallel_loop3A_734 : vector<16xf32>
        %parallel_loop3A_736 = arith.subf %parallel_loop3A_727, %parallel_loop3A_732 : vector<16xf32>
        %parallel_loop3A_737 = arith.subf %parallel_loop3A_729, %parallel_loop3A_735 : vector<16xf32>
        %parallel_loop3A_738 = arith.addf %parallel_loop3A_736, %parallel_loop3A_737 : vector<16xf32>
        %parallel_loop3A_739 = arith.mulf %parallel_loop3A_732, %parallel_loop3A_732 : vector<16xf32>
        %parallel_loop3A_740 = arith.mulf %parallel_loop3A_735, %parallel_loop3A_735 : vector<16xf32>
        %parallel_loop3A_741 = arith.addf %parallel_loop3A_739, %parallel_loop3A_740 : vector<16xf32>
        %parallel_loop3A_742 = arith.constant 4.500000e+00 : f32
        %parallel_loop3A_743 = vector.broadcast %parallel_loop3A_742 : f32 to vector<16xf32>
        %parallel_loop3A_744 = arith.mulf %parallel_loop3A_743, %parallel_loop3A_741 : vector<16xf32>
        %parallel_loop3A_745 = arith.addf %parallel_loop3A_738, %parallel_loop3A_744 : vector<16xf32>
        %parallel_loop3A_746 = arith.mulf %parallel_loop3A_705, %parallel_loop3A_745 : vector<16xf32>
        %parallel_loop3A_747 = arith.addf %parallel_loop3A_651, %parallel_loop3A_746 : vector<16xf32>
        %parallel_loop3A_748 = arith.addf %parallel_loop3A_652, %parallel_loop3A_705 : vector<16xf32>
        %parallel_loop3A_749 = arith.constant 0 : i32
        %parallel_loop3A_750 = arith.index_cast %parallel_loop3A_456 : i32 to index
        %parallel_loop3A_751 = arith.index_cast %parallel_loop3A_749 : i32 to index
        %parallel_loop3A_752 = arith.constant 96 : index
        %parallel_loop3A_753 = tpu.vector_load %arg13[%parallel_loop3A_750, %parallel_loop3A_751, %parallel_loop3A_752] {strides = array<i32>} : memref<25x1x128xf32, #tpu.memory_space<vmem>>, vector<16xf32>,
        %parallel_loop3A_754 = arith.constant 0 : i32
        %parallel_loop3A_755 = arith.index_cast %parallel_loop3A_456 : i32 to index
        %parallel_loop3A_756 = arith.index_cast %parallel_loop3A_754 : i32 to index
        %parallel_loop3A_757 = arith.constant 96 : index
        %parallel_loop3A_758 = tpu.vector_load %arg14[%parallel_loop3A_755, %parallel_loop3A_756, %parallel_loop3A_757] {strides = array<i32>} : memref<25x1x128xf32, #tpu.memory_space<vmem>>, vector<16xf32>,
        %parallel_loop3A_759 = arith.constant 0 : i32
        %parallel_loop3A_760 = arith.index_cast %parallel_loop3A_456 : i32 to index
        %parallel_loop3A_761 = arith.index_cast %parallel_loop3A_759 : i32 to index
        %parallel_loop3A_762 = arith.constant 96 : index
        %parallel_loop3A_763 = tpu.vector_load %arg15[%parallel_loop3A_760, %parallel_loop3A_761, %parallel_loop3A_762] {strides = array<i32>} : memref<25x1x128xf32, #tpu.memory_space<vmem>>, vector<16xf32>,
        %parallel_loop3A_764 = arith.constant 0 : i32
        %parallel_loop3A_765 = arith.index_cast %parallel_loop3A_456 : i32 to index
        %parallel_loop3A_766 = arith.index_cast %parallel_loop3A_764 : i32 to index
        %parallel_loop3A_767 = arith.constant 96 : index
        %parallel_loop3A_768 = tpu.vector_load %arg16[%parallel_loop3A_765, %parallel_loop3A_766, %parallel_loop3A_767] {strides = array<i32>} : memref<25x2x128xf32, #tpu.memory_space<vmem>>, vector<16xf32>,
        %parallel_loop3A_769 = arith.constant 1 : i32
        %parallel_loop3A_770 = arith.index_cast %parallel_loop3A_456 : i32 to index
        %parallel_loop3A_771 = arith.index_cast %parallel_loop3A_769 : i32 to index
        %parallel_loop3A_772 = arith.constant 96 : index
        %parallel_loop3A_773 = tpu.vector_load %arg16[%parallel_loop3A_770, %parallel_loop3A_771, %parallel_loop3A_772] {strides = array<i32>} : memref<25x2x128xf32, #tpu.memory_space<vmem>>, vector<16xf32>,
        %parallel_loop3A_774 = arith.subf %parallel_loop3A_758, %parallel_loop3A_768 : vector<16xf32>
        %parallel_loop3A_775 = math.absf %parallel_loop3A_774 : vector<16xf32>
        %parallel_loop3A_776 = arith.subf %parallel_loop3A_763, %parallel_loop3A_773 : vector<16xf32>
        %parallel_loop3A_777 = math.absf %parallel_loop3A_776 : vector<16xf32>
        %parallel_loop3A_778 = arith.constant 0.111111112 : f32
        %parallel_loop3A_779 = vector.broadcast %parallel_loop3A_778 : f32 to vector<16xf32>
        %parallel_loop3A_780 = arith.minimumf %parallel_loop3A_775, %parallel_loop3A_779 : vector<16xf32>
        %parallel_loop3A_781 = arith.constant 0.111111112 : f32
        %parallel_loop3A_782 = vector.broadcast %parallel_loop3A_781 : f32 to vector<16xf32>
        %parallel_loop3A_783 = arith.minimumf %parallel_loop3A_777, %parallel_loop3A_782 : vector<16xf32>
        %parallel_loop3A_784 = arith.subf %parallel_loop3A_775, %parallel_loop3A_780 : vector<16xf32>
        %parallel_loop3A_785 = arith.subf %parallel_loop3A_777, %parallel_loop3A_783 : vector<16xf32>
        %parallel_loop3A_786 = arith.addf %parallel_loop3A_784, %parallel_loop3A_785 : vector<16xf32>
        %parallel_loop3A_787 = arith.mulf %parallel_loop3A_780, %parallel_loop3A_780 : vector<16xf32>
        %parallel_loop3A_788 = arith.mulf %parallel_loop3A_783, %parallel_loop3A_783 : vector<16xf32>
        %parallel_loop3A_789 = arith.addf %parallel_loop3A_787, %parallel_loop3A_788 : vector<16xf32>
        %parallel_loop3A_790 = arith.constant 4.500000e+00 : f32
        %parallel_loop3A_791 = vector.broadcast %parallel_loop3A_790 : f32 to vector<16xf32>
        %parallel_loop3A_792 = arith.mulf %parallel_loop3A_791, %parallel_loop3A_789 : vector<16xf32>
        %parallel_loop3A_793 = arith.addf %parallel_loop3A_786, %parallel_loop3A_792 : vector<16xf32>
        %parallel_loop3A_794 = arith.mulf %parallel_loop3A_753, %parallel_loop3A_793 : vector<16xf32>
        %parallel_loop3A_795 = arith.addf %parallel_loop3A_699, %parallel_loop3A_794 : vector<16xf32>
        %parallel_loop3A_796 = arith.addf %parallel_loop3A_700, %parallel_loop3A_753 : vector<16xf32>
        %parallel_loop3A_797 = arith.constant 0 : i32
        %parallel_loop3A_798 = arith.index_cast %parallel_loop3A_456 : i32 to index
        %parallel_loop3A_799 = arith.index_cast %parallel_loop3A_797 : i32 to index
        %parallel_loop3A_800 = arith.constant 112 : index
        %parallel_loop3A_801 = tpu.vector_load %arg13[%parallel_loop3A_798, %parallel_loop3A_799, %parallel_loop3A_800] {strides = array<i32>} : memref<25x1x128xf32, #tpu.memory_space<vmem>>, vector<16xf32>,
        %parallel_loop3A_802 = arith.constant 0 : i32
        %parallel_loop3A_803 = arith.index_cast %parallel_loop3A_456 : i32 to index
        %parallel_loop3A_804 = arith.index_cast %parallel_loop3A_802 : i32 to index
        %parallel_loop3A_805 = arith.constant 112 : index
        %parallel_loop3A_806 = tpu.vector_load %arg14[%parallel_loop3A_803, %parallel_loop3A_804, %parallel_loop3A_805] {strides = array<i32>} : memref<25x1x128xf32, #tpu.memory_space<vmem>>, vector<16xf32>,
        %parallel_loop3A_807 = arith.constant 0 : i32
        %parallel_loop3A_808 = arith.index_cast %parallel_loop3A_456 : i32 to index
        %parallel_loop3A_809 = arith.index_cast %parallel_loop3A_807 : i32 to index
        %parallel_loop3A_810 = arith.constant 112 : index
        %parallel_loop3A_811 = tpu.vector_load %arg15[%parallel_loop3A_808, %parallel_loop3A_809, %parallel_loop3A_810] {strides = array<i32>} : memref<25x1x128xf32, #tpu.memory_space<vmem>>, vector<16xf32>,
        %parallel_loop3A_812 = arith.constant 0 : i32
        %parallel_loop3A_813 = arith.index_cast %parallel_loop3A_456 : i32 to index
        %parallel_loop3A_814 = arith.index_cast %parallel_loop3A_812 : i32 to index
        %parallel_loop3A_815 = arith.constant 112 : index
        %parallel_loop3A_816 = tpu.vector_load %arg16[%parallel_loop3A_813, %parallel_loop3A_814, %parallel_loop3A_815] {strides = array<i32>} : memref<25x2x128xf32, #tpu.memory_space<vmem>>, vector<16xf32>,
        %parallel_loop3A_817 = arith.constant 1 : i32
        %parallel_loop3A_818 = arith.index_cast %parallel_loop3A_456 : i32 to index
        %parallel_loop3A_819 = arith.index_cast %parallel_loop3A_817 : i32 to index
        %parallel_loop3A_820 = arith.constant 112 : index
        %parallel_loop3A_821 = tpu.vector_load %arg16[%parallel_loop3A_818, %parallel_loop3A_819, %parallel_loop3A_820] {strides = array<i32>} : memref<25x2x128xf32, #tpu.memory_space<vmem>>, vector<16xf32>,
        %parallel_loop3A_822 = arith.subf %parallel_loop3A_806, %parallel_loop3A_816 : vector<16xf32>
        %parallel_loop3A_823 = math.absf %parallel_loop3A_822 : vector<16xf32>
        %parallel_loop3A_824 = arith.subf %parallel_loop3A_811, %parallel_loop3A_821 : vector<16xf32>
        %parallel_loop3A_825 = math.absf %parallel_loop3A_824 : vector<16xf32>
        %parallel_loop3A_826 = arith.constant 0.111111112 : f32
        %parallel_loop3A_827 = vector.broadcast %parallel_loop3A_826 : f32 to vector<16xf32>
        %parallel_loop3A_828 = arith.minimumf %parallel_loop3A_823, %parallel_loop3A_827 : vector<16xf32>
        %parallel_loop3A_829 = arith.constant 0.111111112 : f32
        %parallel_loop3A_830 = vector.broadcast %parallel_loop3A_829 : f32 to vector<16xf32>
        %parallel_loop3A_831 = arith.minimumf %parallel_loop3A_825, %parallel_loop3A_830 : vector<16xf32>
        %parallel_loop3A_832 = arith.subf %parallel_loop3A_823, %parallel_loop3A_828 : vector<16xf32>
        %parallel_loop3A_833 = arith.subf %parallel_loop3A_825, %parallel_loop3A_831 : vector<16xf32>
        %parallel_loop3A_834 = arith.addf %parallel_loop3A_832, %parallel_loop3A_833 : vector<16xf32>
        %parallel_loop3A_835 = arith.mulf %parallel_loop3A_828, %parallel_loop3A_828 : vector<16xf32>
        %parallel_loop3A_836 = arith.mulf %parallel_loop3A_831, %parallel_loop3A_831 : vector<16xf32>
        %parallel_loop3A_837 = arith.addf %parallel_loop3A_835, %parallel_loop3A_836 : vector<16xf32>
        %parallel_loop3A_838 = arith.constant 4.500000e+00 : f32
        %parallel_loop3A_839 = vector.broadcast %parallel_loop3A_838 : f32 to vector<16xf32>
        %parallel_loop3A_840 = arith.mulf %parallel_loop3A_839, %parallel_loop3A_837 : vector<16xf32>
        %parallel_loop3A_841 = arith.addf %parallel_loop3A_834, %parallel_loop3A_840 : vector<16xf32>
        %parallel_loop3A_842 = arith.mulf %parallel_loop3A_801, %parallel_loop3A_841 : vector<16xf32>
        %parallel_loop3A_843 = arith.addf %parallel_loop3A_747, %parallel_loop3A_842 : vector<16xf32>
        %parallel_loop3A_844 = arith.addf %parallel_loop3A_748, %parallel_loop3A_801 : vector<16xf32>
        scf.yield %parallel_loop3A_795, %parallel_loop3A_843, %parallel_loop3A_796, %parallel_loop3A_844 : vector<16xf32>, vector<16xf32>, vector<16xf32>, vector<16xf32>
      } {sc.loop_unroll_factor = 1 : i64, sc.parallel_access}
      %add3A_404 = arith.constant 4 : i32
      %add3A_405 = arith.addi %add3A_367, %add3A_404 : i32
      %lt3A_406 = arith.cmpi slt, %add3A_405, %select_n3A : i32
      %convert_element_type3A_407 = arith.extui %lt3A_406 : i1 to i32
      %cond3A_408 = arith.constant 0 : i32
      %cond3A_409 = arith.cmpi ne, %convert_element_type3A_407, %cond3A_408 : i32
      scf.if %cond3A_409 {
        %add3A_456 = arith.constant 4 : i32
        %add3A_457 = arith.addi %add3A_367, %add3A_456 : i32
        %mul3A_458 = arith.constant 32 : i32
        %mul3A_459 = arith.muli %add3A_457, %mul3A_458 : i32
        %add3A_460 = arith.addi %add3A, %mul3A_459 : i32
        %mul3A_461 = arith.constant 25 : i32
        %mul3A_462 = arith.muli %add3A_460, %mul3A_461 : i32
        %dma_start3A_463 = arith.constant 0 : i32
        %dma_start3A_464 = arith.constant 0 : i32
        %dma_start3A_465 = tpu.memref_slice %arg2[%mul3A_462, %dma_start3A_463, %dma_start3A_464] : memref<46875x1x128xf32, #tpu.memory_space<hbm>> -> memref<25x1x128xf32, #tpu.memory_space<hbm>>
        %dma_start3A_466 = arith.constant 0 : i32
        %dma_start3A_467 = arith.constant 0 : i32
        %dma_start3A_468 = tpu.memref_slice %arg2[%mul3A_462, %dma_start3A_466, %dma_start3A_467] : memref<46875x1x128xf32, #tpu.memory_space<hbm>> -> memref<25x1x128xf32, #tpu.memory_space<hbm>>
        tpu.enqueue_dma source(%dma_start3A_468 : memref<25x1x128xf32, #tpu.memory_space<hbm>>) target(%arg13 : memref<25x1x128xf32, #tpu.memory_space<vmem>>) target_semaphore(%arg24 : memref<!tpu.dma_semaphore, #tpu.memory_space<semaphore_mem>>)
        %add3A_469 = arith.constant 15625 : i32
        %add3A_470 = arith.addi %add3A_469, %mul3A_462 : i32
        %dma_start3A_471 = arith.constant 0 : i32
        %dma_start3A_472 = arith.constant 0 : i32
        %dma_start3A_473 = tpu.memref_slice %arg2[%add3A_470, %dma_start3A_471, %dma_start3A_472] : memref<46875x1x128xf32, #tpu.memory_space<hbm>> -> memref<25x1x128xf32, #tpu.memory_space<hbm>>
        %dma_start3A_474 = arith.constant 0 : i32
        %dma_start3A_475 = arith.constant 0 : i32
        %dma_start3A_476 = tpu.memref_slice %arg2[%add3A_470, %dma_start3A_474, %dma_start3A_475] : memref<46875x1x128xf32, #tpu.memory_space<hbm>> -> memref<25x1x128xf32, #tpu.memory_space<hbm>>
        tpu.enqueue_dma source(%dma_start3A_476 : memref<25x1x128xf32, #tpu.memory_space<hbm>>) target(%arg14 : memref<25x1x128xf32, #tpu.memory_space<vmem>>) target_semaphore(%arg24 : memref<!tpu.dma_semaphore, #tpu.memory_space<semaphore_mem>>)
        %add3A_477 = arith.constant 31250 : i32
        %add3A_478 = arith.addi %add3A_477, %mul3A_462 : i32
        %dma_start3A_479 = arith.constant 0 : i32
        %dma_start3A_480 = arith.constant 0 : i32
        %dma_start3A_481 = tpu.memref_slice %arg2[%add3A_478, %dma_start3A_479, %dma_start3A_480] : memref<46875x1x128xf32, #tpu.memory_space<hbm>> -> memref<25x1x128xf32, #tpu.memory_space<hbm>>
        %dma_start3A_482 = arith.constant 0 : i32
        %dma_start3A_483 = arith.constant 0 : i32
        %dma_start3A_484 = tpu.memref_slice %arg2[%add3A_478, %dma_start3A_482, %dma_start3A_483] : memref<46875x1x128xf32, #tpu.memory_space<hbm>> -> memref<25x1x128xf32, #tpu.memory_space<hbm>>
        tpu.enqueue_dma source(%dma_start3A_484 : memref<25x1x128xf32, #tpu.memory_space<hbm>>) target(%arg15 : memref<25x1x128xf32, #tpu.memory_space<vmem>>) target_semaphore(%arg24 : memref<!tpu.dma_semaphore, #tpu.memory_space<semaphore_mem>>)
        %dma_start3A_485 = arith.constant 0 : i32
        %dma_start3A_486 = arith.constant 0 : i32
        %dma_start3A_487 = tpu.memref_slice %arg3[%mul3A_462, %dma_start3A_485, %dma_start3A_486] : memref<15625x2x128xf32, #tpu.memory_space<hbm>> -> memref<25x2x128xf32, #tpu.memory_space<hbm>>
        %dma_start3A_488 = arith.constant 0 : i32
        %dma_start3A_489 = arith.constant 0 : i32
        %dma_start3A_490 = tpu.memref_slice %arg3[%mul3A_462, %dma_start3A_488, %dma_start3A_489] : memref<15625x2x128xf32, #tpu.memory_space<hbm>> -> memref<25x2x128xf32, #tpu.memory_space<hbm>>
        tpu.enqueue_dma source(%dma_start3A_490 : memref<25x2x128xf32, #tpu.memory_space<hbm>>) target(%arg16 : memref<25x2x128xf32, #tpu.memory_space<vmem>>) target_semaphore(%arg24 : memref<!tpu.dma_semaphore, #tpu.memory_space<semaphore_mem>>)
      } else {
      }
      %mul3A_410 = arith.constant 4 : i32
      %mul3A_411 = arith.muli %scan3A_268, %mul3A_410 : i32
      %add3A_412 = arith.constant 3 : i32
      %add3A_413 = arith.addi %mul3A_411, %add3A_412 : i32
      %dma_wait3A_414 = arith.constant 0 : i32
      %dma_wait3A_415 = arith.constant 0 : i32
      %dma_wait3A_416 = arith.constant 0 : i32
      %dma_wait3A_417 = tpu.memref_slice %arg2[%dma_wait3A_414, %dma_wait3A_415, %dma_wait3A_416] : memref<46875x1x128xf32, #tpu.memory_space<hbm>> -> memref<25x1x128xf32, #tpu.memory_space<hbm>>
      %dma_wait3A_418 = arith.constant 0 : i32
      %dma_wait3A_419 = arith.constant 0 : i32
      %dma_wait3A_420 = arith.constant 0 : i32
      %dma_wait3A_421 = tpu.memref_slice %arg2[%dma_wait3A_418, %dma_wait3A_419, %dma_wait3A_420] : memref<46875x1x128xf32, #tpu.memory_space<hbm>> -> memref<25x1x128xf32, #tpu.memory_space<hbm>>
      tpu.wait_dma2 semaphore(%arg25 : memref<!tpu.dma_semaphore, #tpu.memory_space<semaphore_mem>>) src(%dma_wait3A_421 : memref<25x1x128xf32, #tpu.memory_space<hbm>>) dst(%arg17 : memref<25x1x128xf32, #tpu.memory_space<vmem>>)
      %dma_wait3A_422 = arith.constant 0 : i32
      %dma_wait3A_423 = arith.constant 0 : i32
      %dma_wait3A_424 = arith.constant 0 : i32
      %dma_wait3A_425 = tpu.memref_slice %arg2[%dma_wait3A_422, %dma_wait3A_423, %dma_wait3A_424] : memref<46875x1x128xf32, #tpu.memory_space<hbm>> -> memref<25x1x128xf32, #tpu.memory_space<hbm>>
      %dma_wait3A_426 = arith.constant 0 : i32
      %dma_wait3A_427 = arith.constant 0 : i32
      %dma_wait3A_428 = arith.constant 0 : i32
      %dma_wait3A_429 = tpu.memref_slice %arg2[%dma_wait3A_426, %dma_wait3A_427, %dma_wait3A_428] : memref<46875x1x128xf32, #tpu.memory_space<hbm>> -> memref<25x1x128xf32, #tpu.memory_space<hbm>>
      tpu.wait_dma2 semaphore(%arg25 : memref<!tpu.dma_semaphore, #tpu.memory_space<semaphore_mem>>) src(%dma_wait3A_429 : memref<25x1x128xf32, #tpu.memory_space<hbm>>) dst(%arg18 : memref<25x1x128xf32, #tpu.memory_space<vmem>>)
      %dma_wait3A_430 = arith.constant 0 : i32
      %dma_wait3A_431 = arith.constant 0 : i32
      %dma_wait3A_432 = arith.constant 0 : i32
      %dma_wait3A_433 = tpu.memref_slice %arg2[%dma_wait3A_430, %dma_wait3A_431, %dma_wait3A_432] : memref<46875x1x128xf32, #tpu.memory_space<hbm>> -> memref<25x1x128xf32, #tpu.memory_space<hbm>>
      %dma_wait3A_434 = arith.constant 0 : i32
      %dma_wait3A_435 = arith.constant 0 : i32
      %dma_wait3A_436 = arith.constant 0 : i32
      %dma_wait3A_437 = tpu.memref_slice %arg2[%dma_wait3A_434, %dma_wait3A_435, %dma_wait3A_436] : memref<46875x1x128xf32, #tpu.memory_space<hbm>> -> memref<25x1x128xf32, #tpu.memory_space<hbm>>
      tpu.wait_dma2 semaphore(%arg25 : memref<!tpu.dma_semaphore, #tpu.memory_space<semaphore_mem>>) src(%dma_wait3A_437 : memref<25x1x128xf32, #tpu.memory_space<hbm>>) dst(%arg19 : memref<25x1x128xf32, #tpu.memory_space<vmem>>)
      %dma_wait3A_438 = arith.constant 0 : i32
      %dma_wait3A_439 = arith.constant 0 : i32
      %dma_wait3A_440 = arith.constant 0 : i32
      %dma_wait3A_441 = tpu.memref_slice %arg3[%dma_wait3A_438, %dma_wait3A_439, %dma_wait3A_440] : memref<15625x2x128xf32, #tpu.memory_space<hbm>> -> memref<25x2x128xf32, #tpu.memory_space<hbm>>
      %dma_wait3A_442 = arith.constant 0 : i32
      %dma_wait3A_443 = arith.constant 0 : i32
      %dma_wait3A_444 = arith.constant 0 : i32
      %dma_wait3A_445 = tpu.memref_slice %arg3[%dma_wait3A_442, %dma_wait3A_443, %dma_wait3A_444] : memref<15625x2x128xf32, #tpu.memory_space<hbm>> -> memref<25x2x128xf32, #tpu.memory_space<hbm>>
      tpu.wait_dma2 semaphore(%arg25 : memref<!tpu.dma_semaphore, #tpu.memory_space<semaphore_mem>>) src(%dma_wait3A_445 : memref<25x2x128xf32, #tpu.memory_space<hbm>>) dst(%arg20 : memref<25x2x128xf32, #tpu.memory_space<vmem>>)
      %parallel_loop3A_446 = arith.constant 0 : i32
      %parallel_loop3A_447 = arith.constant 25 : i32
      %parallel_loop3A_448 = arith.constant 1 : i32
      %parallel_loop3A_449:4 = scf.for %parallel_loop3A_456 = %parallel_loop3A_446 to %parallel_loop3A_447 step %parallel_loop3A_448 iter_args(%parallel_loop3A_457 = %parallel_loop3A_403#0, %parallel_loop3A_458 = %parallel_loop3A_403#1, %parallel_loop3A_459 = %parallel_loop3A_403#2, %parallel_loop3A_460 = %parallel_loop3A_403#3) -> (vector<16xf32>, vector<16xf32>, vector<16xf32>, vector<16xf32>)  : i32 {
        %parallel_loop3A_461 = arith.constant 0 : i32
        %parallel_loop3A_462 = arith.index_cast %parallel_loop3A_456 : i32 to index
        %parallel_loop3A_463 = arith.index_cast %parallel_loop3A_461 : i32 to index
        %parallel_loop3A_464 = arith.constant 0 : index
        %parallel_loop3A_465 = tpu.vector_load %arg17[%parallel_loop3A_462, %parallel_loop3A_463, %parallel_loop3A_464] {strides = array<i32>} : memref<25x1x128xf32, #tpu.memory_space<vmem>>, vector<16xf32>,
        %parallel_loop3A_466 = arith.constant 0 : i32
        %parallel_loop3A_467 = arith.index_cast %parallel_loop3A_456 : i32 to index
        %parallel_loop3A_468 = arith.index_cast %parallel_loop3A_466 : i32 to index
        %parallel_loop3A_469 = arith.constant 0 : index
        %parallel_loop3A_470 = tpu.vector_load %arg18[%parallel_loop3A_467, %parallel_loop3A_468, %parallel_loop3A_469] {strides = array<i32>} : memref<25x1x128xf32, #tpu.memory_space<vmem>>, vector<16xf32>,
        %parallel_loop3A_471 = arith.constant 0 : i32
        %parallel_loop3A_472 = arith.index_cast %parallel_loop3A_456 : i32 to index
        %parallel_loop3A_473 = arith.index_cast %parallel_loop3A_471 : i32 to index
        %parallel_loop3A_474 = arith.constant 0 : index
        %parallel_loop3A_475 = tpu.vector_load %arg19[%parallel_loop3A_472, %parallel_loop3A_473, %parallel_loop3A_474] {strides = array<i32>} : memref<25x1x128xf32, #tpu.memory_space<vmem>>, vector<16xf32>,
        %parallel_loop3A_476 = arith.constant 0 : i32
        %parallel_loop3A_477 = arith.index_cast %parallel_loop3A_456 : i32 to index
        %parallel_loop3A_478 = arith.index_cast %parallel_loop3A_476 : i32 to index
        %parallel_loop3A_479 = arith.constant 0 : index
        %parallel_loop3A_480 = tpu.vector_load %arg20[%parallel_loop3A_477, %parallel_loop3A_478, %parallel_loop3A_479] {strides = array<i32>} : memref<25x2x128xf32, #tpu.memory_space<vmem>>, vector<16xf32>,
        %parallel_loop3A_481 = arith.constant 1 : i32
        %parallel_loop3A_482 = arith.index_cast %parallel_loop3A_456 : i32 to index
        %parallel_loop3A_483 = arith.index_cast %parallel_loop3A_481 : i32 to index
        %parallel_loop3A_484 = arith.constant 0 : index
        %parallel_loop3A_485 = tpu.vector_load %arg20[%parallel_loop3A_482, %parallel_loop3A_483, %parallel_loop3A_484] {strides = array<i32>} : memref<25x2x128xf32, #tpu.memory_space<vmem>>, vector<16xf32>,
        %parallel_loop3A_486 = arith.subf %parallel_loop3A_470, %parallel_loop3A_480 : vector<16xf32>
        %parallel_loop3A_487 = math.absf %parallel_loop3A_486 : vector<16xf32>
        %parallel_loop3A_488 = arith.subf %parallel_loop3A_475, %parallel_loop3A_485 : vector<16xf32>
        %parallel_loop3A_489 = math.absf %parallel_loop3A_488 : vector<16xf32>
        %parallel_loop3A_490 = arith.constant 0.111111112 : f32
        %parallel_loop3A_491 = vector.broadcast %parallel_loop3A_490 : f32 to vector<16xf32>
        %parallel_loop3A_492 = arith.minimumf %parallel_loop3A_487, %parallel_loop3A_491 : vector<16xf32>
        %parallel_loop3A_493 = arith.constant 0.111111112 : f32
        %parallel_loop3A_494 = vector.broadcast %parallel_loop3A_493 : f32 to vector<16xf32>
        %parallel_loop3A_495 = arith.minimumf %parallel_loop3A_489, %parallel_loop3A_494 : vector<16xf32>
        %parallel_loop3A_496 = arith.subf %parallel_loop3A_487, %parallel_loop3A_492 : vector<16xf32>
        %parallel_loop3A_497 = arith.subf %parallel_loop3A_489, %parallel_loop3A_495 : vector<16xf32>
        %parallel_loop3A_498 = arith.addf %parallel_loop3A_496, %parallel_loop3A_497 : vector<16xf32>
        %parallel_loop3A_499 = arith.mulf %parallel_loop3A_492, %parallel_loop3A_492 : vector<16xf32>
        %parallel_loop3A_500 = arith.mulf %parallel_loop3A_495, %parallel_loop3A_495 : vector<16xf32>
        %parallel_loop3A_501 = arith.addf %parallel_loop3A_499, %parallel_loop3A_500 : vector<16xf32>
        %parallel_loop3A_502 = arith.constant 4.500000e+00 : f32
        %parallel_loop3A_503 = vector.broadcast %parallel_loop3A_502 : f32 to vector<16xf32>
        %parallel_loop3A_504 = arith.mulf %parallel_loop3A_503, %parallel_loop3A_501 : vector<16xf32>
        %parallel_loop3A_505 = arith.addf %parallel_loop3A_498, %parallel_loop3A_504 : vector<16xf32>
        %parallel_loop3A_506 = arith.mulf %parallel_loop3A_465, %parallel_loop3A_505 : vector<16xf32>
        %parallel_loop3A_507 = arith.addf %parallel_loop3A_457, %parallel_loop3A_506 : vector<16xf32>
        %parallel_loop3A_508 = arith.addf %parallel_loop3A_459, %parallel_loop3A_465 : vector<16xf32>
        %parallel_loop3A_509 = arith.constant 0 : i32
        %parallel_loop3A_510 = arith.index_cast %parallel_loop3A_456 : i32 to index
        %parallel_loop3A_511 = arith.index_cast %parallel_loop3A_509 : i32 to index
        %parallel_loop3A_512 = arith.constant 16 : index
        %parallel_loop3A_513 = tpu.vector_load %arg17[%parallel_loop3A_510, %parallel_loop3A_511, %parallel_loop3A_512] {strides = array<i32>} : memref<25x1x128xf32, #tpu.memory_space<vmem>>, vector<16xf32>,
        %parallel_loop3A_514 = arith.constant 0 : i32
        %parallel_loop3A_515 = arith.index_cast %parallel_loop3A_456 : i32 to index
        %parallel_loop3A_516 = arith.index_cast %parallel_loop3A_514 : i32 to index
        %parallel_loop3A_517 = arith.constant 16 : index
        %parallel_loop3A_518 = tpu.vector_load %arg18[%parallel_loop3A_515, %parallel_loop3A_516, %parallel_loop3A_517] {strides = array<i32>} : memref<25x1x128xf32, #tpu.memory_space<vmem>>, vector<16xf32>,
        %parallel_loop3A_519 = arith.constant 0 : i32
        %parallel_loop3A_520 = arith.index_cast %parallel_loop3A_456 : i32 to index
        %parallel_loop3A_521 = arith.index_cast %parallel_loop3A_519 : i32 to index
        %parallel_loop3A_522 = arith.constant 16 : index
        %parallel_loop3A_523 = tpu.vector_load %arg19[%parallel_loop3A_520, %parallel_loop3A_521, %parallel_loop3A_522] {strides = array<i32>} : memref<25x1x128xf32, #tpu.memory_space<vmem>>, vector<16xf32>,
        %parallel_loop3A_524 = arith.constant 0 : i32
        %parallel_loop3A_525 = arith.index_cast %parallel_loop3A_456 : i32 to index
        %parallel_loop3A_526 = arith.index_cast %parallel_loop3A_524 : i32 to index
        %parallel_loop3A_527 = arith.constant 16 : index
        %parallel_loop3A_528 = tpu.vector_load %arg20[%parallel_loop3A_525, %parallel_loop3A_526, %parallel_loop3A_527] {strides = array<i32>} : memref<25x2x128xf32, #tpu.memory_space<vmem>>, vector<16xf32>,
        %parallel_loop3A_529 = arith.constant 1 : i32
        %parallel_loop3A_530 = arith.index_cast %parallel_loop3A_456 : i32 to index
        %parallel_loop3A_531 = arith.index_cast %parallel_loop3A_529 : i32 to index
        %parallel_loop3A_532 = arith.constant 16 : index
        %parallel_loop3A_533 = tpu.vector_load %arg20[%parallel_loop3A_530, %parallel_loop3A_531, %parallel_loop3A_532] {strides = array<i32>} : memref<25x2x128xf32, #tpu.memory_space<vmem>>, vector<16xf32>,
        %parallel_loop3A_534 = arith.subf %parallel_loop3A_518, %parallel_loop3A_528 : vector<16xf32>
        %parallel_loop3A_535 = math.absf %parallel_loop3A_534 : vector<16xf32>
        %parallel_loop3A_536 = arith.subf %parallel_loop3A_523, %parallel_loop3A_533 : vector<16xf32>
        %parallel_loop3A_537 = math.absf %parallel_loop3A_536 : vector<16xf32>
        %parallel_loop3A_538 = arith.constant 0.111111112 : f32
        %parallel_loop3A_539 = vector.broadcast %parallel_loop3A_538 : f32 to vector<16xf32>
        %parallel_loop3A_540 = arith.minimumf %parallel_loop3A_535, %parallel_loop3A_539 : vector<16xf32>
        %parallel_loop3A_541 = arith.constant 0.111111112 : f32
        %parallel_loop3A_542 = vector.broadcast %parallel_loop3A_541 : f32 to vector<16xf32>
        %parallel_loop3A_543 = arith.minimumf %parallel_loop3A_537, %parallel_loop3A_542 : vector<16xf32>
        %parallel_loop3A_544 = arith.subf %parallel_loop3A_535, %parallel_loop3A_540 : vector<16xf32>
        %parallel_loop3A_545 = arith.subf %parallel_loop3A_537, %parallel_loop3A_543 : vector<16xf32>
        %parallel_loop3A_546 = arith.addf %parallel_loop3A_544, %parallel_loop3A_545 : vector<16xf32>
        %parallel_loop3A_547 = arith.mulf %parallel_loop3A_540, %parallel_loop3A_540 : vector<16xf32>
        %parallel_loop3A_548 = arith.mulf %parallel_loop3A_543, %parallel_loop3A_543 : vector<16xf32>
        %parallel_loop3A_549 = arith.addf %parallel_loop3A_547, %parallel_loop3A_548 : vector<16xf32>
        %parallel_loop3A_550 = arith.constant 4.500000e+00 : f32
        %parallel_loop3A_551 = vector.broadcast %parallel_loop3A_550 : f32 to vector<16xf32>
        %parallel_loop3A_552 = arith.mulf %parallel_loop3A_551, %parallel_loop3A_549 : vector<16xf32>
        %parallel_loop3A_553 = arith.addf %parallel_loop3A_546, %parallel_loop3A_552 : vector<16xf32>
        %parallel_loop3A_554 = arith.mulf %parallel_loop3A_513, %parallel_loop3A_553 : vector<16xf32>
        %parallel_loop3A_555 = arith.addf %parallel_loop3A_458, %parallel_loop3A_554 : vector<16xf32>
        %parallel_loop3A_556 = arith.addf %parallel_loop3A_460, %parallel_loop3A_513 : vector<16xf32>
        %parallel_loop3A_557 = arith.constant 0 : i32
        %parallel_loop3A_558 = arith.index_cast %parallel_loop3A_456 : i32 to index
        %parallel_loop3A_559 = arith.index_cast %parallel_loop3A_557 : i32 to index
        %parallel_loop3A_560 = arith.constant 32 : index
        %parallel_loop3A_561 = tpu.vector_load %arg17[%parallel_loop3A_558, %parallel_loop3A_559, %parallel_loop3A_560] {strides = array<i32>} : memref<25x1x128xf32, #tpu.memory_space<vmem>>, vector<16xf32>,
        %parallel_loop3A_562 = arith.constant 0 : i32
        %parallel_loop3A_563 = arith.index_cast %parallel_loop3A_456 : i32 to index
        %parallel_loop3A_564 = arith.index_cast %parallel_loop3A_562 : i32 to index
        %parallel_loop3A_565 = arith.constant 32 : index
        %parallel_loop3A_566 = tpu.vector_load %arg18[%parallel_loop3A_563, %parallel_loop3A_564, %parallel_loop3A_565] {strides = array<i32>} : memref<25x1x128xf32, #tpu.memory_space<vmem>>, vector<16xf32>,
        %parallel_loop3A_567 = arith.constant 0 : i32
        %parallel_loop3A_568 = arith.index_cast %parallel_loop3A_456 : i32 to index
        %parallel_loop3A_569 = arith.index_cast %parallel_loop3A_567 : i32 to index
        %parallel_loop3A_570 = arith.constant 32 : index
        %parallel_loop3A_571 = tpu.vector_load %arg19[%parallel_loop3A_568, %parallel_loop3A_569, %parallel_loop3A_570] {strides = array<i32>} : memref<25x1x128xf32, #tpu.memory_space<vmem>>, vector<16xf32>,
        %parallel_loop3A_572 = arith.constant 0 : i32
        %parallel_loop3A_573 = arith.index_cast %parallel_loop3A_456 : i32 to index
        %parallel_loop3A_574 = arith.index_cast %parallel_loop3A_572 : i32 to index
        %parallel_loop3A_575 = arith.constant 32 : index
        %parallel_loop3A_576 = tpu.vector_load %arg20[%parallel_loop3A_573, %parallel_loop3A_574, %parallel_loop3A_575] {strides = array<i32>} : memref<25x2x128xf32, #tpu.memory_space<vmem>>, vector<16xf32>,
        %parallel_loop3A_577 = arith.constant 1 : i32
        %parallel_loop3A_578 = arith.index_cast %parallel_loop3A_456 : i32 to index
        %parallel_loop3A_579 = arith.index_cast %parallel_loop3A_577 : i32 to index
        %parallel_loop3A_580 = arith.constant 32 : index
        %parallel_loop3A_581 = tpu.vector_load %arg20[%parallel_loop3A_578, %parallel_loop3A_579, %parallel_loop3A_580] {strides = array<i32>} : memref<25x2x128xf32, #tpu.memory_space<vmem>>, vector<16xf32>,
        %parallel_loop3A_582 = arith.subf %parallel_loop3A_566, %parallel_loop3A_576 : vector<16xf32>
        %parallel_loop3A_583 = math.absf %parallel_loop3A_582 : vector<16xf32>
        %parallel_loop3A_584 = arith.subf %parallel_loop3A_571, %parallel_loop3A_581 : vector<16xf32>
        %parallel_loop3A_585 = math.absf %parallel_loop3A_584 : vector<16xf32>
        %parallel_loop3A_586 = arith.constant 0.111111112 : f32
        %parallel_loop3A_587 = vector.broadcast %parallel_loop3A_586 : f32 to vector<16xf32>
        %parallel_loop3A_588 = arith.minimumf %parallel_loop3A_583, %parallel_loop3A_587 : vector<16xf32>
        %parallel_loop3A_589 = arith.constant 0.111111112 : f32
        %parallel_loop3A_590 = vector.broadcast %parallel_loop3A_589 : f32 to vector<16xf32>
        %parallel_loop3A_591 = arith.minimumf %parallel_loop3A_585, %parallel_loop3A_590 : vector<16xf32>
        %parallel_loop3A_592 = arith.subf %parallel_loop3A_583, %parallel_loop3A_588 : vector<16xf32>
        %parallel_loop3A_593 = arith.subf %parallel_loop3A_585, %parallel_loop3A_591 : vector<16xf32>
        %parallel_loop3A_594 = arith.addf %parallel_loop3A_592, %parallel_loop3A_593 : vector<16xf32>
        %parallel_loop3A_595 = arith.mulf %parallel_loop3A_588, %parallel_loop3A_588 : vector<16xf32>
        %parallel_loop3A_596 = arith.mulf %parallel_loop3A_591, %parallel_loop3A_591 : vector<16xf32>
        %parallel_loop3A_597 = arith.addf %parallel_loop3A_595, %parallel_loop3A_596 : vector<16xf32>
        %parallel_loop3A_598 = arith.constant 4.500000e+00 : f32
        %parallel_loop3A_599 = vector.broadcast %parallel_loop3A_598 : f32 to vector<16xf32>
        %parallel_loop3A_600 = arith.mulf %parallel_loop3A_599, %parallel_loop3A_597 : vector<16xf32>
        %parallel_loop3A_601 = arith.addf %parallel_loop3A_594, %parallel_loop3A_600 : vector<16xf32>
        %parallel_loop3A_602 = arith.mulf %parallel_loop3A_561, %parallel_loop3A_601 : vector<16xf32>
        %parallel_loop3A_603 = arith.addf %parallel_loop3A_507, %parallel_loop3A_602 : vector<16xf32>
        %parallel_loop3A_604 = arith.addf %parallel_loop3A_508, %parallel_loop3A_561 : vector<16xf32>
        %parallel_loop3A_605 = arith.constant 0 : i32
        %parallel_loop3A_606 = arith.index_cast %parallel_loop3A_456 : i32 to index
        %parallel_loop3A_607 = arith.index_cast %parallel_loop3A_605 : i32 to index
        %parallel_loop3A_608 = arith.constant 48 : index
        %parallel_loop3A_609 = tpu.vector_load %arg17[%parallel_loop3A_606, %parallel_loop3A_607, %parallel_loop3A_608] {strides = array<i32>} : memref<25x1x128xf32, #tpu.memory_space<vmem>>, vector<16xf32>,
        %parallel_loop3A_610 = arith.constant 0 : i32
        %parallel_loop3A_611 = arith.index_cast %parallel_loop3A_456 : i32 to index
        %parallel_loop3A_612 = arith.index_cast %parallel_loop3A_610 : i32 to index
        %parallel_loop3A_613 = arith.constant 48 : index
        %parallel_loop3A_614 = tpu.vector_load %arg18[%parallel_loop3A_611, %parallel_loop3A_612, %parallel_loop3A_613] {strides = array<i32>} : memref<25x1x128xf32, #tpu.memory_space<vmem>>, vector<16xf32>,
        %parallel_loop3A_615 = arith.constant 0 : i32
        %parallel_loop3A_616 = arith.index_cast %parallel_loop3A_456 : i32 to index
        %parallel_loop3A_617 = arith.index_cast %parallel_loop3A_615 : i32 to index
        %parallel_loop3A_618 = arith.constant 48 : index
        %parallel_loop3A_619 = tpu.vector_load %arg19[%parallel_loop3A_616, %parallel_loop3A_617, %parallel_loop3A_618] {strides = array<i32>} : memref<25x1x128xf32, #tpu.memory_space<vmem>>, vector<16xf32>,
        %parallel_loop3A_620 = arith.constant 0 : i32
        %parallel_loop3A_621 = arith.index_cast %parallel_loop3A_456 : i32 to index
        %parallel_loop3A_622 = arith.index_cast %parallel_loop3A_620 : i32 to index
        %parallel_loop3A_623 = arith.constant 48 : index
        %parallel_loop3A_624 = tpu.vector_load %arg20[%parallel_loop3A_621, %parallel_loop3A_622, %parallel_loop3A_623] {strides = array<i32>} : memref<25x2x128xf32, #tpu.memory_space<vmem>>, vector<16xf32>,
        %parallel_loop3A_625 = arith.constant 1 : i32
        %parallel_loop3A_626 = arith.index_cast %parallel_loop3A_456 : i32 to index
        %parallel_loop3A_627 = arith.index_cast %parallel_loop3A_625 : i32 to index
        %parallel_loop3A_628 = arith.constant 48 : index
        %parallel_loop3A_629 = tpu.vector_load %arg20[%parallel_loop3A_626, %parallel_loop3A_627, %parallel_loop3A_628] {strides = array<i32>} : memref<25x2x128xf32, #tpu.memory_space<vmem>>, vector<16xf32>,
        %parallel_loop3A_630 = arith.subf %parallel_loop3A_614, %parallel_loop3A_624 : vector<16xf32>
        %parallel_loop3A_631 = math.absf %parallel_loop3A_630 : vector<16xf32>
        %parallel_loop3A_632 = arith.subf %parallel_loop3A_619, %parallel_loop3A_629 : vector<16xf32>
        %parallel_loop3A_633 = math.absf %parallel_loop3A_632 : vector<16xf32>
        %parallel_loop3A_634 = arith.constant 0.111111112 : f32
        %parallel_loop3A_635 = vector.broadcast %parallel_loop3A_634 : f32 to vector<16xf32>
        %parallel_loop3A_636 = arith.minimumf %parallel_loop3A_631, %parallel_loop3A_635 : vector<16xf32>
        %parallel_loop3A_637 = arith.constant 0.111111112 : f32
        %parallel_loop3A_638 = vector.broadcast %parallel_loop3A_637 : f32 to vector<16xf32>
        %parallel_loop3A_639 = arith.minimumf %parallel_loop3A_633, %parallel_loop3A_638 : vector<16xf32>
        %parallel_loop3A_640 = arith.subf %parallel_loop3A_631, %parallel_loop3A_636 : vector<16xf32>
        %parallel_loop3A_641 = arith.subf %parallel_loop3A_633, %parallel_loop3A_639 : vector<16xf32>
        %parallel_loop3A_642 = arith.addf %parallel_loop3A_640, %parallel_loop3A_641 : vector<16xf32>
        %parallel_loop3A_643 = arith.mulf %parallel_loop3A_636, %parallel_loop3A_636 : vector<16xf32>
        %parallel_loop3A_644 = arith.mulf %parallel_loop3A_639, %parallel_loop3A_639 : vector<16xf32>
        %parallel_loop3A_645 = arith.addf %parallel_loop3A_643, %parallel_loop3A_644 : vector<16xf32>
        %parallel_loop3A_646 = arith.constant 4.500000e+00 : f32
        %parallel_loop3A_647 = vector.broadcast %parallel_loop3A_646 : f32 to vector<16xf32>
        %parallel_loop3A_648 = arith.mulf %parallel_loop3A_647, %parallel_loop3A_645 : vector<16xf32>
        %parallel_loop3A_649 = arith.addf %parallel_loop3A_642, %parallel_loop3A_648 : vector<16xf32>
        %parallel_loop3A_650 = arith.mulf %parallel_loop3A_609, %parallel_loop3A_649 : vector<16xf32>
        %parallel_loop3A_651 = arith.addf %parallel_loop3A_555, %parallel_loop3A_650 : vector<16xf32>
        %parallel_loop3A_652 = arith.addf %parallel_loop3A_556, %parallel_loop3A_609 : vector<16xf32>
        %parallel_loop3A_653 = arith.constant 0 : i32
        %parallel_loop3A_654 = arith.index_cast %parallel_loop3A_456 : i32 to index
        %parallel_loop3A_655 = arith.index_cast %parallel_loop3A_653 : i32 to index
        %parallel_loop3A_656 = arith.constant 64 : index
        %parallel_loop3A_657 = tpu.vector_load %arg17[%parallel_loop3A_654, %parallel_loop3A_655, %parallel_loop3A_656] {strides = array<i32>} : memref<25x1x128xf32, #tpu.memory_space<vmem>>, vector<16xf32>,
        %parallel_loop3A_658 = arith.constant 0 : i32
        %parallel_loop3A_659 = arith.index_cast %parallel_loop3A_456 : i32 to index
        %parallel_loop3A_660 = arith.index_cast %parallel_loop3A_658 : i32 to index
        %parallel_loop3A_661 = arith.constant 64 : index
        %parallel_loop3A_662 = tpu.vector_load %arg18[%parallel_loop3A_659, %parallel_loop3A_660, %parallel_loop3A_661] {strides = array<i32>} : memref<25x1x128xf32, #tpu.memory_space<vmem>>, vector<16xf32>,
        %parallel_loop3A_663 = arith.constant 0 : i32
        %parallel_loop3A_664 = arith.index_cast %parallel_loop3A_456 : i32 to index
        %parallel_loop3A_665 = arith.index_cast %parallel_loop3A_663 : i32 to index
        %parallel_loop3A_666 = arith.constant 64 : index
        %parallel_loop3A_667 = tpu.vector_load %arg19[%parallel_loop3A_664, %parallel_loop3A_665, %parallel_loop3A_666] {strides = array<i32>} : memref<25x1x128xf32, #tpu.memory_space<vmem>>, vector<16xf32>,
        %parallel_loop3A_668 = arith.constant 0 : i32
        %parallel_loop3A_669 = arith.index_cast %parallel_loop3A_456 : i32 to index
        %parallel_loop3A_670 = arith.index_cast %parallel_loop3A_668 : i32 to index
        %parallel_loop3A_671 = arith.constant 64 : index
        %parallel_loop3A_672 = tpu.vector_load %arg20[%parallel_loop3A_669, %parallel_loop3A_670, %parallel_loop3A_671] {strides = array<i32>} : memref<25x2x128xf32, #tpu.memory_space<vmem>>, vector<16xf32>,
        %parallel_loop3A_673 = arith.constant 1 : i32
        %parallel_loop3A_674 = arith.index_cast %parallel_loop3A_456 : i32 to index
        %parallel_loop3A_675 = arith.index_cast %parallel_loop3A_673 : i32 to index
        %parallel_loop3A_676 = arith.constant 64 : index
        %parallel_loop3A_677 = tpu.vector_load %arg20[%parallel_loop3A_674, %parallel_loop3A_675, %parallel_loop3A_676] {strides = array<i32>} : memref<25x2x128xf32, #tpu.memory_space<vmem>>, vector<16xf32>,
        %parallel_loop3A_678 = arith.subf %parallel_loop3A_662, %parallel_loop3A_672 : vector<16xf32>
        %parallel_loop3A_679 = math.absf %parallel_loop3A_678 : vector<16xf32>
        %parallel_loop3A_680 = arith.subf %parallel_loop3A_667, %parallel_loop3A_677 : vector<16xf32>
        %parallel_loop3A_681 = math.absf %parallel_loop3A_680 : vector<16xf32>
        %parallel_loop3A_682 = arith.constant 0.111111112 : f32
        %parallel_loop3A_683 = vector.broadcast %parallel_loop3A_682 : f32 to vector<16xf32>
        %parallel_loop3A_684 = arith.minimumf %parallel_loop3A_679, %parallel_loop3A_683 : vector<16xf32>
        %parallel_loop3A_685 = arith.constant 0.111111112 : f32
        %parallel_loop3A_686 = vector.broadcast %parallel_loop3A_685 : f32 to vector<16xf32>
        %parallel_loop3A_687 = arith.minimumf %parallel_loop3A_681, %parallel_loop3A_686 : vector<16xf32>
        %parallel_loop3A_688 = arith.subf %parallel_loop3A_679, %parallel_loop3A_684 : vector<16xf32>
        %parallel_loop3A_689 = arith.subf %parallel_loop3A_681, %parallel_loop3A_687 : vector<16xf32>
        %parallel_loop3A_690 = arith.addf %parallel_loop3A_688, %parallel_loop3A_689 : vector<16xf32>
        %parallel_loop3A_691 = arith.mulf %parallel_loop3A_684, %parallel_loop3A_684 : vector<16xf32>
        %parallel_loop3A_692 = arith.mulf %parallel_loop3A_687, %parallel_loop3A_687 : vector<16xf32>
        %parallel_loop3A_693 = arith.addf %parallel_loop3A_691, %parallel_loop3A_692 : vector<16xf32>
        %parallel_loop3A_694 = arith.constant 4.500000e+00 : f32
        %parallel_loop3A_695 = vector.broadcast %parallel_loop3A_694 : f32 to vector<16xf32>
        %parallel_loop3A_696 = arith.mulf %parallel_loop3A_695, %parallel_loop3A_693 : vector<16xf32>
        %parallel_loop3A_697 = arith.addf %parallel_loop3A_690, %parallel_loop3A_696 : vector<16xf32>
        %parallel_loop3A_698 = arith.mulf %parallel_loop3A_657, %parallel_loop3A_697 : vector<16xf32>
        %parallel_loop3A_699 = arith.addf %parallel_loop3A_603, %parallel_loop3A_698 : vector<16xf32>
        %parallel_loop3A_700 = arith.addf %parallel_loop3A_604, %parallel_loop3A_657 : vector<16xf32>
        %parallel_loop3A_701 = arith.constant 0 : i32
        %parallel_loop3A_702 = arith.index_cast %parallel_loop3A_456 : i32 to index
        %parallel_loop3A_703 = arith.index_cast %parallel_loop3A_701 : i32 to index
        %parallel_loop3A_704 = arith.constant 80 : index
        %parallel_loop3A_705 = tpu.vector_load %arg17[%parallel_loop3A_702, %parallel_loop3A_703, %parallel_loop3A_704] {strides = array<i32>} : memref<25x1x128xf32, #tpu.memory_space<vmem>>, vector<16xf32>,
        %parallel_loop3A_706 = arith.constant 0 : i32
        %parallel_loop3A_707 = arith.index_cast %parallel_loop3A_456 : i32 to index
        %parallel_loop3A_708 = arith.index_cast %parallel_loop3A_706 : i32 to index
        %parallel_loop3A_709 = arith.constant 80 : index
        %parallel_loop3A_710 = tpu.vector_load %arg18[%parallel_loop3A_707, %parallel_loop3A_708, %parallel_loop3A_709] {strides = array<i32>} : memref<25x1x128xf32, #tpu.memory_space<vmem>>, vector<16xf32>,
        %parallel_loop3A_711 = arith.constant 0 : i32
        %parallel_loop3A_712 = arith.index_cast %parallel_loop3A_456 : i32 to index
        %parallel_loop3A_713 = arith.index_cast %parallel_loop3A_711 : i32 to index
        %parallel_loop3A_714 = arith.constant 80 : index
        %parallel_loop3A_715 = tpu.vector_load %arg19[%parallel_loop3A_712, %parallel_loop3A_713, %parallel_loop3A_714] {strides = array<i32>} : memref<25x1x128xf32, #tpu.memory_space<vmem>>, vector<16xf32>,
        %parallel_loop3A_716 = arith.constant 0 : i32
        %parallel_loop3A_717 = arith.index_cast %parallel_loop3A_456 : i32 to index
        %parallel_loop3A_718 = arith.index_cast %parallel_loop3A_716 : i32 to index
        %parallel_loop3A_719 = arith.constant 80 : index
        %parallel_loop3A_720 = tpu.vector_load %arg20[%parallel_loop3A_717, %parallel_loop3A_718, %parallel_loop3A_719] {strides = array<i32>} : memref<25x2x128xf32, #tpu.memory_space<vmem>>, vector<16xf32>,
        %parallel_loop3A_721 = arith.constant 1 : i32
        %parallel_loop3A_722 = arith.index_cast %parallel_loop3A_456 : i32 to index
        %parallel_loop3A_723 = arith.index_cast %parallel_loop3A_721 : i32 to index
        %parallel_loop3A_724 = arith.constant 80 : index
        %parallel_loop3A_725 = tpu.vector_load %arg20[%parallel_loop3A_722, %parallel_loop3A_723, %parallel_loop3A_724] {strides = array<i32>} : memref<25x2x128xf32, #tpu.memory_space<vmem>>, vector<16xf32>,
        %parallel_loop3A_726 = arith.subf %parallel_loop3A_710, %parallel_loop3A_720 : vector<16xf32>
        %parallel_loop3A_727 = math.absf %parallel_loop3A_726 : vector<16xf32>
        %parallel_loop3A_728 = arith.subf %parallel_loop3A_715, %parallel_loop3A_725 : vector<16xf32>
        %parallel_loop3A_729 = math.absf %parallel_loop3A_728 : vector<16xf32>
        %parallel_loop3A_730 = arith.constant 0.111111112 : f32
        %parallel_loop3A_731 = vector.broadcast %parallel_loop3A_730 : f32 to vector<16xf32>
        %parallel_loop3A_732 = arith.minimumf %parallel_loop3A_727, %parallel_loop3A_731 : vector<16xf32>
        %parallel_loop3A_733 = arith.constant 0.111111112 : f32
        %parallel_loop3A_734 = vector.broadcast %parallel_loop3A_733 : f32 to vector<16xf32>
        %parallel_loop3A_735 = arith.minimumf %parallel_loop3A_729, %parallel_loop3A_734 : vector<16xf32>
        %parallel_loop3A_736 = arith.subf %parallel_loop3A_727, %parallel_loop3A_732 : vector<16xf32>
        %parallel_loop3A_737 = arith.subf %parallel_loop3A_729, %parallel_loop3A_735 : vector<16xf32>
        %parallel_loop3A_738 = arith.addf %parallel_loop3A_736, %parallel_loop3A_737 : vector<16xf32>
        %parallel_loop3A_739 = arith.mulf %parallel_loop3A_732, %parallel_loop3A_732 : vector<16xf32>
        %parallel_loop3A_740 = arith.mulf %parallel_loop3A_735, %parallel_loop3A_735 : vector<16xf32>
        %parallel_loop3A_741 = arith.addf %parallel_loop3A_739, %parallel_loop3A_740 : vector<16xf32>
        %parallel_loop3A_742 = arith.constant 4.500000e+00 : f32
        %parallel_loop3A_743 = vector.broadcast %parallel_loop3A_742 : f32 to vector<16xf32>
        %parallel_loop3A_744 = arith.mulf %parallel_loop3A_743, %parallel_loop3A_741 : vector<16xf32>
        %parallel_loop3A_745 = arith.addf %parallel_loop3A_738, %parallel_loop3A_744 : vector<16xf32>
        %parallel_loop3A_746 = arith.mulf %parallel_loop3A_705, %parallel_loop3A_745 : vector<16xf32>
        %parallel_loop3A_747 = arith.addf %parallel_loop3A_651, %parallel_loop3A_746 : vector<16xf32>
        %parallel_loop3A_748 = arith.addf %parallel_loop3A_652, %parallel_loop3A_705 : vector<16xf32>
        %parallel_loop3A_749 = arith.constant 0 : i32
        %parallel_loop3A_750 = arith.index_cast %parallel_loop3A_456 : i32 to index
        %parallel_loop3A_751 = arith.index_cast %parallel_loop3A_749 : i32 to index
        %parallel_loop3A_752 = arith.constant 96 : index
        %parallel_loop3A_753 = tpu.vector_load %arg17[%parallel_loop3A_750, %parallel_loop3A_751, %parallel_loop3A_752] {strides = array<i32>} : memref<25x1x128xf32, #tpu.memory_space<vmem>>, vector<16xf32>,
        %parallel_loop3A_754 = arith.constant 0 : i32
        %parallel_loop3A_755 = arith.index_cast %parallel_loop3A_456 : i32 to index
        %parallel_loop3A_756 = arith.index_cast %parallel_loop3A_754 : i32 to index
        %parallel_loop3A_757 = arith.constant 96 : index
        %parallel_loop3A_758 = tpu.vector_load %arg18[%parallel_loop3A_755, %parallel_loop3A_756, %parallel_loop3A_757] {strides = array<i32>} : memref<25x1x128xf32, #tpu.memory_space<vmem>>, vector<16xf32>,
        %parallel_loop3A_759 = arith.constant 0 : i32
        %parallel_loop3A_760 = arith.index_cast %parallel_loop3A_456 : i32 to index
        %parallel_loop3A_761 = arith.index_cast %parallel_loop3A_759 : i32 to index
        %parallel_loop3A_762 = arith.constant 96 : index
        %parallel_loop3A_763 = tpu.vector_load %arg19[%parallel_loop3A_760, %parallel_loop3A_761, %parallel_loop3A_762] {strides = array<i32>} : memref<25x1x128xf32, #tpu.memory_space<vmem>>, vector<16xf32>,
        %parallel_loop3A_764 = arith.constant 0 : i32
        %parallel_loop3A_765 = arith.index_cast %parallel_loop3A_456 : i32 to index
        %parallel_loop3A_766 = arith.index_cast %parallel_loop3A_764 : i32 to index
        %parallel_loop3A_767 = arith.constant 96 : index
        %parallel_loop3A_768 = tpu.vector_load %arg20[%parallel_loop3A_765, %parallel_loop3A_766, %parallel_loop3A_767] {strides = array<i32>} : memref<25x2x128xf32, #tpu.memory_space<vmem>>, vector<16xf32>,
        %parallel_loop3A_769 = arith.constant 1 : i32
        %parallel_loop3A_770 = arith.index_cast %parallel_loop3A_456 : i32 to index
        %parallel_loop3A_771 = arith.index_cast %parallel_loop3A_769 : i32 to index
        %parallel_loop3A_772 = arith.constant 96 : index
        %parallel_loop3A_773 = tpu.vector_load %arg20[%parallel_loop3A_770, %parallel_loop3A_771, %parallel_loop3A_772] {strides = array<i32>} : memref<25x2x128xf32, #tpu.memory_space<vmem>>, vector<16xf32>,
        %parallel_loop3A_774 = arith.subf %parallel_loop3A_758, %parallel_loop3A_768 : vector<16xf32>
        %parallel_loop3A_775 = math.absf %parallel_loop3A_774 : vector<16xf32>
        %parallel_loop3A_776 = arith.subf %parallel_loop3A_763, %parallel_loop3A_773 : vector<16xf32>
        %parallel_loop3A_777 = math.absf %parallel_loop3A_776 : vector<16xf32>
        %parallel_loop3A_778 = arith.constant 0.111111112 : f32
        %parallel_loop3A_779 = vector.broadcast %parallel_loop3A_778 : f32 to vector<16xf32>
        %parallel_loop3A_780 = arith.minimumf %parallel_loop3A_775, %parallel_loop3A_779 : vector<16xf32>
        %parallel_loop3A_781 = arith.constant 0.111111112 : f32
        %parallel_loop3A_782 = vector.broadcast %parallel_loop3A_781 : f32 to vector<16xf32>
        %parallel_loop3A_783 = arith.minimumf %parallel_loop3A_777, %parallel_loop3A_782 : vector<16xf32>
        %parallel_loop3A_784 = arith.subf %parallel_loop3A_775, %parallel_loop3A_780 : vector<16xf32>
        %parallel_loop3A_785 = arith.subf %parallel_loop3A_777, %parallel_loop3A_783 : vector<16xf32>
        %parallel_loop3A_786 = arith.addf %parallel_loop3A_784, %parallel_loop3A_785 : vector<16xf32>
        %parallel_loop3A_787 = arith.mulf %parallel_loop3A_780, %parallel_loop3A_780 : vector<16xf32>
        %parallel_loop3A_788 = arith.mulf %parallel_loop3A_783, %parallel_loop3A_783 : vector<16xf32>
        %parallel_loop3A_789 = arith.addf %parallel_loop3A_787, %parallel_loop3A_788 : vector<16xf32>
        %parallel_loop3A_790 = arith.constant 4.500000e+00 : f32
        %parallel_loop3A_791 = vector.broadcast %parallel_loop3A_790 : f32 to vector<16xf32>
        %parallel_loop3A_792 = arith.mulf %parallel_loop3A_791, %parallel_loop3A_789 : vector<16xf32>
        %parallel_loop3A_793 = arith.addf %parallel_loop3A_786, %parallel_loop3A_792 : vector<16xf32>
        %parallel_loop3A_794 = arith.mulf %parallel_loop3A_753, %parallel_loop3A_793 : vector<16xf32>
        %parallel_loop3A_795 = arith.addf %parallel_loop3A_699, %parallel_loop3A_794 : vector<16xf32>
        %parallel_loop3A_796 = arith.addf %parallel_loop3A_700, %parallel_loop3A_753 : vector<16xf32>
        %parallel_loop3A_797 = arith.constant 0 : i32
        %parallel_loop3A_798 = arith.index_cast %parallel_loop3A_456 : i32 to index
        %parallel_loop3A_799 = arith.index_cast %parallel_loop3A_797 : i32 to index
        %parallel_loop3A_800 = arith.constant 112 : index
        %parallel_loop3A_801 = tpu.vector_load %arg17[%parallel_loop3A_798, %parallel_loop3A_799, %parallel_loop3A_800] {strides = array<i32>} : memref<25x1x128xf32, #tpu.memory_space<vmem>>, vector<16xf32>,
        %parallel_loop3A_802 = arith.constant 0 : i32
        %parallel_loop3A_803 = arith.index_cast %parallel_loop3A_456 : i32 to index
        %parallel_loop3A_804 = arith.index_cast %parallel_loop3A_802 : i32 to index
        %parallel_loop3A_805 = arith.constant 112 : index
        %parallel_loop3A_806 = tpu.vector_load %arg18[%parallel_loop3A_803, %parallel_loop3A_804, %parallel_loop3A_805] {strides = array<i32>} : memref<25x1x128xf32, #tpu.memory_space<vmem>>, vector<16xf32>,
        %parallel_loop3A_807 = arith.constant 0 : i32
        %parallel_loop3A_808 = arith.index_cast %parallel_loop3A_456 : i32 to index
        %parallel_loop3A_809 = arith.index_cast %parallel_loop3A_807 : i32 to index
        %parallel_loop3A_810 = arith.constant 112 : index
        %parallel_loop3A_811 = tpu.vector_load %arg19[%parallel_loop3A_808, %parallel_loop3A_809, %parallel_loop3A_810] {strides = array<i32>} : memref<25x1x128xf32, #tpu.memory_space<vmem>>, vector<16xf32>,
        %parallel_loop3A_812 = arith.constant 0 : i32
        %parallel_loop3A_813 = arith.index_cast %parallel_loop3A_456 : i32 to index
        %parallel_loop3A_814 = arith.index_cast %parallel_loop3A_812 : i32 to index
        %parallel_loop3A_815 = arith.constant 112 : index
        %parallel_loop3A_816 = tpu.vector_load %arg20[%parallel_loop3A_813, %parallel_loop3A_814, %parallel_loop3A_815] {strides = array<i32>} : memref<25x2x128xf32, #tpu.memory_space<vmem>>, vector<16xf32>,
        %parallel_loop3A_817 = arith.constant 1 : i32
        %parallel_loop3A_818 = arith.index_cast %parallel_loop3A_456 : i32 to index
        %parallel_loop3A_819 = arith.index_cast %parallel_loop3A_817 : i32 to index
        %parallel_loop3A_820 = arith.constant 112 : index
        %parallel_loop3A_821 = tpu.vector_load %arg20[%parallel_loop3A_818, %parallel_loop3A_819, %parallel_loop3A_820] {strides = array<i32>} : memref<25x2x128xf32, #tpu.memory_space<vmem>>, vector<16xf32>,
        %parallel_loop3A_822 = arith.subf %parallel_loop3A_806, %parallel_loop3A_816 : vector<16xf32>
        %parallel_loop3A_823 = math.absf %parallel_loop3A_822 : vector<16xf32>
        %parallel_loop3A_824 = arith.subf %parallel_loop3A_811, %parallel_loop3A_821 : vector<16xf32>
        %parallel_loop3A_825 = math.absf %parallel_loop3A_824 : vector<16xf32>
        %parallel_loop3A_826 = arith.constant 0.111111112 : f32
        %parallel_loop3A_827 = vector.broadcast %parallel_loop3A_826 : f32 to vector<16xf32>
        %parallel_loop3A_828 = arith.minimumf %parallel_loop3A_823, %parallel_loop3A_827 : vector<16xf32>
        %parallel_loop3A_829 = arith.constant 0.111111112 : f32
        %parallel_loop3A_830 = vector.broadcast %parallel_loop3A_829 : f32 to vector<16xf32>
        %parallel_loop3A_831 = arith.minimumf %parallel_loop3A_825, %parallel_loop3A_830 : vector<16xf32>
        %parallel_loop3A_832 = arith.subf %parallel_loop3A_823, %parallel_loop3A_828 : vector<16xf32>
        %parallel_loop3A_833 = arith.subf %parallel_loop3A_825, %parallel_loop3A_831 : vector<16xf32>
        %parallel_loop3A_834 = arith.addf %parallel_loop3A_832, %parallel_loop3A_833 : vector<16xf32>
        %parallel_loop3A_835 = arith.mulf %parallel_loop3A_828, %parallel_loop3A_828 : vector<16xf32>
        %parallel_loop3A_836 = arith.mulf %parallel_loop3A_831, %parallel_loop3A_831 : vector<16xf32>
        %parallel_loop3A_837 = arith.addf %parallel_loop3A_835, %parallel_loop3A_836 : vector<16xf32>
        %parallel_loop3A_838 = arith.constant 4.500000e+00 : f32
        %parallel_loop3A_839 = vector.broadcast %parallel_loop3A_838 : f32 to vector<16xf32>
        %parallel_loop3A_840 = arith.mulf %parallel_loop3A_839, %parallel_loop3A_837 : vector<16xf32>
        %parallel_loop3A_841 = arith.addf %parallel_loop3A_834, %parallel_loop3A_840 : vector<16xf32>
        %parallel_loop3A_842 = arith.mulf %parallel_loop3A_801, %parallel_loop3A_841 : vector<16xf32>
        %parallel_loop3A_843 = arith.addf %parallel_loop3A_747, %parallel_loop3A_842 : vector<16xf32>
        %parallel_loop3A_844 = arith.addf %parallel_loop3A_748, %parallel_loop3A_801 : vector<16xf32>
        scf.yield %parallel_loop3A_795, %parallel_loop3A_843, %parallel_loop3A_796, %parallel_loop3A_844 : vector<16xf32>, vector<16xf32>, vector<16xf32>, vector<16xf32>
      } {sc.loop_unroll_factor = 1 : i64, sc.parallel_access}
      %add3A_450 = arith.constant 4 : i32
      %add3A_451 = arith.addi %add3A_413, %add3A_450 : i32
      %lt3A_452 = arith.cmpi slt, %add3A_451, %select_n3A : i32
      %convert_element_type3A_453 = arith.extui %lt3A_452 : i1 to i32
      %cond3A_454 = arith.constant 0 : i32
      %cond3A_455 = arith.cmpi ne, %convert_element_type3A_453, %cond3A_454 : i32
      scf.if %cond3A_455 {
        %add3A_456 = arith.constant 4 : i32
        %add3A_457 = arith.addi %add3A_413, %add3A_456 : i32
        %mul3A_458 = arith.constant 32 : i32
        %mul3A_459 = arith.muli %add3A_457, %mul3A_458 : i32
        %add3A_460 = arith.addi %add3A, %mul3A_459 : i32
        %mul3A_461 = arith.constant 25 : i32
        %mul3A_462 = arith.muli %add3A_460, %mul3A_461 : i32
        %dma_start3A_463 = arith.constant 0 : i32
        %dma_start3A_464 = arith.constant 0 : i32
        %dma_start3A_465 = tpu.memref_slice %arg2[%mul3A_462, %dma_start3A_463, %dma_start3A_464] : memref<46875x1x128xf32, #tpu.memory_space<hbm>> -> memref<25x1x128xf32, #tpu.memory_space<hbm>>
        %dma_start3A_466 = arith.constant 0 : i32
        %dma_start3A_467 = arith.constant 0 : i32
        %dma_start3A_468 = tpu.memref_slice %arg2[%mul3A_462, %dma_start3A_466, %dma_start3A_467] : memref<46875x1x128xf32, #tpu.memory_space<hbm>> -> memref<25x1x128xf32, #tpu.memory_space<hbm>>
        tpu.enqueue_dma source(%dma_start3A_468 : memref<25x1x128xf32, #tpu.memory_space<hbm>>) target(%arg17 : memref<25x1x128xf32, #tpu.memory_space<vmem>>) target_semaphore(%arg25 : memref<!tpu.dma_semaphore, #tpu.memory_space<semaphore_mem>>)
        %add3A_469 = arith.constant 15625 : i32
        %add3A_470 = arith.addi %add3A_469, %mul3A_462 : i32
        %dma_start3A_471 = arith.constant 0 : i32
        %dma_start3A_472 = arith.constant 0 : i32
        %dma_start3A_473 = tpu.memref_slice %arg2[%add3A_470, %dma_start3A_471, %dma_start3A_472] : memref<46875x1x128xf32, #tpu.memory_space<hbm>> -> memref<25x1x128xf32, #tpu.memory_space<hbm>>
        %dma_start3A_474 = arith.constant 0 : i32
        %dma_start3A_475 = arith.constant 0 : i32
        %dma_start3A_476 = tpu.memref_slice %arg2[%add3A_470, %dma_start3A_474, %dma_start3A_475] : memref<46875x1x128xf32, #tpu.memory_space<hbm>> -> memref<25x1x128xf32, #tpu.memory_space<hbm>>
        tpu.enqueue_dma source(%dma_start3A_476 : memref<25x1x128xf32, #tpu.memory_space<hbm>>) target(%arg18 : memref<25x1x128xf32, #tpu.memory_space<vmem>>) target_semaphore(%arg25 : memref<!tpu.dma_semaphore, #tpu.memory_space<semaphore_mem>>)
        %add3A_477 = arith.constant 31250 : i32
        %add3A_478 = arith.addi %add3A_477, %mul3A_462 : i32
        %dma_start3A_479 = arith.constant 0 : i32
        %dma_start3A_480 = arith.constant 0 : i32
        %dma_start3A_481 = tpu.memref_slice %arg2[%add3A_478, %dma_start3A_479, %dma_start3A_480] : memref<46875x1x128xf32, #tpu.memory_space<hbm>> -> memref<25x1x128xf32, #tpu.memory_space<hbm>>
        %dma_start3A_482 = arith.constant 0 : i32
        %dma_start3A_483 = arith.constant 0 : i32
        %dma_start3A_484 = tpu.memref_slice %arg2[%add3A_478, %dma_start3A_482, %dma_start3A_483] : memref<46875x1x128xf32, #tpu.memory_space<hbm>> -> memref<25x1x128xf32, #tpu.memory_space<hbm>>
        tpu.enqueue_dma source(%dma_start3A_484 : memref<25x1x128xf32, #tpu.memory_space<hbm>>) target(%arg19 : memref<25x1x128xf32, #tpu.memory_space<vmem>>) target_semaphore(%arg25 : memref<!tpu.dma_semaphore, #tpu.memory_space<semaphore_mem>>)
        %dma_start3A_485 = arith.constant 0 : i32
        %dma_start3A_486 = arith.constant 0 : i32
        %dma_start3A_487 = tpu.memref_slice %arg3[%mul3A_462, %dma_start3A_485, %dma_start3A_486] : memref<15625x2x128xf32, #tpu.memory_space<hbm>> -> memref<25x2x128xf32, #tpu.memory_space<hbm>>
        %dma_start3A_488 = arith.constant 0 : i32
        %dma_start3A_489 = arith.constant 0 : i32
        %dma_start3A_490 = tpu.memref_slice %arg3[%mul3A_462, %dma_start3A_488, %dma_start3A_489] : memref<15625x2x128xf32, #tpu.memory_space<hbm>> -> memref<25x2x128xf32, #tpu.memory_space<hbm>>
        tpu.enqueue_dma source(%dma_start3A_490 : memref<25x2x128xf32, #tpu.memory_space<hbm>>) target(%arg20 : memref<25x2x128xf32, #tpu.memory_space<vmem>>) target_semaphore(%arg25 : memref<!tpu.dma_semaphore, #tpu.memory_space<semaphore_mem>>)
      } else {
      }
      scf.yield %parallel_loop3A_449#0, %parallel_loop3A_449#1, %parallel_loop3A_449#2, %parallel_loop3A_449#3 : vector<16xf32>, vector<16xf32>, vector<16xf32>, vector<16xf32>
    }
    %scan3A_151 = arith.constant 4 : i32
    %dma_wait3A = arith.constant 0 : i32
    %dma_wait3A_152 = arith.constant 0 : i32
    %dma_wait3A_153 = arith.constant 0 : i32
    %dma_wait3A_154 = tpu.memref_slice %arg2[%dma_wait3A, %dma_wait3A_152, %dma_wait3A_153] : memref<46875x1x128xf32, #tpu.memory_space<hbm>> -> memref<25x1x128xf32, #tpu.memory_space<hbm>>
    %dma_wait3A_155 = arith.constant 0 : i32
    %dma_wait3A_156 = arith.constant 0 : i32
    %dma_wait3A_157 = arith.constant 0 : i32
    %dma_wait3A_158 = tpu.memref_slice %arg2[%dma_wait3A_155, %dma_wait3A_156, %dma_wait3A_157] : memref<46875x1x128xf32, #tpu.memory_space<hbm>> -> memref<25x1x128xf32, #tpu.memory_space<hbm>>
    tpu.wait_dma2 semaphore(%arg22 : memref<!tpu.dma_semaphore, #tpu.memory_space<semaphore_mem>>) src(%dma_wait3A_158 : memref<25x1x128xf32, #tpu.memory_space<hbm>>) dst(%arg5 : memref<25x1x128xf32, #tpu.memory_space<vmem>>)
    %dma_wait3A_159 = arith.constant 0 : i32
    %dma_wait3A_160 = arith.constant 0 : i32
    %dma_wait3A_161 = arith.constant 0 : i32
    %dma_wait3A_162 = tpu.memref_slice %arg2[%dma_wait3A_159, %dma_wait3A_160, %dma_wait3A_161] : memref<46875x1x128xf32, #tpu.memory_space<hbm>> -> memref<25x1x128xf32, #tpu.memory_space<hbm>>
    %dma_wait3A_163 = arith.constant 0 : i32
    %dma_wait3A_164 = arith.constant 0 : i32
    %dma_wait3A_165 = arith.constant 0 : i32
    %dma_wait3A_166 = tpu.memref_slice %arg2[%dma_wait3A_163, %dma_wait3A_164, %dma_wait3A_165] : memref<46875x1x128xf32, #tpu.memory_space<hbm>> -> memref<25x1x128xf32, #tpu.memory_space<hbm>>
    tpu.wait_dma2 semaphore(%arg22 : memref<!tpu.dma_semaphore, #tpu.memory_space<semaphore_mem>>) src(%dma_wait3A_166 : memref<25x1x128xf32, #tpu.memory_space<hbm>>) dst(%arg6 : memref<25x1x128xf32, #tpu.memory_space<vmem>>)
    %dma_wait3A_167 = arith.constant 0 : i32
    %dma_wait3A_168 = arith.constant 0 : i32
    %dma_wait3A_169 = arith.constant 0 : i32
    %dma_wait3A_170 = tpu.memref_slice %arg2[%dma_wait3A_167, %dma_wait3A_168, %dma_wait3A_169] : memref<46875x1x128xf32, #tpu.memory_space<hbm>> -> memref<25x1x128xf32, #tpu.memory_space<hbm>>
    %dma_wait3A_171 = arith.constant 0 : i32
    %dma_wait3A_172 = arith.constant 0 : i32
    %dma_wait3A_173 = arith.constant 0 : i32
    %dma_wait3A_174 = tpu.memref_slice %arg2[%dma_wait3A_171, %dma_wait3A_172, %dma_wait3A_173] : memref<46875x1x128xf32, #tpu.memory_space<hbm>> -> memref<25x1x128xf32, #tpu.memory_space<hbm>>
    tpu.wait_dma2 semaphore(%arg22 : memref<!tpu.dma_semaphore, #tpu.memory_space<semaphore_mem>>) src(%dma_wait3A_174 : memref<25x1x128xf32, #tpu.memory_space<hbm>>) dst(%arg7 : memref<25x1x128xf32, #tpu.memory_space<vmem>>)
    %dma_wait3A_175 = arith.constant 0 : i32
    %dma_wait3A_176 = arith.constant 0 : i32
    %dma_wait3A_177 = arith.constant 0 : i32
    %dma_wait3A_178 = tpu.memref_slice %arg3[%dma_wait3A_175, %dma_wait3A_176, %dma_wait3A_177] : memref<15625x2x128xf32, #tpu.memory_space<hbm>> -> memref<25x2x128xf32, #tpu.memory_space<hbm>>
    %dma_wait3A_179 = arith.constant 0 : i32
    %dma_wait3A_180 = arith.constant 0 : i32
    %dma_wait3A_181 = arith.constant 0 : i32
    %dma_wait3A_182 = tpu.memref_slice %arg3[%dma_wait3A_179, %dma_wait3A_180, %dma_wait3A_181] : memref<15625x2x128xf32, #tpu.memory_space<hbm>> -> memref<25x2x128xf32, #tpu.memory_space<hbm>>
    tpu.wait_dma2 semaphore(%arg22 : memref<!tpu.dma_semaphore, #tpu.memory_space<semaphore_mem>>) src(%dma_wait3A_182 : memref<25x2x128xf32, #tpu.memory_space<hbm>>) dst(%arg8 : memref<25x2x128xf32, #tpu.memory_space<vmem>>)
    %parallel_loop3A = arith.constant 0 : i32
    %parallel_loop3A_183 = arith.constant 25 : i32
    %parallel_loop3A_184 = arith.constant 1 : i32
    %parallel_loop3A_185:4 = scf.for %parallel_loop3A_268 = %parallel_loop3A to %parallel_loop3A_183 step %parallel_loop3A_184 iter_args(%parallel_loop3A_269 = %scan3A_150#0, %parallel_loop3A_270 = %scan3A_150#1, %parallel_loop3A_271 = %scan3A_150#2, %parallel_loop3A_272 = %scan3A_150#3) -> (vector<16xf32>, vector<16xf32>, vector<16xf32>, vector<16xf32>)  : i32 {
      %parallel_loop3A_273 = arith.constant 0 : i32
      %parallel_loop3A_274 = arith.index_cast %parallel_loop3A_268 : i32 to index
      %parallel_loop3A_275 = arith.index_cast %parallel_loop3A_273 : i32 to index
      %parallel_loop3A_276 = arith.constant 0 : index
      %parallel_loop3A_277 = tpu.vector_load %arg5[%parallel_loop3A_274, %parallel_loop3A_275, %parallel_loop3A_276] {strides = array<i32>} : memref<25x1x128xf32, #tpu.memory_space<vmem>>, vector<16xf32>,
      %parallel_loop3A_278 = arith.constant 0 : i32
      %parallel_loop3A_279 = arith.index_cast %parallel_loop3A_268 : i32 to index
      %parallel_loop3A_280 = arith.index_cast %parallel_loop3A_278 : i32 to index
      %parallel_loop3A_281 = arith.constant 0 : index
      %parallel_loop3A_282 = tpu.vector_load %arg6[%parallel_loop3A_279, %parallel_loop3A_280, %parallel_loop3A_281] {strides = array<i32>} : memref<25x1x128xf32, #tpu.memory_space<vmem>>, vector<16xf32>,
      %parallel_loop3A_283 = arith.constant 0 : i32
      %parallel_loop3A_284 = arith.index_cast %parallel_loop3A_268 : i32 to index
      %parallel_loop3A_285 = arith.index_cast %parallel_loop3A_283 : i32 to index
      %parallel_loop3A_286 = arith.constant 0 : index
      %parallel_loop3A_287 = tpu.vector_load %arg7[%parallel_loop3A_284, %parallel_loop3A_285, %parallel_loop3A_286] {strides = array<i32>} : memref<25x1x128xf32, #tpu.memory_space<vmem>>, vector<16xf32>,
      %parallel_loop3A_288 = arith.constant 0 : i32
      %parallel_loop3A_289 = arith.index_cast %parallel_loop3A_268 : i32 to index
      %parallel_loop3A_290 = arith.index_cast %parallel_loop3A_288 : i32 to index
      %parallel_loop3A_291 = arith.constant 0 : index
      %parallel_loop3A_292 = tpu.vector_load %arg8[%parallel_loop3A_289, %parallel_loop3A_290, %parallel_loop3A_291] {strides = array<i32>} : memref<25x2x128xf32, #tpu.memory_space<vmem>>, vector<16xf32>,
      %parallel_loop3A_293 = arith.constant 1 : i32
      %parallel_loop3A_294 = arith.index_cast %parallel_loop3A_268 : i32 to index
      %parallel_loop3A_295 = arith.index_cast %parallel_loop3A_293 : i32 to index
      %parallel_loop3A_296 = arith.constant 0 : index
      %parallel_loop3A_297 = tpu.vector_load %arg8[%parallel_loop3A_294, %parallel_loop3A_295, %parallel_loop3A_296] {strides = array<i32>} : memref<25x2x128xf32, #tpu.memory_space<vmem>>, vector<16xf32>,
      %parallel_loop3A_298 = arith.subf %parallel_loop3A_282, %parallel_loop3A_292 : vector<16xf32>
      %parallel_loop3A_299 = math.absf %parallel_loop3A_298 : vector<16xf32>
      %parallel_loop3A_300 = arith.subf %parallel_loop3A_287, %parallel_loop3A_297 : vector<16xf32>
      %parallel_loop3A_301 = math.absf %parallel_loop3A_300 : vector<16xf32>
      %parallel_loop3A_302 = arith.constant 0.111111112 : f32
      %parallel_loop3A_303 = vector.broadcast %parallel_loop3A_302 : f32 to vector<16xf32>
      %parallel_loop3A_304 = arith.minimumf %parallel_loop3A_299, %parallel_loop3A_303 : vector<16xf32>
      %parallel_loop3A_305 = arith.constant 0.111111112 : f32
      %parallel_loop3A_306 = vector.broadcast %parallel_loop3A_305 : f32 to vector<16xf32>
      %parallel_loop3A_307 = arith.minimumf %parallel_loop3A_301, %parallel_loop3A_306 : vector<16xf32>
      %parallel_loop3A_308 = arith.subf %parallel_loop3A_299, %parallel_loop3A_304 : vector<16xf32>
      %parallel_loop3A_309 = arith.subf %parallel_loop3A_301, %parallel_loop3A_307 : vector<16xf32>
      %parallel_loop3A_310 = arith.addf %parallel_loop3A_308, %parallel_loop3A_309 : vector<16xf32>
      %parallel_loop3A_311 = arith.mulf %parallel_loop3A_304, %parallel_loop3A_304 : vector<16xf32>
      %parallel_loop3A_312 = arith.mulf %parallel_loop3A_307, %parallel_loop3A_307 : vector<16xf32>
      %parallel_loop3A_313 = arith.addf %parallel_loop3A_311, %parallel_loop3A_312 : vector<16xf32>
      %parallel_loop3A_314 = arith.constant 4.500000e+00 : f32
      %parallel_loop3A_315 = vector.broadcast %parallel_loop3A_314 : f32 to vector<16xf32>
      %parallel_loop3A_316 = arith.mulf %parallel_loop3A_315, %parallel_loop3A_313 : vector<16xf32>
      %parallel_loop3A_317 = arith.addf %parallel_loop3A_310, %parallel_loop3A_316 : vector<16xf32>
      %parallel_loop3A_318 = arith.mulf %parallel_loop3A_277, %parallel_loop3A_317 : vector<16xf32>
      %parallel_loop3A_319 = arith.addf %parallel_loop3A_269, %parallel_loop3A_318 : vector<16xf32>
      %parallel_loop3A_320 = arith.addf %parallel_loop3A_271, %parallel_loop3A_277 : vector<16xf32>
      %parallel_loop3A_321 = arith.constant 0 : i32
      %parallel_loop3A_322 = arith.index_cast %parallel_loop3A_268 : i32 to index
      %parallel_loop3A_323 = arith.index_cast %parallel_loop3A_321 : i32 to index
      %parallel_loop3A_324 = arith.constant 16 : index
      %parallel_loop3A_325 = tpu.vector_load %arg5[%parallel_loop3A_322, %parallel_loop3A_323, %parallel_loop3A_324] {strides = array<i32>} : memref<25x1x128xf32, #tpu.memory_space<vmem>>, vector<16xf32>,
      %parallel_loop3A_326 = arith.constant 0 : i32
      %parallel_loop3A_327 = arith.index_cast %parallel_loop3A_268 : i32 to index
      %parallel_loop3A_328 = arith.index_cast %parallel_loop3A_326 : i32 to index
      %parallel_loop3A_329 = arith.constant 16 : index
      %parallel_loop3A_330 = tpu.vector_load %arg6[%parallel_loop3A_327, %parallel_loop3A_328, %parallel_loop3A_329] {strides = array<i32>} : memref<25x1x128xf32, #tpu.memory_space<vmem>>, vector<16xf32>,
      %parallel_loop3A_331 = arith.constant 0 : i32
      %parallel_loop3A_332 = arith.index_cast %parallel_loop3A_268 : i32 to index
      %parallel_loop3A_333 = arith.index_cast %parallel_loop3A_331 : i32 to index
      %parallel_loop3A_334 = arith.constant 16 : index
      %parallel_loop3A_335 = tpu.vector_load %arg7[%parallel_loop3A_332, %parallel_loop3A_333, %parallel_loop3A_334] {strides = array<i32>} : memref<25x1x128xf32, #tpu.memory_space<vmem>>, vector<16xf32>,
      %parallel_loop3A_336 = arith.constant 0 : i32
      %parallel_loop3A_337 = arith.index_cast %parallel_loop3A_268 : i32 to index
      %parallel_loop3A_338 = arith.index_cast %parallel_loop3A_336 : i32 to index
      %parallel_loop3A_339 = arith.constant 16 : index
      %parallel_loop3A_340 = tpu.vector_load %arg8[%parallel_loop3A_337, %parallel_loop3A_338, %parallel_loop3A_339] {strides = array<i32>} : memref<25x2x128xf32, #tpu.memory_space<vmem>>, vector<16xf32>,
      %parallel_loop3A_341 = arith.constant 1 : i32
      %parallel_loop3A_342 = arith.index_cast %parallel_loop3A_268 : i32 to index
      %parallel_loop3A_343 = arith.index_cast %parallel_loop3A_341 : i32 to index
      %parallel_loop3A_344 = arith.constant 16 : index
      %parallel_loop3A_345 = tpu.vector_load %arg8[%parallel_loop3A_342, %parallel_loop3A_343, %parallel_loop3A_344] {strides = array<i32>} : memref<25x2x128xf32, #tpu.memory_space<vmem>>, vector<16xf32>,
      %parallel_loop3A_346 = arith.subf %parallel_loop3A_330, %parallel_loop3A_340 : vector<16xf32>
      %parallel_loop3A_347 = math.absf %parallel_loop3A_346 : vector<16xf32>
      %parallel_loop3A_348 = arith.subf %parallel_loop3A_335, %parallel_loop3A_345 : vector<16xf32>
      %parallel_loop3A_349 = math.absf %parallel_loop3A_348 : vector<16xf32>
      %parallel_loop3A_350 = arith.constant 0.111111112 : f32
      %parallel_loop3A_351 = vector.broadcast %parallel_loop3A_350 : f32 to vector<16xf32>
      %parallel_loop3A_352 = arith.minimumf %parallel_loop3A_347, %parallel_loop3A_351 : vector<16xf32>
      %parallel_loop3A_353 = arith.constant 0.111111112 : f32
      %parallel_loop3A_354 = vector.broadcast %parallel_loop3A_353 : f32 to vector<16xf32>
      %parallel_loop3A_355 = arith.minimumf %parallel_loop3A_349, %parallel_loop3A_354 : vector<16xf32>
      %parallel_loop3A_356 = arith.subf %parallel_loop3A_347, %parallel_loop3A_352 : vector<16xf32>
      %parallel_loop3A_357 = arith.subf %parallel_loop3A_349, %parallel_loop3A_355 : vector<16xf32>
      %parallel_loop3A_358 = arith.addf %parallel_loop3A_356, %parallel_loop3A_357 : vector<16xf32>
      %parallel_loop3A_359 = arith.mulf %parallel_loop3A_352, %parallel_loop3A_352 : vector<16xf32>
      %parallel_loop3A_360 = arith.mulf %parallel_loop3A_355, %parallel_loop3A_355 : vector<16xf32>
      %parallel_loop3A_361 = arith.addf %parallel_loop3A_359, %parallel_loop3A_360 : vector<16xf32>
      %parallel_loop3A_362 = arith.constant 4.500000e+00 : f32
      %parallel_loop3A_363 = vector.broadcast %parallel_loop3A_362 : f32 to vector<16xf32>
      %parallel_loop3A_364 = arith.mulf %parallel_loop3A_363, %parallel_loop3A_361 : vector<16xf32>
      %parallel_loop3A_365 = arith.addf %parallel_loop3A_358, %parallel_loop3A_364 : vector<16xf32>
      %parallel_loop3A_366 = arith.mulf %parallel_loop3A_325, %parallel_loop3A_365 : vector<16xf32>
      %parallel_loop3A_367 = arith.addf %parallel_loop3A_270, %parallel_loop3A_366 : vector<16xf32>
      %parallel_loop3A_368 = arith.addf %parallel_loop3A_272, %parallel_loop3A_325 : vector<16xf32>
      %parallel_loop3A_369 = arith.constant 0 : i32
      %parallel_loop3A_370 = arith.index_cast %parallel_loop3A_268 : i32 to index
      %parallel_loop3A_371 = arith.index_cast %parallel_loop3A_369 : i32 to index
      %parallel_loop3A_372 = arith.constant 32 : index
      %parallel_loop3A_373 = tpu.vector_load %arg5[%parallel_loop3A_370, %parallel_loop3A_371, %parallel_loop3A_372] {strides = array<i32>} : memref<25x1x128xf32, #tpu.memory_space<vmem>>, vector<16xf32>,
      %parallel_loop3A_374 = arith.constant 0 : i32
      %parallel_loop3A_375 = arith.index_cast %parallel_loop3A_268 : i32 to index
      %parallel_loop3A_376 = arith.index_cast %parallel_loop3A_374 : i32 to index
      %parallel_loop3A_377 = arith.constant 32 : index
      %parallel_loop3A_378 = tpu.vector_load %arg6[%parallel_loop3A_375, %parallel_loop3A_376, %parallel_loop3A_377] {strides = array<i32>} : memref<25x1x128xf32, #tpu.memory_space<vmem>>, vector<16xf32>,
      %parallel_loop3A_379 = arith.constant 0 : i32
      %parallel_loop3A_380 = arith.index_cast %parallel_loop3A_268 : i32 to index
      %parallel_loop3A_381 = arith.index_cast %parallel_loop3A_379 : i32 to index
      %parallel_loop3A_382 = arith.constant 32 : index
      %parallel_loop3A_383 = tpu.vector_load %arg7[%parallel_loop3A_380, %parallel_loop3A_381, %parallel_loop3A_382] {strides = array<i32>} : memref<25x1x128xf32, #tpu.memory_space<vmem>>, vector<16xf32>,
      %parallel_loop3A_384 = arith.constant 0 : i32
      %parallel_loop3A_385 = arith.index_cast %parallel_loop3A_268 : i32 to index
      %parallel_loop3A_386 = arith.index_cast %parallel_loop3A_384 : i32 to index
      %parallel_loop3A_387 = arith.constant 32 : index
      %parallel_loop3A_388 = tpu.vector_load %arg8[%parallel_loop3A_385, %parallel_loop3A_386, %parallel_loop3A_387] {strides = array<i32>} : memref<25x2x128xf32, #tpu.memory_space<vmem>>, vector<16xf32>,
      %parallel_loop3A_389 = arith.constant 1 : i32
      %parallel_loop3A_390 = arith.index_cast %parallel_loop3A_268 : i32 to index
      %parallel_loop3A_391 = arith.index_cast %parallel_loop3A_389 : i32 to index
      %parallel_loop3A_392 = arith.constant 32 : index
      %parallel_loop3A_393 = tpu.vector_load %arg8[%parallel_loop3A_390, %parallel_loop3A_391, %parallel_loop3A_392] {strides = array<i32>} : memref<25x2x128xf32, #tpu.memory_space<vmem>>, vector<16xf32>,
      %parallel_loop3A_394 = arith.subf %parallel_loop3A_378, %parallel_loop3A_388 : vector<16xf32>
      %parallel_loop3A_395 = math.absf %parallel_loop3A_394 : vector<16xf32>
      %parallel_loop3A_396 = arith.subf %parallel_loop3A_383, %parallel_loop3A_393 : vector<16xf32>
      %parallel_loop3A_397 = math.absf %parallel_loop3A_396 : vector<16xf32>
      %parallel_loop3A_398 = arith.constant 0.111111112 : f32
      %parallel_loop3A_399 = vector.broadcast %parallel_loop3A_398 : f32 to vector<16xf32>
      %parallel_loop3A_400 = arith.minimumf %parallel_loop3A_395, %parallel_loop3A_399 : vector<16xf32>
      %parallel_loop3A_401 = arith.constant 0.111111112 : f32
      %parallel_loop3A_402 = vector.broadcast %parallel_loop3A_401 : f32 to vector<16xf32>
      %parallel_loop3A_403 = arith.minimumf %parallel_loop3A_397, %parallel_loop3A_402 : vector<16xf32>
      %parallel_loop3A_404 = arith.subf %parallel_loop3A_395, %parallel_loop3A_400 : vector<16xf32>
      %parallel_loop3A_405 = arith.subf %parallel_loop3A_397, %parallel_loop3A_403 : vector<16xf32>
      %parallel_loop3A_406 = arith.addf %parallel_loop3A_404, %parallel_loop3A_405 : vector<16xf32>
      %parallel_loop3A_407 = arith.mulf %parallel_loop3A_400, %parallel_loop3A_400 : vector<16xf32>
      %parallel_loop3A_408 = arith.mulf %parallel_loop3A_403, %parallel_loop3A_403 : vector<16xf32>
      %parallel_loop3A_409 = arith.addf %parallel_loop3A_407, %parallel_loop3A_408 : vector<16xf32>
      %parallel_loop3A_410 = arith.constant 4.500000e+00 : f32
      %parallel_loop3A_411 = vector.broadcast %parallel_loop3A_410 : f32 to vector<16xf32>
      %parallel_loop3A_412 = arith.mulf %parallel_loop3A_411, %parallel_loop3A_409 : vector<16xf32>
      %parallel_loop3A_413 = arith.addf %parallel_loop3A_406, %parallel_loop3A_412 : vector<16xf32>
      %parallel_loop3A_414 = arith.mulf %parallel_loop3A_373, %parallel_loop3A_413 : vector<16xf32>
      %parallel_loop3A_415 = arith.addf %parallel_loop3A_319, %parallel_loop3A_414 : vector<16xf32>
      %parallel_loop3A_416 = arith.addf %parallel_loop3A_320, %parallel_loop3A_373 : vector<16xf32>
      %parallel_loop3A_417 = arith.constant 0 : i32
      %parallel_loop3A_418 = arith.index_cast %parallel_loop3A_268 : i32 to index
      %parallel_loop3A_419 = arith.index_cast %parallel_loop3A_417 : i32 to index
      %parallel_loop3A_420 = arith.constant 48 : index
      %parallel_loop3A_421 = tpu.vector_load %arg5[%parallel_loop3A_418, %parallel_loop3A_419, %parallel_loop3A_420] {strides = array<i32>} : memref<25x1x128xf32, #tpu.memory_space<vmem>>, vector<16xf32>,
      %parallel_loop3A_422 = arith.constant 0 : i32
      %parallel_loop3A_423 = arith.index_cast %parallel_loop3A_268 : i32 to index
      %parallel_loop3A_424 = arith.index_cast %parallel_loop3A_422 : i32 to index
      %parallel_loop3A_425 = arith.constant 48 : index
      %parallel_loop3A_426 = tpu.vector_load %arg6[%parallel_loop3A_423, %parallel_loop3A_424, %parallel_loop3A_425] {strides = array<i32>} : memref<25x1x128xf32, #tpu.memory_space<vmem>>, vector<16xf32>,
      %parallel_loop3A_427 = arith.constant 0 : i32
      %parallel_loop3A_428 = arith.index_cast %parallel_loop3A_268 : i32 to index
      %parallel_loop3A_429 = arith.index_cast %parallel_loop3A_427 : i32 to index
      %parallel_loop3A_430 = arith.constant 48 : index
      %parallel_loop3A_431 = tpu.vector_load %arg7[%parallel_loop3A_428, %parallel_loop3A_429, %parallel_loop3A_430] {strides = array<i32>} : memref<25x1x128xf32, #tpu.memory_space<vmem>>, vector<16xf32>,
      %parallel_loop3A_432 = arith.constant 0 : i32
      %parallel_loop3A_433 = arith.index_cast %parallel_loop3A_268 : i32 to index
      %parallel_loop3A_434 = arith.index_cast %parallel_loop3A_432 : i32 to index
      %parallel_loop3A_435 = arith.constant 48 : index
      %parallel_loop3A_436 = tpu.vector_load %arg8[%parallel_loop3A_433, %parallel_loop3A_434, %parallel_loop3A_435] {strides = array<i32>} : memref<25x2x128xf32, #tpu.memory_space<vmem>>, vector<16xf32>,
      %parallel_loop3A_437 = arith.constant 1 : i32
      %parallel_loop3A_438 = arith.index_cast %parallel_loop3A_268 : i32 to index
      %parallel_loop3A_439 = arith.index_cast %parallel_loop3A_437 : i32 to index
      %parallel_loop3A_440 = arith.constant 48 : index
      %parallel_loop3A_441 = tpu.vector_load %arg8[%parallel_loop3A_438, %parallel_loop3A_439, %parallel_loop3A_440] {strides = array<i32>} : memref<25x2x128xf32, #tpu.memory_space<vmem>>, vector<16xf32>,
      %parallel_loop3A_442 = arith.subf %parallel_loop3A_426, %parallel_loop3A_436 : vector<16xf32>
      %parallel_loop3A_443 = math.absf %parallel_loop3A_442 : vector<16xf32>
      %parallel_loop3A_444 = arith.subf %parallel_loop3A_431, %parallel_loop3A_441 : vector<16xf32>
      %parallel_loop3A_445 = math.absf %parallel_loop3A_444 : vector<16xf32>
      %parallel_loop3A_446 = arith.constant 0.111111112 : f32
      %parallel_loop3A_447 = vector.broadcast %parallel_loop3A_446 : f32 to vector<16xf32>
      %parallel_loop3A_448 = arith.minimumf %parallel_loop3A_443, %parallel_loop3A_447 : vector<16xf32>
      %parallel_loop3A_449 = arith.constant 0.111111112 : f32
      %parallel_loop3A_450 = vector.broadcast %parallel_loop3A_449 : f32 to vector<16xf32>
      %parallel_loop3A_451 = arith.minimumf %parallel_loop3A_445, %parallel_loop3A_450 : vector<16xf32>
      %parallel_loop3A_452 = arith.subf %parallel_loop3A_443, %parallel_loop3A_448 : vector<16xf32>
      %parallel_loop3A_453 = arith.subf %parallel_loop3A_445, %parallel_loop3A_451 : vector<16xf32>
      %parallel_loop3A_454 = arith.addf %parallel_loop3A_452, %parallel_loop3A_453 : vector<16xf32>
      %parallel_loop3A_455 = arith.mulf %parallel_loop3A_448, %parallel_loop3A_448 : vector<16xf32>
      %parallel_loop3A_456 = arith.mulf %parallel_loop3A_451, %parallel_loop3A_451 : vector<16xf32>
      %parallel_loop3A_457 = arith.addf %parallel_loop3A_455, %parallel_loop3A_456 : vector<16xf32>
      %parallel_loop3A_458 = arith.constant 4.500000e+00 : f32
      %parallel_loop3A_459 = vector.broadcast %parallel_loop3A_458 : f32 to vector<16xf32>
      %parallel_loop3A_460 = arith.mulf %parallel_loop3A_459, %parallel_loop3A_457 : vector<16xf32>
      %parallel_loop3A_461 = arith.addf %parallel_loop3A_454, %parallel_loop3A_460 : vector<16xf32>
      %parallel_loop3A_462 = arith.mulf %parallel_loop3A_421, %parallel_loop3A_461 : vector<16xf32>
      %parallel_loop3A_463 = arith.addf %parallel_loop3A_367, %parallel_loop3A_462 : vector<16xf32>
      %parallel_loop3A_464 = arith.addf %parallel_loop3A_368, %parallel_loop3A_421 : vector<16xf32>
      %parallel_loop3A_465 = arith.constant 0 : i32
      %parallel_loop3A_466 = arith.index_cast %parallel_loop3A_268 : i32 to index
      %parallel_loop3A_467 = arith.index_cast %parallel_loop3A_465 : i32 to index
      %parallel_loop3A_468 = arith.constant 64 : index
      %parallel_loop3A_469 = tpu.vector_load %arg5[%parallel_loop3A_466, %parallel_loop3A_467, %parallel_loop3A_468] {strides = array<i32>} : memref<25x1x128xf32, #tpu.memory_space<vmem>>, vector<16xf32>,
      %parallel_loop3A_470 = arith.constant 0 : i32
      %parallel_loop3A_471 = arith.index_cast %parallel_loop3A_268 : i32 to index
      %parallel_loop3A_472 = arith.index_cast %parallel_loop3A_470 : i32 to index
      %parallel_loop3A_473 = arith.constant 64 : index
      %parallel_loop3A_474 = tpu.vector_load %arg6[%parallel_loop3A_471, %parallel_loop3A_472, %parallel_loop3A_473] {strides = array<i32>} : memref<25x1x128xf32, #tpu.memory_space<vmem>>, vector<16xf32>,
      %parallel_loop3A_475 = arith.constant 0 : i32
      %parallel_loop3A_476 = arith.index_cast %parallel_loop3A_268 : i32 to index
      %parallel_loop3A_477 = arith.index_cast %parallel_loop3A_475 : i32 to index
      %parallel_loop3A_478 = arith.constant 64 : index
      %parallel_loop3A_479 = tpu.vector_load %arg7[%parallel_loop3A_476, %parallel_loop3A_477, %parallel_loop3A_478] {strides = array<i32>} : memref<25x1x128xf32, #tpu.memory_space<vmem>>, vector<16xf32>,
      %parallel_loop3A_480 = arith.constant 0 : i32
      %parallel_loop3A_481 = arith.index_cast %parallel_loop3A_268 : i32 to index
      %parallel_loop3A_482 = arith.index_cast %parallel_loop3A_480 : i32 to index
      %parallel_loop3A_483 = arith.constant 64 : index
      %parallel_loop3A_484 = tpu.vector_load %arg8[%parallel_loop3A_481, %parallel_loop3A_482, %parallel_loop3A_483] {strides = array<i32>} : memref<25x2x128xf32, #tpu.memory_space<vmem>>, vector<16xf32>,
      %parallel_loop3A_485 = arith.constant 1 : i32
      %parallel_loop3A_486 = arith.index_cast %parallel_loop3A_268 : i32 to index
      %parallel_loop3A_487 = arith.index_cast %parallel_loop3A_485 : i32 to index
      %parallel_loop3A_488 = arith.constant 64 : index
      %parallel_loop3A_489 = tpu.vector_load %arg8[%parallel_loop3A_486, %parallel_loop3A_487, %parallel_loop3A_488] {strides = array<i32>} : memref<25x2x128xf32, #tpu.memory_space<vmem>>, vector<16xf32>,
      %parallel_loop3A_490 = arith.subf %parallel_loop3A_474, %parallel_loop3A_484 : vector<16xf32>
      %parallel_loop3A_491 = math.absf %parallel_loop3A_490 : vector<16xf32>
      %parallel_loop3A_492 = arith.subf %parallel_loop3A_479, %parallel_loop3A_489 : vector<16xf32>
      %parallel_loop3A_493 = math.absf %parallel_loop3A_492 : vector<16xf32>
      %parallel_loop3A_494 = arith.constant 0.111111112 : f32
      %parallel_loop3A_495 = vector.broadcast %parallel_loop3A_494 : f32 to vector<16xf32>
      %parallel_loop3A_496 = arith.minimumf %parallel_loop3A_491, %parallel_loop3A_495 : vector<16xf32>
      %parallel_loop3A_497 = arith.constant 0.111111112 : f32
      %parallel_loop3A_498 = vector.broadcast %parallel_loop3A_497 : f32 to vector<16xf32>
      %parallel_loop3A_499 = arith.minimumf %parallel_loop3A_493, %parallel_loop3A_498 : vector<16xf32>
      %parallel_loop3A_500 = arith.subf %parallel_loop3A_491, %parallel_loop3A_496 : vector<16xf32>
      %parallel_loop3A_501 = arith.subf %parallel_loop3A_493, %parallel_loop3A_499 : vector<16xf32>
      %parallel_loop3A_502 = arith.addf %parallel_loop3A_500, %parallel_loop3A_501 : vector<16xf32>
      %parallel_loop3A_503 = arith.mulf %parallel_loop3A_496, %parallel_loop3A_496 : vector<16xf32>
      %parallel_loop3A_504 = arith.mulf %parallel_loop3A_499, %parallel_loop3A_499 : vector<16xf32>
      %parallel_loop3A_505 = arith.addf %parallel_loop3A_503, %parallel_loop3A_504 : vector<16xf32>
      %parallel_loop3A_506 = arith.constant 4.500000e+00 : f32
      %parallel_loop3A_507 = vector.broadcast %parallel_loop3A_506 : f32 to vector<16xf32>
      %parallel_loop3A_508 = arith.mulf %parallel_loop3A_507, %parallel_loop3A_505 : vector<16xf32>
      %parallel_loop3A_509 = arith.addf %parallel_loop3A_502, %parallel_loop3A_508 : vector<16xf32>
      %parallel_loop3A_510 = arith.mulf %parallel_loop3A_469, %parallel_loop3A_509 : vector<16xf32>
      %parallel_loop3A_511 = arith.addf %parallel_loop3A_415, %parallel_loop3A_510 : vector<16xf32>
      %parallel_loop3A_512 = arith.addf %parallel_loop3A_416, %parallel_loop3A_469 : vector<16xf32>
      %parallel_loop3A_513 = arith.constant 0 : i32
      %parallel_loop3A_514 = arith.index_cast %parallel_loop3A_268 : i32 to index
      %parallel_loop3A_515 = arith.index_cast %parallel_loop3A_513 : i32 to index
      %parallel_loop3A_516 = arith.constant 80 : index
      %parallel_loop3A_517 = tpu.vector_load %arg5[%parallel_loop3A_514, %parallel_loop3A_515, %parallel_loop3A_516] {strides = array<i32>} : memref<25x1x128xf32, #tpu.memory_space<vmem>>, vector<16xf32>,
      %parallel_loop3A_518 = arith.constant 0 : i32
      %parallel_loop3A_519 = arith.index_cast %parallel_loop3A_268 : i32 to index
      %parallel_loop3A_520 = arith.index_cast %parallel_loop3A_518 : i32 to index
      %parallel_loop3A_521 = arith.constant 80 : index
      %parallel_loop3A_522 = tpu.vector_load %arg6[%parallel_loop3A_519, %parallel_loop3A_520, %parallel_loop3A_521] {strides = array<i32>} : memref<25x1x128xf32, #tpu.memory_space<vmem>>, vector<16xf32>,
      %parallel_loop3A_523 = arith.constant 0 : i32
      %parallel_loop3A_524 = arith.index_cast %parallel_loop3A_268 : i32 to index
      %parallel_loop3A_525 = arith.index_cast %parallel_loop3A_523 : i32 to index
      %parallel_loop3A_526 = arith.constant 80 : index
      %parallel_loop3A_527 = tpu.vector_load %arg7[%parallel_loop3A_524, %parallel_loop3A_525, %parallel_loop3A_526] {strides = array<i32>} : memref<25x1x128xf32, #tpu.memory_space<vmem>>, vector<16xf32>,
      %parallel_loop3A_528 = arith.constant 0 : i32
      %parallel_loop3A_529 = arith.index_cast %parallel_loop3A_268 : i32 to index
      %parallel_loop3A_530 = arith.index_cast %parallel_loop3A_528 : i32 to index
      %parallel_loop3A_531 = arith.constant 80 : index
      %parallel_loop3A_532 = tpu.vector_load %arg8[%parallel_loop3A_529, %parallel_loop3A_530, %parallel_loop3A_531] {strides = array<i32>} : memref<25x2x128xf32, #tpu.memory_space<vmem>>, vector<16xf32>,
      %parallel_loop3A_533 = arith.constant 1 : i32
      %parallel_loop3A_534 = arith.index_cast %parallel_loop3A_268 : i32 to index
      %parallel_loop3A_535 = arith.index_cast %parallel_loop3A_533 : i32 to index
      %parallel_loop3A_536 = arith.constant 80 : index
      %parallel_loop3A_537 = tpu.vector_load %arg8[%parallel_loop3A_534, %parallel_loop3A_535, %parallel_loop3A_536] {strides = array<i32>} : memref<25x2x128xf32, #tpu.memory_space<vmem>>, vector<16xf32>,
      %parallel_loop3A_538 = arith.subf %parallel_loop3A_522, %parallel_loop3A_532 : vector<16xf32>
      %parallel_loop3A_539 = math.absf %parallel_loop3A_538 : vector<16xf32>
      %parallel_loop3A_540 = arith.subf %parallel_loop3A_527, %parallel_loop3A_537 : vector<16xf32>
      %parallel_loop3A_541 = math.absf %parallel_loop3A_540 : vector<16xf32>
      %parallel_loop3A_542 = arith.constant 0.111111112 : f32
      %parallel_loop3A_543 = vector.broadcast %parallel_loop3A_542 : f32 to vector<16xf32>
      %parallel_loop3A_544 = arith.minimumf %parallel_loop3A_539, %parallel_loop3A_543 : vector<16xf32>
      %parallel_loop3A_545 = arith.constant 0.111111112 : f32
      %parallel_loop3A_546 = vector.broadcast %parallel_loop3A_545 : f32 to vector<16xf32>
      %parallel_loop3A_547 = arith.minimumf %parallel_loop3A_541, %parallel_loop3A_546 : vector<16xf32>
      %parallel_loop3A_548 = arith.subf %parallel_loop3A_539, %parallel_loop3A_544 : vector<16xf32>
      %parallel_loop3A_549 = arith.subf %parallel_loop3A_541, %parallel_loop3A_547 : vector<16xf32>
      %parallel_loop3A_550 = arith.addf %parallel_loop3A_548, %parallel_loop3A_549 : vector<16xf32>
      %parallel_loop3A_551 = arith.mulf %parallel_loop3A_544, %parallel_loop3A_544 : vector<16xf32>
      %parallel_loop3A_552 = arith.mulf %parallel_loop3A_547, %parallel_loop3A_547 : vector<16xf32>
      %parallel_loop3A_553 = arith.addf %parallel_loop3A_551, %parallel_loop3A_552 : vector<16xf32>
      %parallel_loop3A_554 = arith.constant 4.500000e+00 : f32
      %parallel_loop3A_555 = vector.broadcast %parallel_loop3A_554 : f32 to vector<16xf32>
      %parallel_loop3A_556 = arith.mulf %parallel_loop3A_555, %parallel_loop3A_553 : vector<16xf32>
      %parallel_loop3A_557 = arith.addf %parallel_loop3A_550, %parallel_loop3A_556 : vector<16xf32>
      %parallel_loop3A_558 = arith.mulf %parallel_loop3A_517, %parallel_loop3A_557 : vector<16xf32>
      %parallel_loop3A_559 = arith.addf %parallel_loop3A_463, %parallel_loop3A_558 : vector<16xf32>
      %parallel_loop3A_560 = arith.addf %parallel_loop3A_464, %parallel_loop3A_517 : vector<16xf32>
      %parallel_loop3A_561 = arith.constant 0 : i32
      %parallel_loop3A_562 = arith.index_cast %parallel_loop3A_268 : i32 to index
      %parallel_loop3A_563 = arith.index_cast %parallel_loop3A_561 : i32 to index
      %parallel_loop3A_564 = arith.constant 96 : index
      %parallel_loop3A_565 = tpu.vector_load %arg5[%parallel_loop3A_562, %parallel_loop3A_563, %parallel_loop3A_564] {strides = array<i32>} : memref<25x1x128xf32, #tpu.memory_space<vmem>>, vector<16xf32>,
      %parallel_loop3A_566 = arith.constant 0 : i32
      %parallel_loop3A_567 = arith.index_cast %parallel_loop3A_268 : i32 to index
      %parallel_loop3A_568 = arith.index_cast %parallel_loop3A_566 : i32 to index
      %parallel_loop3A_569 = arith.constant 96 : index
      %parallel_loop3A_570 = tpu.vector_load %arg6[%parallel_loop3A_567, %parallel_loop3A_568, %parallel_loop3A_569] {strides = array<i32>} : memref<25x1x128xf32, #tpu.memory_space<vmem>>, vector<16xf32>,
      %parallel_loop3A_571 = arith.constant 0 : i32
      %parallel_loop3A_572 = arith.index_cast %parallel_loop3A_268 : i32 to index
      %parallel_loop3A_573 = arith.index_cast %parallel_loop3A_571 : i32 to index
      %parallel_loop3A_574 = arith.constant 96 : index
      %parallel_loop3A_575 = tpu.vector_load %arg7[%parallel_loop3A_572, %parallel_loop3A_573, %parallel_loop3A_574] {strides = array<i32>} : memref<25x1x128xf32, #tpu.memory_space<vmem>>, vector<16xf32>,
      %parallel_loop3A_576 = arith.constant 0 : i32
      %parallel_loop3A_577 = arith.index_cast %parallel_loop3A_268 : i32 to index
      %parallel_loop3A_578 = arith.index_cast %parallel_loop3A_576 : i32 to index
      %parallel_loop3A_579 = arith.constant 96 : index
      %parallel_loop3A_580 = tpu.vector_load %arg8[%parallel_loop3A_577, %parallel_loop3A_578, %parallel_loop3A_579] {strides = array<i32>} : memref<25x2x128xf32, #tpu.memory_space<vmem>>, vector<16xf32>,
      %parallel_loop3A_581 = arith.constant 1 : i32
      %parallel_loop3A_582 = arith.index_cast %parallel_loop3A_268 : i32 to index
      %parallel_loop3A_583 = arith.index_cast %parallel_loop3A_581 : i32 to index
      %parallel_loop3A_584 = arith.constant 96 : index
      %parallel_loop3A_585 = tpu.vector_load %arg8[%parallel_loop3A_582, %parallel_loop3A_583, %parallel_loop3A_584] {strides = array<i32>} : memref<25x2x128xf32, #tpu.memory_space<vmem>>, vector<16xf32>,
      %parallel_loop3A_586 = arith.subf %parallel_loop3A_570, %parallel_loop3A_580 : vector<16xf32>
      %parallel_loop3A_587 = math.absf %parallel_loop3A_586 : vector<16xf32>
      %parallel_loop3A_588 = arith.subf %parallel_loop3A_575, %parallel_loop3A_585 : vector<16xf32>
      %parallel_loop3A_589 = math.absf %parallel_loop3A_588 : vector<16xf32>
      %parallel_loop3A_590 = arith.constant 0.111111112 : f32
      %parallel_loop3A_591 = vector.broadcast %parallel_loop3A_590 : f32 to vector<16xf32>
      %parallel_loop3A_592 = arith.minimumf %parallel_loop3A_587, %parallel_loop3A_591 : vector<16xf32>
      %parallel_loop3A_593 = arith.constant 0.111111112 : f32
      %parallel_loop3A_594 = vector.broadcast %parallel_loop3A_593 : f32 to vector<16xf32>
      %parallel_loop3A_595 = arith.minimumf %parallel_loop3A_589, %parallel_loop3A_594 : vector<16xf32>
      %parallel_loop3A_596 = arith.subf %parallel_loop3A_587, %parallel_loop3A_592 : vector<16xf32>
      %parallel_loop3A_597 = arith.subf %parallel_loop3A_589, %parallel_loop3A_595 : vector<16xf32>
      %parallel_loop3A_598 = arith.addf %parallel_loop3A_596, %parallel_loop3A_597 : vector<16xf32>
      %parallel_loop3A_599 = arith.mulf %parallel_loop3A_592, %parallel_loop3A_592 : vector<16xf32>
      %parallel_loop3A_600 = arith.mulf %parallel_loop3A_595, %parallel_loop3A_595 : vector<16xf32>
      %parallel_loop3A_601 = arith.addf %parallel_loop3A_599, %parallel_loop3A_600 : vector<16xf32>
      %parallel_loop3A_602 = arith.constant 4.500000e+00 : f32
      %parallel_loop3A_603 = vector.broadcast %parallel_loop3A_602 : f32 to vector<16xf32>
      %parallel_loop3A_604 = arith.mulf %parallel_loop3A_603, %parallel_loop3A_601 : vector<16xf32>
      %parallel_loop3A_605 = arith.addf %parallel_loop3A_598, %parallel_loop3A_604 : vector<16xf32>
      %parallel_loop3A_606 = arith.mulf %parallel_loop3A_565, %parallel_loop3A_605 : vector<16xf32>
      %parallel_loop3A_607 = arith.addf %parallel_loop3A_511, %parallel_loop3A_606 : vector<16xf32>
      %parallel_loop3A_608 = arith.addf %parallel_loop3A_512, %parallel_loop3A_565 : vector<16xf32>
      %parallel_loop3A_609 = arith.constant 0 : i32
      %parallel_loop3A_610 = arith.index_cast %parallel_loop3A_268 : i32 to index
      %parallel_loop3A_611 = arith.index_cast %parallel_loop3A_609 : i32 to index
      %parallel_loop3A_612 = arith.constant 112 : index
      %parallel_loop3A_613 = tpu.vector_load %arg5[%parallel_loop3A_610, %parallel_loop3A_611, %parallel_loop3A_612] {strides = array<i32>} : memref<25x1x128xf32, #tpu.memory_space<vmem>>, vector<16xf32>,
      %parallel_loop3A_614 = arith.constant 0 : i32
      %parallel_loop3A_615 = arith.index_cast %parallel_loop3A_268 : i32 to index
      %parallel_loop3A_616 = arith.index_cast %parallel_loop3A_614 : i32 to index
      %parallel_loop3A_617 = arith.constant 112 : index
      %parallel_loop3A_618 = tpu.vector_load %arg6[%parallel_loop3A_615, %parallel_loop3A_616, %parallel_loop3A_617] {strides = array<i32>} : memref<25x1x128xf32, #tpu.memory_space<vmem>>, vector<16xf32>,
      %parallel_loop3A_619 = arith.constant 0 : i32
      %parallel_loop3A_620 = arith.index_cast %parallel_loop3A_268 : i32 to index
      %parallel_loop3A_621 = arith.index_cast %parallel_loop3A_619 : i32 to index
      %parallel_loop3A_622 = arith.constant 112 : index
      %parallel_loop3A_623 = tpu.vector_load %arg7[%parallel_loop3A_620, %parallel_loop3A_621, %parallel_loop3A_622] {strides = array<i32>} : memref<25x1x128xf32, #tpu.memory_space<vmem>>, vector<16xf32>,
      %parallel_loop3A_624 = arith.constant 0 : i32
      %parallel_loop3A_625 = arith.index_cast %parallel_loop3A_268 : i32 to index
      %parallel_loop3A_626 = arith.index_cast %parallel_loop3A_624 : i32 to index
      %parallel_loop3A_627 = arith.constant 112 : index
      %parallel_loop3A_628 = tpu.vector_load %arg8[%parallel_loop3A_625, %parallel_loop3A_626, %parallel_loop3A_627] {strides = array<i32>} : memref<25x2x128xf32, #tpu.memory_space<vmem>>, vector<16xf32>,
      %parallel_loop3A_629 = arith.constant 1 : i32
      %parallel_loop3A_630 = arith.index_cast %parallel_loop3A_268 : i32 to index
      %parallel_loop3A_631 = arith.index_cast %parallel_loop3A_629 : i32 to index
      %parallel_loop3A_632 = arith.constant 112 : index
      %parallel_loop3A_633 = tpu.vector_load %arg8[%parallel_loop3A_630, %parallel_loop3A_631, %parallel_loop3A_632] {strides = array<i32>} : memref<25x2x128xf32, #tpu.memory_space<vmem>>, vector<16xf32>,
      %parallel_loop3A_634 = arith.subf %parallel_loop3A_618, %parallel_loop3A_628 : vector<16xf32>
      %parallel_loop3A_635 = math.absf %parallel_loop3A_634 : vector<16xf32>
      %parallel_loop3A_636 = arith.subf %parallel_loop3A_623, %parallel_loop3A_633 : vector<16xf32>
      %parallel_loop3A_637 = math.absf %parallel_loop3A_636 : vector<16xf32>
      %parallel_loop3A_638 = arith.constant 0.111111112 : f32
      %parallel_loop3A_639 = vector.broadcast %parallel_loop3A_638 : f32 to vector<16xf32>
      %parallel_loop3A_640 = arith.minimumf %parallel_loop3A_635, %parallel_loop3A_639 : vector<16xf32>
      %parallel_loop3A_641 = arith.constant 0.111111112 : f32
      %parallel_loop3A_642 = vector.broadcast %parallel_loop3A_641 : f32 to vector<16xf32>
      %parallel_loop3A_643 = arith.minimumf %parallel_loop3A_637, %parallel_loop3A_642 : vector<16xf32>
      %parallel_loop3A_644 = arith.subf %parallel_loop3A_635, %parallel_loop3A_640 : vector<16xf32>
      %parallel_loop3A_645 = arith.subf %parallel_loop3A_637, %parallel_loop3A_643 : vector<16xf32>
      %parallel_loop3A_646 = arith.addf %parallel_loop3A_644, %parallel_loop3A_645 : vector<16xf32>
      %parallel_loop3A_647 = arith.mulf %parallel_loop3A_640, %parallel_loop3A_640 : vector<16xf32>
      %parallel_loop3A_648 = arith.mulf %parallel_loop3A_643, %parallel_loop3A_643 : vector<16xf32>
      %parallel_loop3A_649 = arith.addf %parallel_loop3A_647, %parallel_loop3A_648 : vector<16xf32>
      %parallel_loop3A_650 = arith.constant 4.500000e+00 : f32
      %parallel_loop3A_651 = vector.broadcast %parallel_loop3A_650 : f32 to vector<16xf32>
      %parallel_loop3A_652 = arith.mulf %parallel_loop3A_651, %parallel_loop3A_649 : vector<16xf32>
      %parallel_loop3A_653 = arith.addf %parallel_loop3A_646, %parallel_loop3A_652 : vector<16xf32>
      %parallel_loop3A_654 = arith.mulf %parallel_loop3A_613, %parallel_loop3A_653 : vector<16xf32>
      %parallel_loop3A_655 = arith.addf %parallel_loop3A_559, %parallel_loop3A_654 : vector<16xf32>
      %parallel_loop3A_656 = arith.addf %parallel_loop3A_560, %parallel_loop3A_613 : vector<16xf32>
      scf.yield %parallel_loop3A_607, %parallel_loop3A_655, %parallel_loop3A_608, %parallel_loop3A_656 : vector<16xf32>, vector<16xf32>, vector<16xf32>, vector<16xf32>
    } {sc.loop_unroll_factor = 1 : i64, sc.parallel_access}
    %dma_wait3A_186 = arith.constant 0 : i32
    %dma_wait3A_187 = arith.constant 0 : i32
    %dma_wait3A_188 = arith.constant 0 : i32
    %dma_wait3A_189 = tpu.memref_slice %arg2[%dma_wait3A_186, %dma_wait3A_187, %dma_wait3A_188] : memref<46875x1x128xf32, #tpu.memory_space<hbm>> -> memref<25x1x128xf32, #tpu.memory_space<hbm>>
    %dma_wait3A_190 = arith.constant 0 : i32
    %dma_wait3A_191 = arith.constant 0 : i32
    %dma_wait3A_192 = arith.constant 0 : i32
    %dma_wait3A_193 = tpu.memref_slice %arg2[%dma_wait3A_190, %dma_wait3A_191, %dma_wait3A_192] : memref<46875x1x128xf32, #tpu.memory_space<hbm>> -> memref<25x1x128xf32, #tpu.memory_space<hbm>>
    tpu.wait_dma2 semaphore(%arg23 : memref<!tpu.dma_semaphore, #tpu.memory_space<semaphore_mem>>) src(%dma_wait3A_193 : memref<25x1x128xf32, #tpu.memory_space<hbm>>) dst(%arg9 : memref<25x1x128xf32, #tpu.memory_space<vmem>>)
    %dma_wait3A_194 = arith.constant 0 : i32
    %dma_wait3A_195 = arith.constant 0 : i32
    %dma_wait3A_196 = arith.constant 0 : i32
    %dma_wait3A_197 = tpu.memref_slice %arg2[%dma_wait3A_194, %dma_wait3A_195, %dma_wait3A_196] : memref<46875x1x128xf32, #tpu.memory_space<hbm>> -> memref<25x1x128xf32, #tpu.memory_space<hbm>>
    %dma_wait3A_198 = arith.constant 0 : i32
    %dma_wait3A_199 = arith.constant 0 : i32
    %dma_wait3A_200 = arith.constant 0 : i32
    %dma_wait3A_201 = tpu.memref_slice %arg2[%dma_wait3A_198, %dma_wait3A_199, %dma_wait3A_200] : memref<46875x1x128xf32, #tpu.memory_space<hbm>> -> memref<25x1x128xf32, #tpu.memory_space<hbm>>
    tpu.wait_dma2 semaphore(%arg23 : memref<!tpu.dma_semaphore, #tpu.memory_space<semaphore_mem>>) src(%dma_wait3A_201 : memref<25x1x128xf32, #tpu.memory_space<hbm>>) dst(%arg10 : memref<25x1x128xf32, #tpu.memory_space<vmem>>)
    %dma_wait3A_202 = arith.constant 0 : i32
    %dma_wait3A_203 = arith.constant 0 : i32
    %dma_wait3A_204 = arith.constant 0 : i32
    %dma_wait3A_205 = tpu.memref_slice %arg2[%dma_wait3A_202, %dma_wait3A_203, %dma_wait3A_204] : memref<46875x1x128xf32, #tpu.memory_space<hbm>> -> memref<25x1x128xf32, #tpu.memory_space<hbm>>
    %dma_wait3A_206 = arith.constant 0 : i32
    %dma_wait3A_207 = arith.constant 0 : i32
    %dma_wait3A_208 = arith.constant 0 : i32
    %dma_wait3A_209 = tpu.memref_slice %arg2[%dma_wait3A_206, %dma_wait3A_207, %dma_wait3A_208] : memref<46875x1x128xf32, #tpu.memory_space<hbm>> -> memref<25x1x128xf32, #tpu.memory_space<hbm>>
    tpu.wait_dma2 semaphore(%arg23 : memref<!tpu.dma_semaphore, #tpu.memory_space<semaphore_mem>>) src(%dma_wait3A_209 : memref<25x1x128xf32, #tpu.memory_space<hbm>>) dst(%arg11 : memref<25x1x128xf32, #tpu.memory_space<vmem>>)
    %dma_wait3A_210 = arith.constant 0 : i32
    %dma_wait3A_211 = arith.constant 0 : i32
    %dma_wait3A_212 = arith.constant 0 : i32
    %dma_wait3A_213 = tpu.memref_slice %arg3[%dma_wait3A_210, %dma_wait3A_211, %dma_wait3A_212] : memref<15625x2x128xf32, #tpu.memory_space<hbm>> -> memref<25x2x128xf32, #tpu.memory_space<hbm>>
    %dma_wait3A_214 = arith.constant 0 : i32
    %dma_wait3A_215 = arith.constant 0 : i32
    %dma_wait3A_216 = arith.constant 0 : i32
    %dma_wait3A_217 = tpu.memref_slice %arg3[%dma_wait3A_214, %dma_wait3A_215, %dma_wait3A_216] : memref<15625x2x128xf32, #tpu.memory_space<hbm>> -> memref<25x2x128xf32, #tpu.memory_space<hbm>>
    tpu.wait_dma2 semaphore(%arg23 : memref<!tpu.dma_semaphore, #tpu.memory_space<semaphore_mem>>) src(%dma_wait3A_217 : memref<25x2x128xf32, #tpu.memory_space<hbm>>) dst(%arg12 : memref<25x2x128xf32, #tpu.memory_space<vmem>>)
    %parallel_loop3A_218 = arith.constant 0 : i32
    %parallel_loop3A_219 = arith.constant 25 : i32
    %parallel_loop3A_220 = arith.constant 1 : i32
    %parallel_loop3A_221:4 = scf.for %parallel_loop3A_268 = %parallel_loop3A_218 to %parallel_loop3A_219 step %parallel_loop3A_220 iter_args(%parallel_loop3A_269 = %parallel_loop3A_185#0, %parallel_loop3A_270 = %parallel_loop3A_185#1, %parallel_loop3A_271 = %parallel_loop3A_185#2, %parallel_loop3A_272 = %parallel_loop3A_185#3) -> (vector<16xf32>, vector<16xf32>, vector<16xf32>, vector<16xf32>)  : i32 {
      %parallel_loop3A_273 = arith.constant 0 : i32
      %parallel_loop3A_274 = arith.index_cast %parallel_loop3A_268 : i32 to index
      %parallel_loop3A_275 = arith.index_cast %parallel_loop3A_273 : i32 to index
      %parallel_loop3A_276 = arith.constant 0 : index
      %parallel_loop3A_277 = tpu.vector_load %arg9[%parallel_loop3A_274, %parallel_loop3A_275, %parallel_loop3A_276] {strides = array<i32>} : memref<25x1x128xf32, #tpu.memory_space<vmem>>, vector<16xf32>,
      %parallel_loop3A_278 = arith.constant 0 : i32
      %parallel_loop3A_279 = arith.index_cast %parallel_loop3A_268 : i32 to index
      %parallel_loop3A_280 = arith.index_cast %parallel_loop3A_278 : i32 to index
      %parallel_loop3A_281 = arith.constant 0 : index
      %parallel_loop3A_282 = tpu.vector_load %arg10[%parallel_loop3A_279, %parallel_loop3A_280, %parallel_loop3A_281] {strides = array<i32>} : memref<25x1x128xf32, #tpu.memory_space<vmem>>, vector<16xf32>,
      %parallel_loop3A_283 = arith.constant 0 : i32
      %parallel_loop3A_284 = arith.index_cast %parallel_loop3A_268 : i32 to index
      %parallel_loop3A_285 = arith.index_cast %parallel_loop3A_283 : i32 to index
      %parallel_loop3A_286 = arith.constant 0 : index
      %parallel_loop3A_287 = tpu.vector_load %arg11[%parallel_loop3A_284, %parallel_loop3A_285, %parallel_loop3A_286] {strides = array<i32>} : memref<25x1x128xf32, #tpu.memory_space<vmem>>, vector<16xf32>,
      %parallel_loop3A_288 = arith.constant 0 : i32
      %parallel_loop3A_289 = arith.index_cast %parallel_loop3A_268 : i32 to index
      %parallel_loop3A_290 = arith.index_cast %parallel_loop3A_288 : i32 to index
      %parallel_loop3A_291 = arith.constant 0 : index
      %parallel_loop3A_292 = tpu.vector_load %arg12[%parallel_loop3A_289, %parallel_loop3A_290, %parallel_loop3A_291] {strides = array<i32>} : memref<25x2x128xf32, #tpu.memory_space<vmem>>, vector<16xf32>,
      %parallel_loop3A_293 = arith.constant 1 : i32
      %parallel_loop3A_294 = arith.index_cast %parallel_loop3A_268 : i32 to index
      %parallel_loop3A_295 = arith.index_cast %parallel_loop3A_293 : i32 to index
      %parallel_loop3A_296 = arith.constant 0 : index
      %parallel_loop3A_297 = tpu.vector_load %arg12[%parallel_loop3A_294, %parallel_loop3A_295, %parallel_loop3A_296] {strides = array<i32>} : memref<25x2x128xf32, #tpu.memory_space<vmem>>, vector<16xf32>,
      %parallel_loop3A_298 = arith.subf %parallel_loop3A_282, %parallel_loop3A_292 : vector<16xf32>
      %parallel_loop3A_299 = math.absf %parallel_loop3A_298 : vector<16xf32>
      %parallel_loop3A_300 = arith.subf %parallel_loop3A_287, %parallel_loop3A_297 : vector<16xf32>
      %parallel_loop3A_301 = math.absf %parallel_loop3A_300 : vector<16xf32>
      %parallel_loop3A_302 = arith.constant 0.111111112 : f32
      %parallel_loop3A_303 = vector.broadcast %parallel_loop3A_302 : f32 to vector<16xf32>
      %parallel_loop3A_304 = arith.minimumf %parallel_loop3A_299, %parallel_loop3A_303 : vector<16xf32>
      %parallel_loop3A_305 = arith.constant 0.111111112 : f32
      %parallel_loop3A_306 = vector.broadcast %parallel_loop3A_305 : f32 to vector<16xf32>
      %parallel_loop3A_307 = arith.minimumf %parallel_loop3A_301, %parallel_loop3A_306 : vector<16xf32>
      %parallel_loop3A_308 = arith.subf %parallel_loop3A_299, %parallel_loop3A_304 : vector<16xf32>
      %parallel_loop3A_309 = arith.subf %parallel_loop3A_301, %parallel_loop3A_307 : vector<16xf32>
      %parallel_loop3A_310 = arith.addf %parallel_loop3A_308, %parallel_loop3A_309 : vector<16xf32>
      %parallel_loop3A_311 = arith.mulf %parallel_loop3A_304, %parallel_loop3A_304 : vector<16xf32>
      %parallel_loop3A_312 = arith.mulf %parallel_loop3A_307, %parallel_loop3A_307 : vector<16xf32>
      %parallel_loop3A_313 = arith.addf %parallel_loop3A_311, %parallel_loop3A_312 : vector<16xf32>
      %parallel_loop3A_314 = arith.constant 4.500000e+00 : f32
      %parallel_loop3A_315 = vector.broadcast %parallel_loop3A_314 : f32 to vector<16xf32>
      %parallel_loop3A_316 = arith.mulf %parallel_loop3A_315, %parallel_loop3A_313 : vector<16xf32>
      %parallel_loop3A_317 = arith.addf %parallel_loop3A_310, %parallel_loop3A_316 : vector<16xf32>
      %parallel_loop3A_318 = arith.mulf %parallel_loop3A_277, %parallel_loop3A_317 : vector<16xf32>
      %parallel_loop3A_319 = arith.addf %parallel_loop3A_269, %parallel_loop3A_318 : vector<16xf32>
      %parallel_loop3A_320 = arith.addf %parallel_loop3A_271, %parallel_loop3A_277 : vector<16xf32>
      %parallel_loop3A_321 = arith.constant 0 : i32
      %parallel_loop3A_322 = arith.index_cast %parallel_loop3A_268 : i32 to index
      %parallel_loop3A_323 = arith.index_cast %parallel_loop3A_321 : i32 to index
      %parallel_loop3A_324 = arith.constant 16 : index
      %parallel_loop3A_325 = tpu.vector_load %arg9[%parallel_loop3A_322, %parallel_loop3A_323, %parallel_loop3A_324] {strides = array<i32>} : memref<25x1x128xf32, #tpu.memory_space<vmem>>, vector<16xf32>,
      %parallel_loop3A_326 = arith.constant 0 : i32
      %parallel_loop3A_327 = arith.index_cast %parallel_loop3A_268 : i32 to index
      %parallel_loop3A_328 = arith.index_cast %parallel_loop3A_326 : i32 to index
      %parallel_loop3A_329 = arith.constant 16 : index
      %parallel_loop3A_330 = tpu.vector_load %arg10[%parallel_loop3A_327, %parallel_loop3A_328, %parallel_loop3A_329] {strides = array<i32>} : memref<25x1x128xf32, #tpu.memory_space<vmem>>, vector<16xf32>,
      %parallel_loop3A_331 = arith.constant 0 : i32
      %parallel_loop3A_332 = arith.index_cast %parallel_loop3A_268 : i32 to index
      %parallel_loop3A_333 = arith.index_cast %parallel_loop3A_331 : i32 to index
      %parallel_loop3A_334 = arith.constant 16 : index
      %parallel_loop3A_335 = tpu.vector_load %arg11[%parallel_loop3A_332, %parallel_loop3A_333, %parallel_loop3A_334] {strides = array<i32>} : memref<25x1x128xf32, #tpu.memory_space<vmem>>, vector<16xf32>,
      %parallel_loop3A_336 = arith.constant 0 : i32
      %parallel_loop3A_337 = arith.index_cast %parallel_loop3A_268 : i32 to index
      %parallel_loop3A_338 = arith.index_cast %parallel_loop3A_336 : i32 to index
      %parallel_loop3A_339 = arith.constant 16 : index
      %parallel_loop3A_340 = tpu.vector_load %arg12[%parallel_loop3A_337, %parallel_loop3A_338, %parallel_loop3A_339] {strides = array<i32>} : memref<25x2x128xf32, #tpu.memory_space<vmem>>, vector<16xf32>,
      %parallel_loop3A_341 = arith.constant 1 : i32
      %parallel_loop3A_342 = arith.index_cast %parallel_loop3A_268 : i32 to index
      %parallel_loop3A_343 = arith.index_cast %parallel_loop3A_341 : i32 to index
      %parallel_loop3A_344 = arith.constant 16 : index
      %parallel_loop3A_345 = tpu.vector_load %arg12[%parallel_loop3A_342, %parallel_loop3A_343, %parallel_loop3A_344] {strides = array<i32>} : memref<25x2x128xf32, #tpu.memory_space<vmem>>, vector<16xf32>,
      %parallel_loop3A_346 = arith.subf %parallel_loop3A_330, %parallel_loop3A_340 : vector<16xf32>
      %parallel_loop3A_347 = math.absf %parallel_loop3A_346 : vector<16xf32>
      %parallel_loop3A_348 = arith.subf %parallel_loop3A_335, %parallel_loop3A_345 : vector<16xf32>
      %parallel_loop3A_349 = math.absf %parallel_loop3A_348 : vector<16xf32>
      %parallel_loop3A_350 = arith.constant 0.111111112 : f32
      %parallel_loop3A_351 = vector.broadcast %parallel_loop3A_350 : f32 to vector<16xf32>
      %parallel_loop3A_352 = arith.minimumf %parallel_loop3A_347, %parallel_loop3A_351 : vector<16xf32>
      %parallel_loop3A_353 = arith.constant 0.111111112 : f32
      %parallel_loop3A_354 = vector.broadcast %parallel_loop3A_353 : f32 to vector<16xf32>
      %parallel_loop3A_355 = arith.minimumf %parallel_loop3A_349, %parallel_loop3A_354 : vector<16xf32>
      %parallel_loop3A_356 = arith.subf %parallel_loop3A_347, %parallel_loop3A_352 : vector<16xf32>
      %parallel_loop3A_357 = arith.subf %parallel_loop3A_349, %parallel_loop3A_355 : vector<16xf32>
      %parallel_loop3A_358 = arith.addf %parallel_loop3A_356, %parallel_loop3A_357 : vector<16xf32>
      %parallel_loop3A_359 = arith.mulf %parallel_loop3A_352, %parallel_loop3A_352 : vector<16xf32>
      %parallel_loop3A_360 = arith.mulf %parallel_loop3A_355, %parallel_loop3A_355 : vector<16xf32>
      %parallel_loop3A_361 = arith.addf %parallel_loop3A_359, %parallel_loop3A_360 : vector<16xf32>
      %parallel_loop3A_362 = arith.constant 4.500000e+00 : f32
      %parallel_loop3A_363 = vector.broadcast %parallel_loop3A_362 : f32 to vector<16xf32>
      %parallel_loop3A_364 = arith.mulf %parallel_loop3A_363, %parallel_loop3A_361 : vector<16xf32>
      %parallel_loop3A_365 = arith.addf %parallel_loop3A_358, %parallel_loop3A_364 : vector<16xf32>
      %parallel_loop3A_366 = arith.mulf %parallel_loop3A_325, %parallel_loop3A_365 : vector<16xf32>
      %parallel_loop3A_367 = arith.addf %parallel_loop3A_270, %parallel_loop3A_366 : vector<16xf32>
      %parallel_loop3A_368 = arith.addf %parallel_loop3A_272, %parallel_loop3A_325 : vector<16xf32>
      %parallel_loop3A_369 = arith.constant 0 : i32
      %parallel_loop3A_370 = arith.index_cast %parallel_loop3A_268 : i32 to index
      %parallel_loop3A_371 = arith.index_cast %parallel_loop3A_369 : i32 to index
      %parallel_loop3A_372 = arith.constant 32 : index
      %parallel_loop3A_373 = tpu.vector_load %arg9[%parallel_loop3A_370, %parallel_loop3A_371, %parallel_loop3A_372] {strides = array<i32>} : memref<25x1x128xf32, #tpu.memory_space<vmem>>, vector<16xf32>,
      %parallel_loop3A_374 = arith.constant 0 : i32
      %parallel_loop3A_375 = arith.index_cast %parallel_loop3A_268 : i32 to index
      %parallel_loop3A_376 = arith.index_cast %parallel_loop3A_374 : i32 to index
      %parallel_loop3A_377 = arith.constant 32 : index
      %parallel_loop3A_378 = tpu.vector_load %arg10[%parallel_loop3A_375, %parallel_loop3A_376, %parallel_loop3A_377] {strides = array<i32>} : memref<25x1x128xf32, #tpu.memory_space<vmem>>, vector<16xf32>,
      %parallel_loop3A_379 = arith.constant 0 : i32
      %parallel_loop3A_380 = arith.index_cast %parallel_loop3A_268 : i32 to index
      %parallel_loop3A_381 = arith.index_cast %parallel_loop3A_379 : i32 to index
      %parallel_loop3A_382 = arith.constant 32 : index
      %parallel_loop3A_383 = tpu.vector_load %arg11[%parallel_loop3A_380, %parallel_loop3A_381, %parallel_loop3A_382] {strides = array<i32>} : memref<25x1x128xf32, #tpu.memory_space<vmem>>, vector<16xf32>,
      %parallel_loop3A_384 = arith.constant 0 : i32
      %parallel_loop3A_385 = arith.index_cast %parallel_loop3A_268 : i32 to index
      %parallel_loop3A_386 = arith.index_cast %parallel_loop3A_384 : i32 to index
      %parallel_loop3A_387 = arith.constant 32 : index
      %parallel_loop3A_388 = tpu.vector_load %arg12[%parallel_loop3A_385, %parallel_loop3A_386, %parallel_loop3A_387] {strides = array<i32>} : memref<25x2x128xf32, #tpu.memory_space<vmem>>, vector<16xf32>,
      %parallel_loop3A_389 = arith.constant 1 : i32
      %parallel_loop3A_390 = arith.index_cast %parallel_loop3A_268 : i32 to index
      %parallel_loop3A_391 = arith.index_cast %parallel_loop3A_389 : i32 to index
      %parallel_loop3A_392 = arith.constant 32 : index
      %parallel_loop3A_393 = tpu.vector_load %arg12[%parallel_loop3A_390, %parallel_loop3A_391, %parallel_loop3A_392] {strides = array<i32>} : memref<25x2x128xf32, #tpu.memory_space<vmem>>, vector<16xf32>,
      %parallel_loop3A_394 = arith.subf %parallel_loop3A_378, %parallel_loop3A_388 : vector<16xf32>
      %parallel_loop3A_395 = math.absf %parallel_loop3A_394 : vector<16xf32>
      %parallel_loop3A_396 = arith.subf %parallel_loop3A_383, %parallel_loop3A_393 : vector<16xf32>
      %parallel_loop3A_397 = math.absf %parallel_loop3A_396 : vector<16xf32>
      %parallel_loop3A_398 = arith.constant 0.111111112 : f32
      %parallel_loop3A_399 = vector.broadcast %parallel_loop3A_398 : f32 to vector<16xf32>
      %parallel_loop3A_400 = arith.minimumf %parallel_loop3A_395, %parallel_loop3A_399 : vector<16xf32>
      %parallel_loop3A_401 = arith.constant 0.111111112 : f32
      %parallel_loop3A_402 = vector.broadcast %parallel_loop3A_401 : f32 to vector<16xf32>
      %parallel_loop3A_403 = arith.minimumf %parallel_loop3A_397, %parallel_loop3A_402 : vector<16xf32>
      %parallel_loop3A_404 = arith.subf %parallel_loop3A_395, %parallel_loop3A_400 : vector<16xf32>
      %parallel_loop3A_405 = arith.subf %parallel_loop3A_397, %parallel_loop3A_403 : vector<16xf32>
      %parallel_loop3A_406 = arith.addf %parallel_loop3A_404, %parallel_loop3A_405 : vector<16xf32>
      %parallel_loop3A_407 = arith.mulf %parallel_loop3A_400, %parallel_loop3A_400 : vector<16xf32>
      %parallel_loop3A_408 = arith.mulf %parallel_loop3A_403, %parallel_loop3A_403 : vector<16xf32>
      %parallel_loop3A_409 = arith.addf %parallel_loop3A_407, %parallel_loop3A_408 : vector<16xf32>
      %parallel_loop3A_410 = arith.constant 4.500000e+00 : f32
      %parallel_loop3A_411 = vector.broadcast %parallel_loop3A_410 : f32 to vector<16xf32>
      %parallel_loop3A_412 = arith.mulf %parallel_loop3A_411, %parallel_loop3A_409 : vector<16xf32>
      %parallel_loop3A_413 = arith.addf %parallel_loop3A_406, %parallel_loop3A_412 : vector<16xf32>
      %parallel_loop3A_414 = arith.mulf %parallel_loop3A_373, %parallel_loop3A_413 : vector<16xf32>
      %parallel_loop3A_415 = arith.addf %parallel_loop3A_319, %parallel_loop3A_414 : vector<16xf32>
      %parallel_loop3A_416 = arith.addf %parallel_loop3A_320, %parallel_loop3A_373 : vector<16xf32>
      %parallel_loop3A_417 = arith.constant 0 : i32
      %parallel_loop3A_418 = arith.index_cast %parallel_loop3A_268 : i32 to index
      %parallel_loop3A_419 = arith.index_cast %parallel_loop3A_417 : i32 to index
      %parallel_loop3A_420 = arith.constant 48 : index
      %parallel_loop3A_421 = tpu.vector_load %arg9[%parallel_loop3A_418, %parallel_loop3A_419, %parallel_loop3A_420] {strides = array<i32>} : memref<25x1x128xf32, #tpu.memory_space<vmem>>, vector<16xf32>,
      %parallel_loop3A_422 = arith.constant 0 : i32
      %parallel_loop3A_423 = arith.index_cast %parallel_loop3A_268 : i32 to index
      %parallel_loop3A_424 = arith.index_cast %parallel_loop3A_422 : i32 to index
      %parallel_loop3A_425 = arith.constant 48 : index
      %parallel_loop3A_426 = tpu.vector_load %arg10[%parallel_loop3A_423, %parallel_loop3A_424, %parallel_loop3A_425] {strides = array<i32>} : memref<25x1x128xf32, #tpu.memory_space<vmem>>, vector<16xf32>,
      %parallel_loop3A_427 = arith.constant 0 : i32
      %parallel_loop3A_428 = arith.index_cast %parallel_loop3A_268 : i32 to index
      %parallel_loop3A_429 = arith.index_cast %parallel_loop3A_427 : i32 to index
      %parallel_loop3A_430 = arith.constant 48 : index
      %parallel_loop3A_431 = tpu.vector_load %arg11[%parallel_loop3A_428, %parallel_loop3A_429, %parallel_loop3A_430] {strides = array<i32>} : memref<25x1x128xf32, #tpu.memory_space<vmem>>, vector<16xf32>,
      %parallel_loop3A_432 = arith.constant 0 : i32
      %parallel_loop3A_433 = arith.index_cast %parallel_loop3A_268 : i32 to index
      %parallel_loop3A_434 = arith.index_cast %parallel_loop3A_432 : i32 to index
      %parallel_loop3A_435 = arith.constant 48 : index
      %parallel_loop3A_436 = tpu.vector_load %arg12[%parallel_loop3A_433, %parallel_loop3A_434, %parallel_loop3A_435] {strides = array<i32>} : memref<25x2x128xf32, #tpu.memory_space<vmem>>, vector<16xf32>,
      %parallel_loop3A_437 = arith.constant 1 : i32
      %parallel_loop3A_438 = arith.index_cast %parallel_loop3A_268 : i32 to index
      %parallel_loop3A_439 = arith.index_cast %parallel_loop3A_437 : i32 to index
      %parallel_loop3A_440 = arith.constant 48 : index
      %parallel_loop3A_441 = tpu.vector_load %arg12[%parallel_loop3A_438, %parallel_loop3A_439, %parallel_loop3A_440] {strides = array<i32>} : memref<25x2x128xf32, #tpu.memory_space<vmem>>, vector<16xf32>,
      %parallel_loop3A_442 = arith.subf %parallel_loop3A_426, %parallel_loop3A_436 : vector<16xf32>
      %parallel_loop3A_443 = math.absf %parallel_loop3A_442 : vector<16xf32>
      %parallel_loop3A_444 = arith.subf %parallel_loop3A_431, %parallel_loop3A_441 : vector<16xf32>
      %parallel_loop3A_445 = math.absf %parallel_loop3A_444 : vector<16xf32>
      %parallel_loop3A_446 = arith.constant 0.111111112 : f32
      %parallel_loop3A_447 = vector.broadcast %parallel_loop3A_446 : f32 to vector<16xf32>
      %parallel_loop3A_448 = arith.minimumf %parallel_loop3A_443, %parallel_loop3A_447 : vector<16xf32>
      %parallel_loop3A_449 = arith.constant 0.111111112 : f32
      %parallel_loop3A_450 = vector.broadcast %parallel_loop3A_449 : f32 to vector<16xf32>
      %parallel_loop3A_451 = arith.minimumf %parallel_loop3A_445, %parallel_loop3A_450 : vector<16xf32>
      %parallel_loop3A_452 = arith.subf %parallel_loop3A_443, %parallel_loop3A_448 : vector<16xf32>
      %parallel_loop3A_453 = arith.subf %parallel_loop3A_445, %parallel_loop3A_451 : vector<16xf32>
      %parallel_loop3A_454 = arith.addf %parallel_loop3A_452, %parallel_loop3A_453 : vector<16xf32>
      %parallel_loop3A_455 = arith.mulf %parallel_loop3A_448, %parallel_loop3A_448 : vector<16xf32>
      %parallel_loop3A_456 = arith.mulf %parallel_loop3A_451, %parallel_loop3A_451 : vector<16xf32>
      %parallel_loop3A_457 = arith.addf %parallel_loop3A_455, %parallel_loop3A_456 : vector<16xf32>
      %parallel_loop3A_458 = arith.constant 4.500000e+00 : f32
      %parallel_loop3A_459 = vector.broadcast %parallel_loop3A_458 : f32 to vector<16xf32>
      %parallel_loop3A_460 = arith.mulf %parallel_loop3A_459, %parallel_loop3A_457 : vector<16xf32>
      %parallel_loop3A_461 = arith.addf %parallel_loop3A_454, %parallel_loop3A_460 : vector<16xf32>
      %parallel_loop3A_462 = arith.mulf %parallel_loop3A_421, %parallel_loop3A_461 : vector<16xf32>
      %parallel_loop3A_463 = arith.addf %parallel_loop3A_367, %parallel_loop3A_462 : vector<16xf32>
      %parallel_loop3A_464 = arith.addf %parallel_loop3A_368, %parallel_loop3A_421 : vector<16xf32>
      %parallel_loop3A_465 = arith.constant 0 : i32
      %parallel_loop3A_466 = arith.index_cast %parallel_loop3A_268 : i32 to index
      %parallel_loop3A_467 = arith.index_cast %parallel_loop3A_465 : i32 to index
      %parallel_loop3A_468 = arith.constant 64 : index
      %parallel_loop3A_469 = tpu.vector_load %arg9[%parallel_loop3A_466, %parallel_loop3A_467, %parallel_loop3A_468] {strides = array<i32>} : memref<25x1x128xf32, #tpu.memory_space<vmem>>, vector<16xf32>,
      %parallel_loop3A_470 = arith.constant 0 : i32
      %parallel_loop3A_471 = arith.index_cast %parallel_loop3A_268 : i32 to index
      %parallel_loop3A_472 = arith.index_cast %parallel_loop3A_470 : i32 to index
      %parallel_loop3A_473 = arith.constant 64 : index
      %parallel_loop3A_474 = tpu.vector_load %arg10[%parallel_loop3A_471, %parallel_loop3A_472, %parallel_loop3A_473] {strides = array<i32>} : memref<25x1x128xf32, #tpu.memory_space<vmem>>, vector<16xf32>,
      %parallel_loop3A_475 = arith.constant 0 : i32
      %parallel_loop3A_476 = arith.index_cast %parallel_loop3A_268 : i32 to index
      %parallel_loop3A_477 = arith.index_cast %parallel_loop3A_475 : i32 to index
      %parallel_loop3A_478 = arith.constant 64 : index
      %parallel_loop3A_479 = tpu.vector_load %arg11[%parallel_loop3A_476, %parallel_loop3A_477, %parallel_loop3A_478] {strides = array<i32>} : memref<25x1x128xf32, #tpu.memory_space<vmem>>, vector<16xf32>,
      %parallel_loop3A_480 = arith.constant 0 : i32
      %parallel_loop3A_481 = arith.index_cast %parallel_loop3A_268 : i32 to index
      %parallel_loop3A_482 = arith.index_cast %parallel_loop3A_480 : i32 to index
      %parallel_loop3A_483 = arith.constant 64 : index
      %parallel_loop3A_484 = tpu.vector_load %arg12[%parallel_loop3A_481, %parallel_loop3A_482, %parallel_loop3A_483] {strides = array<i32>} : memref<25x2x128xf32, #tpu.memory_space<vmem>>, vector<16xf32>,
      %parallel_loop3A_485 = arith.constant 1 : i32
      %parallel_loop3A_486 = arith.index_cast %parallel_loop3A_268 : i32 to index
      %parallel_loop3A_487 = arith.index_cast %parallel_loop3A_485 : i32 to index
      %parallel_loop3A_488 = arith.constant 64 : index
      %parallel_loop3A_489 = tpu.vector_load %arg12[%parallel_loop3A_486, %parallel_loop3A_487, %parallel_loop3A_488] {strides = array<i32>} : memref<25x2x128xf32, #tpu.memory_space<vmem>>, vector<16xf32>,
      %parallel_loop3A_490 = arith.subf %parallel_loop3A_474, %parallel_loop3A_484 : vector<16xf32>
      %parallel_loop3A_491 = math.absf %parallel_loop3A_490 : vector<16xf32>
      %parallel_loop3A_492 = arith.subf %parallel_loop3A_479, %parallel_loop3A_489 : vector<16xf32>
      %parallel_loop3A_493 = math.absf %parallel_loop3A_492 : vector<16xf32>
      %parallel_loop3A_494 = arith.constant 0.111111112 : f32
      %parallel_loop3A_495 = vector.broadcast %parallel_loop3A_494 : f32 to vector<16xf32>
      %parallel_loop3A_496 = arith.minimumf %parallel_loop3A_491, %parallel_loop3A_495 : vector<16xf32>
      %parallel_loop3A_497 = arith.constant 0.111111112 : f32
      %parallel_loop3A_498 = vector.broadcast %parallel_loop3A_497 : f32 to vector<16xf32>
      %parallel_loop3A_499 = arith.minimumf %parallel_loop3A_493, %parallel_loop3A_498 : vector<16xf32>
      %parallel_loop3A_500 = arith.subf %parallel_loop3A_491, %parallel_loop3A_496 : vector<16xf32>
      %parallel_loop3A_501 = arith.subf %parallel_loop3A_493, %parallel_loop3A_499 : vector<16xf32>
      %parallel_loop3A_502 = arith.addf %parallel_loop3A_500, %parallel_loop3A_501 : vector<16xf32>
      %parallel_loop3A_503 = arith.mulf %parallel_loop3A_496, %parallel_loop3A_496 : vector<16xf32>
      %parallel_loop3A_504 = arith.mulf %parallel_loop3A_499, %parallel_loop3A_499 : vector<16xf32>
      %parallel_loop3A_505 = arith.addf %parallel_loop3A_503, %parallel_loop3A_504 : vector<16xf32>
      %parallel_loop3A_506 = arith.constant 4.500000e+00 : f32
      %parallel_loop3A_507 = vector.broadcast %parallel_loop3A_506 : f32 to vector<16xf32>
      %parallel_loop3A_508 = arith.mulf %parallel_loop3A_507, %parallel_loop3A_505 : vector<16xf32>
      %parallel_loop3A_509 = arith.addf %parallel_loop3A_502, %parallel_loop3A_508 : vector<16xf32>
      %parallel_loop3A_510 = arith.mulf %parallel_loop3A_469, %parallel_loop3A_509 : vector<16xf32>
      %parallel_loop3A_511 = arith.addf %parallel_loop3A_415, %parallel_loop3A_510 : vector<16xf32>
      %parallel_loop3A_512 = arith.addf %parallel_loop3A_416, %parallel_loop3A_469 : vector<16xf32>
      %parallel_loop3A_513 = arith.constant 0 : i32
      %parallel_loop3A_514 = arith.index_cast %parallel_loop3A_268 : i32 to index
      %parallel_loop3A_515 = arith.index_cast %parallel_loop3A_513 : i32 to index
      %parallel_loop3A_516 = arith.constant 80 : index
      %parallel_loop3A_517 = tpu.vector_load %arg9[%parallel_loop3A_514, %parallel_loop3A_515, %parallel_loop3A_516] {strides = array<i32>} : memref<25x1x128xf32, #tpu.memory_space<vmem>>, vector<16xf32>,
      %parallel_loop3A_518 = arith.constant 0 : i32
      %parallel_loop3A_519 = arith.index_cast %parallel_loop3A_268 : i32 to index
      %parallel_loop3A_520 = arith.index_cast %parallel_loop3A_518 : i32 to index
      %parallel_loop3A_521 = arith.constant 80 : index
      %parallel_loop3A_522 = tpu.vector_load %arg10[%parallel_loop3A_519, %parallel_loop3A_520, %parallel_loop3A_521] {strides = array<i32>} : memref<25x1x128xf32, #tpu.memory_space<vmem>>, vector<16xf32>,
      %parallel_loop3A_523 = arith.constant 0 : i32
      %parallel_loop3A_524 = arith.index_cast %parallel_loop3A_268 : i32 to index
      %parallel_loop3A_525 = arith.index_cast %parallel_loop3A_523 : i32 to index
      %parallel_loop3A_526 = arith.constant 80 : index
      %parallel_loop3A_527 = tpu.vector_load %arg11[%parallel_loop3A_524, %parallel_loop3A_525, %parallel_loop3A_526] {strides = array<i32>} : memref<25x1x128xf32, #tpu.memory_space<vmem>>, vector<16xf32>,
      %parallel_loop3A_528 = arith.constant 0 : i32
      %parallel_loop3A_529 = arith.index_cast %parallel_loop3A_268 : i32 to index
      %parallel_loop3A_530 = arith.index_cast %parallel_loop3A_528 : i32 to index
      %parallel_loop3A_531 = arith.constant 80 : index
      %parallel_loop3A_532 = tpu.vector_load %arg12[%parallel_loop3A_529, %parallel_loop3A_530, %parallel_loop3A_531] {strides = array<i32>} : memref<25x2x128xf32, #tpu.memory_space<vmem>>, vector<16xf32>,
      %parallel_loop3A_533 = arith.constant 1 : i32
      %parallel_loop3A_534 = arith.index_cast %parallel_loop3A_268 : i32 to index
      %parallel_loop3A_535 = arith.index_cast %parallel_loop3A_533 : i32 to index
      %parallel_loop3A_536 = arith.constant 80 : index
      %parallel_loop3A_537 = tpu.vector_load %arg12[%parallel_loop3A_534, %parallel_loop3A_535, %parallel_loop3A_536] {strides = array<i32>} : memref<25x2x128xf32, #tpu.memory_space<vmem>>, vector<16xf32>,
      %parallel_loop3A_538 = arith.subf %parallel_loop3A_522, %parallel_loop3A_532 : vector<16xf32>
      %parallel_loop3A_539 = math.absf %parallel_loop3A_538 : vector<16xf32>
      %parallel_loop3A_540 = arith.subf %parallel_loop3A_527, %parallel_loop3A_537 : vector<16xf32>
      %parallel_loop3A_541 = math.absf %parallel_loop3A_540 : vector<16xf32>
      %parallel_loop3A_542 = arith.constant 0.111111112 : f32
      %parallel_loop3A_543 = vector.broadcast %parallel_loop3A_542 : f32 to vector<16xf32>
      %parallel_loop3A_544 = arith.minimumf %parallel_loop3A_539, %parallel_loop3A_543 : vector<16xf32>
      %parallel_loop3A_545 = arith.constant 0.111111112 : f32
      %parallel_loop3A_546 = vector.broadcast %parallel_loop3A_545 : f32 to vector<16xf32>
      %parallel_loop3A_547 = arith.minimumf %parallel_loop3A_541, %parallel_loop3A_546 : vector<16xf32>
      %parallel_loop3A_548 = arith.subf %parallel_loop3A_539, %parallel_loop3A_544 : vector<16xf32>
      %parallel_loop3A_549 = arith.subf %parallel_loop3A_541, %parallel_loop3A_547 : vector<16xf32>
      %parallel_loop3A_550 = arith.addf %parallel_loop3A_548, %parallel_loop3A_549 : vector<16xf32>
      %parallel_loop3A_551 = arith.mulf %parallel_loop3A_544, %parallel_loop3A_544 : vector<16xf32>
      %parallel_loop3A_552 = arith.mulf %parallel_loop3A_547, %parallel_loop3A_547 : vector<16xf32>
      %parallel_loop3A_553 = arith.addf %parallel_loop3A_551, %parallel_loop3A_552 : vector<16xf32>
      %parallel_loop3A_554 = arith.constant 4.500000e+00 : f32
      %parallel_loop3A_555 = vector.broadcast %parallel_loop3A_554 : f32 to vector<16xf32>
      %parallel_loop3A_556 = arith.mulf %parallel_loop3A_555, %parallel_loop3A_553 : vector<16xf32>
      %parallel_loop3A_557 = arith.addf %parallel_loop3A_550, %parallel_loop3A_556 : vector<16xf32>
      %parallel_loop3A_558 = arith.mulf %parallel_loop3A_517, %parallel_loop3A_557 : vector<16xf32>
      %parallel_loop3A_559 = arith.addf %parallel_loop3A_463, %parallel_loop3A_558 : vector<16xf32>
      %parallel_loop3A_560 = arith.addf %parallel_loop3A_464, %parallel_loop3A_517 : vector<16xf32>
      %parallel_loop3A_561 = arith.constant 0 : i32
      %parallel_loop3A_562 = arith.index_cast %parallel_loop3A_268 : i32 to index
      %parallel_loop3A_563 = arith.index_cast %parallel_loop3A_561 : i32 to index
      %parallel_loop3A_564 = arith.constant 96 : index
      %parallel_loop3A_565 = tpu.vector_load %arg9[%parallel_loop3A_562, %parallel_loop3A_563, %parallel_loop3A_564] {strides = array<i32>} : memref<25x1x128xf32, #tpu.memory_space<vmem>>, vector<16xf32>,
      %parallel_loop3A_566 = arith.constant 0 : i32
      %parallel_loop3A_567 = arith.index_cast %parallel_loop3A_268 : i32 to index
      %parallel_loop3A_568 = arith.index_cast %parallel_loop3A_566 : i32 to index
      %parallel_loop3A_569 = arith.constant 96 : index
      %parallel_loop3A_570 = tpu.vector_load %arg10[%parallel_loop3A_567, %parallel_loop3A_568, %parallel_loop3A_569] {strides = array<i32>} : memref<25x1x128xf32, #tpu.memory_space<vmem>>, vector<16xf32>,
      %parallel_loop3A_571 = arith.constant 0 : i32
      %parallel_loop3A_572 = arith.index_cast %parallel_loop3A_268 : i32 to index
      %parallel_loop3A_573 = arith.index_cast %parallel_loop3A_571 : i32 to index
      %parallel_loop3A_574 = arith.constant 96 : index
      %parallel_loop3A_575 = tpu.vector_load %arg11[%parallel_loop3A_572, %parallel_loop3A_573, %parallel_loop3A_574] {strides = array<i32>} : memref<25x1x128xf32, #tpu.memory_space<vmem>>, vector<16xf32>,
      %parallel_loop3A_576 = arith.constant 0 : i32
      %parallel_loop3A_577 = arith.index_cast %parallel_loop3A_268 : i32 to index
      %parallel_loop3A_578 = arith.index_cast %parallel_loop3A_576 : i32 to index
      %parallel_loop3A_579 = arith.constant 96 : index
      %parallel_loop3A_580 = tpu.vector_load %arg12[%parallel_loop3A_577, %parallel_loop3A_578, %parallel_loop3A_579] {strides = array<i32>} : memref<25x2x128xf32, #tpu.memory_space<vmem>>, vector<16xf32>,
      %parallel_loop3A_581 = arith.constant 1 : i32
      %parallel_loop3A_582 = arith.index_cast %parallel_loop3A_268 : i32 to index
      %parallel_loop3A_583 = arith.index_cast %parallel_loop3A_581 : i32 to index
      %parallel_loop3A_584 = arith.constant 96 : index
      %parallel_loop3A_585 = tpu.vector_load %arg12[%parallel_loop3A_582, %parallel_loop3A_583, %parallel_loop3A_584] {strides = array<i32>} : memref<25x2x128xf32, #tpu.memory_space<vmem>>, vector<16xf32>,
      %parallel_loop3A_586 = arith.subf %parallel_loop3A_570, %parallel_loop3A_580 : vector<16xf32>
      %parallel_loop3A_587 = math.absf %parallel_loop3A_586 : vector<16xf32>
      %parallel_loop3A_588 = arith.subf %parallel_loop3A_575, %parallel_loop3A_585 : vector<16xf32>
      %parallel_loop3A_589 = math.absf %parallel_loop3A_588 : vector<16xf32>
      %parallel_loop3A_590 = arith.constant 0.111111112 : f32
      %parallel_loop3A_591 = vector.broadcast %parallel_loop3A_590 : f32 to vector<16xf32>
      %parallel_loop3A_592 = arith.minimumf %parallel_loop3A_587, %parallel_loop3A_591 : vector<16xf32>
      %parallel_loop3A_593 = arith.constant 0.111111112 : f32
      %parallel_loop3A_594 = vector.broadcast %parallel_loop3A_593 : f32 to vector<16xf32>
      %parallel_loop3A_595 = arith.minimumf %parallel_loop3A_589, %parallel_loop3A_594 : vector<16xf32>
      %parallel_loop3A_596 = arith.subf %parallel_loop3A_587, %parallel_loop3A_592 : vector<16xf32>
      %parallel_loop3A_597 = arith.subf %parallel_loop3A_589, %parallel_loop3A_595 : vector<16xf32>
      %parallel_loop3A_598 = arith.addf %parallel_loop3A_596, %parallel_loop3A_597 : vector<16xf32>
      %parallel_loop3A_599 = arith.mulf %parallel_loop3A_592, %parallel_loop3A_592 : vector<16xf32>
      %parallel_loop3A_600 = arith.mulf %parallel_loop3A_595, %parallel_loop3A_595 : vector<16xf32>
      %parallel_loop3A_601 = arith.addf %parallel_loop3A_599, %parallel_loop3A_600 : vector<16xf32>
      %parallel_loop3A_602 = arith.constant 4.500000e+00 : f32
      %parallel_loop3A_603 = vector.broadcast %parallel_loop3A_602 : f32 to vector<16xf32>
      %parallel_loop3A_604 = arith.mulf %parallel_loop3A_603, %parallel_loop3A_601 : vector<16xf32>
      %parallel_loop3A_605 = arith.addf %parallel_loop3A_598, %parallel_loop3A_604 : vector<16xf32>
      %parallel_loop3A_606 = arith.mulf %parallel_loop3A_565, %parallel_loop3A_605 : vector<16xf32>
      %parallel_loop3A_607 = arith.addf %parallel_loop3A_511, %parallel_loop3A_606 : vector<16xf32>
      %parallel_loop3A_608 = arith.addf %parallel_loop3A_512, %parallel_loop3A_565 : vector<16xf32>
      %parallel_loop3A_609 = arith.constant 0 : i32
      %parallel_loop3A_610 = arith.index_cast %parallel_loop3A_268 : i32 to index
      %parallel_loop3A_611 = arith.index_cast %parallel_loop3A_609 : i32 to index
      %parallel_loop3A_612 = arith.constant 112 : index
      %parallel_loop3A_613 = tpu.vector_load %arg9[%parallel_loop3A_610, %parallel_loop3A_611, %parallel_loop3A_612] {strides = array<i32>} : memref<25x1x128xf32, #tpu.memory_space<vmem>>, vector<16xf32>,
      %parallel_loop3A_614 = arith.constant 0 : i32
      %parallel_loop3A_615 = arith.index_cast %parallel_loop3A_268 : i32 to index
      %parallel_loop3A_616 = arith.index_cast %parallel_loop3A_614 : i32 to index
      %parallel_loop3A_617 = arith.constant 112 : index
      %parallel_loop3A_618 = tpu.vector_load %arg10[%parallel_loop3A_615, %parallel_loop3A_616, %parallel_loop3A_617] {strides = array<i32>} : memref<25x1x128xf32, #tpu.memory_space<vmem>>, vector<16xf32>,
      %parallel_loop3A_619 = arith.constant 0 : i32
      %parallel_loop3A_620 = arith.index_cast %parallel_loop3A_268 : i32 to index
      %parallel_loop3A_621 = arith.index_cast %parallel_loop3A_619 : i32 to index
      %parallel_loop3A_622 = arith.constant 112 : index
      %parallel_loop3A_623 = tpu.vector_load %arg11[%parallel_loop3A_620, %parallel_loop3A_621, %parallel_loop3A_622] {strides = array<i32>} : memref<25x1x128xf32, #tpu.memory_space<vmem>>, vector<16xf32>,
      %parallel_loop3A_624 = arith.constant 0 : i32
      %parallel_loop3A_625 = arith.index_cast %parallel_loop3A_268 : i32 to index
      %parallel_loop3A_626 = arith.index_cast %parallel_loop3A_624 : i32 to index
      %parallel_loop3A_627 = arith.constant 112 : index
      %parallel_loop3A_628 = tpu.vector_load %arg12[%parallel_loop3A_625, %parallel_loop3A_626, %parallel_loop3A_627] {strides = array<i32>} : memref<25x2x128xf32, #tpu.memory_space<vmem>>, vector<16xf32>,
      %parallel_loop3A_629 = arith.constant 1 : i32
      %parallel_loop3A_630 = arith.index_cast %parallel_loop3A_268 : i32 to index
      %parallel_loop3A_631 = arith.index_cast %parallel_loop3A_629 : i32 to index
      %parallel_loop3A_632 = arith.constant 112 : index
      %parallel_loop3A_633 = tpu.vector_load %arg12[%parallel_loop3A_630, %parallel_loop3A_631, %parallel_loop3A_632] {strides = array<i32>} : memref<25x2x128xf32, #tpu.memory_space<vmem>>, vector<16xf32>,
      %parallel_loop3A_634 = arith.subf %parallel_loop3A_618, %parallel_loop3A_628 : vector<16xf32>
      %parallel_loop3A_635 = math.absf %parallel_loop3A_634 : vector<16xf32>
      %parallel_loop3A_636 = arith.subf %parallel_loop3A_623, %parallel_loop3A_633 : vector<16xf32>
      %parallel_loop3A_637 = math.absf %parallel_loop3A_636 : vector<16xf32>
      %parallel_loop3A_638 = arith.constant 0.111111112 : f32
      %parallel_loop3A_639 = vector.broadcast %parallel_loop3A_638 : f32 to vector<16xf32>
      %parallel_loop3A_640 = arith.minimumf %parallel_loop3A_635, %parallel_loop3A_639 : vector<16xf32>
      %parallel_loop3A_641 = arith.constant 0.111111112 : f32
      %parallel_loop3A_642 = vector.broadcast %parallel_loop3A_641 : f32 to vector<16xf32>
      %parallel_loop3A_643 = arith.minimumf %parallel_loop3A_637, %parallel_loop3A_642 : vector<16xf32>
      %parallel_loop3A_644 = arith.subf %parallel_loop3A_635, %parallel_loop3A_640 : vector<16xf32>
      %parallel_loop3A_645 = arith.subf %parallel_loop3A_637, %parallel_loop3A_643 : vector<16xf32>
      %parallel_loop3A_646 = arith.addf %parallel_loop3A_644, %parallel_loop3A_645 : vector<16xf32>
      %parallel_loop3A_647 = arith.mulf %parallel_loop3A_640, %parallel_loop3A_640 : vector<16xf32>
      %parallel_loop3A_648 = arith.mulf %parallel_loop3A_643, %parallel_loop3A_643 : vector<16xf32>
      %parallel_loop3A_649 = arith.addf %parallel_loop3A_647, %parallel_loop3A_648 : vector<16xf32>
      %parallel_loop3A_650 = arith.constant 4.500000e+00 : f32
      %parallel_loop3A_651 = vector.broadcast %parallel_loop3A_650 : f32 to vector<16xf32>
      %parallel_loop3A_652 = arith.mulf %parallel_loop3A_651, %parallel_loop3A_649 : vector<16xf32>
      %parallel_loop3A_653 = arith.addf %parallel_loop3A_646, %parallel_loop3A_652 : vector<16xf32>
      %parallel_loop3A_654 = arith.mulf %parallel_loop3A_613, %parallel_loop3A_653 : vector<16xf32>
      %parallel_loop3A_655 = arith.addf %parallel_loop3A_559, %parallel_loop3A_654 : vector<16xf32>
      %parallel_loop3A_656 = arith.addf %parallel_loop3A_560, %parallel_loop3A_613 : vector<16xf32>
      scf.yield %parallel_loop3A_607, %parallel_loop3A_655, %parallel_loop3A_608, %parallel_loop3A_656 : vector<16xf32>, vector<16xf32>, vector<16xf32>, vector<16xf32>
    } {sc.loop_unroll_factor = 1 : i64, sc.parallel_access}
    %dma_wait3A_222 = arith.constant 0 : i32
    %dma_wait3A_223 = arith.constant 0 : i32
    %dma_wait3A_224 = arith.constant 0 : i32
    %dma_wait3A_225 = tpu.memref_slice %arg2[%dma_wait3A_222, %dma_wait3A_223, %dma_wait3A_224] : memref<46875x1x128xf32, #tpu.memory_space<hbm>> -> memref<25x1x128xf32, #tpu.memory_space<hbm>>
    %dma_wait3A_226 = arith.constant 0 : i32
    %dma_wait3A_227 = arith.constant 0 : i32
    %dma_wait3A_228 = arith.constant 0 : i32
    %dma_wait3A_229 = tpu.memref_slice %arg2[%dma_wait3A_226, %dma_wait3A_227, %dma_wait3A_228] : memref<46875x1x128xf32, #tpu.memory_space<hbm>> -> memref<25x1x128xf32, #tpu.memory_space<hbm>>
    tpu.wait_dma2 semaphore(%arg24 : memref<!tpu.dma_semaphore, #tpu.memory_space<semaphore_mem>>) src(%dma_wait3A_229 : memref<25x1x128xf32, #tpu.memory_space<hbm>>) dst(%arg13 : memref<25x1x128xf32, #tpu.memory_space<vmem>>)
    %dma_wait3A_230 = arith.constant 0 : i32
    %dma_wait3A_231 = arith.constant 0 : i32
    %dma_wait3A_232 = arith.constant 0 : i32
    %dma_wait3A_233 = tpu.memref_slice %arg2[%dma_wait3A_230, %dma_wait3A_231, %dma_wait3A_232] : memref<46875x1x128xf32, #tpu.memory_space<hbm>> -> memref<25x1x128xf32, #tpu.memory_space<hbm>>
    %dma_wait3A_234 = arith.constant 0 : i32
    %dma_wait3A_235 = arith.constant 0 : i32
    %dma_wait3A_236 = arith.constant 0 : i32
    %dma_wait3A_237 = tpu.memref_slice %arg2[%dma_wait3A_234, %dma_wait3A_235, %dma_wait3A_236] : memref<46875x1x128xf32, #tpu.memory_space<hbm>> -> memref<25x1x128xf32, #tpu.memory_space<hbm>>
    tpu.wait_dma2 semaphore(%arg24 : memref<!tpu.dma_semaphore, #tpu.memory_space<semaphore_mem>>) src(%dma_wait3A_237 : memref<25x1x128xf32, #tpu.memory_space<hbm>>) dst(%arg14 : memref<25x1x128xf32, #tpu.memory_space<vmem>>)
    %dma_wait3A_238 = arith.constant 0 : i32
    %dma_wait3A_239 = arith.constant 0 : i32
    %dma_wait3A_240 = arith.constant 0 : i32
    %dma_wait3A_241 = tpu.memref_slice %arg2[%dma_wait3A_238, %dma_wait3A_239, %dma_wait3A_240] : memref<46875x1x128xf32, #tpu.memory_space<hbm>> -> memref<25x1x128xf32, #tpu.memory_space<hbm>>
    %dma_wait3A_242 = arith.constant 0 : i32
    %dma_wait3A_243 = arith.constant 0 : i32
    %dma_wait3A_244 = arith.constant 0 : i32
    %dma_wait3A_245 = tpu.memref_slice %arg2[%dma_wait3A_242, %dma_wait3A_243, %dma_wait3A_244] : memref<46875x1x128xf32, #tpu.memory_space<hbm>> -> memref<25x1x128xf32, #tpu.memory_space<hbm>>
    tpu.wait_dma2 semaphore(%arg24 : memref<!tpu.dma_semaphore, #tpu.memory_space<semaphore_mem>>) src(%dma_wait3A_245 : memref<25x1x128xf32, #tpu.memory_space<hbm>>) dst(%arg15 : memref<25x1x128xf32, #tpu.memory_space<vmem>>)
    %dma_wait3A_246 = arith.constant 0 : i32
    %dma_wait3A_247 = arith.constant 0 : i32
    %dma_wait3A_248 = arith.constant 0 : i32
    %dma_wait3A_249 = tpu.memref_slice %arg3[%dma_wait3A_246, %dma_wait3A_247, %dma_wait3A_248] : memref<15625x2x128xf32, #tpu.memory_space<hbm>> -> memref<25x2x128xf32, #tpu.memory_space<hbm>>
    %dma_wait3A_250 = arith.constant 0 : i32
    %dma_wait3A_251 = arith.constant 0 : i32
    %dma_wait3A_252 = arith.constant 0 : i32
    %dma_wait3A_253 = tpu.memref_slice %arg3[%dma_wait3A_250, %dma_wait3A_251, %dma_wait3A_252] : memref<15625x2x128xf32, #tpu.memory_space<hbm>> -> memref<25x2x128xf32, #tpu.memory_space<hbm>>
    tpu.wait_dma2 semaphore(%arg24 : memref<!tpu.dma_semaphore, #tpu.memory_space<semaphore_mem>>) src(%dma_wait3A_253 : memref<25x2x128xf32, #tpu.memory_space<hbm>>) dst(%arg16 : memref<25x2x128xf32, #tpu.memory_space<vmem>>)
    %parallel_loop3A_254 = arith.constant 0 : i32
    %parallel_loop3A_255 = arith.constant 25 : i32
    %parallel_loop3A_256 = arith.constant 1 : i32
    %parallel_loop3A_257:4 = scf.for %parallel_loop3A_268 = %parallel_loop3A_254 to %parallel_loop3A_255 step %parallel_loop3A_256 iter_args(%parallel_loop3A_269 = %parallel_loop3A_221#0, %parallel_loop3A_270 = %parallel_loop3A_221#1, %parallel_loop3A_271 = %parallel_loop3A_221#2, %parallel_loop3A_272 = %parallel_loop3A_221#3) -> (vector<16xf32>, vector<16xf32>, vector<16xf32>, vector<16xf32>)  : i32 {
      %parallel_loop3A_273 = arith.constant 0 : i32
      %parallel_loop3A_274 = arith.index_cast %parallel_loop3A_268 : i32 to index
      %parallel_loop3A_275 = arith.index_cast %parallel_loop3A_273 : i32 to index
      %parallel_loop3A_276 = arith.constant 0 : index
      %parallel_loop3A_277 = tpu.vector_load %arg13[%parallel_loop3A_274, %parallel_loop3A_275, %parallel_loop3A_276] {strides = array<i32>} : memref<25x1x128xf32, #tpu.memory_space<vmem>>, vector<16xf32>,
      %parallel_loop3A_278 = arith.constant 0 : i32
      %parallel_loop3A_279 = arith.index_cast %parallel_loop3A_268 : i32 to index
      %parallel_loop3A_280 = arith.index_cast %parallel_loop3A_278 : i32 to index
      %parallel_loop3A_281 = arith.constant 0 : index
      %parallel_loop3A_282 = tpu.vector_load %arg14[%parallel_loop3A_279, %parallel_loop3A_280, %parallel_loop3A_281] {strides = array<i32>} : memref<25x1x128xf32, #tpu.memory_space<vmem>>, vector<16xf32>,
      %parallel_loop3A_283 = arith.constant 0 : i32
      %parallel_loop3A_284 = arith.index_cast %parallel_loop3A_268 : i32 to index
      %parallel_loop3A_285 = arith.index_cast %parallel_loop3A_283 : i32 to index
      %parallel_loop3A_286 = arith.constant 0 : index
      %parallel_loop3A_287 = tpu.vector_load %arg15[%parallel_loop3A_284, %parallel_loop3A_285, %parallel_loop3A_286] {strides = array<i32>} : memref<25x1x128xf32, #tpu.memory_space<vmem>>, vector<16xf32>,
      %parallel_loop3A_288 = arith.constant 0 : i32
      %parallel_loop3A_289 = arith.index_cast %parallel_loop3A_268 : i32 to index
      %parallel_loop3A_290 = arith.index_cast %parallel_loop3A_288 : i32 to index
      %parallel_loop3A_291 = arith.constant 0 : index
      %parallel_loop3A_292 = tpu.vector_load %arg16[%parallel_loop3A_289, %parallel_loop3A_290, %parallel_loop3A_291] {strides = array<i32>} : memref<25x2x128xf32, #tpu.memory_space<vmem>>, vector<16xf32>,
      %parallel_loop3A_293 = arith.constant 1 : i32
      %parallel_loop3A_294 = arith.index_cast %parallel_loop3A_268 : i32 to index
      %parallel_loop3A_295 = arith.index_cast %parallel_loop3A_293 : i32 to index
      %parallel_loop3A_296 = arith.constant 0 : index
      %parallel_loop3A_297 = tpu.vector_load %arg16[%parallel_loop3A_294, %parallel_loop3A_295, %parallel_loop3A_296] {strides = array<i32>} : memref<25x2x128xf32, #tpu.memory_space<vmem>>, vector<16xf32>,
      %parallel_loop3A_298 = arith.subf %parallel_loop3A_282, %parallel_loop3A_292 : vector<16xf32>
      %parallel_loop3A_299 = math.absf %parallel_loop3A_298 : vector<16xf32>
      %parallel_loop3A_300 = arith.subf %parallel_loop3A_287, %parallel_loop3A_297 : vector<16xf32>
      %parallel_loop3A_301 = math.absf %parallel_loop3A_300 : vector<16xf32>
      %parallel_loop3A_302 = arith.constant 0.111111112 : f32
      %parallel_loop3A_303 = vector.broadcast %parallel_loop3A_302 : f32 to vector<16xf32>
      %parallel_loop3A_304 = arith.minimumf %parallel_loop3A_299, %parallel_loop3A_303 : vector<16xf32>
      %parallel_loop3A_305 = arith.constant 0.111111112 : f32
      %parallel_loop3A_306 = vector.broadcast %parallel_loop3A_305 : f32 to vector<16xf32>
      %parallel_loop3A_307 = arith.minimumf %parallel_loop3A_301, %parallel_loop3A_306 : vector<16xf32>
      %parallel_loop3A_308 = arith.subf %parallel_loop3A_299, %parallel_loop3A_304 : vector<16xf32>
      %parallel_loop3A_309 = arith.subf %parallel_loop3A_301, %parallel_loop3A_307 : vector<16xf32>
      %parallel_loop3A_310 = arith.addf %parallel_loop3A_308, %parallel_loop3A_309 : vector<16xf32>
      %parallel_loop3A_311 = arith.mulf %parallel_loop3A_304, %parallel_loop3A_304 : vector<16xf32>
      %parallel_loop3A_312 = arith.mulf %parallel_loop3A_307, %parallel_loop3A_307 : vector<16xf32>
      %parallel_loop3A_313 = arith.addf %parallel_loop3A_311, %parallel_loop3A_312 : vector<16xf32>
      %parallel_loop3A_314 = arith.constant 4.500000e+00 : f32
      %parallel_loop3A_315 = vector.broadcast %parallel_loop3A_314 : f32 to vector<16xf32>
      %parallel_loop3A_316 = arith.mulf %parallel_loop3A_315, %parallel_loop3A_313 : vector<16xf32>
      %parallel_loop3A_317 = arith.addf %parallel_loop3A_310, %parallel_loop3A_316 : vector<16xf32>
      %parallel_loop3A_318 = arith.mulf %parallel_loop3A_277, %parallel_loop3A_317 : vector<16xf32>
      %parallel_loop3A_319 = arith.addf %parallel_loop3A_269, %parallel_loop3A_318 : vector<16xf32>
      %parallel_loop3A_320 = arith.addf %parallel_loop3A_271, %parallel_loop3A_277 : vector<16xf32>
      %parallel_loop3A_321 = arith.constant 0 : i32
      %parallel_loop3A_322 = arith.index_cast %parallel_loop3A_268 : i32 to index
      %parallel_loop3A_323 = arith.index_cast %parallel_loop3A_321 : i32 to index
      %parallel_loop3A_324 = arith.constant 16 : index
      %parallel_loop3A_325 = tpu.vector_load %arg13[%parallel_loop3A_322, %parallel_loop3A_323, %parallel_loop3A_324] {strides = array<i32>} : memref<25x1x128xf32, #tpu.memory_space<vmem>>, vector<16xf32>,
      %parallel_loop3A_326 = arith.constant 0 : i32
      %parallel_loop3A_327 = arith.index_cast %parallel_loop3A_268 : i32 to index
      %parallel_loop3A_328 = arith.index_cast %parallel_loop3A_326 : i32 to index
      %parallel_loop3A_329 = arith.constant 16 : index
      %parallel_loop3A_330 = tpu.vector_load %arg14[%parallel_loop3A_327, %parallel_loop3A_328, %parallel_loop3A_329] {strides = array<i32>} : memref<25x1x128xf32, #tpu.memory_space<vmem>>, vector<16xf32>,
      %parallel_loop3A_331 = arith.constant 0 : i32
      %parallel_loop3A_332 = arith.index_cast %parallel_loop3A_268 : i32 to index
      %parallel_loop3A_333 = arith.index_cast %parallel_loop3A_331 : i32 to index
      %parallel_loop3A_334 = arith.constant 16 : index
      %parallel_loop3A_335 = tpu.vector_load %arg15[%parallel_loop3A_332, %parallel_loop3A_333, %parallel_loop3A_334] {strides = array<i32>} : memref<25x1x128xf32, #tpu.memory_space<vmem>>, vector<16xf32>,
      %parallel_loop3A_336 = arith.constant 0 : i32
      %parallel_loop3A_337 = arith.index_cast %parallel_loop3A_268 : i32 to index
      %parallel_loop3A_338 = arith.index_cast %parallel_loop3A_336 : i32 to index
      %parallel_loop3A_339 = arith.constant 16 : index
      %parallel_loop3A_340 = tpu.vector_load %arg16[%parallel_loop3A_337, %parallel_loop3A_338, %parallel_loop3A_339] {strides = array<i32>} : memref<25x2x128xf32, #tpu.memory_space<vmem>>, vector<16xf32>,
      %parallel_loop3A_341 = arith.constant 1 : i32
      %parallel_loop3A_342 = arith.index_cast %parallel_loop3A_268 : i32 to index
      %parallel_loop3A_343 = arith.index_cast %parallel_loop3A_341 : i32 to index
      %parallel_loop3A_344 = arith.constant 16 : index
      %parallel_loop3A_345 = tpu.vector_load %arg16[%parallel_loop3A_342, %parallel_loop3A_343, %parallel_loop3A_344] {strides = array<i32>} : memref<25x2x128xf32, #tpu.memory_space<vmem>>, vector<16xf32>,
      %parallel_loop3A_346 = arith.subf %parallel_loop3A_330, %parallel_loop3A_340 : vector<16xf32>
      %parallel_loop3A_347 = math.absf %parallel_loop3A_346 : vector<16xf32>
      %parallel_loop3A_348 = arith.subf %parallel_loop3A_335, %parallel_loop3A_345 : vector<16xf32>
      %parallel_loop3A_349 = math.absf %parallel_loop3A_348 : vector<16xf32>
      %parallel_loop3A_350 = arith.constant 0.111111112 : f32
      %parallel_loop3A_351 = vector.broadcast %parallel_loop3A_350 : f32 to vector<16xf32>
      %parallel_loop3A_352 = arith.minimumf %parallel_loop3A_347, %parallel_loop3A_351 : vector<16xf32>
      %parallel_loop3A_353 = arith.constant 0.111111112 : f32
      %parallel_loop3A_354 = vector.broadcast %parallel_loop3A_353 : f32 to vector<16xf32>
      %parallel_loop3A_355 = arith.minimumf %parallel_loop3A_349, %parallel_loop3A_354 : vector<16xf32>
      %parallel_loop3A_356 = arith.subf %parallel_loop3A_347, %parallel_loop3A_352 : vector<16xf32>
      %parallel_loop3A_357 = arith.subf %parallel_loop3A_349, %parallel_loop3A_355 : vector<16xf32>
      %parallel_loop3A_358 = arith.addf %parallel_loop3A_356, %parallel_loop3A_357 : vector<16xf32>
      %parallel_loop3A_359 = arith.mulf %parallel_loop3A_352, %parallel_loop3A_352 : vector<16xf32>
      %parallel_loop3A_360 = arith.mulf %parallel_loop3A_355, %parallel_loop3A_355 : vector<16xf32>
      %parallel_loop3A_361 = arith.addf %parallel_loop3A_359, %parallel_loop3A_360 : vector<16xf32>
      %parallel_loop3A_362 = arith.constant 4.500000e+00 : f32
      %parallel_loop3A_363 = vector.broadcast %parallel_loop3A_362 : f32 to vector<16xf32>
      %parallel_loop3A_364 = arith.mulf %parallel_loop3A_363, %parallel_loop3A_361 : vector<16xf32>
      %parallel_loop3A_365 = arith.addf %parallel_loop3A_358, %parallel_loop3A_364 : vector<16xf32>
      %parallel_loop3A_366 = arith.mulf %parallel_loop3A_325, %parallel_loop3A_365 : vector<16xf32>
      %parallel_loop3A_367 = arith.addf %parallel_loop3A_270, %parallel_loop3A_366 : vector<16xf32>
      %parallel_loop3A_368 = arith.addf %parallel_loop3A_272, %parallel_loop3A_325 : vector<16xf32>
      %parallel_loop3A_369 = arith.constant 0 : i32
      %parallel_loop3A_370 = arith.index_cast %parallel_loop3A_268 : i32 to index
      %parallel_loop3A_371 = arith.index_cast %parallel_loop3A_369 : i32 to index
      %parallel_loop3A_372 = arith.constant 32 : index
      %parallel_loop3A_373 = tpu.vector_load %arg13[%parallel_loop3A_370, %parallel_loop3A_371, %parallel_loop3A_372] {strides = array<i32>} : memref<25x1x128xf32, #tpu.memory_space<vmem>>, vector<16xf32>,
      %parallel_loop3A_374 = arith.constant 0 : i32
      %parallel_loop3A_375 = arith.index_cast %parallel_loop3A_268 : i32 to index
      %parallel_loop3A_376 = arith.index_cast %parallel_loop3A_374 : i32 to index
      %parallel_loop3A_377 = arith.constant 32 : index
      %parallel_loop3A_378 = tpu.vector_load %arg14[%parallel_loop3A_375, %parallel_loop3A_376, %parallel_loop3A_377] {strides = array<i32>} : memref<25x1x128xf32, #tpu.memory_space<vmem>>, vector<16xf32>,
      %parallel_loop3A_379 = arith.constant 0 : i32
      %parallel_loop3A_380 = arith.index_cast %parallel_loop3A_268 : i32 to index
      %parallel_loop3A_381 = arith.index_cast %parallel_loop3A_379 : i32 to index
      %parallel_loop3A_382 = arith.constant 32 : index
      %parallel_loop3A_383 = tpu.vector_load %arg15[%parallel_loop3A_380, %parallel_loop3A_381, %parallel_loop3A_382] {strides = array<i32>} : memref<25x1x128xf32, #tpu.memory_space<vmem>>, vector<16xf32>,
      %parallel_loop3A_384 = arith.constant 0 : i32
      %parallel_loop3A_385 = arith.index_cast %parallel_loop3A_268 : i32 to index
      %parallel_loop3A_386 = arith.index_cast %parallel_loop3A_384 : i32 to index
      %parallel_loop3A_387 = arith.constant 32 : index
      %parallel_loop3A_388 = tpu.vector_load %arg16[%parallel_loop3A_385, %parallel_loop3A_386, %parallel_loop3A_387] {strides = array<i32>} : memref<25x2x128xf32, #tpu.memory_space<vmem>>, vector<16xf32>,
      %parallel_loop3A_389 = arith.constant 1 : i32
      %parallel_loop3A_390 = arith.index_cast %parallel_loop3A_268 : i32 to index
      %parallel_loop3A_391 = arith.index_cast %parallel_loop3A_389 : i32 to index
      %parallel_loop3A_392 = arith.constant 32 : index
      %parallel_loop3A_393 = tpu.vector_load %arg16[%parallel_loop3A_390, %parallel_loop3A_391, %parallel_loop3A_392] {strides = array<i32>} : memref<25x2x128xf32, #tpu.memory_space<vmem>>, vector<16xf32>,
      %parallel_loop3A_394 = arith.subf %parallel_loop3A_378, %parallel_loop3A_388 : vector<16xf32>
      %parallel_loop3A_395 = math.absf %parallel_loop3A_394 : vector<16xf32>
      %parallel_loop3A_396 = arith.subf %parallel_loop3A_383, %parallel_loop3A_393 : vector<16xf32>
      %parallel_loop3A_397 = math.absf %parallel_loop3A_396 : vector<16xf32>
      %parallel_loop3A_398 = arith.constant 0.111111112 : f32
      %parallel_loop3A_399 = vector.broadcast %parallel_loop3A_398 : f32 to vector<16xf32>
      %parallel_loop3A_400 = arith.minimumf %parallel_loop3A_395, %parallel_loop3A_399 : vector<16xf32>
      %parallel_loop3A_401 = arith.constant 0.111111112 : f32
      %parallel_loop3A_402 = vector.broadcast %parallel_loop3A_401 : f32 to vector<16xf32>
      %parallel_loop3A_403 = arith.minimumf %parallel_loop3A_397, %parallel_loop3A_402 : vector<16xf32>
      %parallel_loop3A_404 = arith.subf %parallel_loop3A_395, %parallel_loop3A_400 : vector<16xf32>
      %parallel_loop3A_405 = arith.subf %parallel_loop3A_397, %parallel_loop3A_403 : vector<16xf32>
      %parallel_loop3A_406 = arith.addf %parallel_loop3A_404, %parallel_loop3A_405 : vector<16xf32>
      %parallel_loop3A_407 = arith.mulf %parallel_loop3A_400, %parallel_loop3A_400 : vector<16xf32>
      %parallel_loop3A_408 = arith.mulf %parallel_loop3A_403, %parallel_loop3A_403 : vector<16xf32>
      %parallel_loop3A_409 = arith.addf %parallel_loop3A_407, %parallel_loop3A_408 : vector<16xf32>
      %parallel_loop3A_410 = arith.constant 4.500000e+00 : f32
      %parallel_loop3A_411 = vector.broadcast %parallel_loop3A_410 : f32 to vector<16xf32>
      %parallel_loop3A_412 = arith.mulf %parallel_loop3A_411, %parallel_loop3A_409 : vector<16xf32>
      %parallel_loop3A_413 = arith.addf %parallel_loop3A_406, %parallel_loop3A_412 : vector<16xf32>
      %parallel_loop3A_414 = arith.mulf %parallel_loop3A_373, %parallel_loop3A_413 : vector<16xf32>
      %parallel_loop3A_415 = arith.addf %parallel_loop3A_319, %parallel_loop3A_414 : vector<16xf32>
      %parallel_loop3A_416 = arith.addf %parallel_loop3A_320, %parallel_loop3A_373 : vector<16xf32>
      %parallel_loop3A_417 = arith.constant 0 : i32
      %parallel_loop3A_418 = arith.index_cast %parallel_loop3A_268 : i32 to index
      %parallel_loop3A_419 = arith.index_cast %parallel_loop3A_417 : i32 to index
      %parallel_loop3A_420 = arith.constant 48 : index
      %parallel_loop3A_421 = tpu.vector_load %arg13[%parallel_loop3A_418, %parallel_loop3A_419, %parallel_loop3A_420] {strides = array<i32>} : memref<25x1x128xf32, #tpu.memory_space<vmem>>, vector<16xf32>,
      %parallel_loop3A_422 = arith.constant 0 : i32
      %parallel_loop3A_423 = arith.index_cast %parallel_loop3A_268 : i32 to index
      %parallel_loop3A_424 = arith.index_cast %parallel_loop3A_422 : i32 to index
      %parallel_loop3A_425 = arith.constant 48 : index
      %parallel_loop3A_426 = tpu.vector_load %arg14[%parallel_loop3A_423, %parallel_loop3A_424, %parallel_loop3A_425] {strides = array<i32>} : memref<25x1x128xf32, #tpu.memory_space<vmem>>, vector<16xf32>,
      %parallel_loop3A_427 = arith.constant 0 : i32
      %parallel_loop3A_428 = arith.index_cast %parallel_loop3A_268 : i32 to index
      %parallel_loop3A_429 = arith.index_cast %parallel_loop3A_427 : i32 to index
      %parallel_loop3A_430 = arith.constant 48 : index
      %parallel_loop3A_431 = tpu.vector_load %arg15[%parallel_loop3A_428, %parallel_loop3A_429, %parallel_loop3A_430] {strides = array<i32>} : memref<25x1x128xf32, #tpu.memory_space<vmem>>, vector<16xf32>,
      %parallel_loop3A_432 = arith.constant 0 : i32
      %parallel_loop3A_433 = arith.index_cast %parallel_loop3A_268 : i32 to index
      %parallel_loop3A_434 = arith.index_cast %parallel_loop3A_432 : i32 to index
      %parallel_loop3A_435 = arith.constant 48 : index
      %parallel_loop3A_436 = tpu.vector_load %arg16[%parallel_loop3A_433, %parallel_loop3A_434, %parallel_loop3A_435] {strides = array<i32>} : memref<25x2x128xf32, #tpu.memory_space<vmem>>, vector<16xf32>,
      %parallel_loop3A_437 = arith.constant 1 : i32
      %parallel_loop3A_438 = arith.index_cast %parallel_loop3A_268 : i32 to index
      %parallel_loop3A_439 = arith.index_cast %parallel_loop3A_437 : i32 to index
      %parallel_loop3A_440 = arith.constant 48 : index
      %parallel_loop3A_441 = tpu.vector_load %arg16[%parallel_loop3A_438, %parallel_loop3A_439, %parallel_loop3A_440] {strides = array<i32>} : memref<25x2x128xf32, #tpu.memory_space<vmem>>, vector<16xf32>,
      %parallel_loop3A_442 = arith.subf %parallel_loop3A_426, %parallel_loop3A_436 : vector<16xf32>
      %parallel_loop3A_443 = math.absf %parallel_loop3A_442 : vector<16xf32>
      %parallel_loop3A_444 = arith.subf %parallel_loop3A_431, %parallel_loop3A_441 : vector<16xf32>
      %parallel_loop3A_445 = math.absf %parallel_loop3A_444 : vector<16xf32>
      %parallel_loop3A_446 = arith.constant 0.111111112 : f32
      %parallel_loop3A_447 = vector.broadcast %parallel_loop3A_446 : f32 to vector<16xf32>
      %parallel_loop3A_448 = arith.minimumf %parallel_loop3A_443, %parallel_loop3A_447 : vector<16xf32>
      %parallel_loop3A_449 = arith.constant 0.111111112 : f32
      %parallel_loop3A_450 = vector.broadcast %parallel_loop3A_449 : f32 to vector<16xf32>
      %parallel_loop3A_451 = arith.minimumf %parallel_loop3A_445, %parallel_loop3A_450 : vector<16xf32>
      %parallel_loop3A_452 = arith.subf %parallel_loop3A_443, %parallel_loop3A_448 : vector<16xf32>
      %parallel_loop3A_453 = arith.subf %parallel_loop3A_445, %parallel_loop3A_451 : vector<16xf32>
      %parallel_loop3A_454 = arith.addf %parallel_loop3A_452, %parallel_loop3A_453 : vector<16xf32>
      %parallel_loop3A_455 = arith.mulf %parallel_loop3A_448, %parallel_loop3A_448 : vector<16xf32>
      %parallel_loop3A_456 = arith.mulf %parallel_loop3A_451, %parallel_loop3A_451 : vector<16xf32>
      %parallel_loop3A_457 = arith.addf %parallel_loop3A_455, %parallel_loop3A_456 : vector<16xf32>
      %parallel_loop3A_458 = arith.constant 4.500000e+00 : f32
      %parallel_loop3A_459 = vector.broadcast %parallel_loop3A_458 : f32 to vector<16xf32>
      %parallel_loop3A_460 = arith.mulf %parallel_loop3A_459, %parallel_loop3A_457 : vector<16xf32>
      %parallel_loop3A_461 = arith.addf %parallel_loop3A_454, %parallel_loop3A_460 : vector<16xf32>
      %parallel_loop3A_462 = arith.mulf %parallel_loop3A_421, %parallel_loop3A_461 : vector<16xf32>
      %parallel_loop3A_463 = arith.addf %parallel_loop3A_367, %parallel_loop3A_462 : vector<16xf32>
      %parallel_loop3A_464 = arith.addf %parallel_loop3A_368, %parallel_loop3A_421 : vector<16xf32>
      %parallel_loop3A_465 = arith.constant 0 : i32
      %parallel_loop3A_466 = arith.index_cast %parallel_loop3A_268 : i32 to index
      %parallel_loop3A_467 = arith.index_cast %parallel_loop3A_465 : i32 to index
      %parallel_loop3A_468 = arith.constant 64 : index
      %parallel_loop3A_469 = tpu.vector_load %arg13[%parallel_loop3A_466, %parallel_loop3A_467, %parallel_loop3A_468] {strides = array<i32>} : memref<25x1x128xf32, #tpu.memory_space<vmem>>, vector<16xf32>,
      %parallel_loop3A_470 = arith.constant 0 : i32
      %parallel_loop3A_471 = arith.index_cast %parallel_loop3A_268 : i32 to index
      %parallel_loop3A_472 = arith.index_cast %parallel_loop3A_470 : i32 to index
      %parallel_loop3A_473 = arith.constant 64 : index
      %parallel_loop3A_474 = tpu.vector_load %arg14[%parallel_loop3A_471, %parallel_loop3A_472, %parallel_loop3A_473] {strides = array<i32>} : memref<25x1x128xf32, #tpu.memory_space<vmem>>, vector<16xf32>,
      %parallel_loop3A_475 = arith.constant 0 : i32
      %parallel_loop3A_476 = arith.index_cast %parallel_loop3A_268 : i32 to index
      %parallel_loop3A_477 = arith.index_cast %parallel_loop3A_475 : i32 to index
      %parallel_loop3A_478 = arith.constant 64 : index
      %parallel_loop3A_479 = tpu.vector_load %arg15[%parallel_loop3A_476, %parallel_loop3A_477, %parallel_loop3A_478] {strides = array<i32>} : memref<25x1x128xf32, #tpu.memory_space<vmem>>, vector<16xf32>,
      %parallel_loop3A_480 = arith.constant 0 : i32
      %parallel_loop3A_481 = arith.index_cast %parallel_loop3A_268 : i32 to index
      %parallel_loop3A_482 = arith.index_cast %parallel_loop3A_480 : i32 to index
      %parallel_loop3A_483 = arith.constant 64 : index
      %parallel_loop3A_484 = tpu.vector_load %arg16[%parallel_loop3A_481, %parallel_loop3A_482, %parallel_loop3A_483] {strides = array<i32>} : memref<25x2x128xf32, #tpu.memory_space<vmem>>, vector<16xf32>,
      %parallel_loop3A_485 = arith.constant 1 : i32
      %parallel_loop3A_486 = arith.index_cast %parallel_loop3A_268 : i32 to index
      %parallel_loop3A_487 = arith.index_cast %parallel_loop3A_485 : i32 to index
      %parallel_loop3A_488 = arith.constant 64 : index
      %parallel_loop3A_489 = tpu.vector_load %arg16[%parallel_loop3A_486, %parallel_loop3A_487, %parallel_loop3A_488] {strides = array<i32>} : memref<25x2x128xf32, #tpu.memory_space<vmem>>, vector<16xf32>,
      %parallel_loop3A_490 = arith.subf %parallel_loop3A_474, %parallel_loop3A_484 : vector<16xf32>
      %parallel_loop3A_491 = math.absf %parallel_loop3A_490 : vector<16xf32>
      %parallel_loop3A_492 = arith.subf %parallel_loop3A_479, %parallel_loop3A_489 : vector<16xf32>
      %parallel_loop3A_493 = math.absf %parallel_loop3A_492 : vector<16xf32>
      %parallel_loop3A_494 = arith.constant 0.111111112 : f32
      %parallel_loop3A_495 = vector.broadcast %parallel_loop3A_494 : f32 to vector<16xf32>
      %parallel_loop3A_496 = arith.minimumf %parallel_loop3A_491, %parallel_loop3A_495 : vector<16xf32>
      %parallel_loop3A_497 = arith.constant 0.111111112 : f32
      %parallel_loop3A_498 = vector.broadcast %parallel_loop3A_497 : f32 to vector<16xf32>
      %parallel_loop3A_499 = arith.minimumf %parallel_loop3A_493, %parallel_loop3A_498 : vector<16xf32>
      %parallel_loop3A_500 = arith.subf %parallel_loop3A_491, %parallel_loop3A_496 : vector<16xf32>
      %parallel_loop3A_501 = arith.subf %parallel_loop3A_493, %parallel_loop3A_499 : vector<16xf32>
      %parallel_loop3A_502 = arith.addf %parallel_loop3A_500, %parallel_loop3A_501 : vector<16xf32>
      %parallel_loop3A_503 = arith.mulf %parallel_loop3A_496, %parallel_loop3A_496 : vector<16xf32>
      %parallel_loop3A_504 = arith.mulf %parallel_loop3A_499, %parallel_loop3A_499 : vector<16xf32>
      %parallel_loop3A_505 = arith.addf %parallel_loop3A_503, %parallel_loop3A_504 : vector<16xf32>
      %parallel_loop3A_506 = arith.constant 4.500000e+00 : f32
      %parallel_loop3A_507 = vector.broadcast %parallel_loop3A_506 : f32 to vector<16xf32>
      %parallel_loop3A_508 = arith.mulf %parallel_loop3A_507, %parallel_loop3A_505 : vector<16xf32>
      %parallel_loop3A_509 = arith.addf %parallel_loop3A_502, %parallel_loop3A_508 : vector<16xf32>
      %parallel_loop3A_510 = arith.mulf %parallel_loop3A_469, %parallel_loop3A_509 : vector<16xf32>
      %parallel_loop3A_511 = arith.addf %parallel_loop3A_415, %parallel_loop3A_510 : vector<16xf32>
      %parallel_loop3A_512 = arith.addf %parallel_loop3A_416, %parallel_loop3A_469 : vector<16xf32>
      %parallel_loop3A_513 = arith.constant 0 : i32
      %parallel_loop3A_514 = arith.index_cast %parallel_loop3A_268 : i32 to index
      %parallel_loop3A_515 = arith.index_cast %parallel_loop3A_513 : i32 to index
      %parallel_loop3A_516 = arith.constant 80 : index
      %parallel_loop3A_517 = tpu.vector_load %arg13[%parallel_loop3A_514, %parallel_loop3A_515, %parallel_loop3A_516] {strides = array<i32>} : memref<25x1x128xf32, #tpu.memory_space<vmem>>, vector<16xf32>,
      %parallel_loop3A_518 = arith.constant 0 : i32
      %parallel_loop3A_519 = arith.index_cast %parallel_loop3A_268 : i32 to index
      %parallel_loop3A_520 = arith.index_cast %parallel_loop3A_518 : i32 to index
      %parallel_loop3A_521 = arith.constant 80 : index
      %parallel_loop3A_522 = tpu.vector_load %arg14[%parallel_loop3A_519, %parallel_loop3A_520, %parallel_loop3A_521] {strides = array<i32>} : memref<25x1x128xf32, #tpu.memory_space<vmem>>, vector<16xf32>,
      %parallel_loop3A_523 = arith.constant 0 : i32
      %parallel_loop3A_524 = arith.index_cast %parallel_loop3A_268 : i32 to index
      %parallel_loop3A_525 = arith.index_cast %parallel_loop3A_523 : i32 to index
      %parallel_loop3A_526 = arith.constant 80 : index
      %parallel_loop3A_527 = tpu.vector_load %arg15[%parallel_loop3A_524, %parallel_loop3A_525, %parallel_loop3A_526] {strides = array<i32>} : memref<25x1x128xf32, #tpu.memory_space<vmem>>, vector<16xf32>,
      %parallel_loop3A_528 = arith.constant 0 : i32
      %parallel_loop3A_529 = arith.index_cast %parallel_loop3A_268 : i32 to index
      %parallel_loop3A_530 = arith.index_cast %parallel_loop3A_528 : i32 to index
      %parallel_loop3A_531 = arith.constant 80 : index
      %parallel_loop3A_532 = tpu.vector_load %arg16[%parallel_loop3A_529, %parallel_loop3A_530, %parallel_loop3A_531] {strides = array<i32>} : memref<25x2x128xf32, #tpu.memory_space<vmem>>, vector<16xf32>,
      %parallel_loop3A_533 = arith.constant 1 : i32
      %parallel_loop3A_534 = arith.index_cast %parallel_loop3A_268 : i32 to index
      %parallel_loop3A_535 = arith.index_cast %parallel_loop3A_533 : i32 to index
      %parallel_loop3A_536 = arith.constant 80 : index
      %parallel_loop3A_537 = tpu.vector_load %arg16[%parallel_loop3A_534, %parallel_loop3A_535, %parallel_loop3A_536] {strides = array<i32>} : memref<25x2x128xf32, #tpu.memory_space<vmem>>, vector<16xf32>,
      %parallel_loop3A_538 = arith.subf %parallel_loop3A_522, %parallel_loop3A_532 : vector<16xf32>
      %parallel_loop3A_539 = math.absf %parallel_loop3A_538 : vector<16xf32>
      %parallel_loop3A_540 = arith.subf %parallel_loop3A_527, %parallel_loop3A_537 : vector<16xf32>
      %parallel_loop3A_541 = math.absf %parallel_loop3A_540 : vector<16xf32>
      %parallel_loop3A_542 = arith.constant 0.111111112 : f32
      %parallel_loop3A_543 = vector.broadcast %parallel_loop3A_542 : f32 to vector<16xf32>
      %parallel_loop3A_544 = arith.minimumf %parallel_loop3A_539, %parallel_loop3A_543 : vector<16xf32>
      %parallel_loop3A_545 = arith.constant 0.111111112 : f32
      %parallel_loop3A_546 = vector.broadcast %parallel_loop3A_545 : f32 to vector<16xf32>
      %parallel_loop3A_547 = arith.minimumf %parallel_loop3A_541, %parallel_loop3A_546 : vector<16xf32>
      %parallel_loop3A_548 = arith.subf %parallel_loop3A_539, %parallel_loop3A_544 : vector<16xf32>
      %parallel_loop3A_549 = arith.subf %parallel_loop3A_541, %parallel_loop3A_547 : vector<16xf32>
      %parallel_loop3A_550 = arith.addf %parallel_loop3A_548, %parallel_loop3A_549 : vector<16xf32>
      %parallel_loop3A_551 = arith.mulf %parallel_loop3A_544, %parallel_loop3A_544 : vector<16xf32>
      %parallel_loop3A_552 = arith.mulf %parallel_loop3A_547, %parallel_loop3A_547 : vector<16xf32>
      %parallel_loop3A_553 = arith.addf %parallel_loop3A_551, %parallel_loop3A_552 : vector<16xf32>
      %parallel_loop3A_554 = arith.constant 4.500000e+00 : f32
      %parallel_loop3A_555 = vector.broadcast %parallel_loop3A_554 : f32 to vector<16xf32>
      %parallel_loop3A_556 = arith.mulf %parallel_loop3A_555, %parallel_loop3A_553 : vector<16xf32>
      %parallel_loop3A_557 = arith.addf %parallel_loop3A_550, %parallel_loop3A_556 : vector<16xf32>
      %parallel_loop3A_558 = arith.mulf %parallel_loop3A_517, %parallel_loop3A_557 : vector<16xf32>
      %parallel_loop3A_559 = arith.addf %parallel_loop3A_463, %parallel_loop3A_558 : vector<16xf32>
      %parallel_loop3A_560 = arith.addf %parallel_loop3A_464, %parallel_loop3A_517 : vector<16xf32>
      %parallel_loop3A_561 = arith.constant 0 : i32
      %parallel_loop3A_562 = arith.index_cast %parallel_loop3A_268 : i32 to index
      %parallel_loop3A_563 = arith.index_cast %parallel_loop3A_561 : i32 to index
      %parallel_loop3A_564 = arith.constant 96 : index
      %parallel_loop3A_565 = tpu.vector_load %arg13[%parallel_loop3A_562, %parallel_loop3A_563, %parallel_loop3A_564] {strides = array<i32>} : memref<25x1x128xf32, #tpu.memory_space<vmem>>, vector<16xf32>,
      %parallel_loop3A_566 = arith.constant 0 : i32
      %parallel_loop3A_567 = arith.index_cast %parallel_loop3A_268 : i32 to index
      %parallel_loop3A_568 = arith.index_cast %parallel_loop3A_566 : i32 to index
      %parallel_loop3A_569 = arith.constant 96 : index
      %parallel_loop3A_570 = tpu.vector_load %arg14[%parallel_loop3A_567, %parallel_loop3A_568, %parallel_loop3A_569] {strides = array<i32>} : memref<25x1x128xf32, #tpu.memory_space<vmem>>, vector<16xf32>,
      %parallel_loop3A_571 = arith.constant 0 : i32
      %parallel_loop3A_572 = arith.index_cast %parallel_loop3A_268 : i32 to index
      %parallel_loop3A_573 = arith.index_cast %parallel_loop3A_571 : i32 to index
      %parallel_loop3A_574 = arith.constant 96 : index
      %parallel_loop3A_575 = tpu.vector_load %arg15[%parallel_loop3A_572, %parallel_loop3A_573, %parallel_loop3A_574] {strides = array<i32>} : memref<25x1x128xf32, #tpu.memory_space<vmem>>, vector<16xf32>,
      %parallel_loop3A_576 = arith.constant 0 : i32
      %parallel_loop3A_577 = arith.index_cast %parallel_loop3A_268 : i32 to index
      %parallel_loop3A_578 = arith.index_cast %parallel_loop3A_576 : i32 to index
      %parallel_loop3A_579 = arith.constant 96 : index
      %parallel_loop3A_580 = tpu.vector_load %arg16[%parallel_loop3A_577, %parallel_loop3A_578, %parallel_loop3A_579] {strides = array<i32>} : memref<25x2x128xf32, #tpu.memory_space<vmem>>, vector<16xf32>,
      %parallel_loop3A_581 = arith.constant 1 : i32
      %parallel_loop3A_582 = arith.index_cast %parallel_loop3A_268 : i32 to index
      %parallel_loop3A_583 = arith.index_cast %parallel_loop3A_581 : i32 to index
      %parallel_loop3A_584 = arith.constant 96 : index
      %parallel_loop3A_585 = tpu.vector_load %arg16[%parallel_loop3A_582, %parallel_loop3A_583, %parallel_loop3A_584] {strides = array<i32>} : memref<25x2x128xf32, #tpu.memory_space<vmem>>, vector<16xf32>,
      %parallel_loop3A_586 = arith.subf %parallel_loop3A_570, %parallel_loop3A_580 : vector<16xf32>
      %parallel_loop3A_587 = math.absf %parallel_loop3A_586 : vector<16xf32>
      %parallel_loop3A_588 = arith.subf %parallel_loop3A_575, %parallel_loop3A_585 : vector<16xf32>
      %parallel_loop3A_589 = math.absf %parallel_loop3A_588 : vector<16xf32>
      %parallel_loop3A_590 = arith.constant 0.111111112 : f32
      %parallel_loop3A_591 = vector.broadcast %parallel_loop3A_590 : f32 to vector<16xf32>
      %parallel_loop3A_592 = arith.minimumf %parallel_loop3A_587, %parallel_loop3A_591 : vector<16xf32>
      %parallel_loop3A_593 = arith.constant 0.111111112 : f32
      %parallel_loop3A_594 = vector.broadcast %parallel_loop3A_593 : f32 to vector<16xf32>
      %parallel_loop3A_595 = arith.minimumf %parallel_loop3A_589, %parallel_loop3A_594 : vector<16xf32>
      %parallel_loop3A_596 = arith.subf %parallel_loop3A_587, %parallel_loop3A_592 : vector<16xf32>
      %parallel_loop3A_597 = arith.subf %parallel_loop3A_589, %parallel_loop3A_595 : vector<16xf32>
      %parallel_loop3A_598 = arith.addf %parallel_loop3A_596, %parallel_loop3A_597 : vector<16xf32>
      %parallel_loop3A_599 = arith.mulf %parallel_loop3A_592, %parallel_loop3A_592 : vector<16xf32>
      %parallel_loop3A_600 = arith.mulf %parallel_loop3A_595, %parallel_loop3A_595 : vector<16xf32>
      %parallel_loop3A_601 = arith.addf %parallel_loop3A_599, %parallel_loop3A_600 : vector<16xf32>
      %parallel_loop3A_602 = arith.constant 4.500000e+00 : f32
      %parallel_loop3A_603 = vector.broadcast %parallel_loop3A_602 : f32 to vector<16xf32>
      %parallel_loop3A_604 = arith.mulf %parallel_loop3A_603, %parallel_loop3A_601 : vector<16xf32>
      %parallel_loop3A_605 = arith.addf %parallel_loop3A_598, %parallel_loop3A_604 : vector<16xf32>
      %parallel_loop3A_606 = arith.mulf %parallel_loop3A_565, %parallel_loop3A_605 : vector<16xf32>
      %parallel_loop3A_607 = arith.addf %parallel_loop3A_511, %parallel_loop3A_606 : vector<16xf32>
      %parallel_loop3A_608 = arith.addf %parallel_loop3A_512, %parallel_loop3A_565 : vector<16xf32>
      %parallel_loop3A_609 = arith.constant 0 : i32
      %parallel_loop3A_610 = arith.index_cast %parallel_loop3A_268 : i32 to index
      %parallel_loop3A_611 = arith.index_cast %parallel_loop3A_609 : i32 to index
      %parallel_loop3A_612 = arith.constant 112 : index
      %parallel_loop3A_613 = tpu.vector_load %arg13[%parallel_loop3A_610, %parallel_loop3A_611, %parallel_loop3A_612] {strides = array<i32>} : memref<25x1x128xf32, #tpu.memory_space<vmem>>, vector<16xf32>,
      %parallel_loop3A_614 = arith.constant 0 : i32
      %parallel_loop3A_615 = arith.index_cast %parallel_loop3A_268 : i32 to index
      %parallel_loop3A_616 = arith.index_cast %parallel_loop3A_614 : i32 to index
      %parallel_loop3A_617 = arith.constant 112 : index
      %parallel_loop3A_618 = tpu.vector_load %arg14[%parallel_loop3A_615, %parallel_loop3A_616, %parallel_loop3A_617] {strides = array<i32>} : memref<25x1x128xf32, #tpu.memory_space<vmem>>, vector<16xf32>,
      %parallel_loop3A_619 = arith.constant 0 : i32
      %parallel_loop3A_620 = arith.index_cast %parallel_loop3A_268 : i32 to index
      %parallel_loop3A_621 = arith.index_cast %parallel_loop3A_619 : i32 to index
      %parallel_loop3A_622 = arith.constant 112 : index
      %parallel_loop3A_623 = tpu.vector_load %arg15[%parallel_loop3A_620, %parallel_loop3A_621, %parallel_loop3A_622] {strides = array<i32>} : memref<25x1x128xf32, #tpu.memory_space<vmem>>, vector<16xf32>,
      %parallel_loop3A_624 = arith.constant 0 : i32
      %parallel_loop3A_625 = arith.index_cast %parallel_loop3A_268 : i32 to index
      %parallel_loop3A_626 = arith.index_cast %parallel_loop3A_624 : i32 to index
      %parallel_loop3A_627 = arith.constant 112 : index
      %parallel_loop3A_628 = tpu.vector_load %arg16[%parallel_loop3A_625, %parallel_loop3A_626, %parallel_loop3A_627] {strides = array<i32>} : memref<25x2x128xf32, #tpu.memory_space<vmem>>, vector<16xf32>,
      %parallel_loop3A_629 = arith.constant 1 : i32
      %parallel_loop3A_630 = arith.index_cast %parallel_loop3A_268 : i32 to index
      %parallel_loop3A_631 = arith.index_cast %parallel_loop3A_629 : i32 to index
      %parallel_loop3A_632 = arith.constant 112 : index
      %parallel_loop3A_633 = tpu.vector_load %arg16[%parallel_loop3A_630, %parallel_loop3A_631, %parallel_loop3A_632] {strides = array<i32>} : memref<25x2x128xf32, #tpu.memory_space<vmem>>, vector<16xf32>,
      %parallel_loop3A_634 = arith.subf %parallel_loop3A_618, %parallel_loop3A_628 : vector<16xf32>
      %parallel_loop3A_635 = math.absf %parallel_loop3A_634 : vector<16xf32>
      %parallel_loop3A_636 = arith.subf %parallel_loop3A_623, %parallel_loop3A_633 : vector<16xf32>
      %parallel_loop3A_637 = math.absf %parallel_loop3A_636 : vector<16xf32>
      %parallel_loop3A_638 = arith.constant 0.111111112 : f32
      %parallel_loop3A_639 = vector.broadcast %parallel_loop3A_638 : f32 to vector<16xf32>
      %parallel_loop3A_640 = arith.minimumf %parallel_loop3A_635, %parallel_loop3A_639 : vector<16xf32>
      %parallel_loop3A_641 = arith.constant 0.111111112 : f32
      %parallel_loop3A_642 = vector.broadcast %parallel_loop3A_641 : f32 to vector<16xf32>
      %parallel_loop3A_643 = arith.minimumf %parallel_loop3A_637, %parallel_loop3A_642 : vector<16xf32>
      %parallel_loop3A_644 = arith.subf %parallel_loop3A_635, %parallel_loop3A_640 : vector<16xf32>
      %parallel_loop3A_645 = arith.subf %parallel_loop3A_637, %parallel_loop3A_643 : vector<16xf32>
      %parallel_loop3A_646 = arith.addf %parallel_loop3A_644, %parallel_loop3A_645 : vector<16xf32>
      %parallel_loop3A_647 = arith.mulf %parallel_loop3A_640, %parallel_loop3A_640 : vector<16xf32>
      %parallel_loop3A_648 = arith.mulf %parallel_loop3A_643, %parallel_loop3A_643 : vector<16xf32>
      %parallel_loop3A_649 = arith.addf %parallel_loop3A_647, %parallel_loop3A_648 : vector<16xf32>
      %parallel_loop3A_650 = arith.constant 4.500000e+00 : f32
      %parallel_loop3A_651 = vector.broadcast %parallel_loop3A_650 : f32 to vector<16xf32>
      %parallel_loop3A_652 = arith.mulf %parallel_loop3A_651, %parallel_loop3A_649 : vector<16xf32>
      %parallel_loop3A_653 = arith.addf %parallel_loop3A_646, %parallel_loop3A_652 : vector<16xf32>
      %parallel_loop3A_654 = arith.mulf %parallel_loop3A_613, %parallel_loop3A_653 : vector<16xf32>
      %parallel_loop3A_655 = arith.addf %parallel_loop3A_559, %parallel_loop3A_654 : vector<16xf32>
      %parallel_loop3A_656 = arith.addf %parallel_loop3A_560, %parallel_loop3A_613 : vector<16xf32>
      scf.yield %parallel_loop3A_607, %parallel_loop3A_655, %parallel_loop3A_608, %parallel_loop3A_656 : vector<16xf32>, vector<16xf32>, vector<16xf32>, vector<16xf32>
    } {sc.loop_unroll_factor = 1 : i64, sc.parallel_access}
    %gt3A = arith.constant 19 : i32
    %gt3A_258 = arith.cmpi sgt, %select_n3A, %gt3A : i32
    %convert_element_type3A = arith.extui %gt3A_258 : i1 to i32
    %cond3A = arith.constant 0 : i32
    %cond3A_259 = arith.cmpi ne, %convert_element_type3A, %cond3A : i32
    %cond3A_260:4 = scf.if %cond3A_259 -> (vector<16xf32>, vector<16xf32>, vector<16xf32>, vector<16xf32>) {
      %dma_wait3A_268 = arith.constant 0 : i32
      %dma_wait3A_269 = arith.constant 0 : i32
      %dma_wait3A_270 = arith.constant 0 : i32
      %dma_wait3A_271 = tpu.memref_slice %arg2[%dma_wait3A_268, %dma_wait3A_269, %dma_wait3A_270] : memref<46875x1x128xf32, #tpu.memory_space<hbm>> -> memref<25x1x128xf32, #tpu.memory_space<hbm>>
      %dma_wait3A_272 = arith.constant 0 : i32
      %dma_wait3A_273 = arith.constant 0 : i32
      %dma_wait3A_274 = arith.constant 0 : i32
      %dma_wait3A_275 = tpu.memref_slice %arg2[%dma_wait3A_272, %dma_wait3A_273, %dma_wait3A_274] : memref<46875x1x128xf32, #tpu.memory_space<hbm>> -> memref<25x1x128xf32, #tpu.memory_space<hbm>>
      tpu.wait_dma2 semaphore(%arg25 : memref<!tpu.dma_semaphore, #tpu.memory_space<semaphore_mem>>) src(%dma_wait3A_275 : memref<25x1x128xf32, #tpu.memory_space<hbm>>) dst(%arg17 : memref<25x1x128xf32, #tpu.memory_space<vmem>>)
      %dma_wait3A_276 = arith.constant 0 : i32
      %dma_wait3A_277 = arith.constant 0 : i32
      %dma_wait3A_278 = arith.constant 0 : i32
      %dma_wait3A_279 = tpu.memref_slice %arg2[%dma_wait3A_276, %dma_wait3A_277, %dma_wait3A_278] : memref<46875x1x128xf32, #tpu.memory_space<hbm>> -> memref<25x1x128xf32, #tpu.memory_space<hbm>>
      %dma_wait3A_280 = arith.constant 0 : i32
      %dma_wait3A_281 = arith.constant 0 : i32
      %dma_wait3A_282 = arith.constant 0 : i32
      %dma_wait3A_283 = tpu.memref_slice %arg2[%dma_wait3A_280, %dma_wait3A_281, %dma_wait3A_282] : memref<46875x1x128xf32, #tpu.memory_space<hbm>> -> memref<25x1x128xf32, #tpu.memory_space<hbm>>
      tpu.wait_dma2 semaphore(%arg25 : memref<!tpu.dma_semaphore, #tpu.memory_space<semaphore_mem>>) src(%dma_wait3A_283 : memref<25x1x128xf32, #tpu.memory_space<hbm>>) dst(%arg18 : memref<25x1x128xf32, #tpu.memory_space<vmem>>)
      %dma_wait3A_284 = arith.constant 0 : i32
      %dma_wait3A_285 = arith.constant 0 : i32
      %dma_wait3A_286 = arith.constant 0 : i32
      %dma_wait3A_287 = tpu.memref_slice %arg2[%dma_wait3A_284, %dma_wait3A_285, %dma_wait3A_286] : memref<46875x1x128xf32, #tpu.memory_space<hbm>> -> memref<25x1x128xf32, #tpu.memory_space<hbm>>
      %dma_wait3A_288 = arith.constant 0 : i32
      %dma_wait3A_289 = arith.constant 0 : i32
      %dma_wait3A_290 = arith.constant 0 : i32
      %dma_wait3A_291 = tpu.memref_slice %arg2[%dma_wait3A_288, %dma_wait3A_289, %dma_wait3A_290] : memref<46875x1x128xf32, #tpu.memory_space<hbm>> -> memref<25x1x128xf32, #tpu.memory_space<hbm>>
      tpu.wait_dma2 semaphore(%arg25 : memref<!tpu.dma_semaphore, #tpu.memory_space<semaphore_mem>>) src(%dma_wait3A_291 : memref<25x1x128xf32, #tpu.memory_space<hbm>>) dst(%arg19 : memref<25x1x128xf32, #tpu.memory_space<vmem>>)
      %dma_wait3A_292 = arith.constant 0 : i32
      %dma_wait3A_293 = arith.constant 0 : i32
      %dma_wait3A_294 = arith.constant 0 : i32
      %dma_wait3A_295 = tpu.memref_slice %arg3[%dma_wait3A_292, %dma_wait3A_293, %dma_wait3A_294] : memref<15625x2x128xf32, #tpu.memory_space<hbm>> -> memref<25x2x128xf32, #tpu.memory_space<hbm>>
      %dma_wait3A_296 = arith.constant 0 : i32
      %dma_wait3A_297 = arith.constant 0 : i32
      %dma_wait3A_298 = arith.constant 0 : i32
      %dma_wait3A_299 = tpu.memref_slice %arg3[%dma_wait3A_296, %dma_wait3A_297, %dma_wait3A_298] : memref<15625x2x128xf32, #tpu.memory_space<hbm>> -> memref<25x2x128xf32, #tpu.memory_space<hbm>>
      tpu.wait_dma2 semaphore(%arg25 : memref<!tpu.dma_semaphore, #tpu.memory_space<semaphore_mem>>) src(%dma_wait3A_299 : memref<25x2x128xf32, #tpu.memory_space<hbm>>) dst(%arg20 : memref<25x2x128xf32, #tpu.memory_space<vmem>>)
      %parallel_loop3A_300 = arith.constant 0 : i32
      %parallel_loop3A_301 = arith.constant 25 : i32
      %parallel_loop3A_302 = arith.constant 1 : i32
      %parallel_loop3A_303:4 = scf.for %parallel_loop3A_304 = %parallel_loop3A_300 to %parallel_loop3A_301 step %parallel_loop3A_302 iter_args(%parallel_loop3A_305 = %parallel_loop3A_257#0, %parallel_loop3A_306 = %parallel_loop3A_257#1, %parallel_loop3A_307 = %parallel_loop3A_257#2, %parallel_loop3A_308 = %parallel_loop3A_257#3) -> (vector<16xf32>, vector<16xf32>, vector<16xf32>, vector<16xf32>)  : i32 {
        %parallel_loop3A_309 = arith.constant 0 : i32
        %parallel_loop3A_310 = arith.index_cast %parallel_loop3A_304 : i32 to index
        %parallel_loop3A_311 = arith.index_cast %parallel_loop3A_309 : i32 to index
        %parallel_loop3A_312 = arith.constant 0 : index
        %parallel_loop3A_313 = tpu.vector_load %arg17[%parallel_loop3A_310, %parallel_loop3A_311, %parallel_loop3A_312] {strides = array<i32>} : memref<25x1x128xf32, #tpu.memory_space<vmem>>, vector<16xf32>,
        %parallel_loop3A_314 = arith.constant 0 : i32
        %parallel_loop3A_315 = arith.index_cast %parallel_loop3A_304 : i32 to index
        %parallel_loop3A_316 = arith.index_cast %parallel_loop3A_314 : i32 to index
        %parallel_loop3A_317 = arith.constant 0 : index
        %parallel_loop3A_318 = tpu.vector_load %arg18[%parallel_loop3A_315, %parallel_loop3A_316, %parallel_loop3A_317] {strides = array<i32>} : memref<25x1x128xf32, #tpu.memory_space<vmem>>, vector<16xf32>,
        %parallel_loop3A_319 = arith.constant 0 : i32
        %parallel_loop3A_320 = arith.index_cast %parallel_loop3A_304 : i32 to index
        %parallel_loop3A_321 = arith.index_cast %parallel_loop3A_319 : i32 to index
        %parallel_loop3A_322 = arith.constant 0 : index
        %parallel_loop3A_323 = tpu.vector_load %arg19[%parallel_loop3A_320, %parallel_loop3A_321, %parallel_loop3A_322] {strides = array<i32>} : memref<25x1x128xf32, #tpu.memory_space<vmem>>, vector<16xf32>,
        %parallel_loop3A_324 = arith.constant 0 : i32
        %parallel_loop3A_325 = arith.index_cast %parallel_loop3A_304 : i32 to index
        %parallel_loop3A_326 = arith.index_cast %parallel_loop3A_324 : i32 to index
        %parallel_loop3A_327 = arith.constant 0 : index
        %parallel_loop3A_328 = tpu.vector_load %arg20[%parallel_loop3A_325, %parallel_loop3A_326, %parallel_loop3A_327] {strides = array<i32>} : memref<25x2x128xf32, #tpu.memory_space<vmem>>, vector<16xf32>,
        %parallel_loop3A_329 = arith.constant 1 : i32
        %parallel_loop3A_330 = arith.index_cast %parallel_loop3A_304 : i32 to index
        %parallel_loop3A_331 = arith.index_cast %parallel_loop3A_329 : i32 to index
        %parallel_loop3A_332 = arith.constant 0 : index
        %parallel_loop3A_333 = tpu.vector_load %arg20[%parallel_loop3A_330, %parallel_loop3A_331, %parallel_loop3A_332] {strides = array<i32>} : memref<25x2x128xf32, #tpu.memory_space<vmem>>, vector<16xf32>,
        %parallel_loop3A_334 = arith.subf %parallel_loop3A_318, %parallel_loop3A_328 : vector<16xf32>
        %parallel_loop3A_335 = math.absf %parallel_loop3A_334 : vector<16xf32>
        %parallel_loop3A_336 = arith.subf %parallel_loop3A_323, %parallel_loop3A_333 : vector<16xf32>
        %parallel_loop3A_337 = math.absf %parallel_loop3A_336 : vector<16xf32>
        %parallel_loop3A_338 = arith.constant 0.111111112 : f32
        %parallel_loop3A_339 = vector.broadcast %parallel_loop3A_338 : f32 to vector<16xf32>
        %parallel_loop3A_340 = arith.minimumf %parallel_loop3A_335, %parallel_loop3A_339 : vector<16xf32>
        %parallel_loop3A_341 = arith.constant 0.111111112 : f32
        %parallel_loop3A_342 = vector.broadcast %parallel_loop3A_341 : f32 to vector<16xf32>
        %parallel_loop3A_343 = arith.minimumf %parallel_loop3A_337, %parallel_loop3A_342 : vector<16xf32>
        %parallel_loop3A_344 = arith.subf %parallel_loop3A_335, %parallel_loop3A_340 : vector<16xf32>
        %parallel_loop3A_345 = arith.subf %parallel_loop3A_337, %parallel_loop3A_343 : vector<16xf32>
        %parallel_loop3A_346 = arith.addf %parallel_loop3A_344, %parallel_loop3A_345 : vector<16xf32>
        %parallel_loop3A_347 = arith.mulf %parallel_loop3A_340, %parallel_loop3A_340 : vector<16xf32>
        %parallel_loop3A_348 = arith.mulf %parallel_loop3A_343, %parallel_loop3A_343 : vector<16xf32>
        %parallel_loop3A_349 = arith.addf %parallel_loop3A_347, %parallel_loop3A_348 : vector<16xf32>
        %parallel_loop3A_350 = arith.constant 4.500000e+00 : f32
        %parallel_loop3A_351 = vector.broadcast %parallel_loop3A_350 : f32 to vector<16xf32>
        %parallel_loop3A_352 = arith.mulf %parallel_loop3A_351, %parallel_loop3A_349 : vector<16xf32>
        %parallel_loop3A_353 = arith.addf %parallel_loop3A_346, %parallel_loop3A_352 : vector<16xf32>
        %parallel_loop3A_354 = arith.mulf %parallel_loop3A_313, %parallel_loop3A_353 : vector<16xf32>
        %parallel_loop3A_355 = arith.addf %parallel_loop3A_305, %parallel_loop3A_354 : vector<16xf32>
        %parallel_loop3A_356 = arith.addf %parallel_loop3A_307, %parallel_loop3A_313 : vector<16xf32>
        %parallel_loop3A_357 = arith.constant 0 : i32
        %parallel_loop3A_358 = arith.index_cast %parallel_loop3A_304 : i32 to index
        %parallel_loop3A_359 = arith.index_cast %parallel_loop3A_357 : i32 to index
        %parallel_loop3A_360 = arith.constant 16 : index
        %parallel_loop3A_361 = tpu.vector_load %arg17[%parallel_loop3A_358, %parallel_loop3A_359, %parallel_loop3A_360] {strides = array<i32>} : memref<25x1x128xf32, #tpu.memory_space<vmem>>, vector<16xf32>,
        %parallel_loop3A_362 = arith.constant 0 : i32
        %parallel_loop3A_363 = arith.index_cast %parallel_loop3A_304 : i32 to index
        %parallel_loop3A_364 = arith.index_cast %parallel_loop3A_362 : i32 to index
        %parallel_loop3A_365 = arith.constant 16 : index
        %parallel_loop3A_366 = tpu.vector_load %arg18[%parallel_loop3A_363, %parallel_loop3A_364, %parallel_loop3A_365] {strides = array<i32>} : memref<25x1x128xf32, #tpu.memory_space<vmem>>, vector<16xf32>,
        %parallel_loop3A_367 = arith.constant 0 : i32
        %parallel_loop3A_368 = arith.index_cast %parallel_loop3A_304 : i32 to index
        %parallel_loop3A_369 = arith.index_cast %parallel_loop3A_367 : i32 to index
        %parallel_loop3A_370 = arith.constant 16 : index
        %parallel_loop3A_371 = tpu.vector_load %arg19[%parallel_loop3A_368, %parallel_loop3A_369, %parallel_loop3A_370] {strides = array<i32>} : memref<25x1x128xf32, #tpu.memory_space<vmem>>, vector<16xf32>,
        %parallel_loop3A_372 = arith.constant 0 : i32
        %parallel_loop3A_373 = arith.index_cast %parallel_loop3A_304 : i32 to index
        %parallel_loop3A_374 = arith.index_cast %parallel_loop3A_372 : i32 to index
        %parallel_loop3A_375 = arith.constant 16 : index
        %parallel_loop3A_376 = tpu.vector_load %arg20[%parallel_loop3A_373, %parallel_loop3A_374, %parallel_loop3A_375] {strides = array<i32>} : memref<25x2x128xf32, #tpu.memory_space<vmem>>, vector<16xf32>,
        %parallel_loop3A_377 = arith.constant 1 : i32
        %parallel_loop3A_378 = arith.index_cast %parallel_loop3A_304 : i32 to index
        %parallel_loop3A_379 = arith.index_cast %parallel_loop3A_377 : i32 to index
        %parallel_loop3A_380 = arith.constant 16 : index
        %parallel_loop3A_381 = tpu.vector_load %arg20[%parallel_loop3A_378, %parallel_loop3A_379, %parallel_loop3A_380] {strides = array<i32>} : memref<25x2x128xf32, #tpu.memory_space<vmem>>, vector<16xf32>,
        %parallel_loop3A_382 = arith.subf %parallel_loop3A_366, %parallel_loop3A_376 : vector<16xf32>
        %parallel_loop3A_383 = math.absf %parallel_loop3A_382 : vector<16xf32>
        %parallel_loop3A_384 = arith.subf %parallel_loop3A_371, %parallel_loop3A_381 : vector<16xf32>
        %parallel_loop3A_385 = math.absf %parallel_loop3A_384 : vector<16xf32>
        %parallel_loop3A_386 = arith.constant 0.111111112 : f32
        %parallel_loop3A_387 = vector.broadcast %parallel_loop3A_386 : f32 to vector<16xf32>
        %parallel_loop3A_388 = arith.minimumf %parallel_loop3A_383, %parallel_loop3A_387 : vector<16xf32>
        %parallel_loop3A_389 = arith.constant 0.111111112 : f32
        %parallel_loop3A_390 = vector.broadcast %parallel_loop3A_389 : f32 to vector<16xf32>
        %parallel_loop3A_391 = arith.minimumf %parallel_loop3A_385, %parallel_loop3A_390 : vector<16xf32>
        %parallel_loop3A_392 = arith.subf %parallel_loop3A_383, %parallel_loop3A_388 : vector<16xf32>
        %parallel_loop3A_393 = arith.subf %parallel_loop3A_385, %parallel_loop3A_391 : vector<16xf32>
        %parallel_loop3A_394 = arith.addf %parallel_loop3A_392, %parallel_loop3A_393 : vector<16xf32>
        %parallel_loop3A_395 = arith.mulf %parallel_loop3A_388, %parallel_loop3A_388 : vector<16xf32>
        %parallel_loop3A_396 = arith.mulf %parallel_loop3A_391, %parallel_loop3A_391 : vector<16xf32>
        %parallel_loop3A_397 = arith.addf %parallel_loop3A_395, %parallel_loop3A_396 : vector<16xf32>
        %parallel_loop3A_398 = arith.constant 4.500000e+00 : f32
        %parallel_loop3A_399 = vector.broadcast %parallel_loop3A_398 : f32 to vector<16xf32>
        %parallel_loop3A_400 = arith.mulf %parallel_loop3A_399, %parallel_loop3A_397 : vector<16xf32>
        %parallel_loop3A_401 = arith.addf %parallel_loop3A_394, %parallel_loop3A_400 : vector<16xf32>
        %parallel_loop3A_402 = arith.mulf %parallel_loop3A_361, %parallel_loop3A_401 : vector<16xf32>
        %parallel_loop3A_403 = arith.addf %parallel_loop3A_306, %parallel_loop3A_402 : vector<16xf32>
        %parallel_loop3A_404 = arith.addf %parallel_loop3A_308, %parallel_loop3A_361 : vector<16xf32>
        %parallel_loop3A_405 = arith.constant 0 : i32
        %parallel_loop3A_406 = arith.index_cast %parallel_loop3A_304 : i32 to index
        %parallel_loop3A_407 = arith.index_cast %parallel_loop3A_405 : i32 to index
        %parallel_loop3A_408 = arith.constant 32 : index
        %parallel_loop3A_409 = tpu.vector_load %arg17[%parallel_loop3A_406, %parallel_loop3A_407, %parallel_loop3A_408] {strides = array<i32>} : memref<25x1x128xf32, #tpu.memory_space<vmem>>, vector<16xf32>,
        %parallel_loop3A_410 = arith.constant 0 : i32
        %parallel_loop3A_411 = arith.index_cast %parallel_loop3A_304 : i32 to index
        %parallel_loop3A_412 = arith.index_cast %parallel_loop3A_410 : i32 to index
        %parallel_loop3A_413 = arith.constant 32 : index
        %parallel_loop3A_414 = tpu.vector_load %arg18[%parallel_loop3A_411, %parallel_loop3A_412, %parallel_loop3A_413] {strides = array<i32>} : memref<25x1x128xf32, #tpu.memory_space<vmem>>, vector<16xf32>,
        %parallel_loop3A_415 = arith.constant 0 : i32
        %parallel_loop3A_416 = arith.index_cast %parallel_loop3A_304 : i32 to index
        %parallel_loop3A_417 = arith.index_cast %parallel_loop3A_415 : i32 to index
        %parallel_loop3A_418 = arith.constant 32 : index
        %parallel_loop3A_419 = tpu.vector_load %arg19[%parallel_loop3A_416, %parallel_loop3A_417, %parallel_loop3A_418] {strides = array<i32>} : memref<25x1x128xf32, #tpu.memory_space<vmem>>, vector<16xf32>,
        %parallel_loop3A_420 = arith.constant 0 : i32
        %parallel_loop3A_421 = arith.index_cast %parallel_loop3A_304 : i32 to index
        %parallel_loop3A_422 = arith.index_cast %parallel_loop3A_420 : i32 to index
        %parallel_loop3A_423 = arith.constant 32 : index
        %parallel_loop3A_424 = tpu.vector_load %arg20[%parallel_loop3A_421, %parallel_loop3A_422, %parallel_loop3A_423] {strides = array<i32>} : memref<25x2x128xf32, #tpu.memory_space<vmem>>, vector<16xf32>,
        %parallel_loop3A_425 = arith.constant 1 : i32
        %parallel_loop3A_426 = arith.index_cast %parallel_loop3A_304 : i32 to index
        %parallel_loop3A_427 = arith.index_cast %parallel_loop3A_425 : i32 to index
        %parallel_loop3A_428 = arith.constant 32 : index
        %parallel_loop3A_429 = tpu.vector_load %arg20[%parallel_loop3A_426, %parallel_loop3A_427, %parallel_loop3A_428] {strides = array<i32>} : memref<25x2x128xf32, #tpu.memory_space<vmem>>, vector<16xf32>,
        %parallel_loop3A_430 = arith.subf %parallel_loop3A_414, %parallel_loop3A_424 : vector<16xf32>
        %parallel_loop3A_431 = math.absf %parallel_loop3A_430 : vector<16xf32>
        %parallel_loop3A_432 = arith.subf %parallel_loop3A_419, %parallel_loop3A_429 : vector<16xf32>
        %parallel_loop3A_433 = math.absf %parallel_loop3A_432 : vector<16xf32>
        %parallel_loop3A_434 = arith.constant 0.111111112 : f32
        %parallel_loop3A_435 = vector.broadcast %parallel_loop3A_434 : f32 to vector<16xf32>
        %parallel_loop3A_436 = arith.minimumf %parallel_loop3A_431, %parallel_loop3A_435 : vector<16xf32>
        %parallel_loop3A_437 = arith.constant 0.111111112 : f32
        %parallel_loop3A_438 = vector.broadcast %parallel_loop3A_437 : f32 to vector<16xf32>
        %parallel_loop3A_439 = arith.minimumf %parallel_loop3A_433, %parallel_loop3A_438 : vector<16xf32>
        %parallel_loop3A_440 = arith.subf %parallel_loop3A_431, %parallel_loop3A_436 : vector<16xf32>
        %parallel_loop3A_441 = arith.subf %parallel_loop3A_433, %parallel_loop3A_439 : vector<16xf32>
        %parallel_loop3A_442 = arith.addf %parallel_loop3A_440, %parallel_loop3A_441 : vector<16xf32>
        %parallel_loop3A_443 = arith.mulf %parallel_loop3A_436, %parallel_loop3A_436 : vector<16xf32>
        %parallel_loop3A_444 = arith.mulf %parallel_loop3A_439, %parallel_loop3A_439 : vector<16xf32>
        %parallel_loop3A_445 = arith.addf %parallel_loop3A_443, %parallel_loop3A_444 : vector<16xf32>
        %parallel_loop3A_446 = arith.constant 4.500000e+00 : f32
        %parallel_loop3A_447 = vector.broadcast %parallel_loop3A_446 : f32 to vector<16xf32>
        %parallel_loop3A_448 = arith.mulf %parallel_loop3A_447, %parallel_loop3A_445 : vector<16xf32>
        %parallel_loop3A_449 = arith.addf %parallel_loop3A_442, %parallel_loop3A_448 : vector<16xf32>
        %parallel_loop3A_450 = arith.mulf %parallel_loop3A_409, %parallel_loop3A_449 : vector<16xf32>
        %parallel_loop3A_451 = arith.addf %parallel_loop3A_355, %parallel_loop3A_450 : vector<16xf32>
        %parallel_loop3A_452 = arith.addf %parallel_loop3A_356, %parallel_loop3A_409 : vector<16xf32>
        %parallel_loop3A_453 = arith.constant 0 : i32
        %parallel_loop3A_454 = arith.index_cast %parallel_loop3A_304 : i32 to index
        %parallel_loop3A_455 = arith.index_cast %parallel_loop3A_453 : i32 to index
        %parallel_loop3A_456 = arith.constant 48 : index
        %parallel_loop3A_457 = tpu.vector_load %arg17[%parallel_loop3A_454, %parallel_loop3A_455, %parallel_loop3A_456] {strides = array<i32>} : memref<25x1x128xf32, #tpu.memory_space<vmem>>, vector<16xf32>,
        %parallel_loop3A_458 = arith.constant 0 : i32
        %parallel_loop3A_459 = arith.index_cast %parallel_loop3A_304 : i32 to index
        %parallel_loop3A_460 = arith.index_cast %parallel_loop3A_458 : i32 to index
        %parallel_loop3A_461 = arith.constant 48 : index
        %parallel_loop3A_462 = tpu.vector_load %arg18[%parallel_loop3A_459, %parallel_loop3A_460, %parallel_loop3A_461] {strides = array<i32>} : memref<25x1x128xf32, #tpu.memory_space<vmem>>, vector<16xf32>,
        %parallel_loop3A_463 = arith.constant 0 : i32
        %parallel_loop3A_464 = arith.index_cast %parallel_loop3A_304 : i32 to index
        %parallel_loop3A_465 = arith.index_cast %parallel_loop3A_463 : i32 to index
        %parallel_loop3A_466 = arith.constant 48 : index
        %parallel_loop3A_467 = tpu.vector_load %arg19[%parallel_loop3A_464, %parallel_loop3A_465, %parallel_loop3A_466] {strides = array<i32>} : memref<25x1x128xf32, #tpu.memory_space<vmem>>, vector<16xf32>,
        %parallel_loop3A_468 = arith.constant 0 : i32
        %parallel_loop3A_469 = arith.index_cast %parallel_loop3A_304 : i32 to index
        %parallel_loop3A_470 = arith.index_cast %parallel_loop3A_468 : i32 to index
        %parallel_loop3A_471 = arith.constant 48 : index
        %parallel_loop3A_472 = tpu.vector_load %arg20[%parallel_loop3A_469, %parallel_loop3A_470, %parallel_loop3A_471] {strides = array<i32>} : memref<25x2x128xf32, #tpu.memory_space<vmem>>, vector<16xf32>,
        %parallel_loop3A_473 = arith.constant 1 : i32
        %parallel_loop3A_474 = arith.index_cast %parallel_loop3A_304 : i32 to index
        %parallel_loop3A_475 = arith.index_cast %parallel_loop3A_473 : i32 to index
        %parallel_loop3A_476 = arith.constant 48 : index
        %parallel_loop3A_477 = tpu.vector_load %arg20[%parallel_loop3A_474, %parallel_loop3A_475, %parallel_loop3A_476] {strides = array<i32>} : memref<25x2x128xf32, #tpu.memory_space<vmem>>, vector<16xf32>,
        %parallel_loop3A_478 = arith.subf %parallel_loop3A_462, %parallel_loop3A_472 : vector<16xf32>
        %parallel_loop3A_479 = math.absf %parallel_loop3A_478 : vector<16xf32>
        %parallel_loop3A_480 = arith.subf %parallel_loop3A_467, %parallel_loop3A_477 : vector<16xf32>
        %parallel_loop3A_481 = math.absf %parallel_loop3A_480 : vector<16xf32>
        %parallel_loop3A_482 = arith.constant 0.111111112 : f32
        %parallel_loop3A_483 = vector.broadcast %parallel_loop3A_482 : f32 to vector<16xf32>
        %parallel_loop3A_484 = arith.minimumf %parallel_loop3A_479, %parallel_loop3A_483 : vector<16xf32>
        %parallel_loop3A_485 = arith.constant 0.111111112 : f32
        %parallel_loop3A_486 = vector.broadcast %parallel_loop3A_485 : f32 to vector<16xf32>
        %parallel_loop3A_487 = arith.minimumf %parallel_loop3A_481, %parallel_loop3A_486 : vector<16xf32>
        %parallel_loop3A_488 = arith.subf %parallel_loop3A_479, %parallel_loop3A_484 : vector<16xf32>
        %parallel_loop3A_489 = arith.subf %parallel_loop3A_481, %parallel_loop3A_487 : vector<16xf32>
        %parallel_loop3A_490 = arith.addf %parallel_loop3A_488, %parallel_loop3A_489 : vector<16xf32>
        %parallel_loop3A_491 = arith.mulf %parallel_loop3A_484, %parallel_loop3A_484 : vector<16xf32>
        %parallel_loop3A_492 = arith.mulf %parallel_loop3A_487, %parallel_loop3A_487 : vector<16xf32>
        %parallel_loop3A_493 = arith.addf %parallel_loop3A_491, %parallel_loop3A_492 : vector<16xf32>
        %parallel_loop3A_494 = arith.constant 4.500000e+00 : f32
        %parallel_loop3A_495 = vector.broadcast %parallel_loop3A_494 : f32 to vector<16xf32>
        %parallel_loop3A_496 = arith.mulf %parallel_loop3A_495, %parallel_loop3A_493 : vector<16xf32>
        %parallel_loop3A_497 = arith.addf %parallel_loop3A_490, %parallel_loop3A_496 : vector<16xf32>
        %parallel_loop3A_498 = arith.mulf %parallel_loop3A_457, %parallel_loop3A_497 : vector<16xf32>
        %parallel_loop3A_499 = arith.addf %parallel_loop3A_403, %parallel_loop3A_498 : vector<16xf32>
        %parallel_loop3A_500 = arith.addf %parallel_loop3A_404, %parallel_loop3A_457 : vector<16xf32>
        %parallel_loop3A_501 = arith.constant 0 : i32
        %parallel_loop3A_502 = arith.index_cast %parallel_loop3A_304 : i32 to index
        %parallel_loop3A_503 = arith.index_cast %parallel_loop3A_501 : i32 to index
        %parallel_loop3A_504 = arith.constant 64 : index
        %parallel_loop3A_505 = tpu.vector_load %arg17[%parallel_loop3A_502, %parallel_loop3A_503, %parallel_loop3A_504] {strides = array<i32>} : memref<25x1x128xf32, #tpu.memory_space<vmem>>, vector<16xf32>,
        %parallel_loop3A_506 = arith.constant 0 : i32
        %parallel_loop3A_507 = arith.index_cast %parallel_loop3A_304 : i32 to index
        %parallel_loop3A_508 = arith.index_cast %parallel_loop3A_506 : i32 to index
        %parallel_loop3A_509 = arith.constant 64 : index
        %parallel_loop3A_510 = tpu.vector_load %arg18[%parallel_loop3A_507, %parallel_loop3A_508, %parallel_loop3A_509] {strides = array<i32>} : memref<25x1x128xf32, #tpu.memory_space<vmem>>, vector<16xf32>,
        %parallel_loop3A_511 = arith.constant 0 : i32
        %parallel_loop3A_512 = arith.index_cast %parallel_loop3A_304 : i32 to index
        %parallel_loop3A_513 = arith.index_cast %parallel_loop3A_511 : i32 to index
        %parallel_loop3A_514 = arith.constant 64 : index
        %parallel_loop3A_515 = tpu.vector_load %arg19[%parallel_loop3A_512, %parallel_loop3A_513, %parallel_loop3A_514] {strides = array<i32>} : memref<25x1x128xf32, #tpu.memory_space<vmem>>, vector<16xf32>,
        %parallel_loop3A_516 = arith.constant 0 : i32
        %parallel_loop3A_517 = arith.index_cast %parallel_loop3A_304 : i32 to index
        %parallel_loop3A_518 = arith.index_cast %parallel_loop3A_516 : i32 to index
        %parallel_loop3A_519 = arith.constant 64 : index
        %parallel_loop3A_520 = tpu.vector_load %arg20[%parallel_loop3A_517, %parallel_loop3A_518, %parallel_loop3A_519] {strides = array<i32>} : memref<25x2x128xf32, #tpu.memory_space<vmem>>, vector<16xf32>,
        %parallel_loop3A_521 = arith.constant 1 : i32
        %parallel_loop3A_522 = arith.index_cast %parallel_loop3A_304 : i32 to index
        %parallel_loop3A_523 = arith.index_cast %parallel_loop3A_521 : i32 to index
        %parallel_loop3A_524 = arith.constant 64 : index
        %parallel_loop3A_525 = tpu.vector_load %arg20[%parallel_loop3A_522, %parallel_loop3A_523, %parallel_loop3A_524] {strides = array<i32>} : memref<25x2x128xf32, #tpu.memory_space<vmem>>, vector<16xf32>,
        %parallel_loop3A_526 = arith.subf %parallel_loop3A_510, %parallel_loop3A_520 : vector<16xf32>
        %parallel_loop3A_527 = math.absf %parallel_loop3A_526 : vector<16xf32>
        %parallel_loop3A_528 = arith.subf %parallel_loop3A_515, %parallel_loop3A_525 : vector<16xf32>
        %parallel_loop3A_529 = math.absf %parallel_loop3A_528 : vector<16xf32>
        %parallel_loop3A_530 = arith.constant 0.111111112 : f32
        %parallel_loop3A_531 = vector.broadcast %parallel_loop3A_530 : f32 to vector<16xf32>
        %parallel_loop3A_532 = arith.minimumf %parallel_loop3A_527, %parallel_loop3A_531 : vector<16xf32>
        %parallel_loop3A_533 = arith.constant 0.111111112 : f32
        %parallel_loop3A_534 = vector.broadcast %parallel_loop3A_533 : f32 to vector<16xf32>
        %parallel_loop3A_535 = arith.minimumf %parallel_loop3A_529, %parallel_loop3A_534 : vector<16xf32>
        %parallel_loop3A_536 = arith.subf %parallel_loop3A_527, %parallel_loop3A_532 : vector<16xf32>
        %parallel_loop3A_537 = arith.subf %parallel_loop3A_529, %parallel_loop3A_535 : vector<16xf32>
        %parallel_loop3A_538 = arith.addf %parallel_loop3A_536, %parallel_loop3A_537 : vector<16xf32>
        %parallel_loop3A_539 = arith.mulf %parallel_loop3A_532, %parallel_loop3A_532 : vector<16xf32>
        %parallel_loop3A_540 = arith.mulf %parallel_loop3A_535, %parallel_loop3A_535 : vector<16xf32>
        %parallel_loop3A_541 = arith.addf %parallel_loop3A_539, %parallel_loop3A_540 : vector<16xf32>
        %parallel_loop3A_542 = arith.constant 4.500000e+00 : f32
        %parallel_loop3A_543 = vector.broadcast %parallel_loop3A_542 : f32 to vector<16xf32>
        %parallel_loop3A_544 = arith.mulf %parallel_loop3A_543, %parallel_loop3A_541 : vector<16xf32>
        %parallel_loop3A_545 = arith.addf %parallel_loop3A_538, %parallel_loop3A_544 : vector<16xf32>
        %parallel_loop3A_546 = arith.mulf %parallel_loop3A_505, %parallel_loop3A_545 : vector<16xf32>
        %parallel_loop3A_547 = arith.addf %parallel_loop3A_451, %parallel_loop3A_546 : vector<16xf32>
        %parallel_loop3A_548 = arith.addf %parallel_loop3A_452, %parallel_loop3A_505 : vector<16xf32>
        %parallel_loop3A_549 = arith.constant 0 : i32
        %parallel_loop3A_550 = arith.index_cast %parallel_loop3A_304 : i32 to index
        %parallel_loop3A_551 = arith.index_cast %parallel_loop3A_549 : i32 to index
        %parallel_loop3A_552 = arith.constant 80 : index
        %parallel_loop3A_553 = tpu.vector_load %arg17[%parallel_loop3A_550, %parallel_loop3A_551, %parallel_loop3A_552] {strides = array<i32>} : memref<25x1x128xf32, #tpu.memory_space<vmem>>, vector<16xf32>,
        %parallel_loop3A_554 = arith.constant 0 : i32
        %parallel_loop3A_555 = arith.index_cast %parallel_loop3A_304 : i32 to index
        %parallel_loop3A_556 = arith.index_cast %parallel_loop3A_554 : i32 to index
        %parallel_loop3A_557 = arith.constant 80 : index
        %parallel_loop3A_558 = tpu.vector_load %arg18[%parallel_loop3A_555, %parallel_loop3A_556, %parallel_loop3A_557] {strides = array<i32>} : memref<25x1x128xf32, #tpu.memory_space<vmem>>, vector<16xf32>,
        %parallel_loop3A_559 = arith.constant 0 : i32
        %parallel_loop3A_560 = arith.index_cast %parallel_loop3A_304 : i32 to index
        %parallel_loop3A_561 = arith.index_cast %parallel_loop3A_559 : i32 to index
        %parallel_loop3A_562 = arith.constant 80 : index
        %parallel_loop3A_563 = tpu.vector_load %arg19[%parallel_loop3A_560, %parallel_loop3A_561, %parallel_loop3A_562] {strides = array<i32>} : memref<25x1x128xf32, #tpu.memory_space<vmem>>, vector<16xf32>,
        %parallel_loop3A_564 = arith.constant 0 : i32
        %parallel_loop3A_565 = arith.index_cast %parallel_loop3A_304 : i32 to index
        %parallel_loop3A_566 = arith.index_cast %parallel_loop3A_564 : i32 to index
        %parallel_loop3A_567 = arith.constant 80 : index
        %parallel_loop3A_568 = tpu.vector_load %arg20[%parallel_loop3A_565, %parallel_loop3A_566, %parallel_loop3A_567] {strides = array<i32>} : memref<25x2x128xf32, #tpu.memory_space<vmem>>, vector<16xf32>,
        %parallel_loop3A_569 = arith.constant 1 : i32
        %parallel_loop3A_570 = arith.index_cast %parallel_loop3A_304 : i32 to index
        %parallel_loop3A_571 = arith.index_cast %parallel_loop3A_569 : i32 to index
        %parallel_loop3A_572 = arith.constant 80 : index
        %parallel_loop3A_573 = tpu.vector_load %arg20[%parallel_loop3A_570, %parallel_loop3A_571, %parallel_loop3A_572] {strides = array<i32>} : memref<25x2x128xf32, #tpu.memory_space<vmem>>, vector<16xf32>,
        %parallel_loop3A_574 = arith.subf %parallel_loop3A_558, %parallel_loop3A_568 : vector<16xf32>
        %parallel_loop3A_575 = math.absf %parallel_loop3A_574 : vector<16xf32>
        %parallel_loop3A_576 = arith.subf %parallel_loop3A_563, %parallel_loop3A_573 : vector<16xf32>
        %parallel_loop3A_577 = math.absf %parallel_loop3A_576 : vector<16xf32>
        %parallel_loop3A_578 = arith.constant 0.111111112 : f32
        %parallel_loop3A_579 = vector.broadcast %parallel_loop3A_578 : f32 to vector<16xf32>
        %parallel_loop3A_580 = arith.minimumf %parallel_loop3A_575, %parallel_loop3A_579 : vector<16xf32>
        %parallel_loop3A_581 = arith.constant 0.111111112 : f32
        %parallel_loop3A_582 = vector.broadcast %parallel_loop3A_581 : f32 to vector<16xf32>
        %parallel_loop3A_583 = arith.minimumf %parallel_loop3A_577, %parallel_loop3A_582 : vector<16xf32>
        %parallel_loop3A_584 = arith.subf %parallel_loop3A_575, %parallel_loop3A_580 : vector<16xf32>
        %parallel_loop3A_585 = arith.subf %parallel_loop3A_577, %parallel_loop3A_583 : vector<16xf32>
        %parallel_loop3A_586 = arith.addf %parallel_loop3A_584, %parallel_loop3A_585 : vector<16xf32>
        %parallel_loop3A_587 = arith.mulf %parallel_loop3A_580, %parallel_loop3A_580 : vector<16xf32>
        %parallel_loop3A_588 = arith.mulf %parallel_loop3A_583, %parallel_loop3A_583 : vector<16xf32>
        %parallel_loop3A_589 = arith.addf %parallel_loop3A_587, %parallel_loop3A_588 : vector<16xf32>
        %parallel_loop3A_590 = arith.constant 4.500000e+00 : f32
        %parallel_loop3A_591 = vector.broadcast %parallel_loop3A_590 : f32 to vector<16xf32>
        %parallel_loop3A_592 = arith.mulf %parallel_loop3A_591, %parallel_loop3A_589 : vector<16xf32>
        %parallel_loop3A_593 = arith.addf %parallel_loop3A_586, %parallel_loop3A_592 : vector<16xf32>
        %parallel_loop3A_594 = arith.mulf %parallel_loop3A_553, %parallel_loop3A_593 : vector<16xf32>
        %parallel_loop3A_595 = arith.addf %parallel_loop3A_499, %parallel_loop3A_594 : vector<16xf32>
        %parallel_loop3A_596 = arith.addf %parallel_loop3A_500, %parallel_loop3A_553 : vector<16xf32>
        %parallel_loop3A_597 = arith.constant 0 : i32
        %parallel_loop3A_598 = arith.index_cast %parallel_loop3A_304 : i32 to index
        %parallel_loop3A_599 = arith.index_cast %parallel_loop3A_597 : i32 to index
        %parallel_loop3A_600 = arith.constant 96 : index
        %parallel_loop3A_601 = tpu.vector_load %arg17[%parallel_loop3A_598, %parallel_loop3A_599, %parallel_loop3A_600] {strides = array<i32>} : memref<25x1x128xf32, #tpu.memory_space<vmem>>, vector<16xf32>,
        %parallel_loop3A_602 = arith.constant 0 : i32
        %parallel_loop3A_603 = arith.index_cast %parallel_loop3A_304 : i32 to index
        %parallel_loop3A_604 = arith.index_cast %parallel_loop3A_602 : i32 to index
        %parallel_loop3A_605 = arith.constant 96 : index
        %parallel_loop3A_606 = tpu.vector_load %arg18[%parallel_loop3A_603, %parallel_loop3A_604, %parallel_loop3A_605] {strides = array<i32>} : memref<25x1x128xf32, #tpu.memory_space<vmem>>, vector<16xf32>,
        %parallel_loop3A_607 = arith.constant 0 : i32
        %parallel_loop3A_608 = arith.index_cast %parallel_loop3A_304 : i32 to index
        %parallel_loop3A_609 = arith.index_cast %parallel_loop3A_607 : i32 to index
        %parallel_loop3A_610 = arith.constant 96 : index
        %parallel_loop3A_611 = tpu.vector_load %arg19[%parallel_loop3A_608, %parallel_loop3A_609, %parallel_loop3A_610] {strides = array<i32>} : memref<25x1x128xf32, #tpu.memory_space<vmem>>, vector<16xf32>,
        %parallel_loop3A_612 = arith.constant 0 : i32
        %parallel_loop3A_613 = arith.index_cast %parallel_loop3A_304 : i32 to index
        %parallel_loop3A_614 = arith.index_cast %parallel_loop3A_612 : i32 to index
        %parallel_loop3A_615 = arith.constant 96 : index
        %parallel_loop3A_616 = tpu.vector_load %arg20[%parallel_loop3A_613, %parallel_loop3A_614, %parallel_loop3A_615] {strides = array<i32>} : memref<25x2x128xf32, #tpu.memory_space<vmem>>, vector<16xf32>,
        %parallel_loop3A_617 = arith.constant 1 : i32
        %parallel_loop3A_618 = arith.index_cast %parallel_loop3A_304 : i32 to index
        %parallel_loop3A_619 = arith.index_cast %parallel_loop3A_617 : i32 to index
        %parallel_loop3A_620 = arith.constant 96 : index
        %parallel_loop3A_621 = tpu.vector_load %arg20[%parallel_loop3A_618, %parallel_loop3A_619, %parallel_loop3A_620] {strides = array<i32>} : memref<25x2x128xf32, #tpu.memory_space<vmem>>, vector<16xf32>,
        %parallel_loop3A_622 = arith.subf %parallel_loop3A_606, %parallel_loop3A_616 : vector<16xf32>
        %parallel_loop3A_623 = math.absf %parallel_loop3A_622 : vector<16xf32>
        %parallel_loop3A_624 = arith.subf %parallel_loop3A_611, %parallel_loop3A_621 : vector<16xf32>
        %parallel_loop3A_625 = math.absf %parallel_loop3A_624 : vector<16xf32>
        %parallel_loop3A_626 = arith.constant 0.111111112 : f32
        %parallel_loop3A_627 = vector.broadcast %parallel_loop3A_626 : f32 to vector<16xf32>
        %parallel_loop3A_628 = arith.minimumf %parallel_loop3A_623, %parallel_loop3A_627 : vector<16xf32>
        %parallel_loop3A_629 = arith.constant 0.111111112 : f32
        %parallel_loop3A_630 = vector.broadcast %parallel_loop3A_629 : f32 to vector<16xf32>
        %parallel_loop3A_631 = arith.minimumf %parallel_loop3A_625, %parallel_loop3A_630 : vector<16xf32>
        %parallel_loop3A_632 = arith.subf %parallel_loop3A_623, %parallel_loop3A_628 : vector<16xf32>
        %parallel_loop3A_633 = arith.subf %parallel_loop3A_625, %parallel_loop3A_631 : vector<16xf32>
        %parallel_loop3A_634 = arith.addf %parallel_loop3A_632, %parallel_loop3A_633 : vector<16xf32>
        %parallel_loop3A_635 = arith.mulf %parallel_loop3A_628, %parallel_loop3A_628 : vector<16xf32>
        %parallel_loop3A_636 = arith.mulf %parallel_loop3A_631, %parallel_loop3A_631 : vector<16xf32>
        %parallel_loop3A_637 = arith.addf %parallel_loop3A_635, %parallel_loop3A_636 : vector<16xf32>
        %parallel_loop3A_638 = arith.constant 4.500000e+00 : f32
        %parallel_loop3A_639 = vector.broadcast %parallel_loop3A_638 : f32 to vector<16xf32>
        %parallel_loop3A_640 = arith.mulf %parallel_loop3A_639, %parallel_loop3A_637 : vector<16xf32>
        %parallel_loop3A_641 = arith.addf %parallel_loop3A_634, %parallel_loop3A_640 : vector<16xf32>
        %parallel_loop3A_642 = arith.mulf %parallel_loop3A_601, %parallel_loop3A_641 : vector<16xf32>
        %parallel_loop3A_643 = arith.addf %parallel_loop3A_547, %parallel_loop3A_642 : vector<16xf32>
        %parallel_loop3A_644 = arith.addf %parallel_loop3A_548, %parallel_loop3A_601 : vector<16xf32>
        %parallel_loop3A_645 = arith.constant 0 : i32
        %parallel_loop3A_646 = arith.index_cast %parallel_loop3A_304 : i32 to index
        %parallel_loop3A_647 = arith.index_cast %parallel_loop3A_645 : i32 to index
        %parallel_loop3A_648 = arith.constant 112 : index
        %parallel_loop3A_649 = tpu.vector_load %arg17[%parallel_loop3A_646, %parallel_loop3A_647, %parallel_loop3A_648] {strides = array<i32>} : memref<25x1x128xf32, #tpu.memory_space<vmem>>, vector<16xf32>,
        %parallel_loop3A_650 = arith.constant 0 : i32
        %parallel_loop3A_651 = arith.index_cast %parallel_loop3A_304 : i32 to index
        %parallel_loop3A_652 = arith.index_cast %parallel_loop3A_650 : i32 to index
        %parallel_loop3A_653 = arith.constant 112 : index
        %parallel_loop3A_654 = tpu.vector_load %arg18[%parallel_loop3A_651, %parallel_loop3A_652, %parallel_loop3A_653] {strides = array<i32>} : memref<25x1x128xf32, #tpu.memory_space<vmem>>, vector<16xf32>,
        %parallel_loop3A_655 = arith.constant 0 : i32
        %parallel_loop3A_656 = arith.index_cast %parallel_loop3A_304 : i32 to index
        %parallel_loop3A_657 = arith.index_cast %parallel_loop3A_655 : i32 to index
        %parallel_loop3A_658 = arith.constant 112 : index
        %parallel_loop3A_659 = tpu.vector_load %arg19[%parallel_loop3A_656, %parallel_loop3A_657, %parallel_loop3A_658] {strides = array<i32>} : memref<25x1x128xf32, #tpu.memory_space<vmem>>, vector<16xf32>,
        %parallel_loop3A_660 = arith.constant 0 : i32
        %parallel_loop3A_661 = arith.index_cast %parallel_loop3A_304 : i32 to index
        %parallel_loop3A_662 = arith.index_cast %parallel_loop3A_660 : i32 to index
        %parallel_loop3A_663 = arith.constant 112 : index
        %parallel_loop3A_664 = tpu.vector_load %arg20[%parallel_loop3A_661, %parallel_loop3A_662, %parallel_loop3A_663] {strides = array<i32>} : memref<25x2x128xf32, #tpu.memory_space<vmem>>, vector<16xf32>,
        %parallel_loop3A_665 = arith.constant 1 : i32
        %parallel_loop3A_666 = arith.index_cast %parallel_loop3A_304 : i32 to index
        %parallel_loop3A_667 = arith.index_cast %parallel_loop3A_665 : i32 to index
        %parallel_loop3A_668 = arith.constant 112 : index
        %parallel_loop3A_669 = tpu.vector_load %arg20[%parallel_loop3A_666, %parallel_loop3A_667, %parallel_loop3A_668] {strides = array<i32>} : memref<25x2x128xf32, #tpu.memory_space<vmem>>, vector<16xf32>,
        %parallel_loop3A_670 = arith.subf %parallel_loop3A_654, %parallel_loop3A_664 : vector<16xf32>
        %parallel_loop3A_671 = math.absf %parallel_loop3A_670 : vector<16xf32>
        %parallel_loop3A_672 = arith.subf %parallel_loop3A_659, %parallel_loop3A_669 : vector<16xf32>
        %parallel_loop3A_673 = math.absf %parallel_loop3A_672 : vector<16xf32>
        %parallel_loop3A_674 = arith.constant 0.111111112 : f32
        %parallel_loop3A_675 = vector.broadcast %parallel_loop3A_674 : f32 to vector<16xf32>
        %parallel_loop3A_676 = arith.minimumf %parallel_loop3A_671, %parallel_loop3A_675 : vector<16xf32>
        %parallel_loop3A_677 = arith.constant 0.111111112 : f32
        %parallel_loop3A_678 = vector.broadcast %parallel_loop3A_677 : f32 to vector<16xf32>
        %parallel_loop3A_679 = arith.minimumf %parallel_loop3A_673, %parallel_loop3A_678 : vector<16xf32>
        %parallel_loop3A_680 = arith.subf %parallel_loop3A_671, %parallel_loop3A_676 : vector<16xf32>
        %parallel_loop3A_681 = arith.subf %parallel_loop3A_673, %parallel_loop3A_679 : vector<16xf32>
        %parallel_loop3A_682 = arith.addf %parallel_loop3A_680, %parallel_loop3A_681 : vector<16xf32>
        %parallel_loop3A_683 = arith.mulf %parallel_loop3A_676, %parallel_loop3A_676 : vector<16xf32>
        %parallel_loop3A_684 = arith.mulf %parallel_loop3A_679, %parallel_loop3A_679 : vector<16xf32>
        %parallel_loop3A_685 = arith.addf %parallel_loop3A_683, %parallel_loop3A_684 : vector<16xf32>
        %parallel_loop3A_686 = arith.constant 4.500000e+00 : f32
        %parallel_loop3A_687 = vector.broadcast %parallel_loop3A_686 : f32 to vector<16xf32>
        %parallel_loop3A_688 = arith.mulf %parallel_loop3A_687, %parallel_loop3A_685 : vector<16xf32>
        %parallel_loop3A_689 = arith.addf %parallel_loop3A_682, %parallel_loop3A_688 : vector<16xf32>
        %parallel_loop3A_690 = arith.mulf %parallel_loop3A_649, %parallel_loop3A_689 : vector<16xf32>
        %parallel_loop3A_691 = arith.addf %parallel_loop3A_595, %parallel_loop3A_690 : vector<16xf32>
        %parallel_loop3A_692 = arith.addf %parallel_loop3A_596, %parallel_loop3A_649 : vector<16xf32>
        scf.yield %parallel_loop3A_643, %parallel_loop3A_691, %parallel_loop3A_644, %parallel_loop3A_692 : vector<16xf32>, vector<16xf32>, vector<16xf32>, vector<16xf32>
      } {sc.loop_unroll_factor = 1 : i64, sc.parallel_access}
      scf.yield %parallel_loop3A_303#0, %parallel_loop3A_303#1, %parallel_loop3A_303#2, %parallel_loop3A_303#3 : vector<16xf32>, vector<16xf32>, vector<16xf32>, vector<16xf32>
    } else {
      scf.yield %parallel_loop3A_257#0, %parallel_loop3A_257#1, %parallel_loop3A_257#2, %parallel_loop3A_257#3 : vector<16xf32>, vector<16xf32>, vector<16xf32>, vector<16xf32>
    }
    %add3A_261 = arith.addf %cond3A_260#0, %cond3A_260#1 : vector<16xf32>
    %swap3A = arith.constant 0 : index
    %swap3A_262 = tpu.vector_load %arg21[%swap3A] {strides = array<i32>} : memref<32xf32, #tpu.memory_space<vmem>>, vector<16xf32>,
    tpu.vector_store %arg21[%swap3A], %add3A_261 {strides = array<i32>} : memref<32xf32, #tpu.memory_space<vmem>>, vector<16xf32>,
    %add3A_263 = arith.addf %cond3A_260#2, %cond3A_260#3 : vector<16xf32>
    %swap3A_264 = arith.constant 16 : index
    %swap3A_265 = tpu.vector_load %arg21[%swap3A_264] {strides = array<i32>} : memref<32xf32, #tpu.memory_space<vmem>>, vector<16xf32>,
    tpu.vector_store %arg21[%swap3A_264], %add3A_263 {strides = array<i32>} : memref<32xf32, #tpu.memory_space<vmem>>, vector<16xf32>,
    %mul3A_266 = arith.constant 32 : i32
    %mul3A_267 = arith.muli %add3A, %mul3A_266 : i32
    "tpu.region"() ({
      %run_scoped3A = tpu.sem_alloc : memref<!tpu.dma_semaphore, #tpu.memory_space<semaphore_mem>>
      %dma_start3A_268 = tpu.memref_slice %arg4[%mul3A_267] : memref<1024xf32, #tpu.memory_space<hbm>> -> memref<32xf32, #tpu.memory_space<hbm>>
      %dma_start3A_269 = tpu.memref_slice %arg4[%mul3A_267] : memref<1024xf32, #tpu.memory_space<hbm>> -> memref<32xf32, #tpu.memory_space<hbm>>
      tpu.enqueue_dma source(%arg21 : memref<32xf32, #tpu.memory_space<vmem>>) target(%dma_start3A_269 : memref<32xf32, #tpu.memory_space<hbm>>) target_semaphore(%run_scoped3A : memref<!tpu.dma_semaphore, #tpu.memory_space<semaphore_mem>>)
      %dma_wait3A_270 = tpu.memref_slice %arg4[%mul3A_267] : memref<1024xf32, #tpu.memory_space<hbm>> -> memref<32xf32, #tpu.memory_space<hbm>>
      %dma_wait3A_271 = tpu.memref_slice %arg4[%mul3A_267] : memref<1024xf32, #tpu.memory_space<hbm>> -> memref<32xf32, #tpu.memory_space<hbm>>
      tpu.wait_dma2 semaphore(%run_scoped3A : memref<!tpu.dma_semaphore, #tpu.memory_space<semaphore_mem>>) src(%arg21 : memref<32xf32, #tpu.memory_space<vmem>>) dst(%dma_wait3A_271 : memref<32xf32, #tpu.memory_space<hbm>>)
      tpu.yield
    }) : () -> ()
    return
  }
}

</mosaic_0001>

<sc_bundles>
// kernel: _rpn_regr_loss.3.cloned.1.call-start
scs
__scs_entry_jumppad:
0x0: {  	(pc) =	sbr.rel $0x88, $3  }
0x1: {  	(tag) =	ssettag $0x0;
	lr =	simm.s32 $0x1  }
0x2: {  	[smem:$0x3F9F] =	sst lr;
	_ =	strace $0xD0000000  }
0x3: {  	_ = 	snop  }
0x4: {  	_ = 	snop  }
0x5: {  	_ = 	snop  }
0x6: {  	_ = 	snop  }
0x7: {  	_ = 	snop  }
__scs_overlays_trampoline_lowered:
0x8: {  	[smem:$0x3FAE] =	sst s0  }
0x9: {  	[smem:$0x3FAF] =	sst s1  }
0xa: {  	[smem:$0x3FB0] =	sst s2  }
0xb: {  	[smem:$0x3FB1] =	sst s3  }
0xc: {  	[smem:$0x3FB2] =	sst s4  }
0xd: {  	[smem:$0x3FB3] =	sst s5  }
0xe: {  	[smem:$0x3FB4] =	sst s6  }
0xf: {  	[smem:$0x3FB5] =	sst s7  }
0x10: {  	[smem:$0x3FB6] =	sst s8  }
0x11: {  	[smem:$0x3FB7] =	sst s9;
	s0 =	simm.s32 @!p0 $0x0  }
0x12: {  	s1 =	sld [smem:$0x3F9D];
	s0 =	simm.s32 @p0 $0x1  }
0x13: {  	[smem:$0x3FB8] =	sst s0;
	s0 =	simm.s32 @!p1 $0x0  }
0x14: {  	s2 =	sld [smem:$0x3F9C];
	s0 =	simm.s32 @p1 $0x1  }
0x15: {  	[smem:$0x3FB9] =	sst s0;
	s0 =	simm.s32 @!p2 $0x0  }
0x16: {  	s3 =	sld [smem:$0x3FDB];
	s0 =	simm.s32 @p2 $0x1  }
0x17: {  	s4 =	simm.s32 $0x1BF5;
	[smem:$0x3FBB] =	sst s0  }
0x18: {  	s0 =	sld [smem:$0x3F9E];
	_ =	swait.ge [sflag:s4], $0x0  }
0x19: {  	s7 =	sld [smem:$0x3F9F]  }
0x1a: {  	s8 =	sadd.s32 $0xFFFFE003, lr  }
0x1b: {  	s9 =	sadd.s32 $0xFFFFFEF7, lr;
	s5 =	simm.s32 $0xFFFFFFFF;
	p2 =	slt.u32 s8, $0xFFFFF086  }
0x1c: {  	p1 =	slt.u32 s9, $0xF7A;
	s5 =	simm.s32 @!p2 $0x0  }
0x1d: {  	s5 =	simm.s32 @p1 $0x1;
	p0 =	seq.s32 s7, s2  }
0x1e: {  	s7 =	smul.u32 @!p0 $0xF7A, s2;
	p2 =	seq.s32 @!p0 s5, $0x0  }
0x1f: {  	s9 =	smul.u32 $0xF7A, s1;
	s8 =	simm.s32 @!p0 $0x1BF5;
	p2 =	por !p2, p0  }
0x20: {  	[sflag:s8] =	ssyncset.s32 @!p0 $0xFFFFF086;
	s6 =	sadd.s32 @!p0 s3, s7;
	s7 =	simm.s32 @!p0 $0x108  }
0x21: {  	s3 =	sadd.s32 s3, s9;
	s6 =	sadd.s32 @!p0 $0x88, s6;
	s7 =	simm.s32 @p2 $0x1082  }
0x22: {  	[simem:s7], [sflag:s8] =	dma.local @!p0 [hbm:s6], $0xF7A  }
0x23: {  	s9 =	sor.u32 $0xD0000000, s2;
	s6 =	simm.s32 $0x108;
	_ =	swait.ge @!p0 [sflag:s8], $0x0  }
0x24: {  	s3 =	sadd.s32 $0x88, s3;
	s6 =	simm.s32 @!p1 $0x1082;
	[sflag:s4] =	ssyncset.s32 $0xFFFFF086  }
0x25: {  	[simem:s6], [sflag:s4] =	dma.local [hbm:s3], $0xF7A  }
0x26: {  	[smem:$0x3F9F] =	sst s1;
	(tag) =	ssettag s2;
	_ =	strace s9  }
0x27: {  	s1 =	sld [smem:$0x3FAF]  }
0x28: {  	s2 =	sld [smem:$0x3FB0]  }
0x29: {  	s4 =	sld [smem:$0x3FB2]  }
0x2a: {  	p0 =	seq.s32 s5, $0x0;
	s5 =	sld [smem:$0x3FB3]  }
0x2b: {  	s6 =	sld [smem:$0x3FB4]  }
0x2c: {  	s7 =	sld [smem:$0x3FB5]  }
0x2d: {  	s3 =	simm.s32 $0x108;
	s8 =	sld [smem:$0x3FB6]  }
0x2e: {  	s3 =	simm.s32 @!p0 $0x1082;
	s9 =	sld [smem:$0x3FB7]  }
0x2f: {  	lr =	sadd.s32 s0, s3;
	s0 =	sld [smem:$0x3FAE]  }
0x30: {  	s3 =	sld [smem:$0x3FB1]  }
0x31: {  	[smem:$0x3FBA] =	sst s10  }
0x32: {  	s10 =	sld [smem:$0x3FB8];
	_ =	sdelay $0x3  }
0x33: {  	p0 =	seq.s32 s10, $0x1;
	s10 =	sld [smem:$0x3FBA];
	_ =	sdelay $0x3  }
0x34: {  	[smem:$0x3FBA] =	sst s10  }
0x35: {  	s10 =	sld [smem:$0x3FB9];
	_ =	sdelay $0x3  }
0x36: {  	p1 =	seq.s32 s10, $0x1;
	s10 =	sld [smem:$0x3FBA];
	_ =	sdelay $0x3  }
0x37: {  	[smem:$0x3FBA] =	sst s10  }
0x38: {  	s10 =	sld [smem:$0x3FBB]  }
0x39: {  	_ = 	snop;
	(pc) =	sbr.ind lr, $3  }
0x3a: {  	_ = 	snop  }
0x3b: {  	_ = 	snop  }
0x3c: {  	p2 =	seq.s32 s10, $0x1;
	s10 =	sld [smem:$0x3FBA]  }
0x3d: {  	_ =	shalt  }
0x3e: {  	_ =	shalt  }
0x3f: {  	_ =	shalt  }
0x40: {  	_ =	shalt  }
0x41: {  	_ =	shalt  }
0x42: {  	_ =	shalt  }
0x43: {  	_ =	shalt  }
0x44: {  	_ =	shalt  }
0x45: {  	_ =	shalt  }
0x46: {  	_ =	shalt  }
0x47: {  	_ =	shalt  }
0x48: {  	_ =	shalt  }
0x49: {  	_ =	shalt  }
0x4a: {  	_ =	shalt  }
0x4b: {  	_ =	shalt  }
0x4c: {  	_ =	shalt  }
0x4d: {  	_ =	shalt  }
0x4e: {  	_ =	shalt  }
0x4f: {  	_ =	shalt  }
0x50: {  	_ =	shalt  }
0x51: {  	_ =	shalt  }
0x52: {  	_ =	shalt  }
0x53: {  	_ =	shalt  }
0x54: {  	_ =	shalt  }
0x55: {  	_ =	shalt  }
0x56: {  	_ =	shalt  }
0x57: {  	_ =	shalt  }
0x58: {  	_ =	shalt  }
0x59: {  	_ =	shalt  }
0x5a: {  	_ =	shalt  }
0x5b: {  	_ =	shalt  }
0x5c: {  	_ =	shalt  }
0x5d: {  	_ =	shalt  }
0x5e: {  	_ =	shalt  }
0x5f: {  	_ =	shalt  }
0x60: {  	_ =	shalt  }
0x61: {  	_ =	shalt  }
0x62: {  	_ =	shalt  }
0x63: {  	_ =	shalt  }
0x64: {  	_ =	shalt  }
0x65: {  	_ =	shalt  }
0x66: {  	_ =	shalt  }
0x67: {  	_ =	shalt  }
0x68: {  	_ =	shalt  }
0x69: {  	_ =	shalt  }
0x6a: {  	_ =	shalt  }
0x6b: {  	_ =	shalt  }
0x6c: {  	_ =	shalt  }
0x6d: {  	_ =	shalt  }
0x6e: {  	_ =	shalt  }
0x6f: {  	_ =	shalt  }
0x70: {  	_ =	shalt  }
0x71: {  	_ =	shalt  }
0x72: {  	_ =	shalt  }
0x73: {  	_ =	shalt  }
0x74: {  	_ =	shalt  }
0x75: {  	_ =	shalt  }
0x76: {  	_ =	shalt  }
0x77: {  	_ =	shalt  }
0x78: {  	_ =	shalt  }
0x79: {  	_ =	shalt  }
0x7a: {  	_ =	shalt  }
0x7b: {  	_ =	shalt  }
0x7c: {  	_ =	shalt  }
0x7d: {  	_ =	shalt  }
0x7e: {  	_ =	shalt  }
0x7f: {  	_ =	shalt  }
0x80: {  	_ =	shalt  }
0x81: {  	_ =	shalt  }
0x82: {  	_ =	shalt  }
0x83: {  	_ =	shalt  }
0x84: {  	_ =	shalt  }
0x85: {  	_ =	shalt  }
0x86: {  	_ =	shalt  }
0x87: {  	_ =	shalt  }
.Lfunc_end0:
.L_simem_size_0:
called_computation_lowered:
.L_overlay_start_0:
0x88: {  	s2 =	sld [smem:$0x3FD9]  }
0x89: {  	s3 =	sld [smem:$0x3FFE];
	_ =	sdelay $0x1  }
0x8a: {  	s1 =	srdreg.scid  }
0x8b: {  	s0 =	sand.u32 $0x1, s1  }
0x8c: {  	s17 =	sshll.u32 s0, $0xA;
	s2 =	sadd.s32 s3, s2  }
0x8d: {  	s2 =	sadd.s32 s2, s17  }
0x8e: {  	[smem:$0x3FC6] =	sst s2  }
0x8f: {  	_ = 	snop  }
0x90: {  	s2 =	sld [smem:$0x3FC9]  }
0x91: {  	s18 =	sld [smem:$0x3FC8];
	(tm) =	ssettm $0x1  }
0x92: {  	s4 =	sld [smem:$0x3FFB];
	_ =	sdelay $0x3  }
0x93: {  	_ =	strace s4  }
0x94: {  	s4 =	sld [smem:$0x3FFC];
	_ =	sdelay $0x3  }
0x95: {  	_ =	strace s4  }
0x96: {  	s4 =	sld [smem:$0x3FFD];
	_ =	sdelay $0x3  }
0x97: {  	_ =	strace s4  }
0x98: {  	_ =	strace $0x8FFFFFFF  }
0x99: {  	s19 =	sld [smem:$0x3FDB];
	_ =	sdelay $0x1  }
0x9a: {  	s5 =	simm.s32 $_scs_section_size  }
0x9b: {  	s6 =	simm.s32 $_size__tile_overlayer_lowered;
	s7 =	simm.s32 $_tile_overlayer_lowered  }
0x9c: {  	s22 =	simm.s32 $0x1BFF;
	s21 =	sshll.u32 s7, $0x1;
	s4 =	sadd.s32 s5, s19  }
0x9d: {  	s8 =	simm.s32 $0x0;
	s20 =	sshll.u32 s6, $0x1;
	s6 =	sadd.s32 s21, s4  }
0x9e: {  	[timem:s8], [sflag:s22] =	dma.local [hbm:s6], s20  }
0x9f: {  	_ =	swait.ge [sflag:s22], s20  }
0xa0: {  	s5 =	ssub.s32 $0x0, s20;
	[sflag:s22] =	ssyncset.done $0x0  }
0xa1: {  	[sflag:s22] =	ssyncadd.s32 s5;
	_ =	sdelay $0x1  }
0xa2: {  	s23 =	simm.s32 $0x1B8B  }
0xa3: {  	_ =	swait.ge [sflag:s23], $0x1  }
0xa4: {  	[sflag:s23] =	ssyncset.done $0x0  }
0xa5: {  	s25 =	simm.s32 $0x1B8E;
	s24 =	sld [smem:$0x3FFE];
	[sflag:s23] =	ssyncadd.s32 $0xFFFFFFFF  }
0xa6: {  	s26 =	simm.s32 $execute0_lowered;
	[smem:$0x3FD2] =	sst s25  }
0xa7: {  	s6 =	sshll.u32 s26, $0x1;
	_ =	strace $0x80000046;
	[dreg:$0x1] =	wrdreg $0xFFFFFFFF  }
0xa8: {  	s28 =	simm.s32 $_size_execute0_lowered;
	s4 =	sadd.s32 s4, s6;
	[dreg:$0x0] =	wrdreg $0x0  }
0xa9: {  	s6 =	sshll.u32 s28, $0x1;
	[dreg:$0x2] =	wrdreg s4  }
0xaa: {  	[dreg:$0x3] =	wrdreg s6  }
0xab: {  	[dreg:$0x4] =	wrdreg $0xC0  }
0xac: {  	_ =	task [dreg:s8], $0x5FFFF  }
0xad: {  	[dreg:$0x1] =	wrdreg $0xFFFFFFFF  }
0xae: {  	[dreg:$0x0] =	wrdreg $0x60  }
0xaf: {  	[dreg:$0x2] =	wrdreg s18  }
0xb0: {  	[dreg:$0x3] =	wrdreg s2  }
0xb1: {  	[dreg:$0x4] =	wrdreg s24  }
0xb2: {  	[dreg:$0x5] =	wrdreg $0x9  }
0xb3: {  	_ =	task.clear_ibuf [dreg:s8], $0x6FFFF;
	_ =	strace $0x90000046  }
0xb4: {  	s29 =	simm.s32 $0x9;
	_ =	strace $0x80000048  }
0xb5: {  	_ =	swait.ge [sflag:s29], $0x1  }
0xb6: {  	[sflag:s29] =	ssyncadd.s32 $0xFFFFFFFF  }
0xb7: {  	_ =	strace $0x90000048  }
0xb8: {  	_ =	sfence  }
0xb9: {  	s30 =	sld [smem:$0x0];
	_ =	sdelay $0x2  }
0xba: {  	s31 =	sshll.u32 s1, $0xD;
	s1 =	sshrl.u32 s1, $0x2  }
0xbb: {  	s3 =	sand.u32 $0x4000, s31;
	s1 =	sadd.s32 s1, s30  }
0xbc: {  	s0 =	sor.u32 s3, s0;
	s1 =	sshll.u32 s1, $0x11  }
0xbd: {  	s0 =	sor.u32 s1, s0  }
0xbe: {  	s0 =	sadd.s32 $0x8F2B, s0  }
0xbf: {  	[sflag:s0] =	ssyncadd.remote.s32 $0x1  }
0xc0: {  	_ =	sfence.sel $0xFFFF  }
0xc1: {  	[dreg:$0x0] =	wrdreg $0xFFFFFFFF;
	(pc) =	sbr.abs _section_cstart, $3  }
0xc2: {  	[dreg:$0x1] =	wrdreg $0xFFFFFFFF  }
0xc3: {  	_ =	task.clear_ibuf [dreg:s8], $0x2FFFF;
	_ =	strace $0x9FFFFFFF  }
0xc4: {  	(tm) =	ssettm $0x7FFFFFFF  }
0xc5: {  	_ =	shalt  }
tec
execute0_lowered:
.L_overlay_start_1:
0x0: {  	(tag) =	ssettag $0x1  }
0x1: {  	s2 =	rddreg [dreg:$0x0]  }
0x2: {  	s3 =	rddreg [dreg:$0x1]  }
0x3: {  	s1 =	srdreg.scid;
	s4 =	stileid.u32  }
0x4: {  	s0 =	rddreg [dreg:$0x2];
	s1 =	sand.u32 $0x1, s1;
	s5 =	sshll.u32 s4, $0x1  }
0x5: {  	s28 =	simm.s32 $0x2580;
	s29 =	simm.s32 $0x3E80;
	s5 =	sor.u32 s1, s5  }
0x6: {  	s30 =	simm.s32 $0x4B00;
	s31 =	simm.s32 $0x5780;
	s7 =	smul.u32 $0xC80, s5  }
0x7: {  	s4 =	simm.s32 $0x0;
	s6 =	ssub.s32 $0x2, s1;
	s8 =	smul.u32 $0x190, s5  }
0x8: {  	[smem:$0x7FF] =	sst s4;
	s23 =	sshrl.u32 s6, $0x1;
	s9 =	smul.u32 $0x19, s5  }
0x9: {  	_ =	strace $0x80000047;
	s24 =	ssub.s32 $0x290, s5;
	s10 =	smul.u32 $0x320, s5  }
0xa: {  	p0 =	sgt.u32 s5, $0x10;
	s7 =	sshrl.u32 s7, $0x3;
	s8 =	sadd.s32 s2, s8  }
0xb: {  	s10 =	sadd.s32 s3, s10;
	s7 =	sadd.s32 s2, s7;
	[dreg:$0x4] =	wrdreg s8  }
0xc: {  	s26 =	sadd.s32 $0x320, s9;
	[dreg:$0x7] =	wrdreg s10;
	s25 =	sadd.s32 $0x3D090, s7  }
0xd: {  	s12 =	sshll.u32 s26, $0x4;
	s11 =	sadd.s32 $0x7A120, s7;
	[dreg:$0x5] =	wrdreg s25  }
0xe: {  	s1 =	ssub.s32 s6, s23;
	s10 =	sadd.s32 s2, s12;
	[dreg:$0x6] =	wrdreg s11  }
0xf: {  	s14 =	sadd.s32 $0x640, s9;
	s13 =	sadd.s32 $0x40290, s7;
	[dreg:$0x8] =	wrdreg s10  }
0x10: {  	s8 =	sshll.u32 s26, $0x5;
	s15 =	sadd.s32 $0x7D320, s7;
	[dreg:$0x9] =	wrdreg s13  }
0x11: {  	s16 =	sshll.u32 s14, $0x4;
	s8 =	sadd.s32 s3, s8;
	[dreg:$0xa] =	wrdreg s15  }
0x12: {  	s6 =	sshrl.u32 s24, $0x5;
	s17 =	sadd.s32 s2, s16;
	[dreg:$0xb] =	wrdreg s8  }
0x13: {  	s18 =	sadd.s32 $0x960, s9;
	s19 =	sadd.s32 $0x43490, s7;
	[dreg:$0xc] =	wrdreg s17  }
0x14: {  	s20 =	sshll.u32 s14, $0x5;
	s22 =	sadd.s32 $0x80520, s7;
	[dreg:$0xd] =	wrdreg s19  }
0x15: {  	s21 =	sshll.u32 s18, $0x4;
	s9 =	sadd.s32 s3, s20;
	[dreg:$0xe] =	wrdreg s22  }
0x16: {  	s14 =	simm.s32 $0x5;
	s23 =	sadd.s32 s2, s21;
	[dreg:$0xf] =	wrdreg s9  }
0x17: {  	s24 =	sadd.s32 $0x46690, s7;
	s7 =	sadd.s32 $0x83720, s7;
	[dreg:$0x10] =	wrdreg s23  }
0x18: {  	s12 =	simm.s32 $0x3;
	[dreg:$0x11] =	wrdreg s24;
	s8 =	sshll.u32 s18, $0x5  }
0x19: {  	s25 =	sshll.u32 s5, $0x2;
	[dreg:$0x12] =	wrdreg s7;
	s24 =	smax.u32 s1, $0x1  }
.Ltmp0:
0x1a: {  	s1 =	simm.s32 $0x7D00;
	s7 =	simm.s32 $0x8980;
	(pc) =	sbr.rel .LBB2_1-.Ltmp0, $4  }
0x1b: {  	s9 =	simm.s32 $0xA280;
	s10 =	simm.s32 $0x1;
	s11 =	simm.s32 $0x2  }
0x1c: {  	s13 =	simm.s32 $0x4;
	s15 =	simm.s32 $0x0;
	s26 =	sadd.s32 s3, s8  }
0x1d: {  	s23 =	sadd.s32 s0, s25;
	s25 =	simm.s32 $0xC80;
	s0 =	simm.s32 $0x6400  }
0x1e: {  	s8 =	simm.s32 $0x9600;
	[dreg:$0x13] =	wrdreg s26;
	s26 =	simm.s32 $0x1900  }
.LBB2_21:
0x1f: {  	v0 =	vadd.f32 v2, v0  }
0x20: {  	v1 =	vadd.f32 v3, v1;
	s15 =	sadd.s32 $0x1, s15  }
0x21: {  	p1 =	sne.s32 s15, s24;
	[tilespmem:$0xFA00] =	vst v0  }
.Ltmp1:
0x22: {  	s16 =	simm.s32 $0xFA00;
	[tilespmem:$0xFA10] =	vst v1;
	(pc) =	sbr.rel @!p1 .LBB2_22-.Ltmp1, $4  }
0x23: {  	[hbm4b:s23+s4] =	stream.linear.scatter [tilespmem:s16], [sflag:$0x5], $0x20, $0x38;
	[tilespmem:$0xFA80] =	vst v63  }
0x24: {  	_ =	swait.ge [sflag:s14], $0x20  }
0x25: {  	[sflag:s14] =	ssyncset.done $0x0  }
0x26: {  	[sflag:s14] =	ssyncadd.s32 $0xFFFFFFE0  }
.LBB2_1:
0x27: {  	s16 =	rddreg [dreg:$0x4]  }
0x28: {  	[tilespmem:s4], [sflag:$0x1] =	stream.linear.gather [hbm4b:s16+s4], $0xC80, $0x38;
	[tilespmem:$0xFA80] =	vst v63  }
0x29: {  	s17 =	rddreg [dreg:$0x5]  }
0x2a: {  	[tilespmem:s25], [sflag:$0x1] =	stream.linear.gather [hbm4b:s17+s4], $0xC80, $0x38;
	[tilespmem:$0xFA80] =	vst v63  }
0x2b: {  	s18 =	rddreg [dreg:$0x6]  }
0x2c: {  	[tilespmem:s26], [sflag:$0x1] =	stream.linear.gather [hbm4b:s18+s4], $0xC80, $0x38;
	[tilespmem:$0xFA80] =	vst v63  }
0x2d: {  	s19 =	rddreg [dreg:$0x7]  }
0x2e: {  	[tilespmem:s28], [sflag:$0x1] =	stream.linear.gather [hbm4b:s19+s4], $0x1900, $0x38;
	[tilespmem:$0xFA80] =	vst v63  }
0x2f: {  	s20 =	rddreg [dreg:$0x8]  }
0x30: {  	[tilespmem:s29], [sflag:$0x2] =	stream.linear.gather [hbm4b:s20+s4], $0xC80, $0x38;
	[tilespmem:$0xFA80] =	vst v63  }
0x31: {  	s21 =	rddreg [dreg:$0x9]  }
0x32: {  	[tilespmem:s30], [sflag:$0x2] =	stream.linear.gather [hbm4b:s21+s4], $0xC80, $0x38;
	[tilespmem:$0xFA80] =	vst v63  }
0x33: {  	s22 =	rddreg [dreg:$0xa]  }
0x34: {  	[tilespmem:s31], [sflag:$0x2] =	stream.linear.gather [hbm4b:s22+s4], $0xC80, $0x38;
	[tilespmem:$0xFA80] =	vst v63  }
0x35: {  	s17 =	rddreg [dreg:$0xb]  }
0x36: {  	[tilespmem:s0], [sflag:$0x2] =	stream.linear.gather [hbm4b:s17+s4], $0x1900, $0x38;
	[tilespmem:$0xFA80] =	vst v63  }
0x37: {  	s18 =	rddreg [dreg:$0xc]  }
0x38: {  	[tilespmem:s1], [sflag:$0x3] =	stream.linear.gather [hbm4b:s18+s4], $0xC80, $0x38;
	[tilespmem:$0xFA80] =	vst v63  }
0x39: {  	s19 =	rddreg [dreg:$0xd]  }
0x3a: {  	[tilespmem:s7], [sflag:$0x3] =	stream.linear.gather [hbm4b:s19+s4], $0xC80, $0x38;
	[tilespmem:$0xFA80] =	vst v63  }
0x3b: {  	s20 =	rddreg [dreg:$0xe]  }
0x3c: {  	[tilespmem:s8], [sflag:$0x3] =	stream.linear.gather [hbm4b:s20+s4], $0xC80, $0x38;
	[tilespmem:$0xFA80] =	vst v63  }
0x3d: {  	s21 =	rddreg [dreg:$0xf]  }
0x3e: {  	[tilespmem:s9], [sflag:$0x3] =	stream.linear.gather [hbm4b:s21+s4], $0x1900, $0x38;
	[tilespmem:$0xFA80] =	vst v63  }
0x3f: {  	s22 =	rddreg [dreg:$0x10];
	s17 =	simm.s32 $0xBB80  }
0x40: {  	[tilespmem:s17], [sflag:$0x4] =	stream.linear.gather [hbm4b:s22+s4], $0xC80, $0x38;
	[tilespmem:$0xFA80] =	vst v63  }
0x41: {  	s18 =	simm.s32 $0xC800;
	s17 =	rddreg [dreg:$0x11]  }
0x42: {  	[tilespmem:s18], [sflag:$0x4] =	stream.linear.gather [hbm4b:s17+s4], $0xC80, $0x38;
	[tilespmem:$0xFA80] =	vst v63  }
0x43: {  	s19 =	rddreg [dreg:$0x12];
	s20 =	simm.s32 $0xD480  }
0x44: {  	[tilespmem:s20], [sflag:$0x4] =	stream.linear.gather [hbm4b:s19+s4], $0xC80, $0x38;
	[tilespmem:$0xFA80] =	vst v63  }
0x45: {  	v0 =	vimm.f32 $0.0e+00;
	s16 =	simm.s32 $0x0;
	s21 =	rddreg [dreg:$0x13];
	s22 =	simm.s32 $0xE100  }
0x46: {  	v2 =	vimm.f32 $0.0e+00;
	v1 =	vimm.f32 $0.0e+00;
	v3 =	vimm.f32 $0.0e+00;
	[tilespmem:s22], [sflag:$0x4] =	stream.linear.gather [hbm4b:s21+s4], $0x1900, $0x38;
	[tilespmem:$0xFA80] =	vst v63  }
.LBB2_2:
0x47: {  	_ =	swait.ge [sflag:s10], $0xC80  }
0x48: {  	[sflag:s10] =	ssyncset.done $0x0  }
0x49: {  	[sflag:s10] =	ssyncadd.s32 $0xFFFFF380  }
0x4a: {  	_ =	swait.ge [sflag:s10], $0xC80  }
0x4b: {  	[sflag:s10] =	ssyncset.done $0x0  }
0x4c: {  	[sflag:s10] =	ssyncadd.s32 $0xFFFFF380  }
0x4d: {  	_ =	swait.ge [sflag:s10], $0xC80  }
0x4e: {  	[sflag:s10] =	ssyncset.done $0x0  }
0x4f: {  	[sflag:s10] =	ssyncadd.s32 $0xFFFFF380  }
0x50: {  	_ =	swait.ge [sflag:s10], $0x1900  }
0x51: {  	[sflag:s10] =	ssyncset.done $0x0  }
0x52: {  	s18 =	simm.s32 $0x2600;
	[sflag:s10] =	ssyncadd.s32 $0xFFFFE700  }
0x53: {  	v4 =	vld [tilespmem:s18+$0xFFFFFFE0]  }
0x54: {  	v5 =	vld [tilespmem:s18+$0x60]  }
0x55: {  	v6 =	vld [tilespmem:s18+$0xFFFFFFF0]  }
0x56: {  	s17 =	simm.s32 $0x0;
	v7 =	vld [tilespmem:s18+$0x70]  }
0x57: {  	v8 =	vld [tilespmem:s17+$0xCE0]  }
0x58: {  	v9 =	vld [tilespmem:s17+$0x1960]  }
0x59: {  	v10 =	vld [tilespmem:s17+$0xCF0]  }
0x5a: {  	v11 =	vld [tilespmem:s17+$0x1970]  }
0x5b: {  	v12 =	vld [tilespmem:s18+$0xFFFFFFC0]  }
0x5c: {  	v13 =	vld [tilespmem:s18+$0x40]  }
0x5d: {  	v14 =	vld [tilespmem:s18+$0xFFFFFFD0]  }
0x5e: {  	v15 =	vld [tilespmem:s18+$0x50]  }
0x5f: {  	v16 =	vld [tilespmem:s17+$0xCC0]  }
0x60: {  	v17 =	vld [tilespmem:s17+$0x1940]  }
0x61: {  	v18 =	vld [tilespmem:s17+$0xCD0]  }
0x62: {  	v19 =	vld [tilespmem:s17+$0x1950]  }
0x63: {  	v20 =	vld [tilespmem:s18+$0xFFFFFFA0]  }
0x64: {  	v21 =	vld [tilespmem:s18+$0x20]  }
0x65: {  	v22 =	vld [tilespmem:s18+$0xFFFFFFB0]  }
0x66: {  	v23 =	vld [tilespmem:s18+$0x30]  }
0x67: {  	v24 =	vld [tilespmem:s17+$0xCA0]  }
0x68: {  	v25 =	vld [tilespmem:s17+$0x1920]  }
0x69: {  	v26 =	vld [tilespmem:s17+$0xCB0]  }
0x6a: {  	v28 =	vld [tilespmem:s18+$0xFFFFFF80]  }
0x6b: {  	v32 =	vld [tilespmem:s17+$0xC80];
	v4 =	vsub.f32 v8, v4;
	v5 =	vsub.f32 v9, v5  }
0x6c: {  	v27 =	vld [tilespmem:s17+$0x1930];
	v6 =	vsub.f32 v10, v6;
	v10 =	vsub.f32 v16, v12  }
0x6d: {  	v7 =	vsub.f32 v11, v7;
	v12 =	vsub.f32 v17, v13  }
0x6e: {  	v13 =	vsub.f32 v18, v14;
	v14 =	vsub.f32 v24, v20  }
0x6f: {  	v15 =	vsub.f32 v19, v15;
	v16 =	vsub.f32 v25, v21  }
0x70: {  	v17 =	vsub.f32 v26, v22;
	v18 =	vsub.f32 v32, v28  }
0x71: {  	v29 =	vld [tilespmem:s18+$0x0];
	v19 =	vsub.f32 v27, v23;
	v21 =	vand.u32 $0x7FFFFFFF, v4;
	v22 =	vand.u32 $0x7FFFFFFF, v5  }
0x72: {  	v30 =	vld [tilespmem:s18+$0xFFFFFF90];
	v10 =	vand.u32 $0x7FFFFFFF, v10;
	v36 =	vand.u32 $0x7FFFFFFF, v7;
	v37 =	vand.u32 $0x7FFFFFFF, v12  }
0x73: {  	v31 =	vld [tilespmem:s18+$0x10];
	v38 =	vand.u32 $0x7FFFFFFF, v13;
	v39 =	vand.u32 $0x7FFFFFFF, v15;
	v44 =	vand.u32 $0x7FFFFFFF, v14  }
0x74: {  	v8 =	vld [tilespmem:s17+$0x1900];
	v26 =	vand.u32 $0x7FFFFFFF, v16;
	v25 =	vand.u32 $0x7FFFFFFF, v17;
	v17 =	vand.u32 $0x7FFFFFFF, v18  }
0x75: {  	v9 =	vld [tilespmem:s17+$0xC90];
	v24 =	vand.u32 $0x7FFFFFFF, v19;
	v45 =	vmin.f32 v22, $1.111111120e-01;
	v32 =	vmin.f32 v36, $1.111111120e-01  }
0x76: {  	v11 =	vld [tilespmem:s17+$0x1910];
	v28 =	vmin.f32 v38, $1.111111120e-01;
	v19 =	vmin.f32 v44, $1.111111120e-01;
	v15 =	vmin.f32 v26, $1.111111120e-01  }
0x77: {  	v27 =	vmin.f32 v39, $1.111111120e-01;
	v20 =	vmin.f32 v17, $1.111111120e-01;
	v35 =	vsub.f32 v22, v45  }
0x78: {  	v18 =	vmin.f32 v25, $1.111111120e-01;
	v36 =	vsub.f32 v36, v32;
	v40 =	vsub.f32 v38, v28  }
0x79: {  	v4 =	vld [tilespmem:s17+$0x60];
	v12 =	vmin.f32 v24, $1.111111120e-01;
	v42 =	vsub.f32 v39, v27;
	v38 =	vsub.f32 v44, v19  }
0x7a: {  	v5 =	vld [tilespmem:s17+$0x70];
	v44 =	vmul.f32 v45, v45;
	v8 =	vsub.f32 v8, v29;
	v9 =	vsub.f32 v9, v30  }
0x7b: {  	v7 =	vld [tilespmem:s17+$0x40];
	v11 =	vsub.f32 v11, v31;
	v29 =	vand.u32 $0x7FFFFFFF, v6;
	v31 =	vmin.f32 v10, $1.111111120e-01  }
0x7c: {  	v30 =	vmin.f32 v37, $1.111111120e-01;
	v6 =	vld [tilespmem:s17+$0x50];
	v46 =	vmin.f32 v29, $1.111111120e-01;
	v41 =	vsub.f32 v10, v31  }
0x7d: {  	v43 =	vsub.f32 v37, v30;
	v10 =	vld [tilespmem:s17+$0x0];
	v16 =	vand.u32 $0x7FFFFFFF, v8;
	v14 =	vand.u32 $0x7FFFFFFF, v9  }
0x7e: {  	v13 =	vand.u32 $0x7FFFFFFF, v11;
	v11 =	vmin.f32 v21, $1.111111120e-01;
	v8 =	vld [tilespmem:s17+$0x20];
	v34 =	vsub.f32 v29, v46  }
0x7f: {  	v9 =	vld [tilespmem:s17+$0x30];
	v37 =	vmul.f32 v46, v46;
	v23 =	vmin.f32 v16, $1.111111120e-01;
	v33 =	vsub.f32 v21, v11  }
0x80: {  	s18 =	simm.s32 $0x200;
	v21 =	vmin.f32 v14, $1.111111120e-01;
	v22 =	vmin.f32 v13, $1.111111120e-01;
	v39 =	vmul.f32 v11, v11;
	v11 =	vld [tilespmem:s17+$0x10];
	s17 =	simm.s32 $0x2700  }
.LBB2_3:
0x81: {  	v29 =	vld [tilespmem:s17+$0xFFFFFFE0];
	p1 =	sne.s32 s18, $0x3000;
	v26 =	vsub.f32 v26, v15;
	v45 =	vsub.f32 v25, v18;
	v32 =	vmul.f32 v32, v32  }
0x82: {  	v24 =	vsub.f32 v24, v12;
	v31 =	vmul.f32 v31, v31;
	v30 =	vmul.f32 v30, v30;
	v25 =	vld [tilespmem:s17+$0x60]  }
0x83: {  	v17 =	vsub.f32 v17, v20;
	v16 =	vsub.f32 v16, v23;
	v28 =	vmul.f32 v28, v28;
	v46 =	vld [tilespmem:s17+$0xFFFFFFF0]  }
0x84: {  	s19 =	sshra.s32 s18, $0x2;
	v14 =	vsub.f32 v14, v21;
	v13 =	vsub.f32 v13, v22;
	v27 =	vmul.f32 v27, v27;
	v47 =	vld [tilespmem:s17+$0x70]  }
0x85: {  	v19 =	vmul.f32 v19, v19;
	v15 =	vmul.f32 v15, v15;
	v33 =	vadd.f32 v35, v33;
	v48 =	vld [tilespmem:s19+$0xCE0]  }
0x86: {  	v18 =	vmul.f32 v18, v18;
	v41 =	vadd.f32 v43, v41;
	v34 =	vadd.f32 v36, v34;
	v35 =	vld [tilespmem:s19+$0x1960]  }
0x87: {  	v20 =	vmul.f32 v20, v20;
	v40 =	vadd.f32 v42, v40;
	v39 =	vadd.f32 v44, v39;
	v36 =	vld [tilespmem:s19+$0xCF0]  }
0x88: {  	v23 =	vmul.f32 v23, v23;
	v26 =	vadd.f32 v26, v38;
	v32 =	vadd.f32 v32, v37;
	v42 =	vld [tilespmem:s19+$0x1970]  }
0x89: {  	v21 =	vmul.f32 v21, v21;
	v24 =	vadd.f32 v24, v45;
	v30 =	vadd.f32 v30, v31;
	v37 =	vld [tilespmem:s17+$0xFFFFFFC0]  }
0x8a: {  	v16 =	vadd.f32 v16, v17;
	v17 =	vmul.f32 v22, v22;
	v22 =	vadd.f32 v27, v28;
	v31 =	vld [tilespmem:s17+$0x40]  }
0x8b: {  	v12 =	vmul.f32 v12, v12;
	v20 =	vadd.f32 v23, v20;
	v13 =	vadd.f32 v13, v14;
	v27 =	vld [tilespmem:s17+$0xFFFFFFD0]  }
0x8c: {  	v17 =	vadd.f32 v17, v21;
	v21 =	vmul.f32 $4.500000000e+00, v39;
	v23 =	vmul.f32 $4.500000000e+00, v32;
	v14 =	vld [tilespmem:s17+$0x50]  }
0x8d: {  	v15 =	vadd.f32 v15, v19;
	v20 =	vmul.f32 $4.500000000e+00, v20;
	v19 =	vmul.f32 $4.500000000e+00, v30;
	v28 =	vld [tilespmem:s19+$0xCC0]  }
0x8e: {  	v12 =	vadd.f32 v12, v18;
	v18 =	vmul.f32 $4.500000000e+00, v22;
	v17 =	vmul.f32 $4.500000000e+00, v17;
	v30 =	vld [tilespmem:s19+$0x1940]  }
0x8f: {  	v15 =	vmul.f32 $4.500000000e+00, v15;
	v16 =	vadd.f32 v20, v16;
	v20 =	vadd.f32 v21, v33;
	v22 =	vld [tilespmem:s19+$0xCD0]  }
0x90: {  	v12 =	vmul.f32 $4.500000000e+00, v12;
	v13 =	vadd.f32 v17, v13;
	v17 =	vadd.f32 v23, v34;
	v21 =	vld [tilespmem:s19+$0x1950]  }
0x91: {  	v15 =	vadd.f32 v15, v26;
	v19 =	vadd.f32 v19, v41;
	v16 =	vmul.f32 v16, v10;
	v23 =	vld [tilespmem:s17+$0xFFFFFFA0]  }
0x92: {  	v12 =	vadd.f32 v12, v24;
	v18 =	vadd.f32 v18, v40;
	v13 =	vmul.f32 v13, v11;
	v26 =	vld [tilespmem:s17+$0x20]  }
0x93: {  	v2 =	vadd.f32 v10, v2;
	v10 =	vmul.f32 v15, v8;
	v3 =	vadd.f32 v16, v3;
	v24 =	vld [tilespmem:s17+$0xFFFFFFB0]  }
0x94: {  	v0 =	vadd.f32 v11, v0;
	v11 =	vmul.f32 v12, v9;
	v1 =	vadd.f32 v13, v1;
	v15 =	vld [tilespmem:s17+$0x30]  }
0x95: {  	v2 =	vadd.f32 v8, v2;
	v8 =	vmul.f32 v19, v7;
	v3 =	vadd.f32 v10, v3;
	v12 =	vld [tilespmem:s19+$0xCA0]  }
0x96: {  	v0 =	vadd.f32 v9, v0;
	v9 =	vmul.f32 v18, v6;
	v1 =	vadd.f32 v11, v1;
	v10 =	vld [tilespmem:s19+$0x1920]  }
0x97: {  	v2 =	vadd.f32 v7, v2;
	v7 =	vmul.f32 v20, v4;
	v3 =	vadd.f32 v8, v3;
	v11 =	vld [tilespmem:s19+$0xCB0]  }
0x98: {  	v0 =	vadd.f32 v6, v0;
	v6 =	vmul.f32 v17, v5;
	v1 =	vadd.f32 v9, v1;
	v8 =	vld [tilespmem:s19+$0x1930]  }
0x99: {  	v2 =	vadd.f32 v4, v2;
	v3 =	vadd.f32 v7, v3;
	v9 =	vld [tilespmem:s17+$0xFFFFFF80]  }
0x9a: {  	v0 =	vadd.f32 v5, v0;
	v1 =	vadd.f32 v6, v1;
	v4 =	vld [tilespmem:s17+$0x0]  }
0x9b: {  	v5 =	vld [tilespmem:s17+$0xFFFFFF90]  }
0x9c: {  	v6 =	vld [tilespmem:s17+$0x10]  }
0x9d: {  	v13 =	vsub.f32 v48, v29;
	v7 =	vld [tilespmem:s19+$0xC80]  }
0x9e: {  	v17 =	vsub.f32 v35, v25;
	v18 =	vsub.f32 v36, v46;
	v16 =	vld [tilespmem:s19+$0x1900]  }
0x9f: {  	v25 =	vsub.f32 v42, v47;
	v20 =	vsub.f32 v28, v37;
	v19 =	vld [tilespmem:s19+$0xC90]  }
0xa0: {  	v29 =	vsub.f32 v30, v31;
	v22 =	vsub.f32 v22, v27;
	v28 =	vld [tilespmem:s19+$0x1910]  }
0xa1: {  	v14 =	vsub.f32 v21, v14;
	v12 =	vsub.f32 v12, v23  }
0xa2: {  	v10 =	vsub.f32 v10, v26;
	v11 =	vsub.f32 v11, v24  }
0xa3: {  	v8 =	vsub.f32 v8, v15;
	v7 =	vsub.f32 v7, v9  }
0xa4: {  	v4 =	vsub.f32 v16, v4;
	v5 =	vsub.f32 v19, v5  }
0xa5: {  	v21 =	vand.u32 $0x7FFFFFFF, v17;
	v9 =	vand.u32 $0x7FFFFFFF, v13;
	v6 =	vsub.f32 v28, v6  }
0xa6: {  	v34 =	vand.u32 $0x7FFFFFFF, v18;
	v36 =	vand.u32 $0x7FFFFFFF, v25;
	v37 =	vand.u32 $0x7FFFFFFF, v20  }
0xa7: {  	v29 =	vand.u32 $0x7FFFFFFF, v29;
	v38 =	vand.u32 $0x7FFFFFFF, v22;
	v39 =	vand.u32 $0x7FFFFFFF, v14  }
0xa8: {  	v44 =	vand.u32 $0x7FFFFFFF, v12;
	v26 =	vand.u32 $0x7FFFFFFF, v10;
	v25 =	vand.u32 $0x7FFFFFFF, v11  }
0xa9: {  	v24 =	vand.u32 $0x7FFFFFFF, v8;
	v17 =	vand.u32 $0x7FFFFFFF, v7;
	v16 =	vand.u32 $0x7FFFFFFF, v4  }
0xaa: {  	v11 =	vmin.f32 v9, $1.111111120e-01;
	v14 =	vand.u32 $0x7FFFFFFF, v5;
	v13 =	vand.u32 $0x7FFFFFFF, v6  }
0xab: {  	v46 =	vmin.f32 v34, $1.111111120e-01;
	v32 =	vmin.f32 v36, $1.111111120e-01;
	v45 =	vmin.f32 v21, $1.111111120e-01  }
0xac: {  	v31 =	vmin.f32 v37, $1.111111120e-01;
	v30 =	vmin.f32 v29, $1.111111120e-01;
	v28 =	vmin.f32 v38, $1.111111120e-01;
	v4 =	vld [tilespmem:s19+$0x60]  }
0xad: {  	v27 =	vmin.f32 v39, $1.111111120e-01;
	v15 =	vmin.f32 v26, $1.111111120e-01;
	v19 =	vmin.f32 v44, $1.111111120e-01;
	v5 =	vld [tilespmem:s19+$0x70]  }
0xae: {  	v18 =	vmin.f32 v25, $1.111111120e-01;
	v12 =	vmin.f32 v24, $1.111111120e-01;
	v20 =	vmin.f32 v17, $1.111111120e-01;
	v7 =	vld [tilespmem:s19+$0x40]  }
.Ltmp2:
0xaf: {  	v35 =	vsub.f32 v21, v45;
	v33 =	vsub.f32 v9, v11;
	v23 =	vmin.f32 v16, $1.111111120e-01;
	v6 =	vld [tilespmem:s19+$0x50];
	(pc) =	sbr.rel @p1 .LBB2_3-.Ltmp2, $4  }
0xb0: {  	v34 =	vsub.f32 v34, v46;
	v36 =	vsub.f32 v36, v32;
	v21 =	vmin.f32 v14, $1.111111120e-01;
	v8 =	vld [tilespmem:s19+$0x20]  }
0xb1: {  	v41 =	vsub.f32 v37, v31;
	v43 =	vsub.f32 v29, v30;
	v22 =	vmin.f32 v13, $1.111111120e-01;
	v9 =	vld [tilespmem:s19+$0x30]  }
0xb2: {  	v42 =	vsub.f32 v39, v27;
	v39 =	vmul.f32 v11, v11;
	v40 =	vsub.f32 v38, v28;
	v10 =	vld [tilespmem:s19+$0x0]  }
0xb3: {  	s18 =	sadd.s32 $0x200, s18;
	v37 =	vmul.f32 v46, v46;
	s17 =	sadd.s32 $0x100, s17;
	v38 =	vsub.f32 v44, v19;
	v44 =	vmul.f32 v45, v45;
	v11 =	vld [tilespmem:s19+$0x10]  }
0xb4: {  	s18 =	sshll.u32 s16, $0x7  }
0xb5: {  	s17 =	sor.u32 s5, s18  }
0xb6: {  	s17 =	sadd.s32 $0x80, s17  }
0xb7: {  	s19 =	smul.u32 $0x190, s17  }
0xb8: {  	s21 =	smul.u32 $0xC80, s17;
	_ =	sdelay $0x1  }
0xb9: {  	s20 =	simm.s32 $0x0;
	s19 =	sadd.s32 s2, s19;
	s21 =	sshrl.u32 s21, $0x3  }
0xba: {  	[tilespmem:s20], [sflag:$0x1] =	stream.linear.gather [hbm4b:s19+s20], $0xC80, $0x38;
	[tilespmem:$0xFA80] =	vst v63  }
0xbb: {  	s19 =	sadd.s32 s2, s21  }
0xbc: {  	s22 =	sadd.s32 $0x3D090, s19  }
0xbd: {  	[tilespmem:s25], [sflag:$0x1] =	stream.linear.gather [hbm4b:s22+s20], $0xC80, $0x38;
	[tilespmem:$0xFA80] =	vst v63  }
0xbe: {  	s17 =	smul.u32 $0x320, s17;
	s19 =	sadd.s32 $0x7A120, s19  }
0xbf: {  	[tilespmem:s26], [sflag:$0x1] =	stream.linear.gather [hbm4b:s19+s20], $0xC80, $0x38;
	[tilespmem:$0xFA80] =	vst v63  }
0xc0: {  	s17 =	sadd.s32 s3, s17  }
0xc1: {  	[tilespmem:s28], [sflag:$0x1] =	stream.linear.gather [hbm4b:s17+s20], $0x1900, $0x38;
	[tilespmem:$0xFA80] =	vst v63  }
0xc2: {  	_ =	swait.ge [sflag:s11], $0xC80  }
0xc3: {  	[sflag:s11] =	ssyncset.done $0x0  }
0xc4: {  	[sflag:s11] =	ssyncadd.s32 $0xFFFFF380  }
0xc5: {  	_ =	swait.ge [sflag:s11], $0xC80  }
0xc6: {  	[sflag:s11] =	ssyncset.done $0x0  }
0xc7: {  	[sflag:s11] =	ssyncadd.s32 $0xFFFFF380  }
0xc8: {  	_ =	swait.ge [sflag:s11], $0xC80  }
0xc9: {  	[sflag:s11] =	ssyncset.done $0x0  }
0xca: {  	[sflag:s11] =	ssyncadd.s32 $0xFFFFF380  }
0xcb: {  	_ =	swait.ge [sflag:s11], $0x1900  }
0xcc: {  	[sflag:s11] =	ssyncset.done $0x0  }
0xcd: {  	s21 =	simm.s32 $0x6480;
	[sflag:s11] =	ssyncadd.s32 $0xFFFFE700  }
0xce: {  	v29 =	vld [tilespmem:s21+$0xFFFFFFE0]  }
0xcf: {  	v33 =	vadd.f32 v35, v33;
	v41 =	vadd.f32 v43, v41;
	v52 =	vld [tilespmem:s21+$0x60]  }
0xd0: {  	v34 =	vadd.f32 v36, v34;
	v26 =	vsub.f32 v26, v15;
	v53 =	vld [tilespmem:s21+$0xFFFFFFF0]  }
0xd1: {  	v40 =	vadd.f32 v42, v40;
	v25 =	vsub.f32 v25, v18;
	v32 =	vmul.f32 v32, v32;
	s22 =	simm.s32 $0x0;
	v54 =	vld [tilespmem:s21+$0x70]  }
0xd2: {  	v24 =	vsub.f32 v24, v12;
	v31 =	vmul.f32 v31, v31;
	v30 =	vmul.f32 v30, v30;
	v55 =	vld [tilespmem:s22+$0x4B60]  }
0xd3: {  	v17 =	vsub.f32 v17, v20;
	v16 =	vsub.f32 v16, v23;
	v28 =	vmul.f32 v28, v28;
	v56 =	vld [tilespmem:s22+$0x57E0]  }
0xd4: {  	v14 =	vsub.f32 v14, v21;
	v27 =	vmul.f32 v27, v27;
	v20 =	vmul.f32 v20, v20;
	v57 =	vld [tilespmem:s22+$0x4B70]  }
0xd5: {  	v23 =	vmul.f32 v23, v23;
	v13 =	vsub.f32 v13, v22;
	v24 =	vadd.f32 v24, v25;
	v25 =	vld [tilespmem:s22+$0x57F0]  }
0xd6: {  	v19 =	vmul.f32 v19, v19;
	v21 =	vmul.f32 v21, v21;
	v30 =	vadd.f32 v30, v31;
	v31 =	vld [tilespmem:s21+$0xFFFFFFC0]  }
0xd7: {  	v22 =	vmul.f32 v22, v22;
	v39 =	vadd.f32 v44, v39;
	v16 =	vadd.f32 v16, v17;
	v17 =	vld [tilespmem:s21+$0x40]  }
0xd8: {  	v15 =	vmul.f32 v15, v15;
	v26 =	vadd.f32 v26, v38;
	v27 =	vadd.f32 v27, v28;
	v28 =	vld [tilespmem:s21+$0xFFFFFFD0]  }
0xd9: {  	v18 =	vmul.f32 v18, v18;
	v32 =	vadd.f32 v32, v37;
	v20 =	vadd.f32 v23, v20;
	v23 =	vld [tilespmem:s21+$0x50]  }
0xda: {  	v12 =	vmul.f32 v12, v12;
	v13 =	vadd.f32 v13, v14;
	v21 =	vadd.f32 v22, v21;
	v14 =	vld [tilespmem:s22+$0x4B40]  }
0xdb: {  	v15 =	vadd.f32 v15, v19;
	v22 =	vmul.f32 $4.500000000e+00, v39;
	v32 =	vmul.f32 $4.500000000e+00, v32;
	v58 =	vld [tilespmem:s22+$0x57C0]  }
0xdc: {  	v12 =	vadd.f32 v12, v18;
	v20 =	vmul.f32 $4.500000000e+00, v20;
	v30 =	vmul.f32 $4.500000000e+00, v30;
	v19 =	vld [tilespmem:s22+$0x4B50]  }
0xdd: {  	v2 =	vadd.f32 v10, v2;
	v21 =	vmul.f32 $4.500000000e+00, v21;
	v27 =	vmul.f32 $4.500000000e+00, v27;
	v18 =	vld [tilespmem:s22+$0x57D0]  }
0xde: {  	v15 =	vmul.f32 $4.500000000e+00, v15;
	v0 =	vadd.f32 v11, v0;
	v16 =	vadd.f32 v20, v16;
	v20 =	vld [tilespmem:s21+$0xFFFFFFA0]  }
0xdf: {  	v12 =	vmul.f32 $4.500000000e+00, v12;
	v22 =	vadd.f32 v22, v33;
	v13 =	vadd.f32 v21, v13;
	v21 =	vld [tilespmem:s21+$0x20]  }
0xe0: {  	v2 =	vadd.f32 v8, v2;
	v15 =	vadd.f32 v15, v26;
	v16 =	vmul.f32 v16, v10;
	v26 =	vld [tilespmem:s21+$0xFFFFFFB0]  }
0xe1: {  	v32 =	vadd.f32 v32, v34;
	v12 =	vadd.f32 v12, v24;
	v13 =	vmul.f32 v13, v11;
	v24 =	vld [tilespmem:s21+$0x30]  }
0xe2: {  	v30 =	vadd.f32 v30, v41;
	v15 =	vmul.f32 v15, v8;
	v3 =	vadd.f32 v16, v3;
	v16 =	vld [tilespmem:s22+$0x4B20]  }
0xe3: {  	v27 =	vadd.f32 v27, v40;
	v10 =	vmul.f32 v12, v9;
	v1 =	vadd.f32 v13, v1;
	v12 =	vld [tilespmem:s22+$0x57A0]  }
0xe4: {  	v0 =	vadd.f32 v9, v0;
	v11 =	vmul.f32 v30, v7;
	v3 =	vadd.f32 v15, v3;
	v13 =	vld [tilespmem:s22+$0x4B30]  }
0xe5: {  	v2 =	vadd.f32 v7, v2;
	v8 =	vmul.f32 v27, v6;
	v1 =	vadd.f32 v10, v1;
	v10 =	vld [tilespmem:s22+$0x57B0]  }
0xe6: {  	v9 =	vmul.f32 v22, v4;
	v0 =	vadd.f32 v6, v0;
	v3 =	vadd.f32 v11, v3;
	v11 =	vld [tilespmem:s21+$0xFFFFFF80]  }
0xe7: {  	v7 =	vmul.f32 v32, v5;
	v2 =	vadd.f32 v4, v2;
	v1 =	vadd.f32 v8, v1;
	v8 =	vld [tilespmem:s21+$0x0]  }
0xe8: {  	v0 =	vadd.f32 v5, v0;
	v3 =	vadd.f32 v9, v3;
	v6 =	vld [tilespmem:s21+$0xFFFFFF90]  }
0xe9: {  	v1 =	vadd.f32 v7, v1;
	v5 =	vld [tilespmem:s22+$0x4B00];
	v7 =	vsub.f32 v55, v29  }
0xea: {  	v9 =	vld [tilespmem:s22+$0x5780];
	v15 =	vsub.f32 v56, v52;
	v22 =	vsub.f32 v57, v53  }
0xeb: {  	v27 =	vld [tilespmem:s22+$0x4B10];
	v14 =	vsub.f32 v14, v31;
	v25 =	vsub.f32 v25, v54  }
0xec: {  	v17 =	vsub.f32 v58, v17;
	v19 =	vsub.f32 v19, v28  }
0xed: {  	v16 =	vsub.f32 v16, v20;
	v18 =	vsub.f32 v18, v23  }
0xee: {  	v12 =	vsub.f32 v12, v21;
	v13 =	vsub.f32 v13, v26  }
0xef: {  	v5 =	vsub.f32 v5, v11;
	v10 =	vsub.f32 v10, v24  }
0xf0: {  	v8 =	vsub.f32 v9, v8;
	v6 =	vsub.f32 v27, v6  }
0xf1: {  	v9 =	vand.u32 $0x7FFFFFFF, v7;
	v11 =	vand.u32 $0x7FFFFFFF, v15;
	v22 =	vand.u32 $0x7FFFFFFF, v22  }
0xf2: {  	v59 =	vand.u32 $0x7FFFFFFF, v25;
	v60 =	vand.u32 $0x7FFFFFFF, v17;
	v61 =	vand.u32 $0x7FFFFFFF, v19  }
0xf3: {  	v62 =	vand.u32 $0x7FFFFFFF, v18;
	v63 =	vand.u32 $0x7FFFFFFF, v16;
	v26 =	vand.u32 $0x7FFFFFFF, v12  }
0xf4: {  	v25 =	vand.u32 $0x7FFFFFFF, v13;
	v17 =	vand.u32 $0x7FFFFFFF, v5;
	v16 =	vand.u32 $0x7FFFFFFF, v8  }
0xf5: {  	v24 =	vand.u32 $0x7FFFFFFF, v10;
	v45 =	vmin.f32 v9, $1.111111120e-01;
	v46 =	vmin.f32 v11, $1.111111120e-01  }
0xf6: {  	v4 =	vld [tilespmem:s21+$0x10];
	v47 =	vmin.f32 v22, $1.111111120e-01;
	v32 =	vmin.f32 v59, $1.111111120e-01;
	v30 =	vmin.f32 v60, $1.111111120e-01  }
0xf7: {  	v29 =	vld [tilespmem:s22+$0x5790];
	v28 =	vmin.f32 v61, $1.111111120e-01;
	v19 =	vmin.f32 v63, $1.111111120e-01;
	v15 =	vmin.f32 v26, $1.111111120e-01  }
0xf8: {  	v5 =	vld [tilespmem:s22+$0x3EF0];
	v27 =	vmin.f32 v62, $1.111111120e-01;
	v20 =	vmin.f32 v17, $1.111111120e-01;
	v33 =	vsub.f32 v9, v45  }
0xf9: {  	v7 =	vld [tilespmem:s22+$0x3EC0];
	v18 =	vmin.f32 v25, $1.111111120e-01;
	v35 =	vsub.f32 v11, v46;
	v34 =	vsub.f32 v22, v47  }
0xfa: {  	v8 =	vld [tilespmem:s22+$0x3EA0];
	v12 =	vmin.f32 v24, $1.111111120e-01;
	v36 =	vsub.f32 v59, v32;
	v43 =	vsub.f32 v60, v30  }
0xfb: {  	v10 =	vld [tilespmem:s22+$0x3E80];
	v23 =	vmin.f32 v16, $1.111111120e-01;
	v40 =	vsub.f32 v61, v28;
	v42 =	vsub.f32 v62, v27  }
0xfc: {  	v9 =	vld [tilespmem:s22+$0x3EB0];
	v39 =	vmul.f32 v45, v45;
	v38 =	vsub.f32 v63, v19;
	v4 =	vsub.f32 v29, v4  }
0xfd: {  	v11 =	vld [tilespmem:s22+$0x3E90];
	v44 =	vmul.f32 v46, v46;
	v37 =	vmul.f32 v47, v47;
	v29 =	vand.u32 $0x7FFFFFFF, v14  }
0xfe: {  	v14 =	vand.u32 $0x7FFFFFFF, v6;
	v6 =	vld [tilespmem:s22+$0x3ED0];
	v31 =	vmin.f32 v29, $1.111111120e-01;
	v13 =	vand.u32 $0x7FFFFFFF, v4  }
0xff: {  	s19 =	simm.s32 $0x6580;
	s17 =	sshll.u32 s16, $0x2;
	s20 =	simm.s32 $0x200;
	v21 =	vmin.f32 v14, $1.111111120e-01;
	v4 =	vld [tilespmem:s22+$0x3EE0];
	v41 =	vsub.f32 v29, v31;
	v22 =	vmin.f32 v13, $1.111111120e-01  }
.LBB2_5:
0x100: {  	v29 =	vld [tilespmem:s19+$0xFFFFFFE0];
	p1 =	sne.s32 s20, $0x3000;
	v26 =	vsub.f32 v26, v15;
	v45 =	vsub.f32 v25, v18;
	v32 =	vmul.f32 v32, v32  }
0x101: {  	v24 =	vsub.f32 v24, v12;
	v31 =	vmul.f32 v31, v31;
	v30 =	vmul.f32 v30, v30;
	v25 =	vld [tilespmem:s19+$0x60]  }
0x102: {  	v17 =	vsub.f32 v17, v20;
	v16 =	vsub.f32 v16, v23;
	v28 =	vmul.f32 v28, v28;
	v46 =	vld [tilespmem:s19+$0xFFFFFFF0]  }
0x103: {  	s21 =	sshra.s32 s20, $0x2;
	v14 =	vsub.f32 v14, v21;
	v13 =	vsub.f32 v13, v22;
	v27 =	vmul.f32 v27, v27;
	v47 =	vld [tilespmem:s19+$0x70]  }
0x104: {  	v19 =	vmul.f32 v19, v19;
	v15 =	vmul.f32 v15, v15;
	v33 =	vadd.f32 v35, v33;
	v48 =	vld [tilespmem:s21+$0x4B60]  }
0x105: {  	v18 =	vmul.f32 v18, v18;
	v41 =	vadd.f32 v43, v41;
	v34 =	vadd.f32 v36, v34;
	v35 =	vld [tilespmem:s21+$0x57E0]  }
0x106: {  	v20 =	vmul.f32 v20, v20;
	v40 =	vadd.f32 v42, v40;
	v39 =	vadd.f32 v44, v39;
	v36 =	vld [tilespmem:s21+$0x4B70]  }
0x107: {  	v23 =	vmul.f32 v23, v23;
	v26 =	vadd.f32 v26, v38;
	v32 =	vadd.f32 v32, v37;
	v42 =	vld [tilespmem:s21+$0x57F0]  }
0x108: {  	v21 =	vmul.f32 v21, v21;
	v24 =	vadd.f32 v24, v45;
	v30 =	vadd.f32 v30, v31;
	v37 =	vld [tilespmem:s19+$0xFFFFFFC0]  }
0x109: {  	v16 =	vadd.f32 v16, v17;
	v17 =	vmul.f32 v22, v22;
	v22 =	vadd.f32 v27, v28;
	v31 =	vld [tilespmem:s19+$0x40]  }
0x10a: {  	v12 =	vmul.f32 v12, v12;
	v20 =	vadd.f32 v23, v20;
	v13 =	vadd.f32 v13, v14;
	v27 =	vld [tilespmem:s19+$0xFFFFFFD0]  }
0x10b: {  	v17 =	vadd.f32 v17, v21;
	v21 =	vmul.f32 $4.500000000e+00, v39;
	v23 =	vmul.f32 $4.500000000e+00, v32;
	v14 =	vld [tilespmem:s19+$0x50]  }
0x10c: {  	v15 =	vadd.f32 v15, v19;
	v20 =	vmul.f32 $4.500000000e+00, v20;
	v19 =	vmul.f32 $4.500000000e+00, v30;
	v28 =	vld [tilespmem:s21+$0x4B40]  }
0x10d: {  	v12 =	vadd.f32 v12, v18;
	v18 =	vmul.f32 $4.500000000e+00, v22;
	v17 =	vmul.f32 $4.500000000e+00, v17;
	v30 =	vld [tilespmem:s21+$0x57C0]  }
0x10e: {  	v15 =	vmul.f32 $4.500000000e+00, v15;
	v16 =	vadd.f32 v20, v16;
	v20 =	vadd.f32 v21, v33;
	v22 =	vld [tilespmem:s21+$0x4B50]  }
0x10f: {  	v12 =	vmul.f32 $4.500000000e+00, v12;
	v13 =	vadd.f32 v17, v13;
	v17 =	vadd.f32 v23, v34;
	v21 =	vld [tilespmem:s21+$0x57D0]  }
0x110: {  	v15 =	vadd.f32 v15, v26;
	v19 =	vadd.f32 v19, v41;
	v16 =	vmul.f32 v16, v10;
	v23 =	vld [tilespmem:s19+$0xFFFFFFA0]  }
0x111: {  	v12 =	vadd.f32 v12, v24;
	v18 =	vadd.f32 v18, v40;
	v13 =	vmul.f32 v13, v11;
	v26 =	vld [tilespmem:s19+$0x20]  }
0x112: {  	v2 =	vadd.f32 v10, v2;
	v10 =	vmul.f32 v15, v8;
	v3 =	vadd.f32 v16, v3;
	v24 =	vld [tilespmem:s19+$0xFFFFFFB0]  }
0x113: {  	v0 =	vadd.f32 v11, v0;
	v11 =	vmul.f32 v12, v9;
	v1 =	vadd.f32 v13, v1;
	v15 =	vld [tilespmem:s19+$0x30]  }
0x114: {  	v2 =	vadd.f32 v8, v2;
	v8 =	vmul.f32 v19, v7;
	v3 =	vadd.f32 v10, v3;
	v12 =	vld [tilespmem:s21+$0x4B20]  }
0x115: {  	v0 =	vadd.f32 v9, v0;
	v9 =	vmul.f32 v18, v6;
	v1 =	vadd.f32 v11, v1;
	v10 =	vld [tilespmem:s21+$0x57A0]  }
0x116: {  	v2 =	vadd.f32 v7, v2;
	v7 =	vmul.f32 v20, v4;
	v3 =	vadd.f32 v8, v3;
	v11 =	vld [tilespmem:s21+$0x4B30]  }
0x117: {  	v0 =	vadd.f32 v6, v0;
	v6 =	vmul.f32 v17, v5;
	v1 =	vadd.f32 v9, v1;
	v8 =	vld [tilespmem:s21+$0x57B0]  }
0x118: {  	v2 =	vadd.f32 v4, v2;
	v3 =	vadd.f32 v7, v3;
	v9 =	vld [tilespmem:s19+$0xFFFFFF80]  }
0x119: {  	v0 =	vadd.f32 v5, v0;
	v1 =	vadd.f32 v6, v1;
	v4 =	vld [tilespmem:s19+$0x0]  }
0x11a: {  	v5 =	vld [tilespmem:s19+$0xFFFFFF90]  }
0x11b: {  	v6 =	vld [tilespmem:s19+$0x10]  }
0x11c: {  	v13 =	vsub.f32 v48, v29;
	v7 =	vld [tilespmem:s21+$0x4B00]  }
0x11d: {  	v17 =	vsub.f32 v35, v25;
	v18 =	vsub.f32 v36, v46;
	v16 =	vld [tilespmem:s21+$0x5780]  }
0x11e: {  	v25 =	vsub.f32 v42, v47;
	v20 =	vsub.f32 v28, v37;
	v19 =	vld [tilespmem:s21+$0x4B10]  }
0x11f: {  	v29 =	vsub.f32 v30, v31;
	v22 =	vsub.f32 v22, v27;
	v28 =	vld [tilespmem:s21+$0x5790]  }
0x120: {  	v14 =	vsub.f32 v21, v14;
	v12 =	vsub.f32 v12, v23  }
0x121: {  	v10 =	vsub.f32 v10, v26;
	v11 =	vsub.f32 v11, v24  }
0x122: {  	v8 =	vsub.f32 v8, v15;
	v7 =	vsub.f32 v7, v9  }
0x123: {  	v4 =	vsub.f32 v16, v4;
	v5 =	vsub.f32 v19, v5  }
0x124: {  	v21 =	vand.u32 $0x7FFFFFFF, v17;
	v9 =	vand.u32 $0x7FFFFFFF, v13;
	v6 =	vsub.f32 v28, v6  }
0x125: {  	v34 =	vand.u32 $0x7FFFFFFF, v18;
	v36 =	vand.u32 $0x7FFFFFFF, v25;
	v37 =	vand.u32 $0x7FFFFFFF, v20  }
0x126: {  	v29 =	vand.u32 $0x7FFFFFFF, v29;
	v38 =	vand.u32 $0x7FFFFFFF, v22;
	v39 =	vand.u32 $0x7FFFFFFF, v14  }
0x127: {  	v44 =	vand.u32 $0x7FFFFFFF, v12;
	v26 =	vand.u32 $0x7FFFFFFF, v10;
	v25 =	vand.u32 $0x7FFFFFFF, v11  }
0x128: {  	v24 =	vand.u32 $0x7FFFFFFF, v8;
	v17 =	vand.u32 $0x7FFFFFFF, v7;
	v16 =	vand.u32 $0x7FFFFFFF, v4  }
0x129: {  	v11 =	vmin.f32 v9, $1.111111120e-01;
	v14 =	vand.u32 $0x7FFFFFFF, v5;
	v13 =	vand.u32 $0x7FFFFFFF, v6  }
0x12a: {  	v46 =	vmin.f32 v34, $1.111111120e-01;
	v32 =	vmin.f32 v36, $1.111111120e-01;
	v45 =	vmin.f32 v21, $1.111111120e-01  }
0x12b: {  	v31 =	vmin.f32 v37, $1.111111120e-01;
	v30 =	vmin.f32 v29, $1.111111120e-01;
	v28 =	vmin.f32 v38, $1.111111120e-01;
	v4 =	vld [tilespmem:s21+$0x3EE0]  }
0x12c: {  	v27 =	vmin.f32 v39, $1.111111120e-01;
	v15 =	vmin.f32 v26, $1.111111120e-01;
	v19 =	vmin.f32 v44, $1.111111120e-01;
	v5 =	vld [tilespmem:s21+$0x3EF0]  }
0x12d: {  	v18 =	vmin.f32 v25, $1.111111120e-01;
	v12 =	vmin.f32 v24, $1.111111120e-01;
	v20 =	vmin.f32 v17, $1.111111120e-01;
	v7 =	vld [tilespmem:s21+$0x3EC0]  }
.Ltmp3:
0x12e: {  	v35 =	vsub.f32 v21, v45;
	v33 =	vsub.f32 v9, v11;
	v23 =	vmin.f32 v16, $1.111111120e-01;
	v6 =	vld [tilespmem:s21+$0x3ED0];
	(pc) =	sbr.rel @p1 .LBB2_5-.Ltmp3, $4  }
0x12f: {  	v34 =	vsub.f32 v34, v46;
	v36 =	vsub.f32 v36, v32;
	v21 =	vmin.f32 v14, $1.111111120e-01;
	v8 =	vld [tilespmem:s21+$0x3EA0]  }
0x130: {  	v41 =	vsub.f32 v37, v31;
	v43 =	vsub.f32 v29, v30;
	v22 =	vmin.f32 v13, $1.111111120e-01;
	v9 =	vld [tilespmem:s21+$0x3EB0]  }
0x131: {  	v42 =	vsub.f32 v39, v27;
	v39 =	vmul.f32 v11, v11;
	v40 =	vsub.f32 v38, v28;
	v10 =	vld [tilespmem:s21+$0x3E80]  }
0x132: {  	s20 =	sadd.s32 $0x200, s20;
	v37 =	vmul.f32 v46, v46;
	s19 =	sadd.s32 $0x100, s19;
	v38 =	vsub.f32 v44, v19;
	v44 =	vmul.f32 v45, v45;
	v11 =	vld [tilespmem:s21+$0x3E90]  }
0x133: {  	s18 =	sadd.s32 s5, s18  }
0x134: {  	s19 =	sadd.s32 $0xA0, s18  }
0x135: {  	s20 =	smul.u32 $0x190, s19  }
0x136: {  	s22 =	smul.u32 $0xC80, s19;
	_ =	sdelay $0x1  }
0x137: {  	s21 =	simm.s32 $0x0;
	s20 =	sadd.s32 s2, s20;
	s22 =	sshrl.u32 s22, $0x3  }
0x138: {  	[tilespmem:s29], [sflag:$0x2] =	stream.linear.gather [hbm4b:s20+s21], $0xC80, $0x38;
	[tilespmem:$0xFA80] =	vst v63  }
0x139: {  	s20 =	sadd.s32 s2, s22  }
0x13a: {  	s22 =	sadd.s32 $0x3D090, s20  }
0x13b: {  	[tilespmem:s30], [sflag:$0x2] =	stream.linear.gather [hbm4b:s22+s21], $0xC80, $0x38;
	[tilespmem:$0xFA80] =	vst v63  }
0x13c: {  	s19 =	smul.u32 $0x320, s19;
	s20 =	sadd.s32 $0x7A120, s20  }
0x13d: {  	[tilespmem:s31], [sflag:$0x2] =	stream.linear.gather [hbm4b:s20+s21], $0xC80, $0x38;
	[tilespmem:$0xFA80] =	vst v63  }
0x13e: {  	s19 =	sadd.s32 s3, s19  }
0x13f: {  	[tilespmem:s0], [sflag:$0x2] =	stream.linear.gather [hbm4b:s19+s21], $0x1900, $0x38;
	[tilespmem:$0xFA80] =	vst v63  }
0x140: {  	_ =	swait.ge [sflag:s12], $0xC80  }
0x141: {  	[sflag:s12] =	ssyncset.done $0x0  }
0x142: {  	[sflag:s12] =	ssyncadd.s32 $0xFFFFF380  }
0x143: {  	_ =	swait.ge [sflag:s12], $0xC80  }
0x144: {  	[sflag:s12] =	ssyncset.done $0x0  }
0x145: {  	[sflag:s12] =	ssyncadd.s32 $0xFFFFF380  }
0x146: {  	_ =	swait.ge [sflag:s12], $0xC80  }
0x147: {  	[sflag:s12] =	ssyncset.done $0x0  }
0x148: {  	[sflag:s12] =	ssyncadd.s32 $0xFFFFF380  }
0x149: {  	_ =	swait.ge [sflag:s12], $0x1900  }
0x14a: {  	[sflag:s12] =	ssyncset.done $0x0  }
0x14b: {  	s21 =	simm.s32 $0xA300;
	[sflag:s12] =	ssyncadd.s32 $0xFFFFE700  }
0x14c: {  	v29 =	vld [tilespmem:s21+$0xFFFFFFE0]  }
0x14d: {  	v33 =	vadd.f32 v35, v33;
	v41 =	vadd.f32 v43, v41;
	v52 =	vld [tilespmem:s21+$0x60]  }
0x14e: {  	v34 =	vadd.f32 v36, v34;
	v26 =	vsub.f32 v26, v15;
	v53 =	vld [tilespmem:s21+$0xFFFFFFF0]  }
0x14f: {  	v40 =	vadd.f32 v42, v40;
	v25 =	vsub.f32 v25, v18;
	v32 =	vmul.f32 v32, v32;
	s22 =	simm.s32 $0x0;
	v54 =	vld [tilespmem:s21+$0x70]  }
0x150: {  	v24 =	vsub.f32 v24, v12;
	v31 =	vmul.f32 v31, v31;
	v30 =	vmul.f32 v30, v30;
	v55 =	vld [tilespmem:s22+$0x89E0]  }
0x151: {  	v17 =	vsub.f32 v17, v20;
	v16 =	vsub.f32 v16, v23;
	v28 =	vmul.f32 v28, v28;
	v56 =	vld [tilespmem:s22+$0x9660]  }
0x152: {  	v14 =	vsub.f32 v14, v21;
	v27 =	vmul.f32 v27, v27;
	v20 =	vmul.f32 v20, v20;
	v57 =	vld [tilespmem:s22+$0x89F0]  }
0x153: {  	v23 =	vmul.f32 v23, v23;
	v13 =	vsub.f32 v13, v22;
	v24 =	vadd.f32 v24, v25;
	v25 =	vld [tilespmem:s22+$0x9670]  }
0x154: {  	v19 =	vmul.f32 v19, v19;
	v21 =	vmul.f32 v21, v21;
	v30 =	vadd.f32 v30, v31;
	v31 =	vld [tilespmem:s21+$0xFFFFFFC0]  }
0x155: {  	v22 =	vmul.f32 v22, v22;
	v39 =	vadd.f32 v44, v39;
	v16 =	vadd.f32 v16, v17;
	v17 =	vld [tilespmem:s21+$0x40]  }
0x156: {  	v15 =	vmul.f32 v15, v15;
	v26 =	vadd.f32 v26, v38;
	v27 =	vadd.f32 v27, v28;
	v28 =	vld [tilespmem:s21+$0xFFFFFFD0]  }
0x157: {  	v18 =	vmul.f32 v18, v18;
	v32 =	vadd.f32 v32, v37;
	v20 =	vadd.f32 v23, v20;
	v23 =	vld [tilespmem:s21+$0x50]  }
0x158: {  	v12 =	vmul.f32 v12, v12;
	v13 =	vadd.f32 v13, v14;
	v21 =	vadd.f32 v22, v21;
	v14 =	vld [tilespmem:s22+$0x89C0]  }
0x159: {  	v15 =	vadd.f32 v15, v19;
	v22 =	vmul.f32 $4.500000000e+00, v39;
	v32 =	vmul.f32 $4.500000000e+00, v32;
	v58 =	vld [tilespmem:s22+$0x9640]  }
0x15a: {  	v12 =	vadd.f32 v12, v18;
	v20 =	vmul.f32 $4.500000000e+00, v20;
	v30 =	vmul.f32 $4.500000000e+00, v30;
	v19 =	vld [tilespmem:s22+$0x89D0]  }
0x15b: {  	v2 =	vadd.f32 v10, v2;
	v21 =	vmul.f32 $4.500000000e+00, v21;
	v27 =	vmul.f32 $4.500000000e+00, v27;
	v18 =	vld [tilespmem:s22+$0x9650]  }
0x15c: {  	v15 =	vmul.f32 $4.500000000e+00, v15;
	v0 =	vadd.f32 v11, v0;
	v16 =	vadd.f32 v20, v16;
	v20 =	vld [tilespmem:s21+$0xFFFFFFA0]  }
0x15d: {  	v12 =	vmul.f32 $4.500000000e+00, v12;
	v22 =	vadd.f32 v22, v33;
	v13 =	vadd.f32 v21, v13;
	v21 =	vld [tilespmem:s21+$0x20]  }
0x15e: {  	v2 =	vadd.f32 v8, v2;
	v15 =	vadd.f32 v15, v26;
	v16 =	vmul.f32 v16, v10;
	v26 =	vld [tilespmem:s21+$0xFFFFFFB0]  }
0x15f: {  	v32 =	vadd.f32 v32, v34;
	v12 =	vadd.f32 v12, v24;
	v13 =	vmul.f32 v13, v11;
	v24 =	vld [tilespmem:s21+$0x30]  }
0x160: {  	v30 =	vadd.f32 v30, v41;
	v15 =	vmul.f32 v15, v8;
	v3 =	vadd.f32 v16, v3;
	v16 =	vld [tilespmem:s22+$0x89A0]  }
0x161: {  	v27 =	vadd.f32 v27, v40;
	v10 =	vmul.f32 v12, v9;
	v1 =	vadd.f32 v13, v1;
	v12 =	vld [tilespmem:s22+$0x9620]  }
0x162: {  	v0 =	vadd.f32 v9, v0;
	v11 =	vmul.f32 v30, v7;
	v3 =	vadd.f32 v15, v3;
	v13 =	vld [tilespmem:s22+$0x89B0]  }
0x163: {  	v2 =	vadd.f32 v7, v2;
	v8 =	vmul.f32 v27, v6;
	v1 =	vadd.f32 v10, v1;
	v10 =	vld [tilespmem:s22+$0x9630]  }
0x164: {  	v9 =	vmul.f32 v22, v4;
	v0 =	vadd.f32 v6, v0;
	v3 =	vadd.f32 v11, v3;
	v11 =	vld [tilespmem:s21+$0xFFFFFF80]  }
0x165: {  	v7 =	vmul.f32 v32, v5;
	v2 =	vadd.f32 v4, v2;
	v1 =	vadd.f32 v8, v1;
	v8 =	vld [tilespmem:s21+$0x0]  }
0x166: {  	v0 =	vadd.f32 v5, v0;
	v3 =	vadd.f32 v9, v3;
	v6 =	vld [tilespmem:s21+$0xFFFFFF90]  }
0x167: {  	v1 =	vadd.f32 v7, v1;
	v5 =	vld [tilespmem:s22+$0x8980];
	v7 =	vsub.f32 v55, v29  }
0x168: {  	v9 =	vld [tilespmem:s22+$0x9600];
	v15 =	vsub.f32 v56, v52;
	v22 =	vsub.f32 v57, v53  }
0x169: {  	v27 =	vld [tilespmem:s22+$0x8990];
	v14 =	vsub.f32 v14, v31;
	v25 =	vsub.f32 v25, v54  }
0x16a: {  	v17 =	vsub.f32 v58, v17;
	v19 =	vsub.f32 v19, v28  }
0x16b: {  	v16 =	vsub.f32 v16, v20;
	v18 =	vsub.f32 v18, v23  }
0x16c: {  	v12 =	vsub.f32 v12, v21;
	v13 =	vsub.f32 v13, v26  }
0x16d: {  	v5 =	vsub.f32 v5, v11;
	v10 =	vsub.f32 v10, v24  }
0x16e: {  	v8 =	vsub.f32 v9, v8;
	v6 =	vsub.f32 v27, v6  }
0x16f: {  	v9 =	vand.u32 $0x7FFFFFFF, v7;
	v11 =	vand.u32 $0x7FFFFFFF, v15;
	v22 =	vand.u32 $0x7FFFFFFF, v22  }
0x170: {  	v59 =	vand.u32 $0x7FFFFFFF, v25;
	v60 =	vand.u32 $0x7FFFFFFF, v17;
	v61 =	vand.u32 $0x7FFFFFFF, v19  }
0x171: {  	v62 =	vand.u32 $0x7FFFFFFF, v18;
	v63 =	vand.u32 $0x7FFFFFFF, v16;
	v26 =	vand.u32 $0x7FFFFFFF, v12  }
0x172: {  	v25 =	vand.u32 $0x7FFFFFFF, v13;
	v17 =	vand.u32 $0x7FFFFFFF, v5;
	v16 =	vand.u32 $0x7FFFFFFF, v8  }
0x173: {  	v24 =	vand.u32 $0x7FFFFFFF, v10;
	v45 =	vmin.f32 v9, $1.111111120e-01;
	v46 =	vmin.f32 v11, $1.111111120e-01  }
0x174: {  	v4 =	vld [tilespmem:s21+$0x10];
	v47 =	vmin.f32 v22, $1.111111120e-01;
	v32 =	vmin.f32 v59, $1.111111120e-01;
	v30 =	vmin.f32 v60, $1.111111120e-01  }
0x175: {  	v29 =	vld [tilespmem:s22+$0x9610];
	v28 =	vmin.f32 v61, $1.111111120e-01;
	v19 =	vmin.f32 v63, $1.111111120e-01;
	v15 =	vmin.f32 v26, $1.111111120e-01  }
0x176: {  	v5 =	vld [tilespmem:s22+$0x7D70];
	v27 =	vmin.f32 v62, $1.111111120e-01;
	v20 =	vmin.f32 v17, $1.111111120e-01;
	v33 =	vsub.f32 v9, v45  }
0x177: {  	v7 =	vld [tilespmem:s22+$0x7D40];
	v18 =	vmin.f32 v25, $1.111111120e-01;
	v35 =	vsub.f32 v11, v46;
	v34 =	vsub.f32 v22, v47  }
0x178: {  	v8 =	vld [tilespmem:s22+$0x7D20];
	v12 =	vmin.f32 v24, $1.111111120e-01;
	v36 =	vsub.f32 v59, v32;
	v43 =	vsub.f32 v60, v30  }
0x179: {  	v10 =	vld [tilespmem:s22+$0x7D00];
	v23 =	vmin.f32 v16, $1.111111120e-01;
	v40 =	vsub.f32 v61, v28;
	v42 =	vsub.f32 v62, v27  }
0x17a: {  	v9 =	vld [tilespmem:s22+$0x7D30];
	v39 =	vmul.f32 v45, v45;
	v38 =	vsub.f32 v63, v19;
	v4 =	vsub.f32 v29, v4  }
0x17b: {  	v11 =	vld [tilespmem:s22+$0x7D10];
	v44 =	vmul.f32 v46, v46;
	v37 =	vmul.f32 v47, v47;
	v29 =	vand.u32 $0x7FFFFFFF, v14  }
0x17c: {  	v14 =	vand.u32 $0x7FFFFFFF, v6;
	v6 =	vld [tilespmem:s22+$0x7D50];
	v31 =	vmin.f32 v29, $1.111111120e-01;
	v13 =	vand.u32 $0x7FFFFFFF, v4  }
0x17d: {  	s20 =	simm.s32 $0x200;
	s19 =	simm.s32 $0xA400;
	v21 =	vmin.f32 v14, $1.111111120e-01;
	v4 =	vld [tilespmem:s22+$0x7D60];
	v41 =	vsub.f32 v29, v31;
	v22 =	vmin.f32 v13, $1.111111120e-01  }
.LBB2_7:
0x17e: {  	v29 =	vld [tilespmem:s19+$0xFFFFFFE0];
	p1 =	sne.s32 s20, $0x3000;
	v26 =	vsub.f32 v26, v15;
	v45 =	vsub.f32 v25, v18;
	v32 =	vmul.f32 v32, v32  }
0x17f: {  	v24 =	vsub.f32 v24, v12;
	v31 =	vmul.f32 v31, v31;
	v30 =	vmul.f32 v30, v30;
	v25 =	vld [tilespmem:s19+$0x60]  }
0x180: {  	v17 =	vsub.f32 v17, v20;
	v16 =	vsub.f32 v16, v23;
	v28 =	vmul.f32 v28, v28;
	v46 =	vld [tilespmem:s19+$0xFFFFFFF0]  }
0x181: {  	s21 =	sshra.s32 s20, $0x2;
	v14 =	vsub.f32 v14, v21;
	v13 =	vsub.f32 v13, v22;
	v27 =	vmul.f32 v27, v27;
	v47 =	vld [tilespmem:s19+$0x70]  }
0x182: {  	v19 =	vmul.f32 v19, v19;
	v15 =	vmul.f32 v15, v15;
	v33 =	vadd.f32 v35, v33;
	v48 =	vld [tilespmem:s21+$0x89E0]  }
0x183: {  	v18 =	vmul.f32 v18, v18;
	v41 =	vadd.f32 v43, v41;
	v34 =	vadd.f32 v36, v34;
	v35 =	vld [tilespmem:s21+$0x9660]  }
0x184: {  	v20 =	vmul.f32 v20, v20;
	v40 =	vadd.f32 v42, v40;
	v39 =	vadd.f32 v44, v39;
	v36 =	vld [tilespmem:s21+$0x89F0]  }
0x185: {  	v23 =	vmul.f32 v23, v23;
	v26 =	vadd.f32 v26, v38;
	v32 =	vadd.f32 v32, v37;
	v42 =	vld [tilespmem:s21+$0x9670]  }
0x186: {  	v21 =	vmul.f32 v21, v21;
	v24 =	vadd.f32 v24, v45;
	v30 =	vadd.f32 v30, v31;
	v37 =	vld [tilespmem:s19+$0xFFFFFFC0]  }
0x187: {  	v16 =	vadd.f32 v16, v17;
	v17 =	vmul.f32 v22, v22;
	v22 =	vadd.f32 v27, v28;
	v31 =	vld [tilespmem:s19+$0x40]  }
0x188: {  	v12 =	vmul.f32 v12, v12;
	v20 =	vadd.f32 v23, v20;
	v13 =	vadd.f32 v13, v14;
	v27 =	vld [tilespmem:s19+$0xFFFFFFD0]  }
0x189: {  	v17 =	vadd.f32 v17, v21;
	v21 =	vmul.f32 $4.500000000e+00, v39;
	v23 =	vmul.f32 $4.500000000e+00, v32;
	v14 =	vld [tilespmem:s19+$0x50]  }
0x18a: {  	v15 =	vadd.f32 v15, v19;
	v20 =	vmul.f32 $4.500000000e+00, v20;
	v19 =	vmul.f32 $4.500000000e+00, v30;
	v28 =	vld [tilespmem:s21+$0x89C0]  }
0x18b: {  	v12 =	vadd.f32 v12, v18;
	v18 =	vmul.f32 $4.500000000e+00, v22;
	v17 =	vmul.f32 $4.500000000e+00, v17;
	v30 =	vld [tilespmem:s21+$0x9640]  }
0x18c: {  	v15 =	vmul.f32 $4.500000000e+00, v15;
	v16 =	vadd.f32 v20, v16;
	v20 =	vadd.f32 v21, v33;
	v22 =	vld [tilespmem:s21+$0x89D0]  }
0x18d: {  	v12 =	vmul.f32 $4.500000000e+00, v12;
	v13 =	vadd.f32 v17, v13;
	v17 =	vadd.f32 v23, v34;
	v21 =	vld [tilespmem:s21+$0x9650]  }
0x18e: {  	v15 =	vadd.f32 v15, v26;
	v19 =	vadd.f32 v19, v41;
	v16 =	vmul.f32 v16, v10;
	v23 =	vld [tilespmem:s19+$0xFFFFFFA0]  }
0x18f: {  	v12 =	vadd.f32 v12, v24;
	v18 =	vadd.f32 v18, v40;
	v13 =	vmul.f32 v13, v11;
	v26 =	vld [tilespmem:s19+$0x20]  }
0x190: {  	v2 =	vadd.f32 v10, v2;
	v10 =	vmul.f32 v15, v8;
	v3 =	vadd.f32 v16, v3;
	v24 =	vld [tilespmem:s19+$0xFFFFFFB0]  }
0x191: {  	v0 =	vadd.f32 v11, v0;
	v11 =	vmul.f32 v12, v9;
	v1 =	vadd.f32 v13, v1;
	v15 =	vld [tilespmem:s19+$0x30]  }
0x192: {  	v2 =	vadd.f32 v8, v2;
	v8 =	vmul.f32 v19, v7;
	v3 =	vadd.f32 v10, v3;
	v12 =	vld [tilespmem:s21+$0x89A0]  }
0x193: {  	v0 =	vadd.f32 v9, v0;
	v9 =	vmul.f32 v18, v6;
	v1 =	vadd.f32 v11, v1;
	v10 =	vld [tilespmem:s21+$0x9620]  }
0x194: {  	v2 =	vadd.f32 v7, v2;
	v7 =	vmul.f32 v20, v4;
	v3 =	vadd.f32 v8, v3;
	v11 =	vld [tilespmem:s21+$0x89B0]  }
0x195: {  	v0 =	vadd.f32 v6, v0;
	v6 =	vmul.f32 v17, v5;
	v1 =	vadd.f32 v9, v1;
	v8 =	vld [tilespmem:s21+$0x9630]  }
0x196: {  	v2 =	vadd.f32 v4, v2;
	v3 =	vadd.f32 v7, v3;
	v9 =	vld [tilespmem:s19+$0xFFFFFF80]  }
0x197: {  	v0 =	vadd.f32 v5, v0;
	v1 =	vadd.f32 v6, v1;
	v4 =	vld [tilespmem:s19+$0x0]  }
0x198: {  	v5 =	vld [tilespmem:s19+$0xFFFFFF90]  }
0x199: {  	v6 =	vld [tilespmem:s19+$0x10]  }
0x19a: {  	v13 =	vsub.f32 v48, v29;
	v7 =	vld [tilespmem:s21+$0x8980]  }
0x19b: {  	v17 =	vsub.f32 v35, v25;
	v18 =	vsub.f32 v36, v46;
	v16 =	vld [tilespmem:s21+$0x9600]  }
0x19c: {  	v25 =	vsub.f32 v42, v47;
	v20 =	vsub.f32 v28, v37;
	v19 =	vld [tilespmem:s21+$0x8990]  }
0x19d: {  	v29 =	vsub.f32 v30, v31;
	v22 =	vsub.f32 v22, v27;
	v28 =	vld [tilespmem:s21+$0x9610]  }
0x19e: {  	v14 =	vsub.f32 v21, v14;
	v12 =	vsub.f32 v12, v23  }
0x19f: {  	v10 =	vsub.f32 v10, v26;
	v11 =	vsub.f32 v11, v24  }
0x1a0: {  	v8 =	vsub.f32 v8, v15;
	v7 =	vsub.f32 v7, v9  }
0x1a1: {  	v4 =	vsub.f32 v16, v4;
	v5 =	vsub.f32 v19, v5  }
0x1a2: {  	v21 =	vand.u32 $0x7FFFFFFF, v17;
	v9 =	vand.u32 $0x7FFFFFFF, v13;
	v6 =	vsub.f32 v28, v6  }
0x1a3: {  	v34 =	vand.u32 $0x7FFFFFFF, v18;
	v36 =	vand.u32 $0x7FFFFFFF, v25;
	v37 =	vand.u32 $0x7FFFFFFF, v20  }
0x1a4: {  	v29 =	vand.u32 $0x7FFFFFFF, v29;
	v38 =	vand.u32 $0x7FFFFFFF, v22;
	v39 =	vand.u32 $0x7FFFFFFF, v14  }
0x1a5: {  	v44 =	vand.u32 $0x7FFFFFFF, v12;
	v26 =	vand.u32 $0x7FFFFFFF, v10;
	v25 =	vand.u32 $0x7FFFFFFF, v11  }
0x1a6: {  	v24 =	vand.u32 $0x7FFFFFFF, v8;
	v17 =	vand.u32 $0x7FFFFFFF, v7;
	v16 =	vand.u32 $0x7FFFFFFF, v4  }
0x1a7: {  	v11 =	vmin.f32 v9, $1.111111120e-01;
	v14 =	vand.u32 $0x7FFFFFFF, v5;
	v13 =	vand.u32 $0x7FFFFFFF, v6  }
0x1a8: {  	v46 =	vmin.f32 v34, $1.111111120e-01;
	v32 =	vmin.f32 v36, $1.111111120e-01;
	v45 =	vmin.f32 v21, $1.111111120e-01  }
0x1a9: {  	v31 =	vmin.f32 v37, $1.111111120e-01;
	v30 =	vmin.f32 v29, $1.111111120e-01;
	v28 =	vmin.f32 v38, $1.111111120e-01;
	v4 =	vld [tilespmem:s21+$0x7D60]  }
0x1aa: {  	v27 =	vmin.f32 v39, $1.111111120e-01;
	v15 =	vmin.f32 v26, $1.111111120e-01;
	v19 =	vmin.f32 v44, $1.111111120e-01;
	v5 =	vld [tilespmem:s21+$0x7D70]  }
0x1ab: {  	v18 =	vmin.f32 v25, $1.111111120e-01;
	v12 =	vmin.f32 v24, $1.111111120e-01;
	v20 =	vmin.f32 v17, $1.111111120e-01;
	v7 =	vld [tilespmem:s21+$0x7D40]  }
.Ltmp4:
0x1ac: {  	v35 =	vsub.f32 v21, v45;
	v33 =	vsub.f32 v9, v11;
	v23 =	vmin.f32 v16, $1.111111120e-01;
	v6 =	vld [tilespmem:s21+$0x7D50];
	(pc) =	sbr.rel @p1 .LBB2_7-.Ltmp4, $4  }
0x1ad: {  	v34 =	vsub.f32 v34, v46;
	v36 =	vsub.f32 v36, v32;
	v21 =	vmin.f32 v14, $1.111111120e-01;
	v8 =	vld [tilespmem:s21+$0x7D20]  }
0x1ae: {  	v41 =	vsub.f32 v37, v31;
	v43 =	vsub.f32 v29, v30;
	v22 =	vmin.f32 v13, $1.111111120e-01;
	v9 =	vld [tilespmem:s21+$0x7D30]  }
0x1af: {  	v42 =	vsub.f32 v39, v27;
	v39 =	vmul.f32 v11, v11;
	v40 =	vsub.f32 v38, v28;
	v10 =	vld [tilespmem:s21+$0x7D00]  }
0x1b0: {  	s20 =	sadd.s32 $0x200, s20;
	v37 =	vmul.f32 v46, v46;
	s19 =	sadd.s32 $0x100, s19;
	v38 =	vsub.f32 v44, v19;
	v44 =	vmul.f32 v45, v45;
	v11 =	vld [tilespmem:s21+$0x7D10]  }
0x1b1: {  	s18 =	sadd.s32 $0xC0, s18  }
0x1b2: {  	s19 =	smul.u32 $0x190, s18  }
0x1b3: {  	s21 =	smul.u32 $0xC80, s18;
	_ =	sdelay $0x1  }
0x1b4: {  	s20 =	simm.s32 $0x0;
	s19 =	sadd.s32 s2, s19;
	s21 =	sshrl.u32 s21, $0x3  }
0x1b5: {  	[tilespmem:s1], [sflag:$0x3] =	stream.linear.gather [hbm4b:s19+s20], $0xC80, $0x38;
	[tilespmem:$0xFA80] =	vst v63  }
0x1b6: {  	s19 =	sadd.s32 s2, s21  }
0x1b7: {  	s22 =	sadd.s32 $0x3D090, s19  }
0x1b8: {  	[tilespmem:s7], [sflag:$0x3] =	stream.linear.gather [hbm4b:s22+s20], $0xC80, $0x38;
	[tilespmem:$0xFA80] =	vst v63  }
0x1b9: {  	s18 =	smul.u32 $0x320, s18;
	s19 =	sadd.s32 $0x7A120, s19  }
0x1ba: {  	[tilespmem:s8], [sflag:$0x3] =	stream.linear.gather [hbm4b:s19+s20], $0xC80, $0x38;
	[tilespmem:$0xFA80] =	vst v63  }
0x1bb: {  	s18 =	sadd.s32 s3, s18  }
0x1bc: {  	[tilespmem:s9], [sflag:$0x3] =	stream.linear.gather [hbm4b:s18+s20], $0x1900, $0x38;
	[tilespmem:$0xFA80] =	vst v63  }
0x1bd: {  	_ =	swait.ge [sflag:s13], $0xC80  }
0x1be: {  	[sflag:s13] =	ssyncset.done $0x0  }
0x1bf: {  	[sflag:s13] =	ssyncadd.s32 $0xFFFFF380  }
0x1c0: {  	_ =	swait.ge [sflag:s13], $0xC80  }
0x1c1: {  	[sflag:s13] =	ssyncset.done $0x0  }
0x1c2: {  	[sflag:s13] =	ssyncadd.s32 $0xFFFFF380  }
0x1c3: {  	_ =	swait.ge [sflag:s13], $0xC80  }
0x1c4: {  	[sflag:s13] =	ssyncset.done $0x0  }
0x1c5: {  	[sflag:s13] =	ssyncadd.s32 $0xFFFFF380  }
0x1c6: {  	_ =	swait.ge [sflag:s13], $0x1900  }
0x1c7: {  	[sflag:s13] =	ssyncset.done $0x0  }
0x1c8: {  	s21 =	simm.s32 $0xE180;
	[sflag:s13] =	ssyncadd.s32 $0xFFFFE700  }
0x1c9: {  	v33 =	vadd.f32 v35, v33;
	v41 =	vadd.f32 v43, v41;
	v29 =	vld [tilespmem:s21+$0xFFFFFFE0]  }
0x1ca: {  	v34 =	vadd.f32 v36, v34;
	v26 =	vsub.f32 v26, v15;
	v49 =	vld [tilespmem:s21+$0x60]  }
0x1cb: {  	v40 =	vadd.f32 v42, v40;
	v25 =	vsub.f32 v25, v18;
	v50 =	vld [tilespmem:s21+$0xFFFFFFF0]  }
0x1cc: {  	v32 =	vmul.f32 v32, v32;
	v24 =	vsub.f32 v24, v12;
	v31 =	vmul.f32 v31, v31;
	s22 =	simm.s32 $0x0;
	v51 =	vld [tilespmem:s21+$0x70]  }
0x1cd: {  	v30 =	vmul.f32 v30, v30;
	v17 =	vsub.f32 v17, v20;
	v16 =	vsub.f32 v16, v23;
	v52 =	vld [tilespmem:s22+$0xC860]  }
0x1ce: {  	v28 =	vmul.f32 v28, v28;
	v14 =	vsub.f32 v14, v21;
	v27 =	vmul.f32 v27, v27;
	v53 =	vld [tilespmem:s22+$0xD4E0]  }
0x1cf: {  	v20 =	vmul.f32 v20, v20;
	v23 =	vmul.f32 v23, v23;
	v13 =	vsub.f32 v13, v22;
	v54 =	vld [tilespmem:s22+$0xC870]  }
0x1d0: {  	v19 =	vmul.f32 v19, v19;
	v21 =	vmul.f32 v21, v21;
	v24 =	vadd.f32 v24, v25;
	v25 =	vld [tilespmem:s22+$0xD4F0]  }
0x1d1: {  	v22 =	vmul.f32 v22, v22;
	v39 =	vadd.f32 v44, v39;
	v30 =	vadd.f32 v30, v31;
	v31 =	vld [tilespmem:s21+$0xFFFFFFC0]  }
0x1d2: {  	v15 =	vmul.f32 v15, v15;
	v26 =	vadd.f32 v26, v38;
	v16 =	vadd.f32 v16, v17;
	v17 =	vld [tilespmem:s21+$0x40]  }
0x1d3: {  	v18 =	vmul.f32 v18, v18;
	v32 =	vadd.f32 v32, v37;
	v27 =	vadd.f32 v27, v28;
	v28 =	vld [tilespmem:s21+$0xFFFFFFD0]  }
0x1d4: {  	v12 =	vmul.f32 v12, v12;
	v20 =	vadd.f32 v23, v20;
	v13 =	vadd.f32 v13, v14;
	v23 =	vld [tilespmem:s21+$0x50]  }
0x1d5: {  	v21 =	vadd.f32 v22, v21;
	v15 =	vadd.f32 v15, v19;
	v14 =	vld [tilespmem:s22+$0xC840]  }
0x1d6: {  	v12 =	vadd.f32 v12, v18;
	v22 =	vmul.f32 $4.500000000e+00, v39;
	v20 =	vmul.f32 $4.500000000e+00, v20;
	v55 =	vld [tilespmem:s22+$0xD4C0]  }
0x1d7: {  	v2 =	vadd.f32 v10, v2;
	v32 =	vmul.f32 $4.500000000e+00, v32;
	v21 =	vmul.f32 $4.500000000e+00, v21;
	v19 =	vld [tilespmem:s22+$0xC850]  }
0x1d8: {  	v30 =	vmul.f32 $4.500000000e+00, v30;
	v15 =	vmul.f32 $4.500000000e+00, v15;
	v16 =	vadd.f32 v20, v16;
	v18 =	vld [tilespmem:s22+$0xD4D0]  }
0x1d9: {  	v27 =	vmul.f32 $4.500000000e+00, v27;
	v12 =	vmul.f32 $4.500000000e+00, v12;
	v13 =	vadd.f32 v21, v13;
	v20 =	vld [tilespmem:s21+$0xFFFFFFA0]  }
0x1da: {  	v0 =	vadd.f32 v11, v0;
	v15 =	vadd.f32 v15, v26;
	v16 =	vmul.f32 v16, v10;
	v21 =	vld [tilespmem:s21+$0x20]  }
0x1db: {  	v22 =	vadd.f32 v22, v33;
	v12 =	vadd.f32 v12, v24;
	v13 =	vmul.f32 v13, v11;
	v26 =	vld [tilespmem:s21+$0xFFFFFFB0]  }
0x1dc: {  	v30 =	vadd.f32 v30, v41;
	v15 =	vmul.f32 v15, v8;
	v3 =	vadd.f32 v16, v3;
	v24 =	vld [tilespmem:s21+$0x30]  }
0x1dd: {  	v27 =	vadd.f32 v27, v40;
	v10 =	vmul.f32 v12, v9;
	v1 =	vadd.f32 v13, v1;
	v16 =	vld [tilespmem:s22+$0xC820]  }
0x1de: {  	v2 =	vadd.f32 v8, v2;
	v11 =	vmul.f32 v30, v7;
	v3 =	vadd.f32 v15, v3;
	v12 =	vld [tilespmem:s22+$0xD4A0]  }
0x1df: {  	v32 =	vadd.f32 v32, v34;
	v8 =	vmul.f32 v27, v6;
	v1 =	vadd.f32 v10, v1;
	v13 =	vld [tilespmem:s22+$0xC830]  }
0x1e0: {  	v0 =	vadd.f32 v9, v0;
	v9 =	vmul.f32 v22, v4;
	v3 =	vadd.f32 v11, v3;
	v10 =	vld [tilespmem:s22+$0xD4B0]  }
0x1e1: {  	v7 =	vadd.f32 v7, v2;
	v1 =	vadd.f32 v8, v1;
	v8 =	vmul.f32 v32, v5;
	v11 =	vld [tilespmem:s21+$0xFFFFFF80]  }
0x1e2: {  	v6 =	vadd.f32 v6, v0;
	v2 =	vadd.f32 v9, v3;
	v15 =	vld [tilespmem:s21+$0x0]  }
0x1e3: {  	v3 =	vadd.f32 v4, v7;
	v0 =	vadd.f32 v8, v1;
	v9 =	vld [tilespmem:s21+$0xFFFFFF90]  }
0x1e4: {  	v1 =	vadd.f32 v5, v6;
	v5 =	vld [tilespmem:s22+$0xC800];
	v6 =	vsub.f32 v52, v29  }
0x1e5: {  	v7 =	vld [tilespmem:s22+$0xD480];
	v8 =	vsub.f32 v53, v49;
	v22 =	vsub.f32 v54, v50  }
0x1e6: {  	v27 =	vld [tilespmem:s22+$0xC810];
	v14 =	vsub.f32 v14, v31;
	v25 =	vsub.f32 v25, v51  }
0x1e7: {  	v17 =	vsub.f32 v55, v17;
	v19 =	vsub.f32 v19, v28  }
0x1e8: {  	v16 =	vsub.f32 v16, v20;
	v18 =	vsub.f32 v18, v23  }
0x1e9: {  	v12 =	vsub.f32 v12, v21;
	v13 =	vsub.f32 v13, v26  }
0x1ea: {  	v5 =	vsub.f32 v5, v11;
	v10 =	vsub.f32 v10, v24  }
0x1eb: {  	v7 =	vsub.f32 v7, v15;
	v9 =	vsub.f32 v27, v9  }
0x1ec: {  	v11 =	vand.u32 $0x7FFFFFFF, v6;
	v8 =	vand.u32 $0x7FFFFFFF, v8;
	v56 =	vand.u32 $0x7FFFFFFF, v14  }
0x1ed: {  	v57 =	vand.u32 $0x7FFFFFFF, v22;
	v58 =	vand.u32 $0x7FFFFFFF, v25;
	v59 =	vand.u32 $0x7FFFFFFF, v17  }
0x1ee: {  	v60 =	vand.u32 $0x7FFFFFFF, v19;
	v61 =	vand.u32 $0x7FFFFFFF, v18;
	v62 =	vand.u32 $0x7FFFFFFF, v16  }
0x1ef: {  	v14 =	vand.u32 $0x7FFFFFFF, v12;
	v23 =	vand.u32 $0x7FFFFFFF, v13;
	v17 =	vand.u32 $0x7FFFFFFF, v5  }
0x1f0: {  	v18 =	vand.u32 $0x7FFFFFFF, v7;
	v24 =	vand.u32 $0x7FFFFFFF, v10;
	v15 =	vand.u32 $0x7FFFFFFF, v9  }
0x1f1: {  	v4 =	vld [tilespmem:s21+$0x10];
	v13 =	vmin.f32 v11, $1.111111120e-01;
	v63 =	vmin.f32 v8, $1.111111120e-01;
	v45 =	vmin.f32 v57, $1.111111120e-01  }
0x1f2: {  	v29 =	vld [tilespmem:s22+$0xD490];
	v32 =	vmin.f32 v58, $1.111111120e-01;
	v30 =	vmin.f32 v56, $1.111111120e-01;
	v31 =	vmin.f32 v59, $1.111111120e-01  }
0x1f3: {  	v5 =	vld [tilespmem:s22+$0xBBF0];
	v28 =	vmin.f32 v60, $1.111111120e-01;
	v26 =	vmin.f32 v62, $1.111111120e-01;
	v25 =	vmin.f32 v14, $1.111111120e-01  }
0x1f4: {  	v7 =	vld [tilespmem:s22+$0xBBC0];
	v20 =	vmin.f32 v17, $1.111111120e-01;
	v27 =	vmin.f32 v23, $1.111111120e-01;
	v33 =	vsub.f32 v11, v13  }
0x1f5: {  	v6 =	vld [tilespmem:s22+$0xBBD0];
	v12 =	vmin.f32 v24, $1.111111120e-01;
	v35 =	vsub.f32 v8, v63;
	v34 =	vsub.f32 v57, v45  }
0x1f6: {  	v9 =	vld [tilespmem:s22+$0xBBB0];
	v21 =	vmin.f32 v18, $1.111111120e-01;
	v36 =	vsub.f32 v58, v32;
	v39 =	vsub.f32 v56, v30  }
0x1f7: {  	v10 =	vld [tilespmem:s22+$0xBB80];
	v22 =	vmin.f32 v15, $1.111111120e-01;
	v43 =	vsub.f32 v59, v31;
	v4 =	vsub.f32 v29, v4  }
0x1f8: {  	v8 =	vld [tilespmem:s22+$0xBBA0];
	v37 =	vsub.f32 v60, v28;
	v41 =	vmul.f32 v13, v13;
	v38 =	vsub.f32 v62, v26  }
0x1f9: {  	v11 =	vld [tilespmem:s22+$0xBB90];
	v44 =	vmul.f32 v63, v63;
	v29 =	vmin.f32 v61, $1.111111120e-01;
	v16 =	vand.u32 $0x7FFFFFFF, v4  }
0x1fa: {  	s19 =	simm.s32 $0x200;
	s18 =	simm.s32 $0xE280;
	v42 =	vmul.f32 v45, v45;
	v40 =	vsub.f32 v61, v29;
	v4 =	vld [tilespmem:s22+$0xBBE0];
	v19 =	vmin.f32 v16, $1.111111120e-01  }
.LBB2_9:
0x1fb: {  	v13 =	vld [tilespmem:s18+$0xFFFFFFE0];
	p1 =	sne.s32 s19, $0x3000;
	v45 =	vsub.f32 v14, v25;
	v23 =	vsub.f32 v23, v27;
	v32 =	vmul.f32 v32, v32  }
0x1fc: {  	v24 =	vsub.f32 v24, v12;
	v30 =	vmul.f32 v30, v30;
	v31 =	vmul.f32 v31, v31;
	v14 =	vld [tilespmem:s18+$0x60]  }
0x1fd: {  	v17 =	vsub.f32 v17, v20;
	v18 =	vsub.f32 v18, v21;
	v28 =	vmul.f32 v28, v28;
	v46 =	vld [tilespmem:s18+$0xFFFFFFF0]  }
0x1fe: {  	s20 =	sshra.s32 s19, $0x2;
	v15 =	vsub.f32 v15, v22;
	v16 =	vsub.f32 v16, v19;
	v29 =	vmul.f32 v29, v29;
	v47 =	vld [tilespmem:s18+$0x70]  }
0x1ff: {  	v26 =	vmul.f32 v26, v26;
	v25 =	vmul.f32 v25, v25;
	v33 =	vadd.f32 v35, v33;
	v48 =	vld [tilespmem:s20+$0xC860]  }
0x200: {  	v27 =	vmul.f32 v27, v27;
	v39 =	vadd.f32 v43, v39;
	v34 =	vadd.f32 v36, v34;
	v35 =	vld [tilespmem:s20+$0xD4E0]  }
0x201: {  	v20 =	vmul.f32 v20, v20;
	v37 =	vadd.f32 v40, v37;
	v40 =	vadd.f32 v44, v41;
	v36 =	vld [tilespmem:s20+$0xC870]  }
0x202: {  	v21 =	vmul.f32 v21, v21;
	v38 =	vadd.f32 v45, v38;
	v32 =	vadd.f32 v32, v42;
	v41 =	vld [tilespmem:s20+$0xD4F0]  }
0x203: {  	v22 =	vmul.f32 v22, v22;
	v23 =	vadd.f32 v24, v23;
	v24 =	vadd.f32 v31, v30;
	v42 =	vld [tilespmem:s18+$0xFFFFFFC0]  }
0x204: {  	v17 =	vadd.f32 v18, v17;
	v18 =	vmul.f32 v19, v19;
	v19 =	vadd.f32 v29, v28;
	v30 =	vld [tilespmem:s18+$0x40]  }
0x205: {  	v12 =	vmul.f32 v12, v12;
	v20 =	vadd.f32 v21, v20;
	v15 =	vadd.f32 v16, v15;
	v28 =	vld [tilespmem:s18+$0xFFFFFFD0]  }
0x206: {  	v21 =	vmul.f32 $4.500000000e+00, v40;
	v18 =	vadd.f32 v18, v22;
	v22 =	vmul.f32 $4.500000000e+00, v32;
	v16 =	vld [tilespmem:s18+$0x50]  }
0x207: {  	v25 =	vadd.f32 v25, v26;
	v20 =	vmul.f32 $4.500000000e+00, v20;
	v24 =	vmul.f32 $4.500000000e+00, v24;
	v29 =	vld [tilespmem:s20+$0xC840]  }
0x208: {  	v12 =	vadd.f32 v12, v27;
	v19 =	vmul.f32 $4.500000000e+00, v19;
	v18 =	vmul.f32 $4.500000000e+00, v18;
	v26 =	vld [tilespmem:s20+$0xD4C0]  }
0x209: {  	v21 =	vadd.f32 v21, v33;
	v17 =	vadd.f32 v20, v17;
	v20 =	vmul.f32 $4.500000000e+00, v25;
	v27 =	vld [tilespmem:s20+$0xC850]  }
0x20a: {  	v12 =	vmul.f32 $4.500000000e+00, v12;
	v15 =	vadd.f32 v18, v15;
	v18 =	vadd.f32 v22, v34;
	v25 =	vld [tilespmem:s20+$0xD4D0]  }
0x20b: {  	v24 =	vadd.f32 v24, v39;
	v17 =	vmul.f32 v17, v10;
	v20 =	vadd.f32 v20, v38;
	v22 =	vld [tilespmem:s18+$0xFFFFFFA0]  }
0x20c: {  	v12 =	vadd.f32 v12, v23;
	v19 =	vadd.f32 v19, v37;
	v15 =	vmul.f32 v15, v11;
	v31 =	vld [tilespmem:s18+$0x20]  }
0x20d: {  	v3 =	vadd.f32 v10, v3;
	v2 =	vadd.f32 v17, v2;
	v10 =	vmul.f32 v20, v8;
	v23 =	vld [tilespmem:s18+$0xFFFFFFB0]  }
0x20e: {  	v1 =	vadd.f32 v11, v1;
	v11 =	vmul.f32 v12, v9;
	v0 =	vadd.f32 v15, v0;
	v17 =	vld [tilespmem:s18+$0x30]  }
0x20f: {  	v3 =	vadd.f32 v8, v3;
	v8 =	vmul.f32 v24, v7;
	v2 =	vadd.f32 v10, v2;
	v12 =	vld [tilespmem:s20+$0xC820]  }
0x210: {  	v1 =	vadd.f32 v9, v1;
	v9 =	vmul.f32 v19, v6;
	v0 =	vadd.f32 v11, v0;
	v10 =	vld [tilespmem:s20+$0xD4A0]  }
0x211: {  	v3 =	vadd.f32 v7, v3;
	v7 =	vmul.f32 v21, v4;
	v2 =	vadd.f32 v8, v2;
	v11 =	vld [tilespmem:s20+$0xC830]  }
0x212: {  	v1 =	vadd.f32 v6, v1;
	v6 =	vmul.f32 v18, v5;
	v0 =	vadd.f32 v9, v0;
	v8 =	vld [tilespmem:s20+$0xD4B0]  }
0x213: {  	v3 =	vadd.f32 v4, v3;
	v2 =	vadd.f32 v7, v2;
	v9 =	vld [tilespmem:s18+$0xFFFFFF80]  }
0x214: {  	v1 =	vadd.f32 v5, v1;
	v0 =	vadd.f32 v6, v0;
	v4 =	vld [tilespmem:s18+$0x0]  }
0x215: {  	v5 =	vld [tilespmem:s18+$0xFFFFFF90]  }
0x216: {  	v6 =	vld [tilespmem:s18+$0x10]  }
0x217: {  	v13 =	vsub.f32 v48, v13;
	v7 =	vld [tilespmem:s20+$0xC800]  }
0x218: {  	v14 =	vsub.f32 v35, v14;
	v18 =	vsub.f32 v36, v46;
	v15 =	vld [tilespmem:s20+$0xD480]  }
0x219: {  	v21 =	vsub.f32 v41, v47;
	v20 =	vsub.f32 v29, v42;
	v19 =	vld [tilespmem:s20+$0xC810]  }
0x21a: {  	v26 =	vsub.f32 v26, v30;
	v27 =	vsub.f32 v27, v28;
	v24 =	vld [tilespmem:s20+$0xD490]  }
0x21b: {  	v16 =	vsub.f32 v25, v16;
	v12 =	vsub.f32 v12, v22  }
0x21c: {  	v10 =	vsub.f32 v10, v31;
	v11 =	vsub.f32 v11, v23  }
0x21d: {  	v8 =	vsub.f32 v8, v17;
	v7 =	vsub.f32 v7, v9  }
0x21e: {  	v4 =	vsub.f32 v15, v4;
	v5 =	vsub.f32 v19, v5  }
0x21f: {  	v9 =	vand.u32 $0x7FFFFFFF, v13;
	v13 =	vand.u32 $0x7FFFFFFF, v14;
	v6 =	vsub.f32 v24, v6  }
0x220: {  	v36 =	vand.u32 $0x7FFFFFFF, v21;
	v37 =	vand.u32 $0x7FFFFFFF, v20;
	v19 =	vand.u32 $0x7FFFFFFF, v18  }
0x221: {  	v38 =	vand.u32 $0x7FFFFFFF, v26;
	v40 =	vand.u32 $0x7FFFFFFF, v27;
	v41 =	vand.u32 $0x7FFFFFFF, v16  }
0x222: {  	v42 =	vand.u32 $0x7FFFFFFF, v12;
	v23 =	vand.u32 $0x7FFFFFFF, v11;
	v14 =	vand.u32 $0x7FFFFFFF, v10  }
0x223: {  	v17 =	vand.u32 $0x7FFFFFFF, v7;
	v18 =	vand.u32 $0x7FFFFFFF, v4;
	v24 =	vand.u32 $0x7FFFFFFF, v8  }
0x224: {  	v11 =	vmin.f32 v9, $1.111111120e-01;
	v15 =	vand.u32 $0x7FFFFFFF, v5;
	v16 =	vand.u32 $0x7FFFFFFF, v6  }
0x225: {  	v32 =	vmin.f32 v36, $1.111111120e-01;
	v44 =	vmin.f32 v13, $1.111111120e-01;
	v45 =	vmin.f32 v19, $1.111111120e-01  }
0x226: {  	v30 =	vmin.f32 v37, $1.111111120e-01;
	v28 =	vmin.f32 v40, $1.111111120e-01;
	v31 =	vmin.f32 v38, $1.111111120e-01;
	v4 =	vld [tilespmem:s20+$0xBBE0]  }
0x227: {  	v29 =	vmin.f32 v41, $1.111111120e-01;
	v26 =	vmin.f32 v42, $1.111111120e-01;
	v25 =	vmin.f32 v14, $1.111111120e-01;
	v5 =	vld [tilespmem:s20+$0xBBF0]  }
0x228: {  	v27 =	vmin.f32 v23, $1.111111120e-01;
	v20 =	vmin.f32 v17, $1.111111120e-01;
	v12 =	vmin.f32 v24, $1.111111120e-01;
	v7 =	vld [tilespmem:s20+$0xBBC0]  }
.Ltmp5:
0x229: {  	v33 =	vsub.f32 v9, v11;
	v35 =	vsub.f32 v13, v44;
	v21 =	vmin.f32 v18, $1.111111120e-01;
	v6 =	vld [tilespmem:s20+$0xBBD0];
	(pc) =	sbr.rel @p1 .LBB2_9-.Ltmp5, $4  }
0x22a: {  	v36 =	vsub.f32 v36, v32;
	v34 =	vsub.f32 v19, v45;
	v22 =	vmin.f32 v15, $1.111111120e-01;
	v8 =	vld [tilespmem:s20+$0xBBA0]  }
0x22b: {  	v39 =	vsub.f32 v37, v30;
	v43 =	vsub.f32 v38, v31;
	v19 =	vmin.f32 v16, $1.111111120e-01;
	v9 =	vld [tilespmem:s20+$0xBBB0]  }
0x22c: {  	v37 =	vsub.f32 v40, v28;
	v40 =	vsub.f32 v41, v29;
	v41 =	vmul.f32 v11, v11;
	v10 =	vld [tilespmem:s20+$0xBB80]  }
0x22d: {  	s19 =	sadd.s32 $0x200, s19;
	s18 =	sadd.s32 $0x100, s18;
	v38 =	vsub.f32 v42, v26;
	v44 =	vmul.f32 v44, v44;
	v42 =	vmul.f32 v45, v45;
	v11 =	vld [tilespmem:s20+$0xBB90]  }
0x22e: {  	v13 =	vsub.f32 v14, v25;
	v57 =	vsub.f32 v23, v27;
	v58 =	vmul.f32 v32, v32  }
0x22f: {  	v24 =	vsub.f32 v24, v12;
	v30 =	vmul.f32 v30, v30;
	v31 =	vmul.f32 v31, v31  }
0x230: {  	v17 =	vsub.f32 v17, v20;
	v18 =	vsub.f32 v18, v21;
	v28 =	vmul.f32 v28, v28  }
0x231: {  	v15 =	vsub.f32 v15, v22;
	v16 =	vsub.f32 v16, v19;
	v29 =	vmul.f32 v29, v29  }
0x232: {  	v26 =	vmul.f32 v26, v26;
	v59 =	vmul.f32 v25, v25;
	v60 =	vadd.f32 v35, v33;
	s17 =	sadd.s32 $0x7, s17  }
0x233: {  	v61 =	vmul.f32 v27, v27;
	v62 =	vadd.f32 v43, v39;
	v34 =	vadd.f32 v36, v34;
	p1 =	sge.u32 s17, s6  }
0x234: {  	v63 =	vmul.f32 v20, v20;
	v40 =	vadd.f32 v40, v37;
	v41 =	vadd.f32 v44, v41;
	s17 =	sshll.u32 @!p1 s17, $0x5  }
0x235: {  	v43 =	vmul.f32 v21, v21;
	v13 =	vadd.f32 v13, v38;
	v23 =	vadd.f32 v58, v42;
	s17 =	sor.u32 @!p1 s5, s17  }
0x236: {  	v46 =	vmul.f32 v19, v19;
	v14 =	vadd.f32 v24, v57;
	v45 =	vadd.f32 v31, v30;
	s18 =	smul.u32 @!p1 $0x190, s17  }
0x237: {  	v44 =	vmul.f32 v22, v22;
	v17 =	vadd.f32 v18, v17;
	v47 =	vadd.f32 v29, v28;
	s19 =	simm.s32 @!p1 $0x0  }
0x238: {  	v48 =	vmul.f32 v12, v12;
	v20 =	vadd.f32 v43, v63;
	v15 =	vadd.f32 v16, v15;
	s20 =	simm.s32 @!p1 $0xBB80;
	s21 =	smul.u32 @!p1 $0xC80, s17;
	s18 =	sadd.s32 @!p1 s2, s18  }
0x239: {  	v52 =	vadd.f32 v59, v26;
	v49 =	vadd.f32 v46, v44;
	v50 =	vmul.f32 $4.500000000e+00, v41;
	[tilespmem:s20], [sflag:$0x4] =	stream.linear.gather @!p1 [hbm4b:s18+s19], $0xC80, $0x38;
	[tilespmem:$0xFA80] =	vst v63  }
0x23a: {  	v12 =	vadd.f32 v48, v61;
	v51 =	vmul.f32 $4.500000000e+00, v23;
	v20 =	vmul.f32 $4.500000000e+00, v20;
	s18 =	sshrl.u32 @!p1 s21, $0x3  }
0x23b: {  	v3 =	vadd.f32 v10, v3;
	v53 =	vmul.f32 $4.500000000e+00, v45;
	v16 =	vmul.f32 $4.500000000e+00, v49;
	s18 =	sadd.s32 @!p1 s2, s18  }
0x23c: {  	v19 =	vmul.f32 $4.500000000e+00, v47;
	v54 =	vmul.f32 $4.500000000e+00, v52;
	v17 =	vadd.f32 v20, v17;
	s21 =	simm.s32 @!p1 $0xC800;
	s20 =	sadd.s32 @!p1 $0x3D090, s18  }
0x23d: {  	v12 =	vmul.f32 $4.500000000e+00, v12;
	v1 =	vadd.f32 v11, v1;
	v15 =	vadd.f32 v16, v15;
	[tilespmem:s21], [sflag:$0x4] =	stream.linear.gather @!p1 [hbm4b:s20+s19], $0xC80, $0x38;
	[tilespmem:$0xFA80] =	vst v63  }
0x23e: {  	s17 =	smul.u32 @!p1 $0x320, s17;
	v18 =	vadd.f32 v50, v60;
	v13 =	vadd.f32 v54, v13;
	v17 =	vmul.f32 v17, v10;
	s18 =	sadd.s32 @!p1 $0x7A120, s18;
	s20 =	simm.s32 @!p1 $0xD480  }
0x23f: {  	v3 =	vadd.f32 v8, v3;
	v12 =	vadd.f32 v12, v14;
	v15 =	vmul.f32 v15, v11;
	[tilespmem:s20], [sflag:$0x4] =	stream.linear.gather @!p1 [hbm4b:s18+s19], $0xC80, $0x38;
	[tilespmem:$0xFA80] =	vst v63  }
0x240: {  	s16 =	sadd.s32 $0x1, s16;
	v56 =	vadd.f32 v53, v62;
	s17 =	sadd.s32 @!p1 s3, s17;
	v58 =	vmul.f32 v13, v8;
	v2 =	vadd.f32 v17, v2;
	s18 =	simm.s32 @!p1 $0xE100  }
0x241: {  	v57 =	vadd.f32 v19, v40;
	v59 =	vmul.f32 v12, v9;
	v0 =	vadd.f32 v15, v0;
	[tilespmem:s18], [sflag:$0x4] =	stream.linear.gather @!p1 [hbm4b:s17+s19], $0x1900, $0x38;
	[tilespmem:$0xFA80] =	vst v63  }
0x242: {  	v55 =	vadd.f32 v51, v34;
	v60 =	vmul.f32 v56, v7;
	v2 =	vadd.f32 v58, v2;
	p1 =	sne.s32 s16, $0x4  }
.Ltmp6:
0x243: {  	v1 =	vadd.f32 v9, v1;
	v61 =	vmul.f32 v57, v6;
	v0 =	vadd.f32 v59, v0;
	(pc) =	sbr.rel @p1 .LBB2_2-.Ltmp6, $4  }
0x244: {  	v62 =	vadd.f32 v7, v3;
	v3 =	vmul.f32 v18, v4;
	v2 =	vadd.f32 v60, v2  }
0x245: {  	v63 =	vadd.f32 v6, v1;
	v1 =	vmul.f32 v55, v5;
	v0 =	vadd.f32 v61, v0  }
0x246: {  	v3 =	vadd.f32 v3, v2;
	v2 =	vadd.f32 v4, v62  }
0x247: {  	v1 =	vadd.f32 v1, v0;
	v0 =	vadd.f32 v5, v63  }
0x248: {  	_ =	swait.ge [sflag:s10], $0xC80  }
0x249: {  	[sflag:s10] =	ssyncset.done $0x0  }
0x24a: {  	[sflag:s10] =	ssyncadd.s32 $0xFFFFF380  }
0x24b: {  	_ =	swait.ge [sflag:s10], $0xC80  }
0x24c: {  	[sflag:s10] =	ssyncset.done $0x0  }
0x24d: {  	[sflag:s10] =	ssyncadd.s32 $0xFFFFF380  }
0x24e: {  	_ =	swait.ge [sflag:s10], $0xC80  }
0x24f: {  	[sflag:s10] =	ssyncset.done $0x0  }
0x250: {  	[sflag:s10] =	ssyncadd.s32 $0xFFFFF380  }
0x251: {  	_ =	swait.ge [sflag:s10], $0x1900  }
0x252: {  	[sflag:s10] =	ssyncset.done $0x0  }
0x253: {  	s17 =	simm.s32 $0x2600;
	[sflag:s10] =	ssyncadd.s32 $0xFFFFE700  }
0x254: {  	v4 =	vld [tilespmem:s17+$0xFFFFFFE0]  }
0x255: {  	v5 =	vld [tilespmem:s17+$0x60]  }
0x256: {  	v6 =	vld [tilespmem:s17+$0xFFFFFFF0]  }
0x257: {  	s16 =	simm.s32 $0x0;
	v7 =	vld [tilespmem:s17+$0x70]  }
0x258: {  	v8 =	vld [tilespmem:s16+$0xCE0]  }
0x259: {  	v9 =	vld [tilespmem:s16+$0x1960]  }
0x25a: {  	v10 =	vld [tilespmem:s16+$0xCF0]  }
0x25b: {  	v11 =	vld [tilespmem:s16+$0x1970]  }
0x25c: {  	v12 =	vld [tilespmem:s17+$0xFFFFFFC0]  }
0x25d: {  	v13 =	vld [tilespmem:s17+$0x40]  }
0x25e: {  	v14 =	vld [tilespmem:s17+$0xFFFFFFD0]  }
0x25f: {  	v15 =	vld [tilespmem:s17+$0x50]  }
0x260: {  	v16 =	vld [tilespmem:s16+$0xCC0]  }
0x261: {  	v17 =	vld [tilespmem:s16+$0x1940]  }
0x262: {  	v18 =	vld [tilespmem:s16+$0xCD0]  }
0x263: {  	v19 =	vld [tilespmem:s16+$0x1950]  }
0x264: {  	v20 =	vld [tilespmem:s17+$0xFFFFFFA0]  }
0x265: {  	v21 =	vld [tilespmem:s17+$0x20]  }
0x266: {  	v22 =	vld [tilespmem:s17+$0xFFFFFFB0]  }
0x267: {  	v23 =	vld [tilespmem:s17+$0x30]  }
0x268: {  	v24 =	vld [tilespmem:s16+$0xCA0]  }
0x269: {  	v25 =	vld [tilespmem:s16+$0x1920]  }
0x26a: {  	v26 =	vld [tilespmem:s16+$0xCB0]  }
0x26b: {  	v28 =	vld [tilespmem:s17+$0xFFFFFF80]  }
0x26c: {  	v32 =	vld [tilespmem:s16+$0xC80];
	v4 =	vsub.f32 v8, v4;
	v5 =	vsub.f32 v9, v5  }
0x26d: {  	v27 =	vld [tilespmem:s16+$0x1930];
	v6 =	vsub.f32 v10, v6;
	v10 =	vsub.f32 v16, v12  }
0x26e: {  	v7 =	vsub.f32 v11, v7;
	v12 =	vsub.f32 v17, v13  }
0x26f: {  	v13 =	vsub.f32 v18, v14;
	v14 =	vsub.f32 v24, v20  }
0x270: {  	v15 =	vsub.f32 v19, v15;
	v16 =	vsub.f32 v25, v21  }
0x271: {  	v29 =	vld [tilespmem:s17+$0x0];
	v17 =	vsub.f32 v26, v22;
	v18 =	vsub.f32 v32, v28  }
0x272: {  	v30 =	vld [tilespmem:s17+$0xFFFFFF90];
	v19 =	vsub.f32 v27, v23;
	v21 =	vand.u32 $0x7FFFFFFF, v4;
	v22 =	vand.u32 $0x7FFFFFFF, v5  }
0x273: {  	v31 =	vld [tilespmem:s17+$0x10];
	v10 =	vand.u32 $0x7FFFFFFF, v10;
	v23 =	vand.u32 $0x7FFFFFFF, v6;
	v36 =	vand.u32 $0x7FFFFFFF, v7  }
0x274: {  	v8 =	vld [tilespmem:s16+$0x1900];
	v37 =	vand.u32 $0x7FFFFFFF, v12;
	v38 =	vand.u32 $0x7FFFFFFF, v13;
	v39 =	vand.u32 $0x7FFFFFFF, v15  }
0x275: {  	v9 =	vld [tilespmem:s16+$0xC90];
	v44 =	vand.u32 $0x7FFFFFFF, v14;
	v27 =	vand.u32 $0x7FFFFFFF, v16;
	v25 =	vand.u32 $0x7FFFFFFF, v17  }
0x276: {  	v11 =	vld [tilespmem:s16+$0x1910];
	v17 =	vand.u32 $0x7FFFFFFF, v18;
	v26 =	vand.u32 $0x7FFFFFFF, v19;
	v45 =	vmin.f32 v22, $1.111111120e-01  }
0x277: {  	v46 =	vmin.f32 v23, $1.111111120e-01;
	v32 =	vmin.f32 v36, $1.111111120e-01;
	v19 =	vmin.f32 v44, $1.111111120e-01  }
0x278: {  	v15 =	vmin.f32 v27, $1.111111120e-01;
	v28 =	vmin.f32 v39, $1.111111120e-01;
	v35 =	vsub.f32 v22, v45  }
0x279: {  	v20 =	vmin.f32 v17, $1.111111120e-01;
	v34 =	vsub.f32 v23, v46;
	v36 =	vsub.f32 v36, v32  }
0x27a: {  	v4 =	vld [tilespmem:s16+$0x60];
	v18 =	vmin.f32 v25, $1.111111120e-01;
	v42 =	vsub.f32 v39, v28;
	v8 =	vsub.f32 v8, v29  }
0x27b: {  	v5 =	vld [tilespmem:s16+$0x70];
	v9 =	vsub.f32 v9, v30;
	v11 =	vsub.f32 v11, v31;
	v31 =	vmin.f32 v10, $1.111111120e-01  }
0x27c: {  	v7 =	vld [tilespmem:s16+$0x40];
	v30 =	vmin.f32 v37, $1.111111120e-01;
	v29 =	vmin.f32 v38, $1.111111120e-01;
	v41 =	vsub.f32 v10, v31  }
0x27d: {  	v6 =	vld [tilespmem:s16+$0x50];
	v12 =	vmin.f32 v26, $1.111111120e-01;
	v43 =	vsub.f32 v37, v30;
	v40 =	vsub.f32 v38, v29  }
0x27e: {  	v10 =	vld [tilespmem:s16+$0x0];
	v38 =	vsub.f32 v44, v19;
	v44 =	vmul.f32 v45, v45;
	v37 =	vmul.f32 v46, v46  }
0x27f: {  	v16 =	vand.u32 $0x7FFFFFFF, v8;
	v13 =	vand.u32 $0x7FFFFFFF, v11;
	v11 =	vmin.f32 v21, $1.111111120e-01;
	v8 =	vld [tilespmem:s16+$0x20]  }
0x280: {  	v14 =	vand.u32 $0x7FFFFFFF, v9;
	v9 =	vld [tilespmem:s16+$0x30];
	v24 =	vmin.f32 v16, $1.111111120e-01;
	v33 =	vsub.f32 v21, v11  }
0x281: {  	s17 =	simm.s32 $0x200;
	v21 =	vmin.f32 v14, $1.111111120e-01;
	v22 =	vmin.f32 v13, $1.111111120e-01;
	v39 =	vmul.f32 v11, v11;
	v11 =	vld [tilespmem:s16+$0x10];
	s16 =	simm.s32 $0x2700  }
.LBB2_12:
0x282: {  	v23 =	vld [tilespmem:s16+$0xFFFFFFE0];
	p1 =	sne.s32 s17, $0x3000;
	v27 =	vsub.f32 v27, v15;
	v45 =	vsub.f32 v25, v18;
	v32 =	vmul.f32 v32, v32  }
0x283: {  	v26 =	vsub.f32 v26, v12;
	v31 =	vmul.f32 v31, v31;
	v30 =	vmul.f32 v30, v30;
	v25 =	vld [tilespmem:s16+$0x60]  }
0x284: {  	v17 =	vsub.f32 v17, v20;
	v16 =	vsub.f32 v16, v24;
	v29 =	vmul.f32 v29, v29;
	v46 =	vld [tilespmem:s16+$0xFFFFFFF0]  }
0x285: {  	s18 =	sshra.s32 s17, $0x2;
	v14 =	vsub.f32 v14, v21;
	v13 =	vsub.f32 v13, v22;
	v28 =	vmul.f32 v28, v28;
	v47 =	vld [tilespmem:s16+$0x70]  }
0x286: {  	v19 =	vmul.f32 v19, v19;
	v15 =	vmul.f32 v15, v15;
	v33 =	vadd.f32 v35, v33;
	v48 =	vld [tilespmem:s18+$0xCE0]  }
0x287: {  	v18 =	vmul.f32 v18, v18;
	v41 =	vadd.f32 v43, v41;
	v34 =	vadd.f32 v36, v34;
	v35 =	vld [tilespmem:s18+$0x1960]  }
0x288: {  	v20 =	vmul.f32 v20, v20;
	v40 =	vadd.f32 v42, v40;
	v39 =	vadd.f32 v44, v39;
	v36 =	vld [tilespmem:s18+$0xCF0]  }
0x289: {  	v24 =	vmul.f32 v24, v24;
	v27 =	vadd.f32 v27, v38;
	v32 =	vadd.f32 v32, v37;
	v42 =	vld [tilespmem:s18+$0x1970]  }
0x28a: {  	v21 =	vmul.f32 v21, v21;
	v26 =	vadd.f32 v26, v45;
	v30 =	vadd.f32 v30, v31;
	v37 =	vld [tilespmem:s16+$0xFFFFFFC0]  }
0x28b: {  	v16 =	vadd.f32 v16, v17;
	v17 =	vmul.f32 v22, v22;
	v22 =	vadd.f32 v28, v29;
	v31 =	vld [tilespmem:s16+$0x40]  }
0x28c: {  	v12 =	vmul.f32 v12, v12;
	v20 =	vadd.f32 v24, v20;
	v13 =	vadd.f32 v13, v14;
	v28 =	vld [tilespmem:s16+$0xFFFFFFD0]  }
0x28d: {  	v17 =	vadd.f32 v17, v21;
	v21 =	vmul.f32 $4.500000000e+00, v39;
	v24 =	vmul.f32 $4.500000000e+00, v32;
	v14 =	vld [tilespmem:s16+$0x50]  }
0x28e: {  	v15 =	vadd.f32 v15, v19;
	v20 =	vmul.f32 $4.500000000e+00, v20;
	v19 =	vmul.f32 $4.500000000e+00, v30;
	v29 =	vld [tilespmem:s18+$0xCC0]  }
0x28f: {  	v12 =	vadd.f32 v12, v18;
	v18 =	vmul.f32 $4.500000000e+00, v22;
	v17 =	vmul.f32 $4.500000000e+00, v17;
	v30 =	vld [tilespmem:s18+$0x1940]  }
0x290: {  	v15 =	vmul.f32 $4.500000000e+00, v15;
	v16 =	vadd.f32 v20, v16;
	v20 =	vadd.f32 v21, v33;
	v22 =	vld [tilespmem:s18+$0xCD0]  }
0x291: {  	v12 =	vmul.f32 $4.500000000e+00, v12;
	v13 =	vadd.f32 v17, v13;
	v17 =	vadd.f32 v24, v34;
	v21 =	vld [tilespmem:s18+$0x1950]  }
0x292: {  	v15 =	vadd.f32 v15, v27;
	v19 =	vadd.f32 v19, v41;
	v16 =	vmul.f32 v16, v10;
	v24 =	vld [tilespmem:s16+$0xFFFFFFA0]  }
0x293: {  	v12 =	vadd.f32 v12, v26;
	v18 =	vadd.f32 v18, v40;
	v13 =	vmul.f32 v13, v11;
	v27 =	vld [tilespmem:s16+$0x20]  }
0x294: {  	v2 =	vadd.f32 v10, v2;
	v10 =	vmul.f32 v15, v8;
	v3 =	vadd.f32 v16, v3;
	v26 =	vld [tilespmem:s16+$0xFFFFFFB0]  }
0x295: {  	v0 =	vadd.f32 v11, v0;
	v11 =	vmul.f32 v12, v9;
	v1 =	vadd.f32 v13, v1;
	v15 =	vld [tilespmem:s16+$0x30]  }
0x296: {  	v2 =	vadd.f32 v8, v2;
	v8 =	vmul.f32 v19, v7;
	v3 =	vadd.f32 v10, v3;
	v12 =	vld [tilespmem:s18+$0xCA0]  }
0x297: {  	v0 =	vadd.f32 v9, v0;
	v9 =	vmul.f32 v18, v6;
	v1 =	vadd.f32 v11, v1;
	v10 =	vld [tilespmem:s18+$0x1920]  }
0x298: {  	v2 =	vadd.f32 v7, v2;
	v7 =	vmul.f32 v20, v4;
	v3 =	vadd.f32 v8, v3;
	v11 =	vld [tilespmem:s18+$0xCB0]  }
0x299: {  	v0 =	vadd.f32 v6, v0;
	v6 =	vmul.f32 v17, v5;
	v1 =	vadd.f32 v9, v1;
	v8 =	vld [tilespmem:s18+$0x1930]  }
0x29a: {  	v2 =	vadd.f32 v4, v2;
	v3 =	vadd.f32 v7, v3;
	v9 =	vld [tilespmem:s16+$0xFFFFFF80]  }
0x29b: {  	v0 =	vadd.f32 v5, v0;
	v1 =	vadd.f32 v6, v1;
	v4 =	vld [tilespmem:s16+$0x0]  }
0x29c: {  	v5 =	vld [tilespmem:s16+$0xFFFFFF90]  }
0x29d: {  	v6 =	vld [tilespmem:s16+$0x10]  }
0x29e: {  	v13 =	vsub.f32 v48, v23;
	v7 =	vld [tilespmem:s18+$0xC80]  }
0x29f: {  	v17 =	vsub.f32 v35, v25;
	v18 =	vsub.f32 v36, v46;
	v16 =	vld [tilespmem:s18+$0x1900]  }
0x2a0: {  	v23 =	vsub.f32 v42, v47;
	v20 =	vsub.f32 v29, v37;
	v19 =	vld [tilespmem:s18+$0xC90]  }
0x2a1: {  	v29 =	vsub.f32 v30, v31;
	v22 =	vsub.f32 v22, v28;
	v25 =	vld [tilespmem:s18+$0x1910]  }
0x2a2: {  	v14 =	vsub.f32 v21, v14;
	v12 =	vsub.f32 v12, v24  }
0x2a3: {  	v10 =	vsub.f32 v10, v27;
	v11 =	vsub.f32 v11, v26  }
0x2a4: {  	v8 =	vsub.f32 v8, v15;
	v7 =	vsub.f32 v7, v9  }
0x2a5: {  	v4 =	vsub.f32 v16, v4;
	v5 =	vsub.f32 v19, v5  }
0x2a6: {  	v21 =	vand.u32 $0x7FFFFFFF, v17;
	v9 =	vand.u32 $0x7FFFFFFF, v13;
	v6 =	vsub.f32 v25, v6  }
0x2a7: {  	v34 =	vand.u32 $0x7FFFFFFF, v18;
	v23 =	vand.u32 $0x7FFFFFFF, v23;
	v37 =	vand.u32 $0x7FFFFFFF, v20  }
0x2a8: {  	v38 =	vand.u32 $0x7FFFFFFF, v29;
	v39 =	vand.u32 $0x7FFFFFFF, v22;
	v42 =	vand.u32 $0x7FFFFFFF, v14  }
0x2a9: {  	v44 =	vand.u32 $0x7FFFFFFF, v12;
	v27 =	vand.u32 $0x7FFFFFFF, v10;
	v25 =	vand.u32 $0x7FFFFFFF, v11  }
0x2aa: {  	v26 =	vand.u32 $0x7FFFFFFF, v8;
	v17 =	vand.u32 $0x7FFFFFFF, v7;
	v16 =	vand.u32 $0x7FFFFFFF, v4  }
0x2ab: {  	v11 =	vmin.f32 v9, $1.111111120e-01;
	v14 =	vand.u32 $0x7FFFFFFF, v5;
	v13 =	vand.u32 $0x7FFFFFFF, v6  }
0x2ac: {  	v46 =	vmin.f32 v34, $1.111111120e-01;
	v32 =	vmin.f32 v23, $1.111111120e-01;
	v45 =	vmin.f32 v21, $1.111111120e-01  }
0x2ad: {  	v31 =	vmin.f32 v37, $1.111111120e-01;
	v30 =	vmin.f32 v38, $1.111111120e-01;
	v29 =	vmin.f32 v39, $1.111111120e-01;
	v4 =	vld [tilespmem:s18+$0x60]  }
0x2ae: {  	v28 =	vmin.f32 v42, $1.111111120e-01;
	v15 =	vmin.f32 v27, $1.111111120e-01;
	v19 =	vmin.f32 v44, $1.111111120e-01;
	v5 =	vld [tilespmem:s18+$0x70]  }
0x2af: {  	v12 =	vmin.f32 v26, $1.111111120e-01;
	v20 =	vmin.f32 v17, $1.111111120e-01;
	v18 =	vmin.f32 v25, $1.111111120e-01;
	v7 =	vld [tilespmem:s18+$0x40]  }
.Ltmp7:
0x2b0: {  	v35 =	vsub.f32 v21, v45;
	v24 =	vmin.f32 v16, $1.111111120e-01;
	v33 =	vsub.f32 v9, v11;
	v6 =	vld [tilespmem:s18+$0x50];
	(pc) =	sbr.rel @p1 .LBB2_12-.Ltmp7, $4  }
0x2b1: {  	v34 =	vsub.f32 v34, v46;
	v36 =	vsub.f32 v23, v32;
	v21 =	vmin.f32 v14, $1.111111120e-01;
	v8 =	vld [tilespmem:s18+$0x20]  }
0x2b2: {  	v41 =	vsub.f32 v37, v31;
	v43 =	vsub.f32 v38, v30;
	v22 =	vmin.f32 v13, $1.111111120e-01;
	v9 =	vld [tilespmem:s18+$0x30]  }
0x2b3: {  	v40 =	vsub.f32 v39, v29;
	v42 =	vsub.f32 v42, v28;
	v39 =	vmul.f32 v11, v11;
	v10 =	vld [tilespmem:s18+$0x0]  }
0x2b4: {  	s17 =	sadd.s32 $0x200, s17;
	v37 =	vmul.f32 v46, v46;
	s16 =	sadd.s32 $0x100, s16;
	v38 =	vsub.f32 v44, v19;
	v44 =	vmul.f32 v45, v45;
	v11 =	vld [tilespmem:s18+$0x10]  }
0x2b5: {  	_ =	swait.ge [sflag:s11], $0xC80  }
0x2b6: {  	[sflag:s11] =	ssyncset.done $0x0  }
0x2b7: {  	[sflag:s11] =	ssyncadd.s32 $0xFFFFF380  }
0x2b8: {  	_ =	swait.ge [sflag:s11], $0xC80  }
0x2b9: {  	[sflag:s11] =	ssyncset.done $0x0  }
0x2ba: {  	[sflag:s11] =	ssyncadd.s32 $0xFFFFF380  }
0x2bb: {  	_ =	swait.ge [sflag:s11], $0xC80  }
0x2bc: {  	[sflag:s11] =	ssyncset.done $0x0  }
0x2bd: {  	[sflag:s11] =	ssyncadd.s32 $0xFFFFF380  }
0x2be: {  	_ =	swait.ge [sflag:s11], $0x1900  }
0x2bf: {  	[sflag:s11] =	ssyncset.done $0x0  }
0x2c0: {  	s17 =	simm.s32 $0x6480;
	v33 =	vadd.f32 v35, v33;
	v41 =	vadd.f32 v43, v41;
	[sflag:s11] =	ssyncadd.s32 $0xFFFFE700  }
0x2c1: {  	v34 =	vadd.f32 v36, v34;
	v27 =	vsub.f32 v27, v15;
	v23 =	vld [tilespmem:s17+$0xFFFFFFE0]  }
0x2c2: {  	v40 =	vadd.f32 v42, v40;
	v25 =	vsub.f32 v25, v18;
	v52 =	vld [tilespmem:s17+$0x60]  }
0x2c3: {  	v32 =	vmul.f32 v32, v32;
	v26 =	vsub.f32 v26, v12;
	v31 =	vmul.f32 v31, v31;
	v53 =	vld [tilespmem:s17+$0xFFFFFFF0]  }
0x2c4: {  	s16 =	simm.s32 $0x0;
	v30 =	vmul.f32 v30, v30;
	v17 =	vsub.f32 v17, v20;
	v16 =	vsub.f32 v16, v24;
	v54 =	vld [tilespmem:s17+$0x70]  }
0x2c5: {  	v29 =	vmul.f32 v29, v29;
	v14 =	vsub.f32 v14, v21;
	v28 =	vmul.f32 v28, v28;
	v55 =	vld [tilespmem:s16+$0x4B60]  }
0x2c6: {  	v20 =	vmul.f32 v20, v20;
	v24 =	vmul.f32 v24, v24;
	v13 =	vsub.f32 v13, v22;
	v56 =	vld [tilespmem:s16+$0x57E0]  }
0x2c7: {  	v19 =	vmul.f32 v19, v19;
	v21 =	vmul.f32 v21, v21;
	v39 =	vadd.f32 v44, v39;
	v57 =	vld [tilespmem:s16+$0x4B70]  }
0x2c8: {  	v22 =	vmul.f32 v22, v22;
	v27 =	vadd.f32 v27, v38;
	v25 =	vadd.f32 v26, v25;
	v26 =	vld [tilespmem:s16+$0x57F0]  }
0x2c9: {  	v15 =	vmul.f32 v15, v15;
	v32 =	vadd.f32 v32, v37;
	v30 =	vadd.f32 v30, v31;
	v31 =	vld [tilespmem:s17+$0xFFFFFFC0]  }
0x2ca: {  	v18 =	vmul.f32 v18, v18;
	v16 =	vadd.f32 v16, v17;
	v28 =	vadd.f32 v28, v29;
	v17 =	vld [tilespmem:s17+$0x40]  }
0x2cb: {  	v12 =	vmul.f32 v12, v12;
	v20 =	vadd.f32 v24, v20;
	v13 =	vadd.f32 v13, v14;
	v29 =	vld [tilespmem:s17+$0xFFFFFFD0]  }
0x2cc: {  	v21 =	vadd.f32 v22, v21;
	v15 =	vadd.f32 v15, v19;
	v22 =	vmul.f32 $4.500000000e+00, v39;
	v24 =	vld [tilespmem:s17+$0x50]  }
0x2cd: {  	v12 =	vadd.f32 v12, v18;
	v32 =	vmul.f32 $4.500000000e+00, v32;
	v20 =	vmul.f32 $4.500000000e+00, v20;
	v14 =	vld [tilespmem:s16+$0x4B40]  }
0x2ce: {  	v2 =	vadd.f32 v10, v2;
	v30 =	vmul.f32 $4.500000000e+00, v30;
	v21 =	vmul.f32 $4.500000000e+00, v21;
	v58 =	vld [tilespmem:s16+$0x57C0]  }
0x2cf: {  	v15 =	vmul.f32 $4.500000000e+00, v15;
	v0 =	vadd.f32 v11, v0;
	v22 =	vadd.f32 v22, v33;
	v19 =	vld [tilespmem:s16+$0x4B50]  }
0x2d0: {  	v12 =	vmul.f32 $4.500000000e+00, v12;
	v16 =	vadd.f32 v20, v16;
	v13 =	vadd.f32 v21, v13;
	v18 =	vld [tilespmem:s16+$0x57D0]  }
0x2d1: {  	v28 =	vmul.f32 $4.500000000e+00, v28;
	v2 =	vadd.f32 v8, v2;
	v15 =	vadd.f32 v15, v27;
	v20 =	vld [tilespmem:s17+$0xFFFFFFA0]  }
0x2d2: {  	v12 =	vadd.f32 v12, v25;
	v16 =	vmul.f32 v16, v10;
	v13 =	vmul.f32 v13, v11;
	v21 =	vld [tilespmem:s17+$0x20]  }
0x2d3: {  	v30 =	vadd.f32 v30, v41;
	v28 =	vadd.f32 v28, v40;
	v15 =	vmul.f32 v15, v8;
	v27 =	vld [tilespmem:s17+$0xFFFFFFB0]  }
0x2d4: {  	v10 =	vmul.f32 v12, v9;
	v3 =	vadd.f32 v16, v3;
	v1 =	vadd.f32 v13, v1;
	v25 =	vld [tilespmem:s17+$0x30]  }
0x2d5: {  	v32 =	vadd.f32 v32, v34;
	v0 =	vadd.f32 v9, v0;
	v11 =	vmul.f32 v30, v7;
	v16 =	vld [tilespmem:s16+$0x4B20]  }
0x2d6: {  	v8 =	vmul.f32 v28, v6;
	v12 =	vld [tilespmem:s16+$0x57A0];
	v3 =	vadd.f32 v15, v3;
	v1 =	vadd.f32 v10, v1  }
0x2d7: {  	v2 =	vadd.f32 v7, v2;
	v9 =	vmul.f32 v22, v4;
	v0 =	vadd.f32 v6, v0;
	v13 =	vld [tilespmem:s16+$0x4B30]  }
0x2d8: {  	v7 =	vmul.f32 v32, v5;
	v10 =	vld [tilespmem:s16+$0x57B0];
	v3 =	vadd.f32 v11, v3;
	v1 =	vadd.f32 v8, v1  }
0x2d9: {  	v2 =	vadd.f32 v4, v2;
	v0 =	vadd.f32 v5, v0;
	v4 =	vld [tilespmem:s17+$0x10]  }
0x2da: {  	v5 =	vld [tilespmem:s16+$0x4B00];
	v3 =	vadd.f32 v9, v3;
	v1 =	vadd.f32 v7, v1  }
0x2db: {  	v28 =	vld [tilespmem:s16+$0x5790];
	v7 =	vsub.f32 v55, v23;
	v15 =	vsub.f32 v56, v52  }
0x2dc: {  	v11 =	vld [tilespmem:s17+$0xFFFFFF80];
	v22 =	vsub.f32 v57, v53;
	v14 =	vsub.f32 v14, v31  }
0x2dd: {  	v26 =	vsub.f32 v26, v54;
	v17 =	vsub.f32 v58, v17  }
0x2de: {  	v19 =	vsub.f32 v19, v29;
	v16 =	vsub.f32 v16, v20  }
0x2df: {  	v18 =	vsub.f32 v18, v24;
	v12 =	vsub.f32 v12, v21  }
0x2e0: {  	v13 =	vsub.f32 v13, v27;
	v10 =	vsub.f32 v10, v25  }
0x2e1: {  	v4 =	vsub.f32 v28, v4;
	v5 =	vsub.f32 v5, v11;
	v11 =	vand.u32 $0x7FFFFFFF, v15  }
0x2e2: {  	v8 =	vld [tilespmem:s17+$0x0];
	v22 =	vand.u32 $0x7FFFFFFF, v22;
	v59 =	vand.u32 $0x7FFFFFFF, v26;
	v60 =	vand.u32 $0x7FFFFFFF, v17  }
0x2e3: {  	v9 =	vld [tilespmem:s16+$0x5780];
	v61 =	vand.u32 $0x7FFFFFFF, v19;
	v62 =	vand.u32 $0x7FFFFFFF, v18;
	v63 =	vand.u32 $0x7FFFFFFF, v16  }
0x2e4: {  	v27 =	vand.u32 $0x7FFFFFFF, v12;
	v25 =	vand.u32 $0x7FFFFFFF, v13;
	v26 =	vand.u32 $0x7FFFFFFF, v10  }
0x2e5: {  	v13 =	vand.u32 $0x7FFFFFFF, v4;
	v46 =	vmin.f32 v11, $1.111111120e-01;
	v47 =	vmin.f32 v22, $1.111111120e-01  }
0x2e6: {  	v32 =	vmin.f32 v59, $1.111111120e-01;
	v30 =	vmin.f32 v60, $1.111111120e-01;
	v29 =	vmin.f32 v61, $1.111111120e-01  }
0x2e7: {  	v6 =	vld [tilespmem:s17+$0xFFFFFF90];
	v19 =	vmin.f32 v63, $1.111111120e-01;
	v15 =	vmin.f32 v27, $1.111111120e-01;
	v28 =	vmin.f32 v62, $1.111111120e-01  }
0x2e8: {  	v23 =	vld [tilespmem:s16+$0x4B10];
	v18 =	vmin.f32 v25, $1.111111120e-01;
	v12 =	vmin.f32 v26, $1.111111120e-01;
	v8 =	vsub.f32 v9, v8  }
0x2e9: {  	v4 =	vld [tilespmem:s16+$0x3EE0];
	v9 =	vand.u32 $0x7FFFFFFF, v7;
	v35 =	vsub.f32 v11, v46;
	v34 =	vsub.f32 v22, v47  }
0x2ea: {  	v10 =	vld [tilespmem:s16+$0x3E80];
	v17 =	vand.u32 $0x7FFFFFFF, v5;
	v36 =	vsub.f32 v59, v32;
	v43 =	vsub.f32 v60, v30  }
0x2eb: {  	v5 =	vld [tilespmem:s16+$0x3EF0];
	v22 =	vmin.f32 v13, $1.111111120e-01;
	v40 =	vsub.f32 v61, v29;
	v42 =	vsub.f32 v62, v28  }
0x2ec: {  	v7 =	vld [tilespmem:s16+$0x3EC0];
	v38 =	vsub.f32 v63, v19;
	v44 =	vmul.f32 v46, v46;
	v37 =	vmul.f32 v47, v47  }
0x2ed: {  	v11 =	vld [tilespmem:s16+$0x3E90];
	v6 =	vsub.f32 v23, v6;
	v23 =	vand.u32 $0x7FFFFFFF, v14;
	v45 =	vmin.f32 v9, $1.111111120e-01  }
0x2ee: {  	v20 =	vmin.f32 v17, $1.111111120e-01;
	v16 =	vand.u32 $0x7FFFFFFF, v8;
	v31 =	vmin.f32 v23, $1.111111120e-01;
	v8 =	vld [tilespmem:s16+$0x3EA0]  }
0x2ef: {  	v33 =	vsub.f32 v9, v45;
	v9 =	vld [tilespmem:s16+$0x3EB0];
	v39 =	vmul.f32 v45, v45;
	v14 =	vand.u32 $0x7FFFFFFF, v6  }
0x2f0: {  	s17 =	simm.s32 $0x200;
	v24 =	vmin.f32 v16, $1.111111120e-01;
	v6 =	vld [tilespmem:s16+$0x3ED0];
	v41 =	vsub.f32 v23, v31;
	s16 =	simm.s32 $0x6580;
	v21 =	vmin.f32 v14, $1.111111120e-01  }
.LBB2_14:
0x2f1: {  	v23 =	vld [tilespmem:s16+$0xFFFFFFE0];
	p1 =	sne.s32 s17, $0x3000;
	v27 =	vsub.f32 v27, v15;
	v45 =	vsub.f32 v25, v18;
	v32 =	vmul.f32 v32, v32  }
0x2f2: {  	v26 =	vsub.f32 v26, v12;
	v31 =	vmul.f32 v31, v31;
	v30 =	vmul.f32 v30, v30;
	v25 =	vld [tilespmem:s16+$0x60]  }
0x2f3: {  	v17 =	vsub.f32 v17, v20;
	v16 =	vsub.f32 v16, v24;
	v29 =	vmul.f32 v29, v29;
	v46 =	vld [tilespmem:s16+$0xFFFFFFF0]  }
0x2f4: {  	s18 =	sshra.s32 s17, $0x2;
	v14 =	vsub.f32 v14, v21;
	v13 =	vsub.f32 v13, v22;
	v28 =	vmul.f32 v28, v28;
	v47 =	vld [tilespmem:s16+$0x70]  }
0x2f5: {  	v19 =	vmul.f32 v19, v19;
	v15 =	vmul.f32 v15, v15;
	v33 =	vadd.f32 v35, v33;
	v48 =	vld [tilespmem:s18+$0x4B60]  }
0x2f6: {  	v18 =	vmul.f32 v18, v18;
	v41 =	vadd.f32 v43, v41;
	v34 =	vadd.f32 v36, v34;
	v35 =	vld [tilespmem:s18+$0x57E0]  }
0x2f7: {  	v20 =	vmul.f32 v20, v20;
	v40 =	vadd.f32 v42, v40;
	v39 =	vadd.f32 v44, v39;
	v36 =	vld [tilespmem:s18+$0x4B70]  }
0x2f8: {  	v24 =	vmul.f32 v24, v24;
	v27 =	vadd.f32 v27, v38;
	v32 =	vadd.f32 v32, v37;
	v42 =	vld [tilespmem:s18+$0x57F0]  }
0x2f9: {  	v21 =	vmul.f32 v21, v21;
	v26 =	vadd.f32 v26, v45;
	v30 =	vadd.f32 v30, v31;
	v37 =	vld [tilespmem:s16+$0xFFFFFFC0]  }
0x2fa: {  	v16 =	vadd.f32 v16, v17;
	v17 =	vmul.f32 v22, v22;
	v22 =	vadd.f32 v28, v29;
	v31 =	vld [tilespmem:s16+$0x40]  }
0x2fb: {  	v12 =	vmul.f32 v12, v12;
	v20 =	vadd.f32 v24, v20;
	v13 =	vadd.f32 v13, v14;
	v28 =	vld [tilespmem:s16+$0xFFFFFFD0]  }
0x2fc: {  	v17 =	vadd.f32 v17, v21;
	v21 =	vmul.f32 $4.500000000e+00, v39;
	v24 =	vmul.f32 $4.500000000e+00, v32;
	v14 =	vld [tilespmem:s16+$0x50]  }
0x2fd: {  	v15 =	vadd.f32 v15, v19;
	v20 =	vmul.f32 $4.500000000e+00, v20;
	v19 =	vmul.f32 $4.500000000e+00, v30;
	v29 =	vld [tilespmem:s18+$0x4B40]  }
0x2fe: {  	v12 =	vadd.f32 v12, v18;
	v18 =	vmul.f32 $4.500000000e+00, v22;
	v17 =	vmul.f32 $4.500000000e+00, v17;
	v30 =	vld [tilespmem:s18+$0x57C0]  }
0x2ff: {  	v15 =	vmul.f32 $4.500000000e+00, v15;
	v16 =	vadd.f32 v20, v16;
	v20 =	vadd.f32 v21, v33;
	v22 =	vld [tilespmem:s18+$0x4B50]  }
0x300: {  	v12 =	vmul.f32 $4.500000000e+00, v12;
	v13 =	vadd.f32 v17, v13;
	v17 =	vadd.f32 v24, v34;
	v21 =	vld [tilespmem:s18+$0x57D0]  }
0x301: {  	v15 =	vadd.f32 v15, v27;
	v19 =	vadd.f32 v19, v41;
	v16 =	vmul.f32 v16, v10;
	v24 =	vld [tilespmem:s16+$0xFFFFFFA0]  }
0x302: {  	v12 =	vadd.f32 v12, v26;
	v18 =	vadd.f32 v18, v40;
	v13 =	vmul.f32 v13, v11;
	v27 =	vld [tilespmem:s16+$0x20]  }
0x303: {  	v2 =	vadd.f32 v10, v2;
	v10 =	vmul.f32 v15, v8;
	v3 =	vadd.f32 v16, v3;
	v26 =	vld [tilespmem:s16+$0xFFFFFFB0]  }
0x304: {  	v0 =	vadd.f32 v11, v0;
	v11 =	vmul.f32 v12, v9;
	v1 =	vadd.f32 v13, v1;
	v15 =	vld [tilespmem:s16+$0x30]  }
0x305: {  	v2 =	vadd.f32 v8, v2;
	v8 =	vmul.f32 v19, v7;
	v3 =	vadd.f32 v10, v3;
	v12 =	vld [tilespmem:s18+$0x4B20]  }
0x306: {  	v0 =	vadd.f32 v9, v0;
	v9 =	vmul.f32 v18, v6;
	v1 =	vadd.f32 v11, v1;
	v10 =	vld [tilespmem:s18+$0x57A0]  }
0x307: {  	v2 =	vadd.f32 v7, v2;
	v7 =	vmul.f32 v20, v4;
	v3 =	vadd.f32 v8, v3;
	v11 =	vld [tilespmem:s18+$0x4B30]  }
0x308: {  	v0 =	vadd.f32 v6, v0;
	v6 =	vmul.f32 v17, v5;
	v1 =	vadd.f32 v9, v1;
	v8 =	vld [tilespmem:s18+$0x57B0]  }
0x309: {  	v2 =	vadd.f32 v4, v2;
	v3 =	vadd.f32 v7, v3;
	v9 =	vld [tilespmem:s16+$0xFFFFFF80]  }
0x30a: {  	v0 =	vadd.f32 v5, v0;
	v1 =	vadd.f32 v6, v1;
	v4 =	vld [tilespmem:s16+$0x0]  }
0x30b: {  	v5 =	vld [tilespmem:s16+$0xFFFFFF90]  }
0x30c: {  	v6 =	vld [tilespmem:s16+$0x10]  }
0x30d: {  	v13 =	vsub.f32 v48, v23;
	v7 =	vld [tilespmem:s18+$0x4B00]  }
0x30e: {  	v17 =	vsub.f32 v35, v25;
	v18 =	vsub.f32 v36, v46;
	v16 =	vld [tilespmem:s18+$0x5780]  }
0x30f: {  	v23 =	vsub.f32 v42, v47;
	v20 =	vsub.f32 v29, v37;
	v19 =	vld [tilespmem:s18+$0x4B10]  }
0x310: {  	v29 =	vsub.f32 v30, v31;
	v22 =	vsub.f32 v22, v28;
	v25 =	vld [tilespmem:s18+$0x5790]  }
0x311: {  	v14 =	vsub.f32 v21, v14;
	v12 =	vsub.f32 v12, v24  }
0x312: {  	v10 =	vsub.f32 v10, v27;
	v11 =	vsub.f32 v11, v26  }
0x313: {  	v8 =	vsub.f32 v8, v15;
	v7 =	vsub.f32 v7, v9  }
0x314: {  	v4 =	vsub.f32 v16, v4;
	v5 =	vsub.f32 v19, v5  }
0x315: {  	v21 =	vand.u32 $0x7FFFFFFF, v17;
	v9 =	vand.u32 $0x7FFFFFFF, v13;
	v6 =	vsub.f32 v25, v6  }
0x316: {  	v34 =	vand.u32 $0x7FFFFFFF, v18;
	v23 =	vand.u32 $0x7FFFFFFF, v23;
	v37 =	vand.u32 $0x7FFFFFFF, v20  }
0x317: {  	v38 =	vand.u32 $0x7FFFFFFF, v29;
	v39 =	vand.u32 $0x7FFFFFFF, v22;
	v42 =	vand.u32 $0x7FFFFFFF, v14  }
0x318: {  	v44 =	vand.u32 $0x7FFFFFFF, v12;
	v27 =	vand.u32 $0x7FFFFFFF, v10;
	v25 =	vand.u32 $0x7FFFFFFF, v11  }
0x319: {  	v26 =	vand.u32 $0x7FFFFFFF, v8;
	v17 =	vand.u32 $0x7FFFFFFF, v7;
	v16 =	vand.u32 $0x7FFFFFFF, v4  }
0x31a: {  	v11 =	vmin.f32 v9, $1.111111120e-01;
	v14 =	vand.u32 $0x7FFFFFFF, v5;
	v13 =	vand.u32 $0x7FFFFFFF, v6  }
0x31b: {  	v46 =	vmin.f32 v34, $1.111111120e-01;
	v32 =	vmin.f32 v23, $1.111111120e-01;
	v45 =	vmin.f32 v21, $1.111111120e-01  }
0x31c: {  	v31 =	vmin.f32 v37, $1.111111120e-01;
	v30 =	vmin.f32 v38, $1.111111120e-01;
	v29 =	vmin.f32 v39, $1.111111120e-01;
	v4 =	vld [tilespmem:s18+$0x3EE0]  }
0x31d: {  	v28 =	vmin.f32 v42, $1.111111120e-01;
	v15 =	vmin.f32 v27, $1.111111120e-01;
	v19 =	vmin.f32 v44, $1.111111120e-01;
	v5 =	vld [tilespmem:s18+$0x3EF0]  }
0x31e: {  	v12 =	vmin.f32 v26, $1.111111120e-01;
	v20 =	vmin.f32 v17, $1.111111120e-01;
	v18 =	vmin.f32 v25, $1.111111120e-01;
	v7 =	vld [tilespmem:s18+$0x3EC0]  }
.Ltmp8:
0x31f: {  	v35 =	vsub.f32 v21, v45;
	v24 =	vmin.f32 v16, $1.111111120e-01;
	v33 =	vsub.f32 v9, v11;
	v6 =	vld [tilespmem:s18+$0x3ED0];
	(pc) =	sbr.rel @p1 .LBB2_14-.Ltmp8, $4  }
0x320: {  	v34 =	vsub.f32 v34, v46;
	v36 =	vsub.f32 v23, v32;
	v21 =	vmin.f32 v14, $1.111111120e-01;
	v8 =	vld [tilespmem:s18+$0x3EA0]  }
0x321: {  	v41 =	vsub.f32 v37, v31;
	v43 =	vsub.f32 v38, v30;
	v22 =	vmin.f32 v13, $1.111111120e-01;
	v9 =	vld [tilespmem:s18+$0x3EB0]  }
0x322: {  	v40 =	vsub.f32 v39, v29;
	v42 =	vsub.f32 v42, v28;
	v39 =	vmul.f32 v11, v11;
	v10 =	vld [tilespmem:s18+$0x3E80]  }
0x323: {  	s17 =	sadd.s32 $0x200, s17;
	v37 =	vmul.f32 v46, v46;
	s16 =	sadd.s32 $0x100, s16;
	v38 =	vsub.f32 v44, v19;
	v44 =	vmul.f32 v45, v45;
	v11 =	vld [tilespmem:s18+$0x3E90]  }
0x324: {  	_ =	swait.ge [sflag:s12], $0xC80  }
0x325: {  	[sflag:s12] =	ssyncset.done $0x0  }
0x326: {  	[sflag:s12] =	ssyncadd.s32 $0xFFFFF380  }
0x327: {  	_ =	swait.ge [sflag:s12], $0xC80  }
0x328: {  	[sflag:s12] =	ssyncset.done $0x0  }
0x329: {  	[sflag:s12] =	ssyncadd.s32 $0xFFFFF380  }
0x32a: {  	_ =	swait.ge [sflag:s12], $0xC80  }
0x32b: {  	[sflag:s12] =	ssyncset.done $0x0  }
0x32c: {  	v33 =	vadd.f32 v35, v33;
	v41 =	vadd.f32 v43, v41;
	[sflag:s12] =	ssyncadd.s32 $0xFFFFF380  }
0x32d: {  	v34 =	vadd.f32 v36, v34;
	v27 =	vsub.f32 v27, v15;
	_ =	swait.ge [sflag:s12], $0x1900  }
0x32e: {  	v40 =	vadd.f32 v42, v40;
	v25 =	vsub.f32 v25, v18;
	[sflag:s12] =	ssyncset.done $0x0  }
0x32f: {  	s17 =	simm.s32 $0xA300;
	v32 =	vmul.f32 v32, v32;
	v26 =	vsub.f32 v26, v12;
	v31 =	vmul.f32 v31, v31;
	[sflag:s12] =	ssyncadd.s32 $0xFFFFE700  }
0x330: {  	v30 =	vmul.f32 v30, v30;
	v17 =	vsub.f32 v17, v20;
	v16 =	vsub.f32 v16, v24;
	v23 =	vld [tilespmem:s17+$0xFFFFFFE0]  }
0x331: {  	v29 =	vmul.f32 v29, v29;
	v14 =	vsub.f32 v14, v21;
	v28 =	vmul.f32 v28, v28;
	v51 =	vld [tilespmem:s17+$0x60]  }
0x332: {  	v20 =	vmul.f32 v20, v20;
	v24 =	vmul.f32 v24, v24;
	v13 =	vsub.f32 v13, v22;
	v52 =	vld [tilespmem:s17+$0xFFFFFFF0]  }
0x333: {  	s16 =	simm.s32 $0x0;
	v19 =	vmul.f32 v19, v19;
	v21 =	vmul.f32 v21, v21;
	v39 =	vadd.f32 v44, v39;
	v53 =	vld [tilespmem:s17+$0x70]  }
0x334: {  	v22 =	vmul.f32 v22, v22;
	v27 =	vadd.f32 v27, v38;
	v32 =	vadd.f32 v32, v37;
	v54 =	vld [tilespmem:s16+$0x89E0]  }
0x335: {  	v15 =	vmul.f32 v15, v15;
	v25 =	vadd.f32 v26, v25;
	v30 =	vadd.f32 v30, v31;
	v55 =	vld [tilespmem:s16+$0x9660]  }
0x336: {  	v18 =	vmul.f32 v18, v18;
	v16 =	vadd.f32 v16, v17;
	v28 =	vadd.f32 v28, v29;
	v56 =	vld [tilespmem:s16+$0x89F0]  }
0x337: {  	v12 =	vmul.f32 v12, v12;
	v20 =	vadd.f32 v24, v20;
	v13 =	vadd.f32 v13, v14;
	v26 =	vld [tilespmem:s16+$0x9670]  }
0x338: {  	v21 =	vadd.f32 v22, v21;
	v15 =	vadd.f32 v15, v19;
	v22 =	vmul.f32 $4.500000000e+00, v39;
	v31 =	vld [tilespmem:s17+$0xFFFFFFC0]  }
0x339: {  	v12 =	vadd.f32 v12, v18;
	v32 =	vmul.f32 $4.500000000e+00, v32;
	v20 =	vmul.f32 $4.500000000e+00, v20;
	v17 =	vld [tilespmem:s17+$0x40]  }
0x33a: {  	v2 =	vadd.f32 v10, v2;
	v30 =	vmul.f32 $4.500000000e+00, v30;
	v21 =	vmul.f32 $4.500000000e+00, v21;
	v29 =	vld [tilespmem:s17+$0xFFFFFFD0]  }
0x33b: {  	v28 =	vmul.f32 $4.500000000e+00, v28;
	v15 =	vmul.f32 $4.500000000e+00, v15;
	v16 =	vadd.f32 v20, v16;
	v24 =	vld [tilespmem:s17+$0x50]  }
0x33c: {  	v12 =	vmul.f32 $4.500000000e+00, v12;
	v0 =	vadd.f32 v11, v0;
	v13 =	vadd.f32 v21, v13;
	v14 =	vld [tilespmem:s16+$0x89C0]  }
0x33d: {  	v22 =	vadd.f32 v22, v33;
	v15 =	vadd.f32 v15, v27;
	v16 =	vmul.f32 v16, v10;
	v57 =	vld [tilespmem:s16+$0x9640]  }
0x33e: {  	v2 =	vadd.f32 v8, v2;
	v12 =	vadd.f32 v12, v25;
	v13 =	vmul.f32 v13, v11;
	v19 =	vld [tilespmem:s16+$0x89D0]  }
0x33f: {  	v30 =	vadd.f32 v30, v41;
	v15 =	vmul.f32 v15, v8;
	v3 =	vadd.f32 v16, v3;
	v18 =	vld [tilespmem:s16+$0x9650]  }
0x340: {  	v28 =	vadd.f32 v28, v40;
	v10 =	vmul.f32 v12, v9;
	v1 =	vadd.f32 v13, v1;
	v20 =	vld [tilespmem:s17+$0xFFFFFFA0]  }
0x341: {  	v32 =	vadd.f32 v32, v34;
	v11 =	vmul.f32 v30, v7;
	v21 =	vld [tilespmem:s17+$0x20];
	v3 =	vadd.f32 v15, v3  }
0x342: {  	v0 =	vadd.f32 v9, v0;
	v8 =	vmul.f32 v28, v6;
	v27 =	vld [tilespmem:s17+$0xFFFFFFB0];
	v1 =	vadd.f32 v10, v1  }
0x343: {  	v2 =	vadd.f32 v7, v2;
	v9 =	vmul.f32 v22, v4;
	v25 =	vld [tilespmem:s17+$0x30];
	v3 =	vadd.f32 v11, v3  }
0x344: {  	v6 =	vadd.f32 v6, v0;
	v16 =	vld [tilespmem:s16+$0x89A0];
	v7 =	vadd.f32 v8, v1;
	v8 =	vmul.f32 v32, v5  }
0x345: {  	v12 =	vld [tilespmem:s16+$0x9620];
	v1 =	vadd.f32 v9, v3;
	v3 =	vadd.f32 v4, v2  }
0x346: {  	v13 =	vld [tilespmem:s16+$0x89B0];
	v0 =	vadd.f32 v8, v7;
	v2 =	vadd.f32 v5, v6  }
0x347: {  	v10 =	vld [tilespmem:s16+$0x9630];
	v6 =	vsub.f32 v54, v23;
	v8 =	vsub.f32 v55, v51  }
0x348: {  	v22 =	vsub.f32 v56, v52;
	v14 =	vsub.f32 v14, v31  }
0x349: {  	v15 =	vld [tilespmem:s17+$0x0];
	v26 =	vsub.f32 v26, v53;
	v17 =	vsub.f32 v57, v17  }
0x34a: {  	v28 =	vld [tilespmem:s16+$0x9610];
	v19 =	vsub.f32 v19, v29;
	v16 =	vsub.f32 v16, v20  }
0x34b: {  	v11 =	vld [tilespmem:s17+$0xFFFFFF80];
	v18 =	vsub.f32 v18, v24;
	v12 =	vsub.f32 v12, v21  }
0x34c: {  	v4 =	vld [tilespmem:s17+$0x10];
	v13 =	vsub.f32 v13, v27;
	v10 =	vsub.f32 v10, v25  }
0x34d: {  	v5 =	vld [tilespmem:s16+$0x8980];
	v8 =	vand.u32 $0x7FFFFFFF, v8;
	v58 =	vand.u32 $0x7FFFFFFF, v14;
	v21 =	vand.u32 $0x7FFFFFFF, v22  }
0x34e: {  	v7 =	vld [tilespmem:s16+$0x9600];
	v59 =	vand.u32 $0x7FFFFFFF, v26;
	v39 =	vand.u32 $0x7FFFFFFF, v17;
	v60 =	vand.u32 $0x7FFFFFFF, v19  }
0x34f: {  	v61 =	vand.u32 $0x7FFFFFFF, v18;
	v62 =	vand.u32 $0x7FFFFFFF, v16;
	v14 =	vand.u32 $0x7FFFFFFF, v12  }
0x350: {  	v24 =	vand.u32 $0x7FFFFFFF, v10;
	v63 =	vmin.f32 v8, $1.111111120e-01;
	v45 =	vmin.f32 v21, $1.111111120e-01  }
0x351: {  	v32 =	vmin.f32 v59, $1.111111120e-01;
	v30 =	vmin.f32 v58, $1.111111120e-01;
	v31 =	vmin.f32 v39, $1.111111120e-01  }
0x352: {  	v9 =	vld [tilespmem:s17+$0xFFFFFF90];
	v26 =	vmin.f32 v62, $1.111111120e-01;
	v25 =	vmin.f32 v14, $1.111111120e-01;
	v5 =	vsub.f32 v5, v11  }
0x353: {  	v23 =	vld [tilespmem:s16+$0x8990];
	v29 =	vmin.f32 v61, $1.111111120e-01;
	v7 =	vsub.f32 v7, v15;
	v4 =	vsub.f32 v28, v4  }
0x354: {  	v12 =	vmin.f32 v24, $1.111111120e-01;
	v35 =	vsub.f32 v8, v63;
	v34 =	vsub.f32 v21, v45  }
0x355: {  	v10 =	vld [tilespmem:s16+$0x7D00];
	v11 =	vand.u32 $0x7FFFFFFF, v6;
	v36 =	vsub.f32 v59, v32;
	v38 =	vsub.f32 v58, v30  }
0x356: {  	v28 =	vmin.f32 v60, $1.111111120e-01;
	v6 =	vld [tilespmem:s16+$0x7D50];
	v42 =	vsub.f32 v39, v31;
	v40 =	vsub.f32 v61, v29  }
0x357: {  	v8 =	vld [tilespmem:s16+$0x7D20];
	v39 =	vsub.f32 v62, v26;
	v44 =	vmul.f32 v63, v63;
	v43 =	vmul.f32 v45, v45  }
0x358: {  	v9 =	vsub.f32 v23, v9;
	v23 =	vand.u32 $0x7FFFFFFF, v13;
	v16 =	vand.u32 $0x7FFFFFFF, v4;
	v4 =	vld [tilespmem:s16+$0x7D60]  }
0x359: {  	v13 =	vmin.f32 v11, $1.111111120e-01;
	v37 =	vsub.f32 v60, v28;
	v17 =	vand.u32 $0x7FFFFFFF, v5;
	v5 =	vld [tilespmem:s16+$0x7D70]  }
0x35a: {  	v18 =	vand.u32 $0x7FFFFFFF, v7;
	v27 =	vmin.f32 v23, $1.111111120e-01;
	v7 =	vld [tilespmem:s16+$0x7D40];
	v33 =	vsub.f32 v11, v13  }
0x35b: {  	v41 =	vmul.f32 v13, v13;
	v11 =	vld [tilespmem:s16+$0x7D10];
	v15 =	vand.u32 $0x7FFFFFFF, v9;
	v19 =	vmin.f32 v17, $1.111111120e-01  }
0x35c: {  	s17 =	simm.s32 $0x200;
	v20 =	vmin.f32 v18, $1.111111120e-01;
	v21 =	vmin.f32 v16, $1.111111120e-01;
	v9 =	vld [tilespmem:s16+$0x7D30];
	s16 =	simm.s32 $0xA400;
	v22 =	vmin.f32 v15, $1.111111120e-01  }
.LBB2_16:
0x35d: {  	v13 =	vld [tilespmem:s16+$0xFFFFFFE0];
	p1 =	sne.s32 s17, $0x3000;
	v45 =	vsub.f32 v14, v25;
	v23 =	vsub.f32 v23, v27;
	v32 =	vmul.f32 v32, v32  }
0x35e: {  	v24 =	vsub.f32 v24, v12;
	v30 =	vmul.f32 v30, v30;
	v31 =	vmul.f32 v31, v31;
	v14 =	vld [tilespmem:s16+$0x60]  }
0x35f: {  	v17 =	vsub.f32 v17, v19;
	v18 =	vsub.f32 v18, v20;
	v28 =	vmul.f32 v28, v28;
	v46 =	vld [tilespmem:s16+$0xFFFFFFF0]  }
0x360: {  	s18 =	sshra.s32 s17, $0x2;
	v15 =	vsub.f32 v15, v22;
	v16 =	vsub.f32 v16, v21;
	v29 =	vmul.f32 v29, v29;
	v47 =	vld [tilespmem:s16+$0x70]  }
0x361: {  	v26 =	vmul.f32 v26, v26;
	v25 =	vmul.f32 v25, v25;
	v33 =	vadd.f32 v35, v33;
	v48 =	vld [tilespmem:s18+$0x89E0]  }
0x362: {  	v27 =	vmul.f32 v27, v27;
	v38 =	vadd.f32 v42, v38;
	v34 =	vadd.f32 v36, v34;
	v35 =	vld [tilespmem:s18+$0x9660]  }
0x363: {  	v19 =	vmul.f32 v19, v19;
	v37 =	vadd.f32 v40, v37;
	v40 =	vadd.f32 v44, v41;
	v36 =	vld [tilespmem:s18+$0x89F0]  }
0x364: {  	v20 =	vmul.f32 v20, v20;
	v39 =	vadd.f32 v45, v39;
	v32 =	vadd.f32 v32, v43;
	v41 =	vld [tilespmem:s18+$0x9670]  }
0x365: {  	v22 =	vmul.f32 v22, v22;
	v23 =	vadd.f32 v24, v23;
	v24 =	vadd.f32 v31, v30;
	v42 =	vld [tilespmem:s16+$0xFFFFFFC0]  }
0x366: {  	v17 =	vadd.f32 v18, v17;
	v18 =	vmul.f32 v21, v21;
	v21 =	vadd.f32 v29, v28;
	v30 =	vld [tilespmem:s16+$0x40]  }
0x367: {  	v12 =	vmul.f32 v12, v12;
	v19 =	vadd.f32 v20, v19;
	v15 =	vadd.f32 v16, v15;
	v28 =	vld [tilespmem:s16+$0xFFFFFFD0]  }
0x368: {  	v20 =	vmul.f32 $4.500000000e+00, v40;
	v18 =	vadd.f32 v18, v22;
	v22 =	vmul.f32 $4.500000000e+00, v32;
	v16 =	vld [tilespmem:s16+$0x50]  }
0x369: {  	v25 =	vadd.f32 v25, v26;
	v19 =	vmul.f32 $4.500000000e+00, v19;
	v24 =	vmul.f32 $4.500000000e+00, v24;
	v29 =	vld [tilespmem:s18+$0x89C0]  }
0x36a: {  	v12 =	vadd.f32 v12, v27;
	v21 =	vmul.f32 $4.500000000e+00, v21;
	v18 =	vmul.f32 $4.500000000e+00, v18;
	v26 =	vld [tilespmem:s18+$0x9640]  }
0x36b: {  	v20 =	vadd.f32 v20, v33;
	v17 =	vadd.f32 v19, v17;
	v19 =	vmul.f32 $4.500000000e+00, v25;
	v27 =	vld [tilespmem:s18+$0x89D0]  }
0x36c: {  	v12 =	vmul.f32 $4.500000000e+00, v12;
	v15 =	vadd.f32 v18, v15;
	v18 =	vadd.f32 v22, v34;
	v25 =	vld [tilespmem:s18+$0x9650]  }
0x36d: {  	v24 =	vadd.f32 v24, v38;
	v17 =	vmul.f32 v17, v10;
	v19 =	vadd.f32 v19, v39;
	v22 =	vld [tilespmem:s16+$0xFFFFFFA0]  }
0x36e: {  	v12 =	vadd.f32 v12, v23;
	v21 =	vadd.f32 v21, v37;
	v15 =	vmul.f32 v15, v11;
	v31 =	vld [tilespmem:s16+$0x20]  }
0x36f: {  	v3 =	vadd.f32 v10, v3;
	v1 =	vadd.f32 v17, v1;
	v10 =	vmul.f32 v19, v8;
	v23 =	vld [tilespmem:s16+$0xFFFFFFB0]  }
0x370: {  	v2 =	vadd.f32 v11, v2;
	v11 =	vmul.f32 v12, v9;
	v0 =	vadd.f32 v15, v0;
	v17 =	vld [tilespmem:s16+$0x30]  }
0x371: {  	v3 =	vadd.f32 v8, v3;
	v8 =	vmul.f32 v24, v7;
	v1 =	vadd.f32 v10, v1;
	v12 =	vld [tilespmem:s18+$0x89A0]  }
0x372: {  	v2 =	vadd.f32 v9, v2;
	v9 =	vmul.f32 v21, v6;
	v0 =	vadd.f32 v11, v0;
	v10 =	vld [tilespmem:s18+$0x9620]  }
0x373: {  	v3 =	vadd.f32 v7, v3;
	v7 =	vmul.f32 v20, v4;
	v1 =	vadd.f32 v8, v1;
	v11 =	vld [tilespmem:s18+$0x89B0]  }
0x374: {  	v2 =	vadd.f32 v6, v2;
	v6 =	vmul.f32 v18, v5;
	v0 =	vadd.f32 v9, v0;
	v8 =	vld [tilespmem:s18+$0x9630]  }
0x375: {  	v3 =	vadd.f32 v4, v3;
	v1 =	vadd.f32 v7, v1;
	v9 =	vld [tilespmem:s16+$0xFFFFFF80]  }
0x376: {  	v2 =	vadd.f32 v5, v2;
	v0 =	vadd.f32 v6, v0;
	v4 =	vld [tilespmem:s16+$0x0]  }
0x377: {  	v5 =	vld [tilespmem:s16+$0xFFFFFF90]  }
0x378: {  	v6 =	vld [tilespmem:s16+$0x10]  }
0x379: {  	v13 =	vsub.f32 v48, v13;
	v7 =	vld [tilespmem:s18+$0x8980]  }
0x37a: {  	v14 =	vsub.f32 v35, v14;
	v18 =	vsub.f32 v36, v46;
	v15 =	vld [tilespmem:s18+$0x9600]  }
0x37b: {  	v21 =	vsub.f32 v41, v47;
	v20 =	vsub.f32 v29, v42;
	v19 =	vld [tilespmem:s18+$0x8990]  }
0x37c: {  	v26 =	vsub.f32 v26, v30;
	v27 =	vsub.f32 v27, v28;
	v24 =	vld [tilespmem:s18+$0x9610]  }
0x37d: {  	v16 =	vsub.f32 v25, v16;
	v12 =	vsub.f32 v12, v22  }
0x37e: {  	v10 =	vsub.f32 v10, v31;
	v11 =	vsub.f32 v11, v23  }
0x37f: {  	v8 =	vsub.f32 v8, v17;
	v7 =	vsub.f32 v7, v9  }
0x380: {  	v4 =	vsub.f32 v15, v4;
	v5 =	vsub.f32 v19, v5  }
0x381: {  	v9 =	vand.u32 $0x7FFFFFFF, v13;
	v13 =	vand.u32 $0x7FFFFFFF, v14;
	v6 =	vsub.f32 v24, v6  }
0x382: {  	v34 =	vand.u32 $0x7FFFFFFF, v18;
	v21 =	vand.u32 $0x7FFFFFFF, v21;
	v37 =	vand.u32 $0x7FFFFFFF, v20  }
0x383: {  	v39 =	vand.u32 $0x7FFFFFFF, v26;
	v40 =	vand.u32 $0x7FFFFFFF, v27;
	v41 =	vand.u32 $0x7FFFFFFF, v16  }
0x384: {  	v43 =	vand.u32 $0x7FFFFFFF, v12;
	v23 =	vand.u32 $0x7FFFFFFF, v11;
	v14 =	vand.u32 $0x7FFFFFFF, v10  }
0x385: {  	v17 =	vand.u32 $0x7FFFFFFF, v7;
	v18 =	vand.u32 $0x7FFFFFFF, v4;
	v24 =	vand.u32 $0x7FFFFFFF, v8  }
0x386: {  	v11 =	vmin.f32 v9, $1.111111120e-01;
	v15 =	vand.u32 $0x7FFFFFFF, v5;
	v16 =	vand.u32 $0x7FFFFFFF, v6  }
0x387: {  	v45 =	vmin.f32 v34, $1.111111120e-01;
	v32 =	vmin.f32 v21, $1.111111120e-01;
	v44 =	vmin.f32 v13, $1.111111120e-01  }
0x388: {  	v30 =	vmin.f32 v37, $1.111111120e-01;
	v28 =	vmin.f32 v40, $1.111111120e-01;
	v31 =	vmin.f32 v39, $1.111111120e-01;
	v4 =	vld [tilespmem:s18+$0x7D60]  }
0x389: {  	v29 =	vmin.f32 v41, $1.111111120e-01;
	v26 =	vmin.f32 v43, $1.111111120e-01;
	v25 =	vmin.f32 v14, $1.111111120e-01;
	v5 =	vld [tilespmem:s18+$0x7D70]  }
0x38a: {  	v27 =	vmin.f32 v23, $1.111111120e-01;
	v19 =	vmin.f32 v17, $1.111111120e-01;
	v12 =	vmin.f32 v24, $1.111111120e-01;
	v7 =	vld [tilespmem:s18+$0x7D40]  }
.Ltmp9:
0x38b: {  	v33 =	vsub.f32 v9, v11;
	v35 =	vsub.f32 v13, v44;
	v20 =	vmin.f32 v18, $1.111111120e-01;
	v6 =	vld [tilespmem:s18+$0x7D50];
	(pc) =	sbr.rel @p1 .LBB2_16-.Ltmp9, $4  }
0x38c: {  	v34 =	vsub.f32 v34, v45;
	v36 =	vsub.f32 v21, v32;
	v22 =	vmin.f32 v15, $1.111111120e-01;
	v8 =	vld [tilespmem:s18+$0x7D20]  }
0x38d: {  	v38 =	vsub.f32 v37, v30;
	v42 =	vsub.f32 v39, v31;
	v21 =	vmin.f32 v16, $1.111111120e-01;
	v9 =	vld [tilespmem:s18+$0x7D30]  }
0x38e: {  	v37 =	vsub.f32 v40, v28;
	v40 =	vsub.f32 v41, v29;
	v41 =	vmul.f32 v11, v11;
	v10 =	vld [tilespmem:s18+$0x7D00]  }
0x38f: {  	s17 =	sadd.s32 $0x200, s17;
	s16 =	sadd.s32 $0x100, s16;
	v39 =	vsub.f32 v43, v26;
	v43 =	vmul.f32 v45, v45;
	v44 =	vmul.f32 v44, v44;
	v11 =	vld [tilespmem:s18+$0x7D10]  }
0x390: {  	v13 =	vsub.f32 v14, v25;
	v57 =	vsub.f32 v23, v27;
	v58 =	vmul.f32 v32, v32  }
0x391: {  	v24 =	vsub.f32 v24, v12;
	v30 =	vmul.f32 v30, v30;
	v31 =	vmul.f32 v31, v31  }
0x392: {  	v17 =	vsub.f32 v17, v19;
	v18 =	vsub.f32 v18, v20;
	v28 =	vmul.f32 v28, v28  }
0x393: {  	v15 =	vsub.f32 v15, v22;
	v16 =	vsub.f32 v16, v21;
	v29 =	vmul.f32 v29, v29  }
0x394: {  	v26 =	vmul.f32 v26, v26;
	v59 =	vmul.f32 v25, v25;
	v60 =	vadd.f32 v35, v33  }
0x395: {  	v61 =	vmul.f32 v27, v27;
	v62 =	vadd.f32 v42, v38;
	v34 =	vadd.f32 v36, v34  }
0x396: {  	v63 =	vmul.f32 v19, v19;
	v40 =	vadd.f32 v40, v37;
	v41 =	vadd.f32 v44, v41  }
0x397: {  	v42 =	vmul.f32 v20, v20;
	v13 =	vadd.f32 v13, v39;
	v23 =	vadd.f32 v58, v43  }
0x398: {  	v45 =	vmul.f32 v21, v21;
	v14 =	vadd.f32 v24, v57;
	v44 =	vadd.f32 v31, v30  }
0x399: {  	v43 =	vmul.f32 v22, v22;
	v17 =	vadd.f32 v18, v17;
	v46 =	vadd.f32 v29, v28  }
0x39a: {  	v47 =	vmul.f32 v12, v12;
	v19 =	vadd.f32 v42, v63;
	v15 =	vadd.f32 v16, v15  }
0x39b: {  	v51 =	vadd.f32 v59, v26;
	v48 =	vadd.f32 v45, v43  }
0x39c: {  	v12 =	vadd.f32 v47, v61;
	v49 =	vmul.f32 $4.500000000e+00, v41;
	v50 =	vmul.f32 $4.500000000e+00, v23  }
0x39d: {  	v3 =	vadd.f32 v10, v3;
	v19 =	vmul.f32 $4.500000000e+00, v19;
	v16 =	vmul.f32 $4.500000000e+00, v48  }
0x39e: {  	v52 =	vmul.f32 $4.500000000e+00, v44;
	v53 =	vmul.f32 $4.500000000e+00, v51;
	v2 =	vadd.f32 v11, v2  }
0x39f: {  	v12 =	vmul.f32 $4.500000000e+00, v12;
	v17 =	vadd.f32 v19, v17;
	v15 =	vadd.f32 v16, v15  }
0x3a0: {  	v21 =	vmul.f32 $4.500000000e+00, v46;
	v18 =	vadd.f32 v49, v60;
	v13 =	vadd.f32 v53, v13  }
0x3a1: {  	v12 =	vadd.f32 v12, v14;
	v17 =	vmul.f32 v17, v10;
	v15 =	vmul.f32 v15, v11  }
0x3a2: {  	v55 =	vadd.f32 v52, v62;
	v56 =	vadd.f32 v21, v40;
	v57 =	vmul.f32 v13, v8  }
0x3a3: {  	v58 =	vmul.f32 v12, v9;
	v1 =	vadd.f32 v17, v1;
	v0 =	vadd.f32 v15, v0  }
0x3a4: {  	v54 =	vadd.f32 v50, v34;
	v2 =	vadd.f32 v9, v2;
	v59 =	vmul.f32 v55, v7  }
0x3a5: {  	v60 =	vmul.f32 v56, v6;
	v1 =	vadd.f32 v57, v1;
	v0 =	vadd.f32 v58, v0  }
.Ltmp10:
0x3a6: {  	v3 =	vadd.f32 v8, v3;
	v61 =	vmul.f32 v18, v4;
	v63 =	vadd.f32 v6, v2;
	(pc) =	sbr.rel @p0 .LBB2_21-.Ltmp10, $4  }
0x3a7: {  	v2 =	vmul.f32 v54, v5;
	v1 =	vadd.f32 v59, v1;
	v62 =	vadd.f32 v60, v0  }
0x3a8: {  	v3 =	vadd.f32 v7, v3  }
0x3a9: {  	v0 =	vadd.f32 v61, v1;
	v2 =	vadd.f32 v2, v62  }
0x3aa: {  	v1 =	vadd.f32 v4, v3;
	v3 =	vadd.f32 v5, v63  }
0x3ab: {  	_ =	swait.ge [sflag:s13], $0xC80  }
0x3ac: {  	[sflag:s13] =	ssyncset.done $0x0  }
0x3ad: {  	[sflag:s13] =	ssyncadd.s32 $0xFFFFF380  }
0x3ae: {  	_ =	swait.ge [sflag:s13], $0xC80  }
0x3af: {  	[sflag:s13] =	ssyncset.done $0x0  }
0x3b0: {  	[sflag:s13] =	ssyncadd.s32 $0xFFFFF380  }
0x3b1: {  	_ =	swait.ge [sflag:s13], $0xC80  }
0x3b2: {  	[sflag:s13] =	ssyncset.done $0x0  }
0x3b3: {  	[sflag:s13] =	ssyncadd.s32 $0xFFFFF380  }
0x3b4: {  	_ =	swait.ge [sflag:s13], $0x1900  }
0x3b5: {  	[sflag:s13] =	ssyncset.done $0x0  }
0x3b6: {  	s17 =	simm.s32 $0xE180;
	[sflag:s13] =	ssyncadd.s32 $0xFFFFE700  }
0x3b7: {  	v4 =	vld [tilespmem:s17+$0xFFFFFFE0]  }
0x3b8: {  	v5 =	vld [tilespmem:s17+$0x60]  }
0x3b9: {  	v6 =	vld [tilespmem:s17+$0xFFFFFFF0]  }
0x3ba: {  	s16 =	simm.s32 $0x0;
	v7 =	vld [tilespmem:s17+$0x70]  }
0x3bb: {  	v8 =	vld [tilespmem:s16+$0xC860]  }
0x3bc: {  	v9 =	vld [tilespmem:s16+$0xD4E0]  }
0x3bd: {  	v10 =	vld [tilespmem:s16+$0xC870]  }
0x3be: {  	v11 =	vld [tilespmem:s16+$0xD4F0]  }
0x3bf: {  	v12 =	vld [tilespmem:s17+$0xFFFFFFC0]  }
0x3c0: {  	v13 =	vld [tilespmem:s17+$0x40]  }
0x3c1: {  	v14 =	vld [tilespmem:s17+$0xFFFFFFD0]  }
0x3c2: {  	v15 =	vld [tilespmem:s17+$0x50]  }
0x3c3: {  	v16 =	vld [tilespmem:s16+$0xC840]  }
0x3c4: {  	v17 =	vld [tilespmem:s16+$0xD4C0]  }
0x3c5: {  	v18 =	vld [tilespmem:s16+$0xC850]  }
0x3c6: {  	v19 =	vld [tilespmem:s16+$0xD4D0]  }
0x3c7: {  	v20 =	vld [tilespmem:s17+$0xFFFFFFA0]  }
0x3c8: {  	v21 =	vld [tilespmem:s17+$0x20]  }
0x3c9: {  	v22 =	vld [tilespmem:s17+$0xFFFFFFB0]  }
0x3ca: {  	v23 =	vld [tilespmem:s17+$0x30]  }
0x3cb: {  	v24 =	vld [tilespmem:s16+$0xC820]  }
0x3cc: {  	v25 =	vld [tilespmem:s16+$0xD4A0]  }
0x3cd: {  	v26 =	vld [tilespmem:s16+$0xC830]  }
0x3ce: {  	v28 =	vld [tilespmem:s17+$0xFFFFFF80]  }
0x3cf: {  	v32 =	vld [tilespmem:s16+$0xC800];
	v4 =	vsub.f32 v8, v4;
	v5 =	vsub.f32 v9, v5  }
0x3d0: {  	v27 =	vld [tilespmem:s16+$0xD4B0];
	v6 =	vsub.f32 v10, v6;
	v10 =	vsub.f32 v16, v12  }
0x3d1: {  	v7 =	vsub.f32 v11, v7;
	v12 =	vsub.f32 v17, v13  }
0x3d2: {  	v13 =	vsub.f32 v18, v14;
	v14 =	vsub.f32 v24, v20  }
0x3d3: {  	v15 =	vsub.f32 v19, v15;
	v16 =	vsub.f32 v25, v21  }
0x3d4: {  	v17 =	vsub.f32 v26, v22;
	v18 =	vsub.f32 v32, v28  }
0x3d5: {  	v29 =	vld [tilespmem:s17+$0x0];
	v19 =	vsub.f32 v27, v23;
	v21 =	vand.u32 $0x7FFFFFFF, v4;
	v22 =	vand.u32 $0x7FFFFFFF, v5  }
0x3d6: {  	v30 =	vld [tilespmem:s17+$0xFFFFFF90];
	v10 =	vand.u32 $0x7FFFFFFF, v10;
	v34 =	vand.u32 $0x7FFFFFFF, v6;
	v36 =	vand.u32 $0x7FFFFFFF, v7  }
0x3d7: {  	v31 =	vld [tilespmem:s17+$0x10];
	v37 =	vand.u32 $0x7FFFFFFF, v12;
	v13 =	vand.u32 $0x7FFFFFFF, v13;
	v39 =	vand.u32 $0x7FFFFFFF, v15  }
0x3d8: {  	v8 =	vld [tilespmem:s16+$0xD480];
	v43 =	vand.u32 $0x7FFFFFFF, v14;
	v14 =	vand.u32 $0x7FFFFFFF, v16;
	v23 =	vand.u32 $0x7FFFFFFF, v17  }
0x3d9: {  	v9 =	vld [tilespmem:s16+$0xC810];
	v17 =	vand.u32 $0x7FFFFFFF, v18;
	v24 =	vand.u32 $0x7FFFFFFF, v19;
	v44 =	vmin.f32 v22, $1.111111120e-01  }
0x3da: {  	v11 =	vld [tilespmem:s16+$0xD490];
	v45 =	vmin.f32 v34, $1.111111120e-01;
	v32 =	vmin.f32 v36, $1.111111120e-01;
	v28 =	vmin.f32 v13, $1.111111120e-01  }
0x3db: {  	v26 =	vmin.f32 v43, $1.111111120e-01;
	v25 =	vmin.f32 v14, $1.111111120e-01;
	v19 =	vmin.f32 v17, $1.111111120e-01  }
0x3dc: {  	v27 =	vmin.f32 v23, $1.111111120e-01;
	v12 =	vmin.f32 v24, $1.111111120e-01;
	v35 =	vsub.f32 v22, v44  }
0x3dd: {  	v4 =	vld [tilespmem:s16+$0xBBE0];
	v34 =	vsub.f32 v34, v45;
	v36 =	vsub.f32 v36, v32;
	v44 =	vmul.f32 v44, v44  }
0x3de: {  	v5 =	vld [tilespmem:s16+$0xBBF0];
	v8 =	vsub.f32 v8, v29;
	v9 =	vsub.f32 v9, v30;
	v30 =	vmin.f32 v10, $1.111111120e-01  }
0x3df: {  	v7 =	vld [tilespmem:s16+$0xBBC0];
	v11 =	vsub.f32 v11, v31;
	v31 =	vmin.f32 v37, $1.111111120e-01;
	v38 =	vsub.f32 v10, v30  }
0x3e0: {  	v6 =	vld [tilespmem:s16+$0xBBD0];
	v29 =	vmin.f32 v39, $1.111111120e-01;
	v42 =	vsub.f32 v37, v31;
	v37 =	vsub.f32 v13, v28  }
0x3e1: {  	v10 =	vld [tilespmem:s16+$0xBB80];
	v40 =	vsub.f32 v39, v29;
	v39 =	vsub.f32 v43, v26;
	v43 =	vmul.f32 v45, v45  }
0x3e2: {  	v18 =	vand.u32 $0x7FFFFFFF, v8;
	v16 =	vand.u32 $0x7FFFFFFF, v11;
	v11 =	vmin.f32 v21, $1.111111120e-01;
	v8 =	vld [tilespmem:s16+$0xBBA0]  }
0x3e3: {  	v15 =	vand.u32 $0x7FFFFFFF, v9;
	v9 =	vld [tilespmem:s16+$0xBBB0];
	v20 =	vmin.f32 v18, $1.111111120e-01;
	v33 =	vsub.f32 v21, v11  }
0x3e4: {  	s17 =	simm.s32 $0x200;
	v22 =	vmin.f32 v15, $1.111111120e-01;
	v21 =	vmin.f32 v16, $1.111111120e-01;
	v41 =	vmul.f32 v11, v11;
	v11 =	vld [tilespmem:s16+$0xBB90];
	s16 =	simm.s32 $0xE280  }
.LBB2_19:
0x3e5: {  	v13 =	vld [tilespmem:s16+$0xFFFFFFE0];
	p1 =	sne.s32 s17, $0x3000;
	v45 =	vsub.f32 v14, v25;
	v23 =	vsub.f32 v23, v27;
	v32 =	vmul.f32 v32, v32  }
0x3e6: {  	v24 =	vsub.f32 v24, v12;
	v30 =	vmul.f32 v30, v30;
	v31 =	vmul.f32 v31, v31;
	v14 =	vld [tilespmem:s16+$0x60]  }
0x3e7: {  	v17 =	vsub.f32 v17, v19;
	v18 =	vsub.f32 v18, v20;
	v28 =	vmul.f32 v28, v28;
	v46 =	vld [tilespmem:s16+$0xFFFFFFF0]  }
0x3e8: {  	s18 =	sshra.s32 s17, $0x2;
	v15 =	vsub.f32 v15, v22;
	v16 =	vsub.f32 v16, v21;
	v29 =	vmul.f32 v29, v29;
	v47 =	vld [tilespmem:s16+$0x70]  }
0x3e9: {  	v26 =	vmul.f32 v26, v26;
	v25 =	vmul.f32 v25, v25;
	v33 =	vadd.f32 v35, v33;
	v48 =	vld [tilespmem:s18+$0xC860]  }
0x3ea: {  	v27 =	vmul.f32 v27, v27;
	v38 =	vadd.f32 v42, v38;
	v34 =	vadd.f32 v36, v34;
	v35 =	vld [tilespmem:s18+$0xD4E0]  }
0x3eb: {  	v19 =	vmul.f32 v19, v19;
	v37 =	vadd.f32 v40, v37;
	v40 =	vadd.f32 v44, v41;
	v36 =	vld [tilespmem:s18+$0xC870]  }
0x3ec: {  	v20 =	vmul.f32 v20, v20;
	v39 =	vadd.f32 v45, v39;
	v32 =	vadd.f32 v32, v43;
	v41 =	vld [tilespmem:s18+$0xD4F0]  }
0x3ed: {  	v22 =	vmul.f32 v22, v22;
	v23 =	vadd.f32 v24, v23;
	v24 =	vadd.f32 v31, v30;
	v42 =	vld [tilespmem:s16+$0xFFFFFFC0]  }
0x3ee: {  	v17 =	vadd.f32 v18, v17;
	v18 =	vmul.f32 v21, v21;
	v21 =	vadd.f32 v29, v28;
	v30 =	vld [tilespmem:s16+$0x40]  }
0x3ef: {  	v12 =	vmul.f32 v12, v12;
	v19 =	vadd.f32 v20, v19;
	v15 =	vadd.f32 v16, v15;
	v28 =	vld [tilespmem:s16+$0xFFFFFFD0]  }
0x3f0: {  	v20 =	vmul.f32 $4.500000000e+00, v40;
	v18 =	vadd.f32 v18, v22;
	v22 =	vmul.f32 $4.500000000e+00, v32;
	v16 =	vld [tilespmem:s16+$0x50]  }
0x3f1: {  	v25 =	vadd.f32 v25, v26;
	v19 =	vmul.f32 $4.500000000e+00, v19;
	v24 =	vmul.f32 $4.500000000e+00, v24;
	v29 =	vld [tilespmem:s18+$0xC840]  }
0x3f2: {  	v12 =	vadd.f32 v12, v27;
	v21 =	vmul.f32 $4.500000000e+00, v21;
	v18 =	vmul.f32 $4.500000000e+00, v18;
	v26 =	vld [tilespmem:s18+$0xD4C0]  }
0x3f3: {  	v20 =	vadd.f32 v20, v33;
	v17 =	vadd.f32 v19, v17;
	v19 =	vmul.f32 $4.500000000e+00, v25;
	v27 =	vld [tilespmem:s18+$0xC850]  }
0x3f4: {  	v12 =	vmul.f32 $4.500000000e+00, v12;
	v15 =	vadd.f32 v18, v15;
	v18 =	vadd.f32 v22, v34;
	v25 =	vld [tilespmem:s18+$0xD4D0]  }
0x3f5: {  	v24 =	vadd.f32 v24, v38;
	v17 =	vmul.f32 v17, v10;
	v19 =	vadd.f32 v19, v39;
	v22 =	vld [tilespmem:s16+$0xFFFFFFA0]  }
0x3f6: {  	v12 =	vadd.f32 v12, v23;
	v21 =	vadd.f32 v21, v37;
	v15 =	vmul.f32 v15, v11;
	v31 =	vld [tilespmem:s16+$0x20]  }
0x3f7: {  	v1 =	vadd.f32 v10, v1;
	v0 =	vadd.f32 v17, v0;
	v10 =	vmul.f32 v19, v8;
	v23 =	vld [tilespmem:s16+$0xFFFFFFB0]  }
0x3f8: {  	v3 =	vadd.f32 v11, v3;
	v11 =	vmul.f32 v12, v9;
	v2 =	vadd.f32 v15, v2;
	v17 =	vld [tilespmem:s16+$0x30]  }
0x3f9: {  	v1 =	vadd.f32 v8, v1;
	v8 =	vmul.f32 v24, v7;
	v0 =	vadd.f32 v10, v0;
	v12 =	vld [tilespmem:s18+$0xC820]  }
0x3fa: {  	v3 =	vadd.f32 v9, v3;
	v9 =	vmul.f32 v21, v6;
	v2 =	vadd.f32 v11, v2;
	v10 =	vld [tilespmem:s18+$0xD4A0]  }
0x3fb: {  	v1 =	vadd.f32 v7, v1;
	v7 =	vmul.f32 v20, v4;
	v0 =	vadd.f32 v8, v0;
	v11 =	vld [tilespmem:s18+$0xC830]  }
0x3fc: {  	v3 =	vadd.f32 v6, v3;
	v6 =	vmul.f32 v18, v5;
	v2 =	vadd.f32 v9, v2;
	v8 =	vld [tilespmem:s18+$0xD4B0]  }
0x3fd: {  	v1 =	vadd.f32 v4, v1;
	v0 =	vadd.f32 v7, v0;
	v9 =	vld [tilespmem:s16+$0xFFFFFF80]  }
0x3fe: {  	v3 =	vadd.f32 v5, v3;
	v2 =	vadd.f32 v6, v2;
	v4 =	vld [tilespmem:s16+$0x0]  }
0x3ff: {  	v5 =	vld [tilespmem:s16+$0xFFFFFF90]  }
0x400: {  	v6 =	vld [tilespmem:s16+$0x10]  }
0x401: {  	v13 =	vsub.f32 v48, v13;
	v7 =	vld [tilespmem:s18+$0xC800]  }
0x402: {  	v14 =	vsub.f32 v35, v14;
	v18 =	vsub.f32 v36, v46;
	v15 =	vld [tilespmem:s18+$0xD480]  }
0x403: {  	v21 =	vsub.f32 v41, v47;
	v20 =	vsub.f32 v29, v42;
	v19 =	vld [tilespmem:s18+$0xC810]  }
0x404: {  	v26 =	vsub.f32 v26, v30;
	v27 =	vsub.f32 v27, v28;
	v24 =	vld [tilespmem:s18+$0xD490]  }
0x405: {  	v16 =	vsub.f32 v25, v16;
	v12 =	vsub.f32 v12, v22  }
0x406: {  	v10 =	vsub.f32 v10, v31;
	v11 =	vsub.f32 v11, v23  }
0x407: {  	v8 =	vsub.f32 v8, v17;
	v7 =	vsub.f32 v7, v9  }
0x408: {  	v4 =	vsub.f32 v15, v4;
	v5 =	vsub.f32 v19, v5  }
0x409: {  	v9 =	vand.u32 $0x7FFFFFFF, v13;
	v13 =	vand.u32 $0x7FFFFFFF, v14;
	v6 =	vsub.f32 v24, v6  }
0x40a: {  	v34 =	vand.u32 $0x7FFFFFFF, v18;
	v21 =	vand.u32 $0x7FFFFFFF, v21;
	v37 =	vand.u32 $0x7FFFFFFF, v20  }
0x40b: {  	v39 =	vand.u32 $0x7FFFFFFF, v26;
	v40 =	vand.u32 $0x7FFFFFFF, v27;
	v41 =	vand.u32 $0x7FFFFFFF, v16  }
0x40c: {  	v43 =	vand.u32 $0x7FFFFFFF, v12;
	v23 =	vand.u32 $0x7FFFFFFF, v11;
	v14 =	vand.u32 $0x7FFFFFFF, v10  }
0x40d: {  	v17 =	vand.u32 $0x7FFFFFFF, v7;
	v18 =	vand.u32 $0x7FFFFFFF, v4;
	v24 =	vand.u32 $0x7FFFFFFF, v8  }
0x40e: {  	v11 =	vmin.f32 v9, $1.111111120e-01;
	v15 =	vand.u32 $0x7FFFFFFF, v5;
	v16 =	vand.u32 $0x7FFFFFFF, v6  }
0x40f: {  	v45 =	vmin.f32 v34, $1.111111120e-01;
	v32 =	vmin.f32 v21, $1.111111120e-01;
	v44 =	vmin.f32 v13, $1.111111120e-01  }
0x410: {  	v30 =	vmin.f32 v37, $1.111111120e-01;
	v28 =	vmin.f32 v40, $1.111111120e-01;
	v31 =	vmin.f32 v39, $1.111111120e-01;
	v4 =	vld [tilespmem:s18+$0xBBE0]  }
0x411: {  	v29 =	vmin.f32 v41, $1.111111120e-01;
	v26 =	vmin.f32 v43, $1.111111120e-01;
	v25 =	vmin.f32 v14, $1.111111120e-01;
	v5 =	vld [tilespmem:s18+$0xBBF0]  }
0x412: {  	v27 =	vmin.f32 v23, $1.111111120e-01;
	v19 =	vmin.f32 v17, $1.111111120e-01;
	v12 =	vmin.f32 v24, $1.111111120e-01;
	v7 =	vld [tilespmem:s18+$0xBBC0]  }
.Ltmp11:
0x413: {  	v33 =	vsub.f32 v9, v11;
	v35 =	vsub.f32 v13, v44;
	v20 =	vmin.f32 v18, $1.111111120e-01;
	v6 =	vld [tilespmem:s18+$0xBBD0];
	(pc) =	sbr.rel @p1 .LBB2_19-.Ltmp11, $4  }
0x414: {  	v34 =	vsub.f32 v34, v45;
	v36 =	vsub.f32 v21, v32;
	v22 =	vmin.f32 v15, $1.111111120e-01;
	v8 =	vld [tilespmem:s18+$0xBBA0]  }
0x415: {  	v38 =	vsub.f32 v37, v30;
	v42 =	vsub.f32 v39, v31;
	v21 =	vmin.f32 v16, $1.111111120e-01;
	v9 =	vld [tilespmem:s18+$0xBBB0]  }
0x416: {  	v37 =	vsub.f32 v40, v28;
	v40 =	vsub.f32 v41, v29;
	v41 =	vmul.f32 v11, v11;
	v10 =	vld [tilespmem:s18+$0xBB80]  }
0x417: {  	s17 =	sadd.s32 $0x200, s17;
	s16 =	sadd.s32 $0x100, s16;
	v39 =	vsub.f32 v43, v26;
	v43 =	vmul.f32 v45, v45;
	v44 =	vmul.f32 v44, v44;
	v11 =	vld [tilespmem:s18+$0xBB90]  }
0x418: {  	v13 =	vsub.f32 v14, v25  }
0x419: {  	v57 =	vsub.f32 v23, v27;
	v58 =	vmul.f32 v32, v32;
	v24 =	vsub.f32 v24, v12  }
0x41a: {  	v30 =	vmul.f32 v30, v30;
	v31 =	vmul.f32 v31, v31;
	v17 =	vsub.f32 v17, v19  }
0x41b: {  	v18 =	vsub.f32 v18, v20;
	v28 =	vmul.f32 v28, v28;
	v15 =	vsub.f32 v15, v22  }
0x41c: {  	v16 =	vsub.f32 v16, v21;
	v29 =	vmul.f32 v29, v29;
	v26 =	vmul.f32 v26, v26  }
0x41d: {  	v59 =	vmul.f32 v25, v25;
	v60 =	vadd.f32 v35, v33;
	v62 =	vadd.f32 v42, v38  }
0x41e: {  	v34 =	vadd.f32 v36, v34;
	v63 =	vmul.f32 v19, v19;
	v40 =	vadd.f32 v40, v37  }
0x41f: {  	v42 =	vmul.f32 v20, v20;
	v41 =	vadd.f32 v44, v41;
	v13 =	vadd.f32 v13, v39  }
0x420: {  	v46 =	vmul.f32 v21, v21;
	v23 =	vadd.f32 v58, v43;
	v14 =	vadd.f32 v24, v57  }
0x421: {  	v44 =	vmul.f32 v22, v22;
	v45 =	vadd.f32 v31, v30;
	v17 =	vadd.f32 v18, v17  }
0x422: {  	v61 =	vmul.f32 v27, v27;
	v47 =	vadd.f32 v29, v28;
	v19 =	vadd.f32 v42, v63  }
0x423: {  	v48 =	vmul.f32 v12, v12;
	v15 =	vadd.f32 v16, v15;
	v49 =	vadd.f32 v46, v44  }
0x424: {  	v52 =	vadd.f32 v59, v26;
	v50 =	vmul.f32 $4.500000000e+00, v41;
	v51 =	vmul.f32 $4.500000000e+00, v23  }
0x425: {  	v12 =	vadd.f32 v48, v61;
	v19 =	vmul.f32 $4.500000000e+00, v19;
	v16 =	vmul.f32 $4.500000000e+00, v49  }
0x426: {  	v1 =	vadd.f32 v10, v1;
	v53 =	vmul.f32 $4.500000000e+00, v45;
	v54 =	vmul.f32 $4.500000000e+00, v52  }
0x427: {  	v12 =	vmul.f32 $4.500000000e+00, v12;
	v17 =	vadd.f32 v19, v17;
	v15 =	vadd.f32 v16, v15  }
0x428: {  	v21 =	vmul.f32 $4.500000000e+00, v47;
	v3 =	vadd.f32 v11, v3;
	v13 =	vadd.f32 v54, v13  }
0x429: {  	v12 =	vadd.f32 v12, v14;
	v17 =	vmul.f32 v17, v10;
	v15 =	vmul.f32 v15, v11  }
0x42a: {  	v56 =	vadd.f32 v53, v62;
	v57 =	vadd.f32 v21, v40;
	v58 =	vmul.f32 v13, v8  }
0x42b: {  	v59 =	vmul.f32 v12, v9;
	v0 =	vadd.f32 v17, v0;
	v2 =	vadd.f32 v15, v2  }
0x42c: {  	v18 =	vadd.f32 v50, v60;
	v55 =	vadd.f32 v51, v34;
	v60 =	vmul.f32 v56, v7  }
0x42d: {  	v61 =	vmul.f32 v57, v6;
	v0 =	vadd.f32 v58, v0;
	v2 =	vadd.f32 v59, v2  }
.Ltmp12:
0x42e: {  	v1 =	vadd.f32 v8, v1;
	v3 =	vadd.f32 v9, v3;
	v62 =	vmul.f32 v18, v4;
	(pc) =	sbr.rel .LBB2_21-.Ltmp12, $4  }
0x42f: {  	v63 =	vmul.f32 v55, v5;
	v0 =	vadd.f32 v60, v0;
	v2 =	vadd.f32 v61, v2  }
0x430: {  	v1 =	vadd.f32 v7, v1;
	v3 =	vadd.f32 v6, v3  }
0x431: {  	v0 =	vadd.f32 v62, v0;
	v2 =	vadd.f32 v63, v2  }
0x432: {  	v1 =	vadd.f32 v4, v1;
	v3 =	vadd.f32 v5, v3  }
.LBB2_22:
0x433: {  	_ =	sfence.sel $0x180000  }
0x434: {  	[bflag:$0x0] =	sbarrier.arrive $0xFFFF  }
0x435: {  	_ =	strace $0x90000047  }
0x436: {  	s0 =	stileid.u32;
	[bflag:$0x2] =	sbarrier.arrive $0xFFFF  }
0x437: {  	p0 =	sne.s32 s0, $0x0;
	s0 =	rddreg [dreg:$0x3]  }
0x438: {  	s0 =	sadd.s32 @!p0 $0x100000, s0  }
0x439: {  	[sflag:s0] =	ssyncadd.tile.s32 @!p0 $0x1;
	_ =	shalt  }
.Lfunc_end2:
_tile_overlayer_lowered:
.L_overlay_start_2:
0x43a: {  	(tag) =	ssettag $0x2  }
0x43b: {  	s0 =	rddreg [dreg:$0x0];
	s2 =	stileid.u32  }
0x43c: {  	s1 =	rddreg [dreg:$0x1];
	p0 =	sne.s32 s2, $0x0  }
0x43d: {  	s3 =	rddreg [dreg:$0x2];
	[bflag:$0x3] =	sbarrier.arrive $0xFFFF;
	s2 =	simm.s32 @!p0 $0x1C05  }
0x43e: {  	[timem:s3], [sflag:s2] =	dma.local @!p0 [hbm:s0], s1  }
0x43f: {  	s0 =	simm.s32 @!p0 $0x5  }
0x440: {  	_ =	swait.ge @!p0 [sflag:s0], s1  }
0x441: {  	s1 =	ssub.s32 @!p0 $0x0, s1;
	[sflag:s0] =	ssyncset.done @!p0 $0x0  }
0x442: {  	[sflag:s0] =	ssyncadd.s32 @!p0 s1  }
0x443: {  	[bflag:$0x3] =	sbarrier.arrive $0xFFFF  }
0x444: {  	_ =	shalt  }

</sc_bundles>
